<compile_context>
chip_gen: v7x
topology: tpu7x:2x2x1
jax: 0.10.2.dev20260603
libtpu: 0.0.44.dev20260713+nightly
codegen_flags: <defaults>
</compile_context>

<pallas_src>
import functools

import jax
import jax.numpy as jnp
from jax import lax
from jax.experimental import pallas as pl
from jax.experimental.pallas import tpu as pltpu
from jax.experimental.pallas import tpu_sc as plsc

_K = 8192
_D = 32
_BM = 256
_N = 8192
_GRID = _N // _BM

_NC, _NS = 2, 16
_NW = _NC * _NS
_BW = _N // _NW
_CH = 128


def _sc_body(w_hbm, idx_hbm, quant_hbm, cnt_hbm,
             idx_v, rows_v, ones_v, zeros_v, shared, sem):
    core = lax.axis_index("c")
    sid = lax.axis_index("s")
    wid = sid * _NC + core
    base = wid * _BW

    for j in range(_BW // _CH):
        pltpu.sync_copy(idx_hbm.at[pl.ds(base + j * _CH, _CH)], idx_v.at[j])
    for k in range(_CH // 16):
        ones_v[pl.ds(k * 16, 16)] = jnp.ones((16,), jnp.float32)

    @pl.when(sid == 0)
    def _zero_shared():
        for k in range(_K // 16):
            zeros_v[pl.ds(k * 16, 16)] = jnp.zeros((16,), jnp.float32)
        pltpu.sync_copy(zeros_v, shared)

    for j in range(_BW // _CH):
        pltpu.async_copy(w_hbm.at[idx_v.at[j]],
                         rows_v.at[pl.ds(j * _CH, _CH)], sem).wait()
    pltpu.sync_copy(rows_v, quant_hbm.at[pl.ds(base, _BW)])

    plsc.subcore_barrier()
    for j in range(_BW // _CH):
        pltpu.sync_copy(ones_v, shared.at[idx_v.at[j]], add=True)
    plsc.subcore_barrier()

    @pl.when(sid == 0)
    def _publish():
        pltpu.sync_copy(shared, cnt_hbm.at[core])


def _tc_body(x_raw_ref, q_ref, cnt_ref,
             qst_ref, scal_ref, sse_ref):
    i = pl.program_id(0)
    x_raw = x_raw_ref[...]
    quant = q_ref[:, :_D]
    d = quant - x_raw
    qst_ref[...] = x_raw + d

    @pl.when(i == 0)
    def _init():
        sse_ref[0] = jnp.float32(0.0)

    sse_ref[0] += jnp.sum(d * d)

    @pl.when(i == _GRID - 1)
    def _fin():
        loss = sse_ref[0] / jnp.float32(_N * _D)
        counts = cnt_ref[0, :] + cnt_ref[1, :]
        p = counts * jnp.float32(1.0 / _N)
        ent = -jnp.sum(p * jnp.log(p + 1e-10))
        lane = jax.lax.broadcasted_iota(jnp.int32, (1, 128), 1)
        vals = jnp.where(lane == 0, loss,
                         jnp.where(lane == 1, 0.25 * loss,
                                   jnp.where(lane == 2, ent, jnp.exp(ent))))
        scal_ref[...] = vals


_sc_gather = functools.partial(
    pl.kernel,
    mesh=plsc.VectorSubcoreMesh(core_axis_name="c", subcore_axis_name="s"),
    out_type=[
        jax.ShapeDtypeStruct((_N, 128), jnp.float32),
        jax.ShapeDtypeStruct((_NC, _K), jnp.float32),
    ],
    scratch_types=[
        pltpu.VMEM((_BW // _CH, _CH), jnp.int32),
        pltpu.VMEM((_BW, 128), jnp.float32),
        pltpu.VMEM((_CH,), jnp.float32),
        pltpu.VMEM((_K,), jnp.float32),
        pltpu.VMEM_SHARED((_K,), jnp.float32),
        pltpu.SemaphoreType.DMA,
    ],
)(_sc_body)


@functools.partial(jax.jit, static_argnames=())
def kernel(x, W, R):
    B, C, H, Wd = x.shape
    n = B * H * Wd
    x_tok = jnp.transpose(x, (0, 2, 3, 1)).reshape(n, _D)
    x_raw = x.reshape(n, _D)

    xr = jnp.matmul(x_tok, R)
    distances = (jnp.sum(xr ** 2, axis=-1, keepdims=True)
                 + jnp.sum(W.T ** 2, axis=0, keepdims=True)
                 - 2.0 * jnp.matmul(xr, W.T))
    idx = jnp.argmin(distances, axis=-1)

    w_pad = jnp.pad(W, ((0, 0), (0, 128 - _D)))
    quant, cnt = _sc_gather(w_pad, idx)

    qst, scal = pl.pallas_call(
        _tc_body,
        grid=(_GRID,),
        in_specs=[
            pl.BlockSpec((_BM, _D), lambda i: (i, 0)),
            pl.BlockSpec((_BM, 128), lambda i: (i, 0)),
            pl.BlockSpec((_NC, _K), lambda i: (0, 0)),
        ],
        out_specs=[
            pl.BlockSpec((_BM, _D), lambda i: (i, 0)),
            pl.BlockSpec((1, 128), lambda i: (0, 0)),
        ],
        out_shape=[
            jax.ShapeDtypeStruct((n, _D), jnp.float32),
            jax.ShapeDtypeStruct((1, 128), jnp.float32),
        ],
        scratch_shapes=[pltpu.SMEM((1,), jnp.float32)],
    )(x_raw, quant, cnt)

    qst = qst.reshape(x.shape)
    return (qst, scal[0, 0], scal[0, 1], scal[0, 2], scal[0, 3], idx[:, None])

# --- scband reference (transcript-rebuilt; emitter-appended) ---
"""Pipeline reference for scband-quantizer-62534723829856 (READ-ONLY COPY).

The authoritative reference and input builder live on the scoring server;
editing this copy changes nothing except your own understanding.
"""

import jax, jax.numpy as jnp
import numpy as np

CODEBOOK_SIZE = 8192
LATENT_DIM = 32
BETA = 0.25
DIVERSITY_WEIGHT = 1.0


def hadamard(n):
    H = np.array([[1.0]], dtype=np.float64)
    while H.shape[0] < n:
        H = np.block([[H, H], [H, -H]])
    return H


def setup_inputs(seed: int = 0) -> dict:
    key = jax.random.key(seed)
    k1, k2 = jax.random.split(key)
    x = jax.random.normal(k1, (8, 32, 32, 32), dtype=jnp.float32)
    W = jax.random.uniform(k2, (CODEBOOK_SIZE, LATENT_DIM), dtype=jnp.float32,
                           minval=-1.0 / CODEBOOK_SIZE, maxval=1.0 / CODEBOOK_SIZE)
    R = jnp.asarray(hadamard(LATENT_DIM), dtype=jnp.float32)
    return {"x": x, "W": W, "R": R}


def reference(x, W, R):
    B, C, H, Wd = x.shape
    x_channel_last = jnp.transpose(x, (0, 2, 3, 1))
    x_flattened = x_channel_last.reshape(B * H * Wd, LATENT_DIM)
    x_rotated = jnp.matmul(x_flattened, R)
    distances = (jnp.sum(x_rotated ** 2, axis=-1, keepdims=True)
                 + jnp.sum(W.T ** 2, axis=0, keepdims=True)
                 - 2.0 * jnp.matmul(x_rotated, W.T))
    encoding_indices = jnp.argmin(distances, axis=-1)
    encodings = jax.nn.one_hot(encoding_indices, CODEBOOK_SIZE, dtype=jnp.float32)
    quant_out = jnp.matmul(encodings, W).reshape(x.shape)
    commitment_loss = BETA * jnp.mean((jax.lax.stop_gradient(quant_out) - x) ** 2)
    codebook_loss = jnp.mean((quant_out - jax.lax.stop_gradient(x)) ** 2)
    avg_probs = jnp.mean(encodings, axis=0)
    entropy_loss = -jnp.sum(avg_probs * jnp.log(avg_probs + 1e-10)) * DIVERSITY_WEIGHT
    perplexity = jnp.exp(entropy_loss)
    quant_out_st = x + jax.lax.stop_gradient(quant_out - x)
    return (quant_out_st, codebook_loss, commitment_loss, entropy_loss, perplexity,
            encoding_indices[:, None])

if __name__ == "__main__":
    import jax
    _d = setup_inputs()
    print(jax.jit(kernel)(*tuple(_d.values())))

</pallas_src>

<mosaic_0001>
#map = affine_map<(d0, d1) -> (0, 0)>
#map1 = affine_map<(d0, d1) -> (0)>
module attributes {stable_mosaic.version = 14 : i64} {
  func.func @_sc_body(%arg0: i32, %arg1: i32, %arg2: memref<8192x128xf32, #tpu.memory_space<hbm>>, %arg3: memref<8192xi32, #tpu.memory_space<hbm>>, %arg4: memref<8192x128xf32, #tpu.memory_space<hbm>>, %arg5: memref<2x8192xf32, #tpu.memory_space<hbm>>, %arg6: memref<2x128xi32, #tpu.memory_space<vmem>>, %arg7: memref<256x128xf32, #tpu.memory_space<vmem>>, %arg8: memref<128xf32, #tpu.memory_space<vmem>>, %arg9: memref<8192xf32, #tpu.memory_space<vmem>>, %arg10: memref<8192xf32, #tpu.memory_space<vmem_shared>>, %arg11: memref<!tpu.dma_semaphore, #tpu.memory_space<semaphore_mem>>) attributes {dimension_semantics = [#tpu.dimension_semantics<core_parallel>, #tpu.dimension_semantics<subcore_parallel>], iteration_bounds = array<i64: 2, 16>, scalar_prefetch = 0 : i64, scratch_operands = 6 : i64, tpu.core_type = #tpu.core_type<sc_vector_subcore>, window_params = [{transform_indices = #map}, {transform_indices = #map1}, {transform_indices = #map}, {transform_indices = #map}]} {
    %mul3A = arith.constant 2 : i32
    %mul3A_0 = arith.muli %arg1, %mul3A : i32
    %add3A = arith.addi %mul3A_0, %arg0 : i32
    %mul3A_1 = arith.constant 256 : i32
    %mul3A_2 = arith.muli %add3A, %mul3A_1 : i32
    %add3A_3 = arith.constant 0 : i32
    %add3A_4 = arith.addi %mul3A_2, %add3A_3 : i32
    %run_scoped3A = arith.constant 0 : i32
    "tpu.region"() ({
      %run_scoped3A_102 = tpu.sem_alloc : memref<!tpu.dma_semaphore, #tpu.memory_space<semaphore_mem>>
      %dma_start3A_103 = arith.constant 0 : i32
      %dma_start3A_104 = tpu.memref_slice %arg6[%run_scoped3A, %dma_start3A_103] : memref<2x128xi32, #tpu.memory_space<vmem>> -> memref<1x128xi32, #tpu.memory_space<vmem>>
      %dma_start3A_105 = tpu.memref_squeeze %dma_start3A_104 : memref<1x128xi32, #tpu.memory_space<vmem>> -> memref<128xi32, #tpu.memory_space<vmem>>
      %dma_start3A_106 = tpu.memref_slice %arg3[%add3A_4] : memref<8192xi32, #tpu.memory_space<hbm>> -> memref<128xi32, #tpu.memory_space<hbm>>
      %dma_start3A_107 = arith.constant 0 : i32
      %dma_start3A_108 = tpu.memref_slice %arg6[%run_scoped3A, %dma_start3A_107] : memref<2x128xi32, #tpu.memory_space<vmem>> -> memref<1x128xi32, #tpu.memory_space<vmem>>
      %dma_start3A_109 = tpu.memref_squeeze %dma_start3A_108 : memref<1x128xi32, #tpu.memory_space<vmem>> -> memref<128xi32, #tpu.memory_space<vmem>>
      %dma_start3A_110 = tpu.memref_slice %arg3[%add3A_4] : memref<8192xi32, #tpu.memory_space<hbm>> -> memref<128xi32, #tpu.memory_space<hbm>>
      tpu.enqueue_dma source(%dma_start3A_110 : memref<128xi32, #tpu.memory_space<hbm>>) target(%dma_start3A_109 : memref<128xi32, #tpu.memory_space<vmem>>) target_semaphore(%run_scoped3A_102 : memref<!tpu.dma_semaphore, #tpu.memory_space<semaphore_mem>>)
      %dma_wait3A_111 = arith.constant 0 : i32
      %dma_wait3A_112 = tpu.memref_slice %arg6[%run_scoped3A, %dma_wait3A_111] : memref<2x128xi32, #tpu.memory_space<vmem>> -> memref<1x128xi32, #tpu.memory_space<vmem>>
      %dma_wait3A_113 = tpu.memref_squeeze %dma_wait3A_112 : memref<1x128xi32, #tpu.memory_space<vmem>> -> memref<128xi32, #tpu.memory_space<vmem>>
      %dma_wait3A_114 = tpu.memref_slice %arg3[%add3A_4] : memref<8192xi32, #tpu.memory_space<hbm>> -> memref<128xi32, #tpu.memory_space<hbm>>
      %dma_wait3A_115 = arith.constant 0 : i32
      %dma_wait3A_116 = tpu.memref_slice %arg6[%run_scoped3A, %dma_wait3A_115] : memref<2x128xi32, #tpu.memory_space<vmem>> -> memref<1x128xi32, #tpu.memory_space<vmem>>
      %dma_wait3A_117 = tpu.memref_squeeze %dma_wait3A_116 : memref<1x128xi32, #tpu.memory_space<vmem>> -> memref<128xi32, #tpu.memory_space<vmem>>
      %dma_wait3A_118 = tpu.memref_slice %arg3[%add3A_4] : memref<8192xi32, #tpu.memory_space<hbm>> -> memref<128xi32, #tpu.memory_space<hbm>>
      tpu.wait_dma2 semaphore(%run_scoped3A_102 : memref<!tpu.dma_semaphore, #tpu.memory_space<semaphore_mem>>) src(%dma_wait3A_118 : memref<128xi32, #tpu.memory_space<hbm>>) dst(%dma_wait3A_117 : memref<128xi32, #tpu.memory_space<vmem>>)
      tpu.yield
    }) : () -> ()
    %add3A_5 = arith.constant 128 : i32
    %add3A_6 = arith.addi %mul3A_2, %add3A_5 : i32
    %run_scoped3A_7 = arith.constant 1 : i32
    "tpu.region"() ({
      %run_scoped3A_102 = tpu.sem_alloc : memref<!tpu.dma_semaphore, #tpu.memory_space<semaphore_mem>>
      %dma_start3A_103 = arith.constant 0 : i32
      %dma_start3A_104 = tpu.memref_slice %arg6[%run_scoped3A_7, %dma_start3A_103] : memref<2x128xi32, #tpu.memory_space<vmem>> -> memref<1x128xi32, #tpu.memory_space<vmem>>
      %dma_start3A_105 = tpu.memref_squeeze %dma_start3A_104 : memref<1x128xi32, #tpu.memory_space<vmem>> -> memref<128xi32, #tpu.memory_space<vmem>>
      %dma_start3A_106 = tpu.memref_slice %arg3[%add3A_6] : memref<8192xi32, #tpu.memory_space<hbm>> -> memref<128xi32, #tpu.memory_space<hbm>>
      %dma_start3A_107 = arith.constant 0 : i32
      %dma_start3A_108 = tpu.memref_slice %arg6[%run_scoped3A_7, %dma_start3A_107] : memref<2x128xi32, #tpu.memory_space<vmem>> -> memref<1x128xi32, #tpu.memory_space<vmem>>
      %dma_start3A_109 = tpu.memref_squeeze %dma_start3A_108 : memref<1x128xi32, #tpu.memory_space<vmem>> -> memref<128xi32, #tpu.memory_space<vmem>>
      %dma_start3A_110 = tpu.memref_slice %arg3[%add3A_6] : memref<8192xi32, #tpu.memory_space<hbm>> -> memref<128xi32, #tpu.memory_space<hbm>>
      tpu.enqueue_dma source(%dma_start3A_110 : memref<128xi32, #tpu.memory_space<hbm>>) target(%dma_start3A_109 : memref<128xi32, #tpu.memory_space<vmem>>) target_semaphore(%run_scoped3A_102 : memref<!tpu.dma_semaphore, #tpu.memory_space<semaphore_mem>>)
      %dma_wait3A_111 = arith.constant 0 : i32
      %dma_wait3A_112 = tpu.memref_slice %arg6[%run_scoped3A_7, %dma_wait3A_111] : memref<2x128xi32, #tpu.memory_space<vmem>> -> memref<1x128xi32, #tpu.memory_space<vmem>>
      %dma_wait3A_113 = tpu.memref_squeeze %dma_wait3A_112 : memref<1x128xi32, #tpu.memory_space<vmem>> -> memref<128xi32, #tpu.memory_space<vmem>>
      %dma_wait3A_114 = tpu.memref_slice %arg3[%add3A_6] : memref<8192xi32, #tpu.memory_space<hbm>> -> memref<128xi32, #tpu.memory_space<hbm>>
      %dma_wait3A_115 = arith.constant 0 : i32
      %dma_wait3A_116 = tpu.memref_slice %arg6[%run_scoped3A_7, %dma_wait3A_115] : memref<2x128xi32, #tpu.memory_space<vmem>> -> memref<1x128xi32, #tpu.memory_space<vmem>>
      %dma_wait3A_117 = tpu.memref_squeeze %dma_wait3A_116 : memref<1x128xi32, #tpu.memory_space<vmem>> -> memref<128xi32, #tpu.memory_space<vmem>>
      %dma_wait3A_118 = tpu.memref_slice %arg3[%add3A_6] : memref<8192xi32, #tpu.memory_space<hbm>> -> memref<128xi32, #tpu.memory_space<hbm>>
      tpu.wait_dma2 semaphore(%run_scoped3A_102 : memref<!tpu.dma_semaphore, #tpu.memory_space<semaphore_mem>>) src(%dma_wait3A_118 : memref<128xi32, #tpu.memory_space<hbm>>) dst(%dma_wait3A_117 : memref<128xi32, #tpu.memory_space<vmem>>)
      tpu.yield
    }) : () -> ()
    %broadcast_in_dim3A = arith.constant 1.000000e+00 : f32
    %broadcast_in_dim3A_8 = vector.broadcast %broadcast_in_dim3A : f32 to vector<16xf32>
    %swap3A = arith.constant 0 : index
    %swap3A_9 = tpu.vector_load %arg8[%swap3A] {strides = array<i32>} : memref<128xf32, #tpu.memory_space<vmem>>, vector<16xf32>,
    %swap3A_10 = vector.shape_cast %swap3A_9 : vector<16xf32> to vector<16xf32>
    %swap3A_11 = vector.shape_cast %broadcast_in_dim3A_8 : vector<16xf32> to vector<16xf32>
    tpu.vector_store %arg8[%swap3A], %swap3A_11 {strides = array<i32>} : memref<128xf32, #tpu.memory_space<vmem>>, vector<16xf32>,
    %broadcast_in_dim3A_12 = arith.constant 1.000000e+00 : f32
    %broadcast_in_dim3A_13 = vector.broadcast %broadcast_in_dim3A_12 : f32 to vector<16xf32>
    %swap3A_14 = arith.constant 16 : index
    %swap3A_15 = tpu.vector_load %arg8[%swap3A_14] {strides = array<i32>} : memref<128xf32, #tpu.memory_space<vmem>>, vector<16xf32>,
    %swap3A_16 = vector.shape_cast %swap3A_15 : vector<16xf32> to vector<16xf32>
    %swap3A_17 = vector.shape_cast %broadcast_in_dim3A_13 : vector<16xf32> to vector<16xf32>
    tpu.vector_store %arg8[%swap3A_14], %swap3A_17 {strides = array<i32>} : memref<128xf32, #tpu.memory_space<vmem>>, vector<16xf32>,
    %broadcast_in_dim3A_18 = arith.constant 1.000000e+00 : f32
    %broadcast_in_dim3A_19 = vector.broadcast %broadcast_in_dim3A_18 : f32 to vector<16xf32>
    %swap3A_20 = arith.constant 32 : index
    %swap3A_21 = tpu.vector_load %arg8[%swap3A_20] {strides = array<i32>} : memref<128xf32, #tpu.memory_space<vmem>>, vector<16xf32>,
    %swap3A_22 = vector.shape_cast %swap3A_21 : vector<16xf32> to vector<16xf32>
    %swap3A_23 = vector.shape_cast %broadcast_in_dim3A_19 : vector<16xf32> to vector<16xf32>
    tpu.vector_store %arg8[%swap3A_20], %swap3A_23 {strides = array<i32>} : memref<128xf32, #tpu.memory_space<vmem>>, vector<16xf32>,
    %broadcast_in_dim3A_24 = arith.constant 1.000000e+00 : f32
    %broadcast_in_dim3A_25 = vector.broadcast %broadcast_in_dim3A_24 : f32 to vector<16xf32>
    %swap3A_26 = arith.constant 48 : index
    %swap3A_27 = tpu.vector_load %arg8[%swap3A_26] {strides = array<i32>} : memref<128xf32, #tpu.memory_space<vmem>>, vector<16xf32>,
    %swap3A_28 = vector.shape_cast %swap3A_27 : vector<16xf32> to vector<16xf32>
    %swap3A_29 = vector.shape_cast %broadcast_in_dim3A_25 : vector<16xf32> to vector<16xf32>
    tpu.vector_store %arg8[%swap3A_26], %swap3A_29 {strides = array<i32>} : memref<128xf32, #tpu.memory_space<vmem>>, vector<16xf32>,
    %broadcast_in_dim3A_30 = arith.constant 1.000000e+00 : f32
    %broadcast_in_dim3A_31 = vector.broadcast %broadcast_in_dim3A_30 : f32 to vector<16xf32>
    %swap3A_32 = arith.constant 64 : index
    %swap3A_33 = tpu.vector_load %arg8[%swap3A_32] {strides = array<i32>} : memref<128xf32, #tpu.memory_space<vmem>>, vector<16xf32>,
    %swap3A_34 = vector.shape_cast %swap3A_33 : vector<16xf32> to vector<16xf32>
    %swap3A_35 = vector.shape_cast %broadcast_in_dim3A_31 : vector<16xf32> to vector<16xf32>
    tpu.vector_store %arg8[%swap3A_32], %swap3A_35 {strides = array<i32>} : memref<128xf32, #tpu.memory_space<vmem>>, vector<16xf32>,
    %broadcast_in_dim3A_36 = arith.constant 1.000000e+00 : f32
    %broadcast_in_dim3A_37 = vector.broadcast %broadcast_in_dim3A_36 : f32 to vector<16xf32>
    %swap3A_38 = arith.constant 80 : index
    %swap3A_39 = tpu.vector_load %arg8[%swap3A_38] {strides = array<i32>} : memref<128xf32, #tpu.memory_space<vmem>>, vector<16xf32>,
    %swap3A_40 = vector.shape_cast %swap3A_39 : vector<16xf32> to vector<16xf32>
    %swap3A_41 = vector.shape_cast %broadcast_in_dim3A_37 : vector<16xf32> to vector<16xf32>
    tpu.vector_store %arg8[%swap3A_38], %swap3A_41 {strides = array<i32>} : memref<128xf32, #tpu.memory_space<vmem>>, vector<16xf32>,
    %broadcast_in_dim3A_42 = arith.constant 1.000000e+00 : f32
    %broadcast_in_dim3A_43 = vector.broadcast %broadcast_in_dim3A_42 : f32 to vector<16xf32>
    %swap3A_44 = arith.constant 96 : index
    %swap3A_45 = tpu.vector_load %arg8[%swap3A_44] {strides = array<i32>} : memref<128xf32, #tpu.memory_space<vmem>>, vector<16xf32>,
    %swap3A_46 = vector.shape_cast %swap3A_45 : vector<16xf32> to vector<16xf32>
    %swap3A_47 = vector.shape_cast %broadcast_in_dim3A_43 : vector<16xf32> to vector<16xf32>
    tpu.vector_store %arg8[%swap3A_44], %swap3A_47 {strides = array<i32>} : memref<128xf32, #tpu.memory_space<vmem>>, vector<16xf32>,
    %broadcast_in_dim3A_48 = arith.constant 1.000000e+00 : f32
    %broadcast_in_dim3A_49 = vector.broadcast %broadcast_in_dim3A_48 : f32 to vector<16xf32>
    %swap3A_50 = arith.constant 112 : index
    %swap3A_51 = tpu.vector_load %arg8[%swap3A_50] {strides = array<i32>} : memref<128xf32, #tpu.memory_space<vmem>>, vector<16xf32>,
    %swap3A_52 = vector.shape_cast %swap3A_51 : vector<16xf32> to vector<16xf32>
    %swap3A_53 = vector.shape_cast %broadcast_in_dim3A_49 : vector<16xf32> to vector<16xf32>
    tpu.vector_store %arg8[%swap3A_50], %swap3A_53 {strides = array<i32>} : memref<128xf32, #tpu.memory_space<vmem>>, vector<16xf32>,
    %eq3A = arith.constant 0 : i32
    %eq3A_54 = arith.cmpi eq, %arg1, %eq3A : i32
    %convert_element_type3A = arith.extui %eq3A_54 : i1 to i32
    %cond3A = arith.constant 0 : i32
    %cond3A_55 = arith.cmpi ne, %convert_element_type3A, %cond3A : i32
    scf.if %cond3A_55 {
      %broadcast_in_dim3A_102 = arith.constant 0.000000e+00 : f32
      %broadcast_in_dim3A_103 = vector.broadcast %broadcast_in_dim3A_102 : f32 to vector<16xf32>
      %swap3A_104 = arith.constant 0 : index
      %swap3A_105 = tpu.vector_load %arg9[%swap3A_104] {strides = array<i32>} : memref<8192xf32, #tpu.memory_space<vmem>>, vector<16xf32>,
      %swap3A_106 = vector.shape_cast %swap3A_105 : vector<16xf32> to vector<16xf32>
      %swap3A_107 = vector.shape_cast %broadcast_in_dim3A_103 : vector<16xf32> to vector<16xf32>
      tpu.vector_store %arg9[%swap3A_104], %swap3A_107 {strides = array<i32>} : memref<8192xf32, #tpu.memory_space<vmem>>, vector<16xf32>,
      %broadcast_in_dim3A_108 = arith.constant 0.000000e+00 : f32
      %broadcast_in_dim3A_109 = vector.broadcast %broadcast_in_dim3A_108 : f32 to vector<16xf32>
      %swap3A_110 = arith.constant 16 : index
      %swap3A_111 = tpu.vector_load %arg9[%swap3A_110] {strides = array<i32>} : memref<8192xf32, #tpu.memory_space<vmem>>, vector<16xf32>,
      %swap3A_112 = vector.shape_cast %swap3A_111 : vector<16xf32> to vector<16xf32>
      %swap3A_113 = vector.shape_cast %broadcast_in_dim3A_109 : vector<16xf32> to vector<16xf32>
      tpu.vector_store %arg9[%swap3A_110], %swap3A_113 {strides = array<i32>} : memref<8192xf32, #tpu.memory_space<vmem>>, vector<16xf32>,
      %broadcast_in_dim3A_114 = arith.constant 0.000000e+00 : f32
      %broadcast_in_dim3A_115 = vector.broadcast %broadcast_in_dim3A_114 : f32 to vector<16xf32>
      %swap3A_116 = arith.constant 32 : index
      %swap3A_117 = tpu.vector_load %arg9[%swap3A_116] {strides = array<i32>} : memref<8192xf32, #tpu.memory_space<vmem>>, vector<16xf32>,
      %swap3A_118 = vector.shape_cast %swap3A_117 : vector<16xf32> to vector<16xf32>
      %swap3A_119 = vector.shape_cast %broadcast_in_dim3A_115 : vector<16xf32> to vector<16xf32>
      tpu.vector_store %arg9[%swap3A_116], %swap3A_119 {strides = array<i32>} : memref<8192xf32, #tpu.memory_space<vmem>>, vector<16xf32>,
      %broadcast_in_dim3A_120 = arith.constant 0.000000e+00 : f32
      %broadcast_in_dim3A_121 = vector.broadcast %broadcast_in_dim3A_120 : f32 to vector<16xf32>
      %swap3A_122 = arith.constant 48 : index
      %swap3A_123 = tpu.vector_load %arg9[%swap3A_122] {strides = array<i32>} : memref<8192xf32, #tpu.memory_space<vmem>>, vector<16xf32>,
      %swap3A_124 = vector.shape_cast %swap3A_123 : vector<16xf32> to vector<16xf32>
      %swap3A_125 = vector.shape_cast %broadcast_in_dim3A_121 : vector<16xf32> to vector<16xf32>
      tpu.vector_store %arg9[%swap3A_122], %swap3A_125 {strides = array<i32>} : memref<8192xf32, #tpu.memory_space<vmem>>, vector<16xf32>,
      %broadcast_in_dim3A_126 = arith.constant 0.000000e+00 : f32
      %broadcast_in_dim3A_127 = vector.broadcast %broadcast_in_dim3A_126 : f32 to vector<16xf32>
      %swap3A_128 = arith.constant 64 : index
      %swap3A_129 = tpu.vector_load %arg9[%swap3A_128] {strides = array<i32>} : memref<8192xf32, #tpu.memory_space<vmem>>, vector<16xf32>,
      %swap3A_130 = vector.shape_cast %swap3A_129 : vector<16xf32> to vector<16xf32>
      %swap3A_131 = vector.shape_cast %broadcast_in_dim3A_127 : vector<16xf32> to vector<16xf32>
      tpu.vector_store %arg9[%swap3A_128], %swap3A_131 {strides = array<i32>} : memref<8192xf32, #tpu.memory_space<vmem>>, vector<16xf32>,
      %broadcast_in_dim3A_132 = arith.constant 0.000000e+00 : f32
      %broadcast_in_dim3A_133 = vector.broadcast %broadcast_in_dim3A_132 : f32 to vector<16xf32>
      %swap3A_134 = arith.constant 80 : index
      %swap3A_135 = tpu.vector_load %arg9[%swap3A_134] {strides = array<i32>} : memref<8192xf32, #tpu.memory_space<vmem>>, vector<16xf32>,
      %swap3A_136 = vector.shape_cast %swap3A_135 : vector<16xf32> to vector<16xf32>
      %swap3A_137 = vector.shape_cast %broadcast_in_dim3A_133 : vector<16xf32> to vector<16xf32>
      tpu.vector_store %arg9[%swap3A_134], %swap3A_137 {strides = array<i32>} : memref<8192xf32, #tpu.memory_space<vmem>>, vector<16xf32>,
      %broadcast_in_dim3A_138 = arith.constant 0.000000e+00 : f32
      %broadcast_in_dim3A_139 = vector.broadcast %broadcast_in_dim3A_138 : f32 to vector<16xf32>
      %swap3A_140 = arith.constant 96 : index
      %swap3A_141 = tpu.vector_load %arg9[%swap3A_140] {strides = array<i32>} : memref<8192xf32, #tpu.memory_space<vmem>>, vector<16xf32>,
      %swap3A_142 = vector.shape_cast %swap3A_141 : vector<16xf32> to vector<16xf32>
      %swap3A_143 = vector.shape_cast %broadcast_in_dim3A_139 : vector<16xf32> to vector<16xf32>
      tpu.vector_store %arg9[%swap3A_140], %swap3A_143 {strides = array<i32>} : memref<8192xf32, #tpu.memory_space<vmem>>, vector<16xf32>,
      %broadcast_in_dim3A_144 = arith.constant 0.000000e+00 : f32
      %broadcast_in_dim3A_145 = vector.broadcast %broadcast_in_dim3A_144 : f32 to vector<16xf32>
      %swap3A_146 = arith.constant 112 : index
      %swap3A_147 = tpu.vector_load %arg9[%swap3A_146] {strides = array<i32>} : memref<8192xf32, #tpu.memory_space<vmem>>, vector<16xf32>,
      %swap3A_148 = vector.shape_cast %swap3A_147 : vector<16xf32> to vector<16xf32>
      %swap3A_149 = vector.shape_cast %broadcast_in_dim3A_145 : vector<16xf32> to vector<16xf32>
      tpu.vector_store %arg9[%swap3A_146], %swap3A_149 {strides = array<i32>} : memref<8192xf32, #tpu.memory_space<vmem>>, vector<16xf32>,
      %broadcast_in_dim3A_150 = arith.constant 0.000000e+00 : f32
      %broadcast_in_dim3A_151 = vector.broadcast %broadcast_in_dim3A_150 : f32 to vector<16xf32>
      %swap3A_152 = arith.constant 128 : index
      %swap3A_153 = tpu.vector_load %arg9[%swap3A_152] {strides = array<i32>} : memref<8192xf32, #tpu.memory_space<vmem>>, vector<16xf32>,
      %swap3A_154 = vector.shape_cast %swap3A_153 : vector<16xf32> to vector<16xf32>
      %swap3A_155 = vector.shape_cast %broadcast_in_dim3A_151 : vector<16xf32> to vector<16xf32>
      tpu.vector_store %arg9[%swap3A_152], %swap3A_155 {strides = array<i32>} : memref<8192xf32, #tpu.memory_space<vmem>>, vector<16xf32>,
      %broadcast_in_dim3A_156 = arith.constant 0.000000e+00 : f32
      %broadcast_in_dim3A_157 = vector.broadcast %broadcast_in_dim3A_156 : f32 to vector<16xf32>
      %swap3A_158 = arith.constant 144 : index
      %swap3A_159 = tpu.vector_load %arg9[%swap3A_158] {strides = array<i32>} : memref<8192xf32, #tpu.memory_space<vmem>>, vector<16xf32>,
      %swap3A_160 = vector.shape_cast %swap3A_159 : vector<16xf32> to vector<16xf32>
      %swap3A_161 = vector.shape_cast %broadcast_in_dim3A_157 : vector<16xf32> to vector<16xf32>
      tpu.vector_store %arg9[%swap3A_158], %swap3A_161 {strides = array<i32>} : memref<8192xf32, #tpu.memory_space<vmem>>, vector<16xf32>,
      %broadcast_in_dim3A_162 = arith.constant 0.000000e+00 : f32
      %broadcast_in_dim3A_163 = vector.broadcast %broadcast_in_dim3A_162 : f32 to vector<16xf32>
      %swap3A_164 = arith.constant 160 : index
      %swap3A_165 = tpu.vector_load %arg9[%swap3A_164] {strides = array<i32>} : memref<8192xf32, #tpu.memory_space<vmem>>, vector<16xf32>,
      %swap3A_166 = vector.shape_cast %swap3A_165 : vector<16xf32> to vector<16xf32>
      %swap3A_167 = vector.shape_cast %broadcast_in_dim3A_163 : vector<16xf32> to vector<16xf32>
      tpu.vector_store %arg9[%swap3A_164], %swap3A_167 {strides = array<i32>} : memref<8192xf32, #tpu.memory_space<vmem>>, vector<16xf32>,
      %broadcast_in_dim3A_168 = arith.constant 0.000000e+00 : f32
      %broadcast_in_dim3A_169 = vector.broadcast %broadcast_in_dim3A_168 : f32 to vector<16xf32>
      %swap3A_170 = arith.constant 176 : index
      %swap3A_171 = tpu.vector_load %arg9[%swap3A_170] {strides = array<i32>} : memref<8192xf32, #tpu.memory_space<vmem>>, vector<16xf32>,
      %swap3A_172 = vector.shape_cast %swap3A_171 : vector<16xf32> to vector<16xf32>
      %swap3A_173 = vector.shape_cast %broadcast_in_dim3A_169 : vector<16xf32> to vector<16xf32>
      tpu.vector_store %arg9[%swap3A_170], %swap3A_173 {strides = array<i32>} : memref<8192xf32, #tpu.memory_space<vmem>>, vector<16xf32>,
      %broadcast_in_dim3A_174 = arith.constant 0.000000e+00 : f32
      %broadcast_in_dim3A_175 = vector.broadcast %broadcast_in_dim3A_174 : f32 to vector<16xf32>
      %swap3A_176 = arith.constant 192 : index
      %swap3A_177 = tpu.vector_load %arg9[%swap3A_176] {strides = array<i32>} : memref<8192xf32, #tpu.memory_space<vmem>>, vector<16xf32>,
      %swap3A_178 = vector.shape_cast %swap3A_177 : vector<16xf32> to vector<16xf32>
      %swap3A_179 = vector.shape_cast %broadcast_in_dim3A_175 : vector<16xf32> to vector<16xf32>
      tpu.vector_store %arg9[%swap3A_176], %swap3A_179 {strides = array<i32>} : memref<8192xf32, #tpu.memory_space<vmem>>, vector<16xf32>,
      %broadcast_in_dim3A_180 = arith.constant 0.000000e+00 : f32
      %broadcast_in_dim3A_181 = vector.broadcast %broadcast_in_dim3A_180 : f32 to vector<16xf32>
      %swap3A_182 = arith.constant 208 : index
      %swap3A_183 = tpu.vector_load %arg9[%swap3A_182] {strides = array<i32>} : memref<8192xf32, #tpu.memory_space<vmem>>, vector<16xf32>,
      %swap3A_184 = vector.shape_cast %swap3A_183 : vector<16xf32> to vector<16xf32>
      %swap3A_185 = vector.shape_cast %broadcast_in_dim3A_181 : vector<16xf32> to vector<16xf32>
      tpu.vector_store %arg9[%swap3A_182], %swap3A_185 {strides = array<i32>} : memref<8192xf32, #tpu.memory_space<vmem>>, vector<16xf32>,
      %broadcast_in_dim3A_186 = arith.constant 0.000000e+00 : f32
      %broadcast_in_dim3A_187 = vector.broadcast %broadcast_in_dim3A_186 : f32 to vector<16xf32>
      %swap3A_188 = arith.constant 224 : index
      %swap3A_189 = tpu.vector_load %arg9[%swap3A_188] {strides = array<i32>} : memref<8192xf32, #tpu.memory_space<vmem>>, vector<16xf32>,
      %swap3A_190 = vector.shape_cast %swap3A_189 : vector<16xf32> to vector<16xf32>
      %swap3A_191 = vector.shape_cast %broadcast_in_dim3A_187 : vector<16xf32> to vector<16xf32>
      tpu.vector_store %arg9[%swap3A_188], %swap3A_191 {strides = array<i32>} : memref<8192xf32, #tpu.memory_space<vmem>>, vector<16xf32>,
      %broadcast_in_dim3A_192 = arith.constant 0.000000e+00 : f32
      %broadcast_in_dim3A_193 = vector.broadcast %broadcast_in_dim3A_192 : f32 to vector<16xf32>
      %swap3A_194 = arith.constant 240 : index
      %swap3A_195 = tpu.vector_load %arg9[%swap3A_194] {strides = array<i32>} : memref<8192xf32, #tpu.memory_space<vmem>>, vector<16xf32>,
      %swap3A_196 = vector.shape_cast %swap3A_195 : vector<16xf32> to vector<16xf32>
      %swap3A_197 = vector.shape_cast %broadcast_in_dim3A_193 : vector<16xf32> to vector<16xf32>
      tpu.vector_store %arg9[%swap3A_194], %swap3A_197 {strides = array<i32>} : memref<8192xf32, #tpu.memory_space<vmem>>, vector<16xf32>,
      %broadcast_in_dim3A_198 = arith.constant 0.000000e+00 : f32
      %broadcast_in_dim3A_199 = vector.broadcast %broadcast_in_dim3A_198 : f32 to vector<16xf32>
      %swap3A_200 = arith.constant 256 : index
      %swap3A_201 = tpu.vector_load %arg9[%swap3A_200] {strides = array<i32>} : memref<8192xf32, #tpu.memory_space<vmem>>, vector<16xf32>,
      %swap3A_202 = vector.shape_cast %swap3A_201 : vector<16xf32> to vector<16xf32>
      %swap3A_203 = vector.shape_cast %broadcast_in_dim3A_199 : vector<16xf32> to vector<16xf32>
      tpu.vector_store %arg9[%swap3A_200], %swap3A_203 {strides = array<i32>} : memref<8192xf32, #tpu.memory_space<vmem>>, vector<16xf32>,
      %broadcast_in_dim3A_204 = arith.constant 0.000000e+00 : f32
      %broadcast_in_dim3A_205 = vector.broadcast %broadcast_in_dim3A_204 : f32 to vector<16xf32>
      %swap3A_206 = arith.constant 272 : index
      %swap3A_207 = tpu.vector_load %arg9[%swap3A_206] {strides = array<i32>} : memref<8192xf32, #tpu.memory_space<vmem>>, vector<16xf32>,
      %swap3A_208 = vector.shape_cast %swap3A_207 : vector<16xf32> to vector<16xf32>
      %swap3A_209 = vector.shape_cast %broadcast_in_dim3A_205 : vector<16xf32> to vector<16xf32>
      tpu.vector_store %arg9[%swap3A_206], %swap3A_209 {strides = array<i32>} : memref<8192xf32, #tpu.memory_space<vmem>>, vector<16xf32>,
      %broadcast_in_dim3A_210 = arith.constant 0.000000e+00 : f32
      %broadcast_in_dim3A_211 = vector.broadcast %broadcast_in_dim3A_210 : f32 to vector<16xf32>
      %swap3A_212 = arith.constant 288 : index
      %swap3A_213 = tpu.vector_load %arg9[%swap3A_212] {strides = array<i32>} : memref<8192xf32, #tpu.memory_space<vmem>>, vector<16xf32>,
      %swap3A_214 = vector.shape_cast %swap3A_213 : vector<16xf32> to vector<16xf32>
      %swap3A_215 = vector.shape_cast %broadcast_in_dim3A_211 : vector<16xf32> to vector<16xf32>
      tpu.vector_store %arg9[%swap3A_212], %swap3A_215 {strides = array<i32>} : memref<8192xf32, #tpu.memory_space<vmem>>, vector<16xf32>,
      %broadcast_in_dim3A_216 = arith.constant 0.000000e+00 : f32
      %broadcast_in_dim3A_217 = vector.broadcast %broadcast_in_dim3A_216 : f32 to vector<16xf32>
      %swap3A_218 = arith.constant 304 : index
      %swap3A_219 = tpu.vector_load %arg9[%swap3A_218] {strides = array<i32>} : memref<8192xf32, #tpu.memory_space<vmem>>, vector<16xf32>,
      %swap3A_220 = vector.shape_cast %swap3A_219 : vector<16xf32> to vector<16xf32>
      %swap3A_221 = vector.shape_cast %broadcast_in_dim3A_217 : vector<16xf32> to vector<16xf32>
      tpu.vector_store %arg9[%swap3A_218], %swap3A_221 {strides = array<i32>} : memref<8192xf32, #tpu.memory_space<vmem>>, vector<16xf32>,
      %broadcast_in_dim3A_222 = arith.constant 0.000000e+00 : f32
      %broadcast_in_dim3A_223 = vector.broadcast %broadcast_in_dim3A_222 : f32 to vector<16xf32>
      %swap3A_224 = arith.constant 320 : index
      %swap3A_225 = tpu.vector_load %arg9[%swap3A_224] {strides = array<i32>} : memref<8192xf32, #tpu.memory_space<vmem>>, vector<16xf32>,
      %swap3A_226 = vector.shape_cast %swap3A_225 : vector<16xf32> to vector<16xf32>
      %swap3A_227 = vector.shape_cast %broadcast_in_dim3A_223 : vector<16xf32> to vector<16xf32>
      tpu.vector_store %arg9[%swap3A_224], %swap3A_227 {strides = array<i32>} : memref<8192xf32, #tpu.memory_space<vmem>>, vector<16xf32>,
      %broadcast_in_dim3A_228 = arith.constant 0.000000e+00 : f32
      %broadcast_in_dim3A_229 = vector.broadcast %broadcast_in_dim3A_228 : f32 to vector<16xf32>
      %swap3A_230 = arith.constant 336 : index
      %swap3A_231 = tpu.vector_load %arg9[%swap3A_230] {strides = array<i32>} : memref<8192xf32, #tpu.memory_space<vmem>>, vector<16xf32>,
      %swap3A_232 = vector.shape_cast %swap3A_231 : vector<16xf32> to vector<16xf32>
      %swap3A_233 = vector.shape_cast %broadcast_in_dim3A_229 : vector<16xf32> to vector<16xf32>
      tpu.vector_store %arg9[%swap3A_230], %swap3A_233 {strides = array<i32>} : memref<8192xf32, #tpu.memory_space<vmem>>, vector<16xf32>,
      %broadcast_in_dim3A_234 = arith.constant 0.000000e+00 : f32
      %broadcast_in_dim3A_235 = vector.broadcast %broadcast_in_dim3A_234 : f32 to vector<16xf32>
      %swap3A_236 = arith.constant 352 : index
      %swap3A_237 = tpu.vector_load %arg9[%swap3A_236] {strides = array<i32>} : memref<8192xf32, #tpu.memory_space<vmem>>, vector<16xf32>,
      %swap3A_238 = vector.shape_cast %swap3A_237 : vector<16xf32> to vector<16xf32>
      %swap3A_239 = vector.shape_cast %broadcast_in_dim3A_235 : vector<16xf32> to vector<16xf32>
      tpu.vector_store %arg9[%swap3A_236], %swap3A_239 {strides = array<i32>} : memref<8192xf32, #tpu.memory_space<vmem>>, vector<16xf32>,
      %broadcast_in_dim3A_240 = arith.constant 0.000000e+00 : f32
      %broadcast_in_dim3A_241 = vector.broadcast %broadcast_in_dim3A_240 : f32 to vector<16xf32>
      %swap3A_242 = arith.constant 368 : index
      %swap3A_243 = tpu.vector_load %arg9[%swap3A_242] {strides = array<i32>} : memref<8192xf32, #tpu.memory_space<vmem>>, vector<16xf32>,
      %swap3A_244 = vector.shape_cast %swap3A_243 : vector<16xf32> to vector<16xf32>
      %swap3A_245 = vector.shape_cast %broadcast_in_dim3A_241 : vector<16xf32> to vector<16xf32>
      tpu.vector_store %arg9[%swap3A_242], %swap3A_245 {strides = array<i32>} : memref<8192xf32, #tpu.memory_space<vmem>>, vector<16xf32>,
      %broadcast_in_dim3A_246 = arith.constant 0.000000e+00 : f32
      %broadcast_in_dim3A_247 = vector.broadcast %broadcast_in_dim3A_246 : f32 to vector<16xf32>
      %swap3A_248 = arith.constant 384 : index
      %swap3A_249 = tpu.vector_load %arg9[%swap3A_248] {strides = array<i32>} : memref<8192xf32, #tpu.memory_space<vmem>>, vector<16xf32>,
      %swap3A_250 = vector.shape_cast %swap3A_249 : vector<16xf32> to vector<16xf32>
      %swap3A_251 = vector.shape_cast %broadcast_in_dim3A_247 : vector<16xf32> to vector<16xf32>
      tpu.vector_store %arg9[%swap3A_248], %swap3A_251 {strides = array<i32>} : memref<8192xf32, #tpu.memory_space<vmem>>, vector<16xf32>,
      %broadcast_in_dim3A_252 = arith.constant 0.000000e+00 : f32
      %broadcast_in_dim3A_253 = vector.broadcast %broadcast_in_dim3A_252 : f32 to vector<16xf32>
      %swap3A_254 = arith.constant 400 : index
      %swap3A_255 = tpu.vector_load %arg9[%swap3A_254] {strides = array<i32>} : memref<8192xf32, #tpu.memory_space<vmem>>, vector<16xf32>,
      %swap3A_256 = vector.shape_cast %swap3A_255 : vector<16xf32> to vector<16xf32>
      %swap3A_257 = vector.shape_cast %broadcast_in_dim3A_253 : vector<16xf32> to vector<16xf32>
      tpu.vector_store %arg9[%swap3A_254], %swap3A_257 {strides = array<i32>} : memref<8192xf32, #tpu.memory_space<vmem>>, vector<16xf32>,
      %broadcast_in_dim3A_258 = arith.constant 0.000000e+00 : f32
      %broadcast_in_dim3A_259 = vector.broadcast %broadcast_in_dim3A_258 : f32 to vector<16xf32>
      %swap3A_260 = arith.constant 416 : index
      %swap3A_261 = tpu.vector_load %arg9[%swap3A_260] {strides = array<i32>} : memref<8192xf32, #tpu.memory_space<vmem>>, vector<16xf32>,
      %swap3A_262 = vector.shape_cast %swap3A_261 : vector<16xf32> to vector<16xf32>
      %swap3A_263 = vector.shape_cast %broadcast_in_dim3A_259 : vector<16xf32> to vector<16xf32>
      tpu.vector_store %arg9[%swap3A_260], %swap3A_263 {strides = array<i32>} : memref<8192xf32, #tpu.memory_space<vmem>>, vector<16xf32>,
      %broadcast_in_dim3A_264 = arith.constant 0.000000e+00 : f32
      %broadcast_in_dim3A_265 = vector.broadcast %broadcast_in_dim3A_264 : f32 to vector<16xf32>
      %swap3A_266 = arith.constant 432 : index
      %swap3A_267 = tpu.vector_load %arg9[%swap3A_266] {strides = array<i32>} : memref<8192xf32, #tpu.memory_space<vmem>>, vector<16xf32>,
      %swap3A_268 = vector.shape_cast %swap3A_267 : vector<16xf32> to vector<16xf32>
      %swap3A_269 = vector.shape_cast %broadcast_in_dim3A_265 : vector<16xf32> to vector<16xf32>
      tpu.vector_store %arg9[%swap3A_266], %swap3A_269 {strides = array<i32>} : memref<8192xf32, #tpu.memory_space<vmem>>, vector<16xf32>,
      %broadcast_in_dim3A_270 = arith.constant 0.000000e+00 : f32
      %broadcast_in_dim3A_271 = vector.broadcast %broadcast_in_dim3A_270 : f32 to vector<16xf32>
      %swap3A_272 = arith.constant 448 : index
      %swap3A_273 = tpu.vector_load %arg9[%swap3A_272] {strides = array<i32>} : memref<8192xf32, #tpu.memory_space<vmem>>, vector<16xf32>,
      %swap3A_274 = vector.shape_cast %swap3A_273 : vector<16xf32> to vector<16xf32>
      %swap3A_275 = vector.shape_cast %broadcast_in_dim3A_271 : vector<16xf32> to vector<16xf32>
      tpu.vector_store %arg9[%swap3A_272], %swap3A_275 {strides = array<i32>} : memref<8192xf32, #tpu.memory_space<vmem>>, vector<16xf32>,
      %broadcast_in_dim3A_276 = arith.constant 0.000000e+00 : f32
      %broadcast_in_dim3A_277 = vector.broadcast %broadcast_in_dim3A_276 : f32 to vector<16xf32>
      %swap3A_278 = arith.constant 464 : index
      %swap3A_279 = tpu.vector_load %arg9[%swap3A_278] {strides = array<i32>} : memref<8192xf32, #tpu.memory_space<vmem>>, vector<16xf32>,
      %swap3A_280 = vector.shape_cast %swap3A_279 : vector<16xf32> to vector<16xf32>
      %swap3A_281 = vector.shape_cast %broadcast_in_dim3A_277 : vector<16xf32> to vector<16xf32>
      tpu.vector_store %arg9[%swap3A_278], %swap3A_281 {strides = array<i32>} : memref<8192xf32, #tpu.memory_space<vmem>>, vector<16xf32>,
      %broadcast_in_dim3A_282 = arith.constant 0.000000e+00 : f32
      %broadcast_in_dim3A_283 = vector.broadcast %broadcast_in_dim3A_282 : f32 to vector<16xf32>
      %swap3A_284 = arith.constant 480 : index
      %swap3A_285 = tpu.vector_load %arg9[%swap3A_284] {strides = array<i32>} : memref<8192xf32, #tpu.memory_space<vmem>>, vector<16xf32>,
      %swap3A_286 = vector.shape_cast %swap3A_285 : vector<16xf32> to vector<16xf32>
      %swap3A_287 = vector.shape_cast %broadcast_in_dim3A_283 : vector<16xf32> to vector<16xf32>
      tpu.vector_store %arg9[%swap3A_284], %swap3A_287 {strides = array<i32>} : memref<8192xf32, #tpu.memory_space<vmem>>, vector<16xf32>,
      %broadcast_in_dim3A_288 = arith.constant 0.000000e+00 : f32
      %broadcast_in_dim3A_289 = vector.broadcast %broadcast_in_dim3A_288 : f32 to vector<16xf32>
      %swap3A_290 = arith.constant 496 : index
      %swap3A_291 = tpu.vector_load %arg9[%swap3A_290] {strides = array<i32>} : memref<8192xf32, #tpu.memory_space<vmem>>, vector<16xf32>,
      %swap3A_292 = vector.shape_cast %swap3A_291 : vector<16xf32> to vector<16xf32>
      %swap3A_293 = vector.shape_cast %broadcast_in_dim3A_289 : vector<16xf32> to vector<16xf32>
      tpu.vector_store %arg9[%swap3A_290], %swap3A_293 {strides = array<i32>} : memref<8192xf32, #tpu.memory_space<vmem>>, vector<16xf32>,
      %broadcast_in_dim3A_294 = arith.constant 0.000000e+00 : f32
      %broadcast_in_dim3A_295 = vector.broadcast %broadcast_in_dim3A_294 : f32 to vector<16xf32>
      %swap3A_296 = arith.constant 512 : index
      %swap3A_297 = tpu.vector_load %arg9[%swap3A_296] {strides = array<i32>} : memref<8192xf32, #tpu.memory_space<vmem>>, vector<16xf32>,
      %swap3A_298 = vector.shape_cast %swap3A_297 : vector<16xf32> to vector<16xf32>
      %swap3A_299 = vector.shape_cast %broadcast_in_dim3A_295 : vector<16xf32> to vector<16xf32>
      tpu.vector_store %arg9[%swap3A_296], %swap3A_299 {strides = array<i32>} : memref<8192xf32, #tpu.memory_space<vmem>>, vector<16xf32>,
      %broadcast_in_dim3A_300 = arith.constant 0.000000e+00 : f32
      %broadcast_in_dim3A_301 = vector.broadcast %broadcast_in_dim3A_300 : f32 to vector<16xf32>
      %swap3A_302 = arith.constant 528 : index
      %swap3A_303 = tpu.vector_load %arg9[%swap3A_302] {strides = array<i32>} : memref<8192xf32, #tpu.memory_space<vmem>>, vector<16xf32>,
      %swap3A_304 = vector.shape_cast %swap3A_303 : vector<16xf32> to vector<16xf32>
      %swap3A_305 = vector.shape_cast %broadcast_in_dim3A_301 : vector<16xf32> to vector<16xf32>
      tpu.vector_store %arg9[%swap3A_302], %swap3A_305 {strides = array<i32>} : memref<8192xf32, #tpu.memory_space<vmem>>, vector<16xf32>,
      %broadcast_in_dim3A_306 = arith.constant 0.000000e+00 : f32
      %broadcast_in_dim3A_307 = vector.broadcast %broadcast_in_dim3A_306 : f32 to vector<16xf32>
      %swap3A_308 = arith.constant 544 : index
      %swap3A_309 = tpu.vector_load %arg9[%swap3A_308] {strides = array<i32>} : memref<8192xf32, #tpu.memory_space<vmem>>, vector<16xf32>,
      %swap3A_310 = vector.shape_cast %swap3A_309 : vector<16xf32> to vector<16xf32>
      %swap3A_311 = vector.shape_cast %broadcast_in_dim3A_307 : vector<16xf32> to vector<16xf32>
      tpu.vector_store %arg9[%swap3A_308], %swap3A_311 {strides = array<i32>} : memref<8192xf32, #tpu.memory_space<vmem>>, vector<16xf32>,
      %broadcast_in_dim3A_312 = arith.constant 0.000000e+00 : f32
      %broadcast_in_dim3A_313 = vector.broadcast %broadcast_in_dim3A_312 : f32 to vector<16xf32>
      %swap3A_314 = arith.constant 560 : index
      %swap3A_315 = tpu.vector_load %arg9[%swap3A_314] {strides = array<i32>} : memref<8192xf32, #tpu.memory_space<vmem>>, vector<16xf32>,
      %swap3A_316 = vector.shape_cast %swap3A_315 : vector<16xf32> to vector<16xf32>
      %swap3A_317 = vector.shape_cast %broadcast_in_dim3A_313 : vector<16xf32> to vector<16xf32>
      tpu.vector_store %arg9[%swap3A_314], %swap3A_317 {strides = array<i32>} : memref<8192xf32, #tpu.memory_space<vmem>>, vector<16xf32>,
      %broadcast_in_dim3A_318 = arith.constant 0.000000e+00 : f32
      %broadcast_in_dim3A_319 = vector.broadcast %broadcast_in_dim3A_318 : f32 to vector<16xf32>
      %swap3A_320 = arith.constant 576 : index
      %swap3A_321 = tpu.vector_load %arg9[%swap3A_320] {strides = array<i32>} : memref<8192xf32, #tpu.memory_space<vmem>>, vector<16xf32>,
      %swap3A_322 = vector.shape_cast %swap3A_321 : vector<16xf32> to vector<16xf32>
      %swap3A_323 = vector.shape_cast %broadcast_in_dim3A_319 : vector<16xf32> to vector<16xf32>
      tpu.vector_store %arg9[%swap3A_320], %swap3A_323 {strides = array<i32>} : memref<8192xf32, #tpu.memory_space<vmem>>, vector<16xf32>,
      %broadcast_in_dim3A_324 = arith.constant 0.000000e+00 : f32
      %broadcast_in_dim3A_325 = vector.broadcast %broadcast_in_dim3A_324 : f32 to vector<16xf32>
      %swap3A_326 = arith.constant 592 : index
      %swap3A_327 = tpu.vector_load %arg9[%swap3A_326] {strides = array<i32>} : memref<8192xf32, #tpu.memory_space<vmem>>, vector<16xf32>,
      %swap3A_328 = vector.shape_cast %swap3A_327 : vector<16xf32> to vector<16xf32>
      %swap3A_329 = vector.shape_cast %broadcast_in_dim3A_325 : vector<16xf32> to vector<16xf32>
      tpu.vector_store %arg9[%swap3A_326], %swap3A_329 {strides = array<i32>} : memref<8192xf32, #tpu.memory_space<vmem>>, vector<16xf32>,
      %broadcast_in_dim3A_330 = arith.constant 0.000000e+00 : f32
      %broadcast_in_dim3A_331 = vector.broadcast %broadcast_in_dim3A_330 : f32 to vector<16xf32>
      %swap3A_332 = arith.constant 608 : index
      %swap3A_333 = tpu.vector_load %arg9[%swap3A_332] {strides = array<i32>} : memref<8192xf32, #tpu.memory_space<vmem>>, vector<16xf32>,
      %swap3A_334 = vector.shape_cast %swap3A_333 : vector<16xf32> to vector<16xf32>
      %swap3A_335 = vector.shape_cast %broadcast_in_dim3A_331 : vector<16xf32> to vector<16xf32>
      tpu.vector_store %arg9[%swap3A_332], %swap3A_335 {strides = array<i32>} : memref<8192xf32, #tpu.memory_space<vmem>>, vector<16xf32>,
      %broadcast_in_dim3A_336 = arith.constant 0.000000e+00 : f32
      %broadcast_in_dim3A_337 = vector.broadcast %broadcast_in_dim3A_336 : f32 to vector<16xf32>
      %swap3A_338 = arith.constant 624 : index
      %swap3A_339 = tpu.vector_load %arg9[%swap3A_338] {strides = array<i32>} : memref<8192xf32, #tpu.memory_space<vmem>>, vector<16xf32>,
      %swap3A_340 = vector.shape_cast %swap3A_339 : vector<16xf32> to vector<16xf32>
      %swap3A_341 = vector.shape_cast %broadcast_in_dim3A_337 : vector<16xf32> to vector<16xf32>
      tpu.vector_store %arg9[%swap3A_338], %swap3A_341 {strides = array<i32>} : memref<8192xf32, #tpu.memory_space<vmem>>, vector<16xf32>,
      %broadcast_in_dim3A_342 = arith.constant 0.000000e+00 : f32
      %broadcast_in_dim3A_343 = vector.broadcast %broadcast_in_dim3A_342 : f32 to vector<16xf32>
      %swap3A_344 = arith.constant 640 : index
      %swap3A_345 = tpu.vector_load %arg9[%swap3A_344] {strides = array<i32>} : memref<8192xf32, #tpu.memory_space<vmem>>, vector<16xf32>,
      %swap3A_346 = vector.shape_cast %swap3A_345 : vector<16xf32> to vector<16xf32>
      %swap3A_347 = vector.shape_cast %broadcast_in_dim3A_343 : vector<16xf32> to vector<16xf32>
      tpu.vector_store %arg9[%swap3A_344], %swap3A_347 {strides = array<i32>} : memref<8192xf32, #tpu.memory_space<vmem>>, vector<16xf32>,
      %broadcast_in_dim3A_348 = arith.constant 0.000000e+00 : f32
      %broadcast_in_dim3A_349 = vector.broadcast %broadcast_in_dim3A_348 : f32 to vector<16xf32>
      %swap3A_350 = arith.constant 656 : index
      %swap3A_351 = tpu.vector_load %arg9[%swap3A_350] {strides = array<i32>} : memref<8192xf32, #tpu.memory_space<vmem>>, vector<16xf32>,
      %swap3A_352 = vector.shape_cast %swap3A_351 : vector<16xf32> to vector<16xf32>
      %swap3A_353 = vector.shape_cast %broadcast_in_dim3A_349 : vector<16xf32> to vector<16xf32>
      tpu.vector_store %arg9[%swap3A_350], %swap3A_353 {strides = array<i32>} : memref<8192xf32, #tpu.memory_space<vmem>>, vector<16xf32>,
      %broadcast_in_dim3A_354 = arith.constant 0.000000e+00 : f32
      %broadcast_in_dim3A_355 = vector.broadcast %broadcast_in_dim3A_354 : f32 to vector<16xf32>
      %swap3A_356 = arith.constant 672 : index
      %swap3A_357 = tpu.vector_load %arg9[%swap3A_356] {strides = array<i32>} : memref<8192xf32, #tpu.memory_space<vmem>>, vector<16xf32>,
      %swap3A_358 = vector.shape_cast %swap3A_357 : vector<16xf32> to vector<16xf32>
      %swap3A_359 = vector.shape_cast %broadcast_in_dim3A_355 : vector<16xf32> to vector<16xf32>
      tpu.vector_store %arg9[%swap3A_356], %swap3A_359 {strides = array<i32>} : memref<8192xf32, #tpu.memory_space<vmem>>, vector<16xf32>,
      %broadcast_in_dim3A_360 = arith.constant 0.000000e+00 : f32
      %broadcast_in_dim3A_361 = vector.broadcast %broadcast_in_dim3A_360 : f32 to vector<16xf32>
      %swap3A_362 = arith.constant 688 : index
      %swap3A_363 = tpu.vector_load %arg9[%swap3A_362] {strides = array<i32>} : memref<8192xf32, #tpu.memory_space<vmem>>, vector<16xf32>,
      %swap3A_364 = vector.shape_cast %swap3A_363 : vector<16xf32> to vector<16xf32>
      %swap3A_365 = vector.shape_cast %broadcast_in_dim3A_361 : vector<16xf32> to vector<16xf32>
      tpu.vector_store %arg9[%swap3A_362], %swap3A_365 {strides = array<i32>} : memref<8192xf32, #tpu.memory_space<vmem>>, vector<16xf32>,
      %broadcast_in_dim3A_366 = arith.constant 0.000000e+00 : f32
      %broadcast_in_dim3A_367 = vector.broadcast %broadcast_in_dim3A_366 : f32 to vector<16xf32>
      %swap3A_368 = arith.constant 704 : index
      %swap3A_369 = tpu.vector_load %arg9[%swap3A_368] {strides = array<i32>} : memref<8192xf32, #tpu.memory_space<vmem>>, vector<16xf32>,
      %swap3A_370 = vector.shape_cast %swap3A_369 : vector<16xf32> to vector<16xf32>
      %swap3A_371 = vector.shape_cast %broadcast_in_dim3A_367 : vector<16xf32> to vector<16xf32>
      tpu.vector_store %arg9[%swap3A_368], %swap3A_371 {strides = array<i32>} : memref<8192xf32, #tpu.memory_space<vmem>>, vector<16xf32>,
      %broadcast_in_dim3A_372 = arith.constant 0.000000e+00 : f32
      %broadcast_in_dim3A_373 = vector.broadcast %broadcast_in_dim3A_372 : f32 to vector<16xf32>
      %swap3A_374 = arith.constant 720 : index
      %swap3A_375 = tpu.vector_load %arg9[%swap3A_374] {strides = array<i32>} : memref<8192xf32, #tpu.memory_space<vmem>>, vector<16xf32>,
      %swap3A_376 = vector.shape_cast %swap3A_375 : vector<16xf32> to vector<16xf32>
      %swap3A_377 = vector.shape_cast %broadcast_in_dim3A_373 : vector<16xf32> to vector<16xf32>
      tpu.vector_store %arg9[%swap3A_374], %swap3A_377 {strides = array<i32>} : memref<8192xf32, #tpu.memory_space<vmem>>, vector<16xf32>,
      %broadcast_in_dim3A_378 = arith.constant 0.000000e+00 : f32
      %broadcast_in_dim3A_379 = vector.broadcast %broadcast_in_dim3A_378 : f32 to vector<16xf32>
      %swap3A_380 = arith.constant 736 : index
      %swap3A_381 = tpu.vector_load %arg9[%swap3A_380] {strides = array<i32>} : memref<8192xf32, #tpu.memory_space<vmem>>, vector<16xf32>,
      %swap3A_382 = vector.shape_cast %swap3A_381 : vector<16xf32> to vector<16xf32>
      %swap3A_383 = vector.shape_cast %broadcast_in_dim3A_379 : vector<16xf32> to vector<16xf32>
      tpu.vector_store %arg9[%swap3A_380], %swap3A_383 {strides = array<i32>} : memref<8192xf32, #tpu.memory_space<vmem>>, vector<16xf32>,
      %broadcast_in_dim3A_384 = arith.constant 0.000000e+00 : f32
      %broadcast_in_dim3A_385 = vector.broadcast %broadcast_in_dim3A_384 : f32 to vector<16xf32>
      %swap3A_386 = arith.constant 752 : index
      %swap3A_387 = tpu.vector_load %arg9[%swap3A_386] {strides = array<i32>} : memref<8192xf32, #tpu.memory_space<vmem>>, vector<16xf32>,
      %swap3A_388 = vector.shape_cast %swap3A_387 : vector<16xf32> to vector<16xf32>
      %swap3A_389 = vector.shape_cast %broadcast_in_dim3A_385 : vector<16xf32> to vector<16xf32>
      tpu.vector_store %arg9[%swap3A_386], %swap3A_389 {strides = array<i32>} : memref<8192xf32, #tpu.memory_space<vmem>>, vector<16xf32>,
      %broadcast_in_dim3A_390 = arith.constant 0.000000e+00 : f32
      %broadcast_in_dim3A_391 = vector.broadcast %broadcast_in_dim3A_390 : f32 to vector<16xf32>
      %swap3A_392 = arith.constant 768 : index
      %swap3A_393 = tpu.vector_load %arg9[%swap3A_392] {strides = array<i32>} : memref<8192xf32, #tpu.memory_space<vmem>>, vector<16xf32>,
      %swap3A_394 = vector.shape_cast %swap3A_393 : vector<16xf32> to vector<16xf32>
      %swap3A_395 = vector.shape_cast %broadcast_in_dim3A_391 : vector<16xf32> to vector<16xf32>
      tpu.vector_store %arg9[%swap3A_392], %swap3A_395 {strides = array<i32>} : memref<8192xf32, #tpu.memory_space<vmem>>, vector<16xf32>,
      %broadcast_in_dim3A_396 = arith.constant 0.000000e+00 : f32
      %broadcast_in_dim3A_397 = vector.broadcast %broadcast_in_dim3A_396 : f32 to vector<16xf32>
      %swap3A_398 = arith.constant 784 : index
      %swap3A_399 = tpu.vector_load %arg9[%swap3A_398] {strides = array<i32>} : memref<8192xf32, #tpu.memory_space<vmem>>, vector<16xf32>,
      %swap3A_400 = vector.shape_cast %swap3A_399 : vector<16xf32> to vector<16xf32>
      %swap3A_401 = vector.shape_cast %broadcast_in_dim3A_397 : vector<16xf32> to vector<16xf32>
      tpu.vector_store %arg9[%swap3A_398], %swap3A_401 {strides = array<i32>} : memref<8192xf32, #tpu.memory_space<vmem>>, vector<16xf32>,
      %broadcast_in_dim3A_402 = arith.constant 0.000000e+00 : f32
      %broadcast_in_dim3A_403 = vector.broadcast %broadcast_in_dim3A_402 : f32 to vector<16xf32>
      %swap3A_404 = arith.constant 800 : index
      %swap3A_405 = tpu.vector_load %arg9[%swap3A_404] {strides = array<i32>} : memref<8192xf32, #tpu.memory_space<vmem>>, vector<16xf32>,
      %swap3A_406 = vector.shape_cast %swap3A_405 : vector<16xf32> to vector<16xf32>
      %swap3A_407 = vector.shape_cast %broadcast_in_dim3A_403 : vector<16xf32> to vector<16xf32>
      tpu.vector_store %arg9[%swap3A_404], %swap3A_407 {strides = array<i32>} : memref<8192xf32, #tpu.memory_space<vmem>>, vector<16xf32>,
      %broadcast_in_dim3A_408 = arith.constant 0.000000e+00 : f32
      %broadcast_in_dim3A_409 = vector.broadcast %broadcast_in_dim3A_408 : f32 to vector<16xf32>
      %swap3A_410 = arith.constant 816 : index
      %swap3A_411 = tpu.vector_load %arg9[%swap3A_410] {strides = array<i32>} : memref<8192xf32, #tpu.memory_space<vmem>>, vector<16xf32>,
      %swap3A_412 = vector.shape_cast %swap3A_411 : vector<16xf32> to vector<16xf32>
      %swap3A_413 = vector.shape_cast %broadcast_in_dim3A_409 : vector<16xf32> to vector<16xf32>
      tpu.vector_store %arg9[%swap3A_410], %swap3A_413 {strides = array<i32>} : memref<8192xf32, #tpu.memory_space<vmem>>, vector<16xf32>,
      %broadcast_in_dim3A_414 = arith.constant 0.000000e+00 : f32
      %broadcast_in_dim3A_415 = vector.broadcast %broadcast_in_dim3A_414 : f32 to vector<16xf32>
      %swap3A_416 = arith.constant 832 : index
      %swap3A_417 = tpu.vector_load %arg9[%swap3A_416] {strides = array<i32>} : memref<8192xf32, #tpu.memory_space<vmem>>, vector<16xf32>,
      %swap3A_418 = vector.shape_cast %swap3A_417 : vector<16xf32> to vector<16xf32>
      %swap3A_419 = vector.shape_cast %broadcast_in_dim3A_415 : vector<16xf32> to vector<16xf32>
      tpu.vector_store %arg9[%swap3A_416], %swap3A_419 {strides = array<i32>} : memref<8192xf32, #tpu.memory_space<vmem>>, vector<16xf32>,
      %broadcast_in_dim3A_420 = arith.constant 0.000000e+00 : f32
      %broadcast_in_dim3A_421 = vector.broadcast %broadcast_in_dim3A_420 : f32 to vector<16xf32>
      %swap3A_422 = arith.constant 848 : index
      %swap3A_423 = tpu.vector_load %arg9[%swap3A_422] {strides = array<i32>} : memref<8192xf32, #tpu.memory_space<vmem>>, vector<16xf32>,
      %swap3A_424 = vector.shape_cast %swap3A_423 : vector<16xf32> to vector<16xf32>
      %swap3A_425 = vector.shape_cast %broadcast_in_dim3A_421 : vector<16xf32> to vector<16xf32>
      tpu.vector_store %arg9[%swap3A_422], %swap3A_425 {strides = array<i32>} : memref<8192xf32, #tpu.memory_space<vmem>>, vector<16xf32>,
      %broadcast_in_dim3A_426 = arith.constant 0.000000e+00 : f32
      %broadcast_in_dim3A_427 = vector.broadcast %broadcast_in_dim3A_426 : f32 to vector<16xf32>
      %swap3A_428 = arith.constant 864 : index
      %swap3A_429 = tpu.vector_load %arg9[%swap3A_428] {strides = array<i32>} : memref<8192xf32, #tpu.memory_space<vmem>>, vector<16xf32>,
      %swap3A_430 = vector.shape_cast %swap3A_429 : vector<16xf32> to vector<16xf32>
      %swap3A_431 = vector.shape_cast %broadcast_in_dim3A_427 : vector<16xf32> to vector<16xf32>
      tpu.vector_store %arg9[%swap3A_428], %swap3A_431 {strides = array<i32>} : memref<8192xf32, #tpu.memory_space<vmem>>, vector<16xf32>,
      %broadcast_in_dim3A_432 = arith.constant 0.000000e+00 : f32
      %broadcast_in_dim3A_433 = vector.broadcast %broadcast_in_dim3A_432 : f32 to vector<16xf32>
      %swap3A_434 = arith.constant 880 : index
      %swap3A_435 = tpu.vector_load %arg9[%swap3A_434] {strides = array<i32>} : memref<8192xf32, #tpu.memory_space<vmem>>, vector<16xf32>,
      %swap3A_436 = vector.shape_cast %swap3A_435 : vector<16xf32> to vector<16xf32>
      %swap3A_437 = vector.shape_cast %broadcast_in_dim3A_433 : vector<16xf32> to vector<16xf32>
      tpu.vector_store %arg9[%swap3A_434], %swap3A_437 {strides = array<i32>} : memref<8192xf32, #tpu.memory_space<vmem>>, vector<16xf32>,
      %broadcast_in_dim3A_438 = arith.constant 0.000000e+00 : f32
      %broadcast_in_dim3A_439 = vector.broadcast %broadcast_in_dim3A_438 : f32 to vector<16xf32>
      %swap3A_440 = arith.constant 896 : index
      %swap3A_441 = tpu.vector_load %arg9[%swap3A_440] {strides = array<i32>} : memref<8192xf32, #tpu.memory_space<vmem>>, vector<16xf32>,
      %swap3A_442 = vector.shape_cast %swap3A_441 : vector<16xf32> to vector<16xf32>
      %swap3A_443 = vector.shape_cast %broadcast_in_dim3A_439 : vector<16xf32> to vector<16xf32>
      tpu.vector_store %arg9[%swap3A_440], %swap3A_443 {strides = array<i32>} : memref<8192xf32, #tpu.memory_space<vmem>>, vector<16xf32>,
      %broadcast_in_dim3A_444 = arith.constant 0.000000e+00 : f32
      %broadcast_in_dim3A_445 = vector.broadcast %broadcast_in_dim3A_444 : f32 to vector<16xf32>
      %swap3A_446 = arith.constant 912 : index
      %swap3A_447 = tpu.vector_load %arg9[%swap3A_446] {strides = array<i32>} : memref<8192xf32, #tpu.memory_space<vmem>>, vector<16xf32>,
      %swap3A_448 = vector.shape_cast %swap3A_447 : vector<16xf32> to vector<16xf32>
      %swap3A_449 = vector.shape_cast %broadcast_in_dim3A_445 : vector<16xf32> to vector<16xf32>
      tpu.vector_store %arg9[%swap3A_446], %swap3A_449 {strides = array<i32>} : memref<8192xf32, #tpu.memory_space<vmem>>, vector<16xf32>,
      %broadcast_in_dim3A_450 = arith.constant 0.000000e+00 : f32
      %broadcast_in_dim3A_451 = vector.broadcast %broadcast_in_dim3A_450 : f32 to vector<16xf32>
      %swap3A_452 = arith.constant 928 : index
      %swap3A_453 = tpu.vector_load %arg9[%swap3A_452] {strides = array<i32>} : memref<8192xf32, #tpu.memory_space<vmem>>, vector<16xf32>,
      %swap3A_454 = vector.shape_cast %swap3A_453 : vector<16xf32> to vector<16xf32>
      %swap3A_455 = vector.shape_cast %broadcast_in_dim3A_451 : vector<16xf32> to vector<16xf32>
      tpu.vector_store %arg9[%swap3A_452], %swap3A_455 {strides = array<i32>} : memref<8192xf32, #tpu.memory_space<vmem>>, vector<16xf32>,
      %broadcast_in_dim3A_456 = arith.constant 0.000000e+00 : f32
      %broadcast_in_dim3A_457 = vector.broadcast %broadcast_in_dim3A_456 : f32 to vector<16xf32>
      %swap3A_458 = arith.constant 944 : index
      %swap3A_459 = tpu.vector_load %arg9[%swap3A_458] {strides = array<i32>} : memref<8192xf32, #tpu.memory_space<vmem>>, vector<16xf32>,
      %swap3A_460 = vector.shape_cast %swap3A_459 : vector<16xf32> to vector<16xf32>
      %swap3A_461 = vector.shape_cast %broadcast_in_dim3A_457 : vector<16xf32> to vector<16xf32>
      tpu.vector_store %arg9[%swap3A_458], %swap3A_461 {strides = array<i32>} : memref<8192xf32, #tpu.memory_space<vmem>>, vector<16xf32>,
      %broadcast_in_dim3A_462 = arith.constant 0.000000e+00 : f32
      %broadcast_in_dim3A_463 = vector.broadcast %broadcast_in_dim3A_462 : f32 to vector<16xf32>
      %swap3A_464 = arith.constant 960 : index
      %swap3A_465 = tpu.vector_load %arg9[%swap3A_464] {strides = array<i32>} : memref<8192xf32, #tpu.memory_space<vmem>>, vector<16xf32>,
      %swap3A_466 = vector.shape_cast %swap3A_465 : vector<16xf32> to vector<16xf32>
      %swap3A_467 = vector.shape_cast %broadcast_in_dim3A_463 : vector<16xf32> to vector<16xf32>
      tpu.vector_store %arg9[%swap3A_464], %swap3A_467 {strides = array<i32>} : memref<8192xf32, #tpu.memory_space<vmem>>, vector<16xf32>,
      %broadcast_in_dim3A_468 = arith.constant 0.000000e+00 : f32
      %broadcast_in_dim3A_469 = vector.broadcast %broadcast_in_dim3A_468 : f32 to vector<16xf32>
      %swap3A_470 = arith.constant 976 : index
      %swap3A_471 = tpu.vector_load %arg9[%swap3A_470] {strides = array<i32>} : memref<8192xf32, #tpu.memory_space<vmem>>, vector<16xf32>,
      %swap3A_472 = vector.shape_cast %swap3A_471 : vector<16xf32> to vector<16xf32>
      %swap3A_473 = vector.shape_cast %broadcast_in_dim3A_469 : vector<16xf32> to vector<16xf32>
      tpu.vector_store %arg9[%swap3A_470], %swap3A_473 {strides = array<i32>} : memref<8192xf32, #tpu.memory_space<vmem>>, vector<16xf32>,
      %broadcast_in_dim3A_474 = arith.constant 0.000000e+00 : f32
      %broadcast_in_dim3A_475 = vector.broadcast %broadcast_in_dim3A_474 : f32 to vector<16xf32>
      %swap3A_476 = arith.constant 992 : index
      %swap3A_477 = tpu.vector_load %arg9[%swap3A_476] {strides = array<i32>} : memref<8192xf32, #tpu.memory_space<vmem>>, vector<16xf32>,
      %swap3A_478 = vector.shape_cast %swap3A_477 : vector<16xf32> to vector<16xf32>
      %swap3A_479 = vector.shape_cast %broadcast_in_dim3A_475 : vector<16xf32> to vector<16xf32>
      tpu.vector_store %arg9[%swap3A_476], %swap3A_479 {strides = array<i32>} : memref<8192xf32, #tpu.memory_space<vmem>>, vector<16xf32>,
      %broadcast_in_dim3A_480 = arith.constant 0.000000e+00 : f32
      %broadcast_in_dim3A_481 = vector.broadcast %broadcast_in_dim3A_480 : f32 to vector<16xf32>
      %swap3A_482 = arith.constant 1008 : index
      %swap3A_483 = tpu.vector_load %arg9[%swap3A_482] {strides = array<i32>} : memref<8192xf32, #tpu.memory_space<vmem>>, vector<16xf32>,
      %swap3A_484 = vector.shape_cast %swap3A_483 : vector<16xf32> to vector<16xf32>
      %swap3A_485 = vector.shape_cast %broadcast_in_dim3A_481 : vector<16xf32> to vector<16xf32>
      tpu.vector_store %arg9[%swap3A_482], %swap3A_485 {strides = array<i32>} : memref<8192xf32, #tpu.memory_space<vmem>>, vector<16xf32>,
      %broadcast_in_dim3A_486 = arith.constant 0.000000e+00 : f32
      %broadcast_in_dim3A_487 = vector.broadcast %broadcast_in_dim3A_486 : f32 to vector<16xf32>
      %swap3A_488 = arith.constant 1024 : index
      %swap3A_489 = tpu.vector_load %arg9[%swap3A_488] {strides = array<i32>} : memref<8192xf32, #tpu.memory_space<vmem>>, vector<16xf32>,
      %swap3A_490 = vector.shape_cast %swap3A_489 : vector<16xf32> to vector<16xf32>
      %swap3A_491 = vector.shape_cast %broadcast_in_dim3A_487 : vector<16xf32> to vector<16xf32>
      tpu.vector_store %arg9[%swap3A_488], %swap3A_491 {strides = array<i32>} : memref<8192xf32, #tpu.memory_space<vmem>>, vector<16xf32>,
      %broadcast_in_dim3A_492 = arith.constant 0.000000e+00 : f32
      %broadcast_in_dim3A_493 = vector.broadcast %broadcast_in_dim3A_492 : f32 to vector<16xf32>
      %swap3A_494 = arith.constant 1040 : index
      %swap3A_495 = tpu.vector_load %arg9[%swap3A_494] {strides = array<i32>} : memref<8192xf32, #tpu.memory_space<vmem>>, vector<16xf32>,
      %swap3A_496 = vector.shape_cast %swap3A_495 : vector<16xf32> to vector<16xf32>
      %swap3A_497 = vector.shape_cast %broadcast_in_dim3A_493 : vector<16xf32> to vector<16xf32>
      tpu.vector_store %arg9[%swap3A_494], %swap3A_497 {strides = array<i32>} : memref<8192xf32, #tpu.memory_space<vmem>>, vector<16xf32>,
      %broadcast_in_dim3A_498 = arith.constant 0.000000e+00 : f32
      %broadcast_in_dim3A_499 = vector.broadcast %broadcast_in_dim3A_498 : f32 to vector<16xf32>
      %swap3A_500 = arith.constant 1056 : index
      %swap3A_501 = tpu.vector_load %arg9[%swap3A_500] {strides = array<i32>} : memref<8192xf32, #tpu.memory_space<vmem>>, vector<16xf32>,
      %swap3A_502 = vector.shape_cast %swap3A_501 : vector<16xf32> to vector<16xf32>
      %swap3A_503 = vector.shape_cast %broadcast_in_dim3A_499 : vector<16xf32> to vector<16xf32>
      tpu.vector_store %arg9[%swap3A_500], %swap3A_503 {strides = array<i32>} : memref<8192xf32, #tpu.memory_space<vmem>>, vector<16xf32>,
      %broadcast_in_dim3A_504 = arith.constant 0.000000e+00 : f32
      %broadcast_in_dim3A_505 = vector.broadcast %broadcast_in_dim3A_504 : f32 to vector<16xf32>
      %swap3A_506 = arith.constant 1072 : index
      %swap3A_507 = tpu.vector_load %arg9[%swap3A_506] {strides = array<i32>} : memref<8192xf32, #tpu.memory_space<vmem>>, vector<16xf32>,
      %swap3A_508 = vector.shape_cast %swap3A_507 : vector<16xf32> to vector<16xf32>
      %swap3A_509 = vector.shape_cast %broadcast_in_dim3A_505 : vector<16xf32> to vector<16xf32>
      tpu.vector_store %arg9[%swap3A_506], %swap3A_509 {strides = array<i32>} : memref<8192xf32, #tpu.memory_space<vmem>>, vector<16xf32>,
      %broadcast_in_dim3A_510 = arith.constant 0.000000e+00 : f32
      %broadcast_in_dim3A_511 = vector.broadcast %broadcast_in_dim3A_510 : f32 to vector<16xf32>
      %swap3A_512 = arith.constant 1088 : index
      %swap3A_513 = tpu.vector_load %arg9[%swap3A_512] {strides = array<i32>} : memref<8192xf32, #tpu.memory_space<vmem>>, vector<16xf32>,
      %swap3A_514 = vector.shape_cast %swap3A_513 : vector<16xf32> to vector<16xf32>
      %swap3A_515 = vector.shape_cast %broadcast_in_dim3A_511 : vector<16xf32> to vector<16xf32>
      tpu.vector_store %arg9[%swap3A_512], %swap3A_515 {strides = array<i32>} : memref<8192xf32, #tpu.memory_space<vmem>>, vector<16xf32>,
      %broadcast_in_dim3A_516 = arith.constant 0.000000e+00 : f32
      %broadcast_in_dim3A_517 = vector.broadcast %broadcast_in_dim3A_516 : f32 to vector<16xf32>
      %swap3A_518 = arith.constant 1104 : index
      %swap3A_519 = tpu.vector_load %arg9[%swap3A_518] {strides = array<i32>} : memref<8192xf32, #tpu.memory_space<vmem>>, vector<16xf32>,
      %swap3A_520 = vector.shape_cast %swap3A_519 : vector<16xf32> to vector<16xf32>
      %swap3A_521 = vector.shape_cast %broadcast_in_dim3A_517 : vector<16xf32> to vector<16xf32>
      tpu.vector_store %arg9[%swap3A_518], %swap3A_521 {strides = array<i32>} : memref<8192xf32, #tpu.memory_space<vmem>>, vector<16xf32>,
      %broadcast_in_dim3A_522 = arith.constant 0.000000e+00 : f32
      %broadcast_in_dim3A_523 = vector.broadcast %broadcast_in_dim3A_522 : f32 to vector<16xf32>
      %swap3A_524 = arith.constant 1120 : index
      %swap3A_525 = tpu.vector_load %arg9[%swap3A_524] {strides = array<i32>} : memref<8192xf32, #tpu.memory_space<vmem>>, vector<16xf32>,
      %swap3A_526 = vector.shape_cast %swap3A_525 : vector<16xf32> to vector<16xf32>
      %swap3A_527 = vector.shape_cast %broadcast_in_dim3A_523 : vector<16xf32> to vector<16xf32>
      tpu.vector_store %arg9[%swap3A_524], %swap3A_527 {strides = array<i32>} : memref<8192xf32, #tpu.memory_space<vmem>>, vector<16xf32>,
      %broadcast_in_dim3A_528 = arith.constant 0.000000e+00 : f32
      %broadcast_in_dim3A_529 = vector.broadcast %broadcast_in_dim3A_528 : f32 to vector<16xf32>
      %swap3A_530 = arith.constant 1136 : index
      %swap3A_531 = tpu.vector_load %arg9[%swap3A_530] {strides = array<i32>} : memref<8192xf32, #tpu.memory_space<vmem>>, vector<16xf32>,
      %swap3A_532 = vector.shape_cast %swap3A_531 : vector<16xf32> to vector<16xf32>
      %swap3A_533 = vector.shape_cast %broadcast_in_dim3A_529 : vector<16xf32> to vector<16xf32>
      tpu.vector_store %arg9[%swap3A_530], %swap3A_533 {strides = array<i32>} : memref<8192xf32, #tpu.memory_space<vmem>>, vector<16xf32>,
      %broadcast_in_dim3A_534 = arith.constant 0.000000e+00 : f32
      %broadcast_in_dim3A_535 = vector.broadcast %broadcast_in_dim3A_534 : f32 to vector<16xf32>
      %swap3A_536 = arith.constant 1152 : index
      %swap3A_537 = tpu.vector_load %arg9[%swap3A_536] {strides = array<i32>} : memref<8192xf32, #tpu.memory_space<vmem>>, vector<16xf32>,
      %swap3A_538 = vector.shape_cast %swap3A_537 : vector<16xf32> to vector<16xf32>
      %swap3A_539 = vector.shape_cast %broadcast_in_dim3A_535 : vector<16xf32> to vector<16xf32>
      tpu.vector_store %arg9[%swap3A_536], %swap3A_539 {strides = array<i32>} : memref<8192xf32, #tpu.memory_space<vmem>>, vector<16xf32>,
      %broadcast_in_dim3A_540 = arith.constant 0.000000e+00 : f32
      %broadcast_in_dim3A_541 = vector.broadcast %broadcast_in_dim3A_540 : f32 to vector<16xf32>
      %swap3A_542 = arith.constant 1168 : index
      %swap3A_543 = tpu.vector_load %arg9[%swap3A_542] {strides = array<i32>} : memref<8192xf32, #tpu.memory_space<vmem>>, vector<16xf32>,
      %swap3A_544 = vector.shape_cast %swap3A_543 : vector<16xf32> to vector<16xf32>
      %swap3A_545 = vector.shape_cast %broadcast_in_dim3A_541 : vector<16xf32> to vector<16xf32>
      tpu.vector_store %arg9[%swap3A_542], %swap3A_545 {strides = array<i32>} : memref<8192xf32, #tpu.memory_space<vmem>>, vector<16xf32>,
      %broadcast_in_dim3A_546 = arith.constant 0.000000e+00 : f32
      %broadcast_in_dim3A_547 = vector.broadcast %broadcast_in_dim3A_546 : f32 to vector<16xf32>
      %swap3A_548 = arith.constant 1184 : index
      %swap3A_549 = tpu.vector_load %arg9[%swap3A_548] {strides = array<i32>} : memref<8192xf32, #tpu.memory_space<vmem>>, vector<16xf32>,
      %swap3A_550 = vector.shape_cast %swap3A_549 : vector<16xf32> to vector<16xf32>
      %swap3A_551 = vector.shape_cast %broadcast_in_dim3A_547 : vector<16xf32> to vector<16xf32>
      tpu.vector_store %arg9[%swap3A_548], %swap3A_551 {strides = array<i32>} : memref<8192xf32, #tpu.memory_space<vmem>>, vector<16xf32>,
      %broadcast_in_dim3A_552 = arith.constant 0.000000e+00 : f32
      %broadcast_in_dim3A_553 = vector.broadcast %broadcast_in_dim3A_552 : f32 to vector<16xf32>
      %swap3A_554 = arith.constant 1200 : index
      %swap3A_555 = tpu.vector_load %arg9[%swap3A_554] {strides = array<i32>} : memref<8192xf32, #tpu.memory_space<vmem>>, vector<16xf32>,
      %swap3A_556 = vector.shape_cast %swap3A_555 : vector<16xf32> to vector<16xf32>
      %swap3A_557 = vector.shape_cast %broadcast_in_dim3A_553 : vector<16xf32> to vector<16xf32>
      tpu.vector_store %arg9[%swap3A_554], %swap3A_557 {strides = array<i32>} : memref<8192xf32, #tpu.memory_space<vmem>>, vector<16xf32>,
      %broadcast_in_dim3A_558 = arith.constant 0.000000e+00 : f32
      %broadcast_in_dim3A_559 = vector.broadcast %broadcast_in_dim3A_558 : f32 to vector<16xf32>
      %swap3A_560 = arith.constant 1216 : index
      %swap3A_561 = tpu.vector_load %arg9[%swap3A_560] {strides = array<i32>} : memref<8192xf32, #tpu.memory_space<vmem>>, vector<16xf32>,
      %swap3A_562 = vector.shape_cast %swap3A_561 : vector<16xf32> to vector<16xf32>
      %swap3A_563 = vector.shape_cast %broadcast_in_dim3A_559 : vector<16xf32> to vector<16xf32>
      tpu.vector_store %arg9[%swap3A_560], %swap3A_563 {strides = array<i32>} : memref<8192xf32, #tpu.memory_space<vmem>>, vector<16xf32>,
      %broadcast_in_dim3A_564 = arith.constant 0.000000e+00 : f32
      %broadcast_in_dim3A_565 = vector.broadcast %broadcast_in_dim3A_564 : f32 to vector<16xf32>
      %swap3A_566 = arith.constant 1232 : index
      %swap3A_567 = tpu.vector_load %arg9[%swap3A_566] {strides = array<i32>} : memref<8192xf32, #tpu.memory_space<vmem>>, vector<16xf32>,
      %swap3A_568 = vector.shape_cast %swap3A_567 : vector<16xf32> to vector<16xf32>
      %swap3A_569 = vector.shape_cast %broadcast_in_dim3A_565 : vector<16xf32> to vector<16xf32>
      tpu.vector_store %arg9[%swap3A_566], %swap3A_569 {strides = array<i32>} : memref<8192xf32, #tpu.memory_space<vmem>>, vector<16xf32>,
      %broadcast_in_dim3A_570 = arith.constant 0.000000e+00 : f32
      %broadcast_in_dim3A_571 = vector.broadcast %broadcast_in_dim3A_570 : f32 to vector<16xf32>
      %swap3A_572 = arith.constant 1248 : index
      %swap3A_573 = tpu.vector_load %arg9[%swap3A_572] {strides = array<i32>} : memref<8192xf32, #tpu.memory_space<vmem>>, vector<16xf32>,
      %swap3A_574 = vector.shape_cast %swap3A_573 : vector<16xf32> to vector<16xf32>
      %swap3A_575 = vector.shape_cast %broadcast_in_dim3A_571 : vector<16xf32> to vector<16xf32>
      tpu.vector_store %arg9[%swap3A_572], %swap3A_575 {strides = array<i32>} : memref<8192xf32, #tpu.memory_space<vmem>>, vector<16xf32>,
      %broadcast_in_dim3A_576 = arith.constant 0.000000e+00 : f32
      %broadcast_in_dim3A_577 = vector.broadcast %broadcast_in_dim3A_576 : f32 to vector<16xf32>
      %swap3A_578 = arith.constant 1264 : index
      %swap3A_579 = tpu.vector_load %arg9[%swap3A_578] {strides = array<i32>} : memref<8192xf32, #tpu.memory_space<vmem>>, vector<16xf32>,
      %swap3A_580 = vector.shape_cast %swap3A_579 : vector<16xf32> to vector<16xf32>
      %swap3A_581 = vector.shape_cast %broadcast_in_dim3A_577 : vector<16xf32> to vector<16xf32>
      tpu.vector_store %arg9[%swap3A_578], %swap3A_581 {strides = array<i32>} : memref<8192xf32, #tpu.memory_space<vmem>>, vector<16xf32>,
      %broadcast_in_dim3A_582 = arith.constant 0.000000e+00 : f32
      %broadcast_in_dim3A_583 = vector.broadcast %broadcast_in_dim3A_582 : f32 to vector<16xf32>
      %swap3A_584 = arith.constant 1280 : index
      %swap3A_585 = tpu.vector_load %arg9[%swap3A_584] {strides = array<i32>} : memref<8192xf32, #tpu.memory_space<vmem>>, vector<16xf32>,
      %swap3A_586 = vector.shape_cast %swap3A_585 : vector<16xf32> to vector<16xf32>
      %swap3A_587 = vector.shape_cast %broadcast_in_dim3A_583 : vector<16xf32> to vector<16xf32>
      tpu.vector_store %arg9[%swap3A_584], %swap3A_587 {strides = array<i32>} : memref<8192xf32, #tpu.memory_space<vmem>>, vector<16xf32>,
      %broadcast_in_dim3A_588 = arith.constant 0.000000e+00 : f32
      %broadcast_in_dim3A_589 = vector.broadcast %broadcast_in_dim3A_588 : f32 to vector<16xf32>
      %swap3A_590 = arith.constant 1296 : index
      %swap3A_591 = tpu.vector_load %arg9[%swap3A_590] {strides = array<i32>} : memref<8192xf32, #tpu.memory_space<vmem>>, vector<16xf32>,
      %swap3A_592 = vector.shape_cast %swap3A_591 : vector<16xf32> to vector<16xf32>
      %swap3A_593 = vector.shape_cast %broadcast_in_dim3A_589 : vector<16xf32> to vector<16xf32>
      tpu.vector_store %arg9[%swap3A_590], %swap3A_593 {strides = array<i32>} : memref<8192xf32, #tpu.memory_space<vmem>>, vector<16xf32>,
      %broadcast_in_dim3A_594 = arith.constant 0.000000e+00 : f32
      %broadcast_in_dim3A_595 = vector.broadcast %broadcast_in_dim3A_594 : f32 to vector<16xf32>
      %swap3A_596 = arith.constant 1312 : index
      %swap3A_597 = tpu.vector_load %arg9[%swap3A_596] {strides = array<i32>} : memref<8192xf32, #tpu.memory_space<vmem>>, vector<16xf32>,
      %swap3A_598 = vector.shape_cast %swap3A_597 : vector<16xf32> to vector<16xf32>
      %swap3A_599 = vector.shape_cast %broadcast_in_dim3A_595 : vector<16xf32> to vector<16xf32>
      tpu.vector_store %arg9[%swap3A_596], %swap3A_599 {strides = array<i32>} : memref<8192xf32, #tpu.memory_space<vmem>>, vector<16xf32>,
      %broadcast_in_dim3A_600 = arith.constant 0.000000e+00 : f32
      %broadcast_in_dim3A_601 = vector.broadcast %broadcast_in_dim3A_600 : f32 to vector<16xf32>
      %swap3A_602 = arith.constant 1328 : index
      %swap3A_603 = tpu.vector_load %arg9[%swap3A_602] {strides = array<i32>} : memref<8192xf32, #tpu.memory_space<vmem>>, vector<16xf32>,
      %swap3A_604 = vector.shape_cast %swap3A_603 : vector<16xf32> to vector<16xf32>
      %swap3A_605 = vector.shape_cast %broadcast_in_dim3A_601 : vector<16xf32> to vector<16xf32>
      tpu.vector_store %arg9[%swap3A_602], %swap3A_605 {strides = array<i32>} : memref<8192xf32, #tpu.memory_space<vmem>>, vector<16xf32>,
      %broadcast_in_dim3A_606 = arith.constant 0.000000e+00 : f32
      %broadcast_in_dim3A_607 = vector.broadcast %broadcast_in_dim3A_606 : f32 to vector<16xf32>
      %swap3A_608 = arith.constant 1344 : index
      %swap3A_609 = tpu.vector_load %arg9[%swap3A_608] {strides = array<i32>} : memref<8192xf32, #tpu.memory_space<vmem>>, vector<16xf32>,
      %swap3A_610 = vector.shape_cast %swap3A_609 : vector<16xf32> to vector<16xf32>
      %swap3A_611 = vector.shape_cast %broadcast_in_dim3A_607 : vector<16xf32> to vector<16xf32>
      tpu.vector_store %arg9[%swap3A_608], %swap3A_611 {strides = array<i32>} : memref<8192xf32, #tpu.memory_space<vmem>>, vector<16xf32>,
      %broadcast_in_dim3A_612 = arith.constant 0.000000e+00 : f32
      %broadcast_in_dim3A_613 = vector.broadcast %broadcast_in_dim3A_612 : f32 to vector<16xf32>
      %swap3A_614 = arith.constant 1360 : index
      %swap3A_615 = tpu.vector_load %arg9[%swap3A_614] {strides = array<i32>} : memref<8192xf32, #tpu.memory_space<vmem>>, vector<16xf32>,
      %swap3A_616 = vector.shape_cast %swap3A_615 : vector<16xf32> to vector<16xf32>
      %swap3A_617 = vector.shape_cast %broadcast_in_dim3A_613 : vector<16xf32> to vector<16xf32>
      tpu.vector_store %arg9[%swap3A_614], %swap3A_617 {strides = array<i32>} : memref<8192xf32, #tpu.memory_space<vmem>>, vector<16xf32>,
      %broadcast_in_dim3A_618 = arith.constant 0.000000e+00 : f32
      %broadcast_in_dim3A_619 = vector.broadcast %broadcast_in_dim3A_618 : f32 to vector<16xf32>
      %swap3A_620 = arith.constant 1376 : index
      %swap3A_621 = tpu.vector_load %arg9[%swap3A_620] {strides = array<i32>} : memref<8192xf32, #tpu.memory_space<vmem>>, vector<16xf32>,
      %swap3A_622 = vector.shape_cast %swap3A_621 : vector<16xf32> to vector<16xf32>
      %swap3A_623 = vector.shape_cast %broadcast_in_dim3A_619 : vector<16xf32> to vector<16xf32>
      tpu.vector_store %arg9[%swap3A_620], %swap3A_623 {strides = array<i32>} : memref<8192xf32, #tpu.memory_space<vmem>>, vector<16xf32>,
      %broadcast_in_dim3A_624 = arith.constant 0.000000e+00 : f32
      %broadcast_in_dim3A_625 = vector.broadcast %broadcast_in_dim3A_624 : f32 to vector<16xf32>
      %swap3A_626 = arith.constant 1392 : index
      %swap3A_627 = tpu.vector_load %arg9[%swap3A_626] {strides = array<i32>} : memref<8192xf32, #tpu.memory_space<vmem>>, vector<16xf32>,
      %swap3A_628 = vector.shape_cast %swap3A_627 : vector<16xf32> to vector<16xf32>
      %swap3A_629 = vector.shape_cast %broadcast_in_dim3A_625 : vector<16xf32> to vector<16xf32>
      tpu.vector_store %arg9[%swap3A_626], %swap3A_629 {strides = array<i32>} : memref<8192xf32, #tpu.memory_space<vmem>>, vector<16xf32>,
      %broadcast_in_dim3A_630 = arith.constant 0.000000e+00 : f32
      %broadcast_in_dim3A_631 = vector.broadcast %broadcast_in_dim3A_630 : f32 to vector<16xf32>
      %swap3A_632 = arith.constant 1408 : index
      %swap3A_633 = tpu.vector_load %arg9[%swap3A_632] {strides = array<i32>} : memref<8192xf32, #tpu.memory_space<vmem>>, vector<16xf32>,
      %swap3A_634 = vector.shape_cast %swap3A_633 : vector<16xf32> to vector<16xf32>
      %swap3A_635 = vector.shape_cast %broadcast_in_dim3A_631 : vector<16xf32> to vector<16xf32>
      tpu.vector_store %arg9[%swap3A_632], %swap3A_635 {strides = array<i32>} : memref<8192xf32, #tpu.memory_space<vmem>>, vector<16xf32>,
      %broadcast_in_dim3A_636 = arith.constant 0.000000e+00 : f32
      %broadcast_in_dim3A_637 = vector.broadcast %broadcast_in_dim3A_636 : f32 to vector<16xf32>
      %swap3A_638 = arith.constant 1424 : index
      %swap3A_639 = tpu.vector_load %arg9[%swap3A_638] {strides = array<i32>} : memref<8192xf32, #tpu.memory_space<vmem>>, vector<16xf32>,
      %swap3A_640 = vector.shape_cast %swap3A_639 : vector<16xf32> to vector<16xf32>
      %swap3A_641 = vector.shape_cast %broadcast_in_dim3A_637 : vector<16xf32> to vector<16xf32>
      tpu.vector_store %arg9[%swap3A_638], %swap3A_641 {strides = array<i32>} : memref<8192xf32, #tpu.memory_space<vmem>>, vector<16xf32>,
      %broadcast_in_dim3A_642 = arith.constant 0.000000e+00 : f32
      %broadcast_in_dim3A_643 = vector.broadcast %broadcast_in_dim3A_642 : f32 to vector<16xf32>
      %swap3A_644 = arith.constant 1440 : index
      %swap3A_645 = tpu.vector_load %arg9[%swap3A_644] {strides = array<i32>} : memref<8192xf32, #tpu.memory_space<vmem>>, vector<16xf32>,
      %swap3A_646 = vector.shape_cast %swap3A_645 : vector<16xf32> to vector<16xf32>
      %swap3A_647 = vector.shape_cast %broadcast_in_dim3A_643 : vector<16xf32> to vector<16xf32>
      tpu.vector_store %arg9[%swap3A_644], %swap3A_647 {strides = array<i32>} : memref<8192xf32, #tpu.memory_space<vmem>>, vector<16xf32>,
      %broadcast_in_dim3A_648 = arith.constant 0.000000e+00 : f32
      %broadcast_in_dim3A_649 = vector.broadcast %broadcast_in_dim3A_648 : f32 to vector<16xf32>
      %swap3A_650 = arith.constant 1456 : index
      %swap3A_651 = tpu.vector_load %arg9[%swap3A_650] {strides = array<i32>} : memref<8192xf32, #tpu.memory_space<vmem>>, vector<16xf32>,
      %swap3A_652 = vector.shape_cast %swap3A_651 : vector<16xf32> to vector<16xf32>
      %swap3A_653 = vector.shape_cast %broadcast_in_dim3A_649 : vector<16xf32> to vector<16xf32>
      tpu.vector_store %arg9[%swap3A_650], %swap3A_653 {strides = array<i32>} : memref<8192xf32, #tpu.memory_space<vmem>>, vector<16xf32>,
      %broadcast_in_dim3A_654 = arith.constant 0.000000e+00 : f32
      %broadcast_in_dim3A_655 = vector.broadcast %broadcast_in_dim3A_654 : f32 to vector<16xf32>
      %swap3A_656 = arith.constant 1472 : index
      %swap3A_657 = tpu.vector_load %arg9[%swap3A_656] {strides = array<i32>} : memref<8192xf32, #tpu.memory_space<vmem>>, vector<16xf32>,
      %swap3A_658 = vector.shape_cast %swap3A_657 : vector<16xf32> to vector<16xf32>
      %swap3A_659 = vector.shape_cast %broadcast_in_dim3A_655 : vector<16xf32> to vector<16xf32>
      tpu.vector_store %arg9[%swap3A_656], %swap3A_659 {strides = array<i32>} : memref<8192xf32, #tpu.memory_space<vmem>>, vector<16xf32>,
      %broadcast_in_dim3A_660 = arith.constant 0.000000e+00 : f32
      %broadcast_in_dim3A_661 = vector.broadcast %broadcast_in_dim3A_660 : f32 to vector<16xf32>
      %swap3A_662 = arith.constant 1488 : index
      %swap3A_663 = tpu.vector_load %arg9[%swap3A_662] {strides = array<i32>} : memref<8192xf32, #tpu.memory_space<vmem>>, vector<16xf32>,
      %swap3A_664 = vector.shape_cast %swap3A_663 : vector<16xf32> to vector<16xf32>
      %swap3A_665 = vector.shape_cast %broadcast_in_dim3A_661 : vector<16xf32> to vector<16xf32>
      tpu.vector_store %arg9[%swap3A_662], %swap3A_665 {strides = array<i32>} : memref<8192xf32, #tpu.memory_space<vmem>>, vector<16xf32>,
      %broadcast_in_dim3A_666 = arith.constant 0.000000e+00 : f32
      %broadcast_in_dim3A_667 = vector.broadcast %broadcast_in_dim3A_666 : f32 to vector<16xf32>
      %swap3A_668 = arith.constant 1504 : index
      %swap3A_669 = tpu.vector_load %arg9[%swap3A_668] {strides = array<i32>} : memref<8192xf32, #tpu.memory_space<vmem>>, vector<16xf32>,
      %swap3A_670 = vector.shape_cast %swap3A_669 : vector<16xf32> to vector<16xf32>
      %swap3A_671 = vector.shape_cast %broadcast_in_dim3A_667 : vector<16xf32> to vector<16xf32>
      tpu.vector_store %arg9[%swap3A_668], %swap3A_671 {strides = array<i32>} : memref<8192xf32, #tpu.memory_space<vmem>>, vector<16xf32>,
      %broadcast_in_dim3A_672 = arith.constant 0.000000e+00 : f32
      %broadcast_in_dim3A_673 = vector.broadcast %broadcast_in_dim3A_672 : f32 to vector<16xf32>
      %swap3A_674 = arith.constant 1520 : index
      %swap3A_675 = tpu.vector_load %arg9[%swap3A_674] {strides = array<i32>} : memref<8192xf32, #tpu.memory_space<vmem>>, vector<16xf32>,
      %swap3A_676 = vector.shape_cast %swap3A_675 : vector<16xf32> to vector<16xf32>
      %swap3A_677 = vector.shape_cast %broadcast_in_dim3A_673 : vector<16xf32> to vector<16xf32>
      tpu.vector_store %arg9[%swap3A_674], %swap3A_677 {strides = array<i32>} : memref<8192xf32, #tpu.memory_space<vmem>>, vector<16xf32>,
      %broadcast_in_dim3A_678 = arith.constant 0.000000e+00 : f32
      %broadcast_in_dim3A_679 = vector.broadcast %broadcast_in_dim3A_678 : f32 to vector<16xf32>
      %swap3A_680 = arith.constant 1536 : index
      %swap3A_681 = tpu.vector_load %arg9[%swap3A_680] {strides = array<i32>} : memref<8192xf32, #tpu.memory_space<vmem>>, vector<16xf32>,
      %swap3A_682 = vector.shape_cast %swap3A_681 : vector<16xf32> to vector<16xf32>
      %swap3A_683 = vector.shape_cast %broadcast_in_dim3A_679 : vector<16xf32> to vector<16xf32>
      tpu.vector_store %arg9[%swap3A_680], %swap3A_683 {strides = array<i32>} : memref<8192xf32, #tpu.memory_space<vmem>>, vector<16xf32>,
      %broadcast_in_dim3A_684 = arith.constant 0.000000e+00 : f32
      %broadcast_in_dim3A_685 = vector.broadcast %broadcast_in_dim3A_684 : f32 to vector<16xf32>
      %swap3A_686 = arith.constant 1552 : index
      %swap3A_687 = tpu.vector_load %arg9[%swap3A_686] {strides = array<i32>} : memref<8192xf32, #tpu.memory_space<vmem>>, vector<16xf32>,
      %swap3A_688 = vector.shape_cast %swap3A_687 : vector<16xf32> to vector<16xf32>
      %swap3A_689 = vector.shape_cast %broadcast_in_dim3A_685 : vector<16xf32> to vector<16xf32>
      tpu.vector_store %arg9[%swap3A_686], %swap3A_689 {strides = array<i32>} : memref<8192xf32, #tpu.memory_space<vmem>>, vector<16xf32>,
      %broadcast_in_dim3A_690 = arith.constant 0.000000e+00 : f32
      %broadcast_in_dim3A_691 = vector.broadcast %broadcast_in_dim3A_690 : f32 to vector<16xf32>
      %swap3A_692 = arith.constant 1568 : index
      %swap3A_693 = tpu.vector_load %arg9[%swap3A_692] {strides = array<i32>} : memref<8192xf32, #tpu.memory_space<vmem>>, vector<16xf32>,
      %swap3A_694 = vector.shape_cast %swap3A_693 : vector<16xf32> to vector<16xf32>
      %swap3A_695 = vector.shape_cast %broadcast_in_dim3A_691 : vector<16xf32> to vector<16xf32>
      tpu.vector_store %arg9[%swap3A_692], %swap3A_695 {strides = array<i32>} : memref<8192xf32, #tpu.memory_space<vmem>>, vector<16xf32>,
      %broadcast_in_dim3A_696 = arith.constant 0.000000e+00 : f32
      %broadcast_in_dim3A_697 = vector.broadcast %broadcast_in_dim3A_696 : f32 to vector<16xf32>
      %swap3A_698 = arith.constant 1584 : index
      %swap3A_699 = tpu.vector_load %arg9[%swap3A_698] {strides = array<i32>} : memref<8192xf32, #tpu.memory_space<vmem>>, vector<16xf32>,
      %swap3A_700 = vector.shape_cast %swap3A_699 : vector<16xf32> to vector<16xf32>
      %swap3A_701 = vector.shape_cast %broadcast_in_dim3A_697 : vector<16xf32> to vector<16xf32>
      tpu.vector_store %arg9[%swap3A_698], %swap3A_701 {strides = array<i32>} : memref<8192xf32, #tpu.memory_space<vmem>>, vector<16xf32>,
      %broadcast_in_dim3A_702 = arith.constant 0.000000e+00 : f32
      %broadcast_in_dim3A_703 = vector.broadcast %broadcast_in_dim3A_702 : f32 to vector<16xf32>
      %swap3A_704 = arith.constant 1600 : index
      %swap3A_705 = tpu.vector_load %arg9[%swap3A_704] {strides = array<i32>} : memref<8192xf32, #tpu.memory_space<vmem>>, vector<16xf32>,
      %swap3A_706 = vector.shape_cast %swap3A_705 : vector<16xf32> to vector<16xf32>
      %swap3A_707 = vector.shape_cast %broadcast_in_dim3A_703 : vector<16xf32> to vector<16xf32>
      tpu.vector_store %arg9[%swap3A_704], %swap3A_707 {strides = array<i32>} : memref<8192xf32, #tpu.memory_space<vmem>>, vector<16xf32>,
      %broadcast_in_dim3A_708 = arith.constant 0.000000e+00 : f32
      %broadcast_in_dim3A_709 = vector.broadcast %broadcast_in_dim3A_708 : f32 to vector<16xf32>
      %swap3A_710 = arith.constant 1616 : index
      %swap3A_711 = tpu.vector_load %arg9[%swap3A_710] {strides = array<i32>} : memref<8192xf32, #tpu.memory_space<vmem>>, vector<16xf32>,
      %swap3A_712 = vector.shape_cast %swap3A_711 : vector<16xf32> to vector<16xf32>
      %swap3A_713 = vector.shape_cast %broadcast_in_dim3A_709 : vector<16xf32> to vector<16xf32>
      tpu.vector_store %arg9[%swap3A_710], %swap3A_713 {strides = array<i32>} : memref<8192xf32, #tpu.memory_space<vmem>>, vector<16xf32>,
      %broadcast_in_dim3A_714 = arith.constant 0.000000e+00 : f32
      %broadcast_in_dim3A_715 = vector.broadcast %broadcast_in_dim3A_714 : f32 to vector<16xf32>
      %swap3A_716 = arith.constant 1632 : index
      %swap3A_717 = tpu.vector_load %arg9[%swap3A_716] {strides = array<i32>} : memref<8192xf32, #tpu.memory_space<vmem>>, vector<16xf32>,
      %swap3A_718 = vector.shape_cast %swap3A_717 : vector<16xf32> to vector<16xf32>
      %swap3A_719 = vector.shape_cast %broadcast_in_dim3A_715 : vector<16xf32> to vector<16xf32>
      tpu.vector_store %arg9[%swap3A_716], %swap3A_719 {strides = array<i32>} : memref<8192xf32, #tpu.memory_space<vmem>>, vector<16xf32>,
      %broadcast_in_dim3A_720 = arith.constant 0.000000e+00 : f32
      %broadcast_in_dim3A_721 = vector.broadcast %broadcast_in_dim3A_720 : f32 to vector<16xf32>
      %swap3A_722 = arith.constant 1648 : index
      %swap3A_723 = tpu.vector_load %arg9[%swap3A_722] {strides = array<i32>} : memref<8192xf32, #tpu.memory_space<vmem>>, vector<16xf32>,
      %swap3A_724 = vector.shape_cast %swap3A_723 : vector<16xf32> to vector<16xf32>
      %swap3A_725 = vector.shape_cast %broadcast_in_dim3A_721 : vector<16xf32> to vector<16xf32>
      tpu.vector_store %arg9[%swap3A_722], %swap3A_725 {strides = array<i32>} : memref<8192xf32, #tpu.memory_space<vmem>>, vector<16xf32>,
      %broadcast_in_dim3A_726 = arith.constant 0.000000e+00 : f32
      %broadcast_in_dim3A_727 = vector.broadcast %broadcast_in_dim3A_726 : f32 to vector<16xf32>
      %swap3A_728 = arith.constant 1664 : index
      %swap3A_729 = tpu.vector_load %arg9[%swap3A_728] {strides = array<i32>} : memref<8192xf32, #tpu.memory_space<vmem>>, vector<16xf32>,
      %swap3A_730 = vector.shape_cast %swap3A_729 : vector<16xf32> to vector<16xf32>
      %swap3A_731 = vector.shape_cast %broadcast_in_dim3A_727 : vector<16xf32> to vector<16xf32>
      tpu.vector_store %arg9[%swap3A_728], %swap3A_731 {strides = array<i32>} : memref<8192xf32, #tpu.memory_space<vmem>>, vector<16xf32>,
      %broadcast_in_dim3A_732 = arith.constant 0.000000e+00 : f32
      %broadcast_in_dim3A_733 = vector.broadcast %broadcast_in_dim3A_732 : f32 to vector<16xf32>
      %swap3A_734 = arith.constant 1680 : index
      %swap3A_735 = tpu.vector_load %arg9[%swap3A_734] {strides = array<i32>} : memref<8192xf32, #tpu.memory_space<vmem>>, vector<16xf32>,
      %swap3A_736 = vector.shape_cast %swap3A_735 : vector<16xf32> to vector<16xf32>
      %swap3A_737 = vector.shape_cast %broadcast_in_dim3A_733 : vector<16xf32> to vector<16xf32>
      tpu.vector_store %arg9[%swap3A_734], %swap3A_737 {strides = array<i32>} : memref<8192xf32, #tpu.memory_space<vmem>>, vector<16xf32>,
      %broadcast_in_dim3A_738 = arith.constant 0.000000e+00 : f32
      %broadcast_in_dim3A_739 = vector.broadcast %broadcast_in_dim3A_738 : f32 to vector<16xf32>
      %swap3A_740 = arith.constant 1696 : index
      %swap3A_741 = tpu.vector_load %arg9[%swap3A_740] {strides = array<i32>} : memref<8192xf32, #tpu.memory_space<vmem>>, vector<16xf32>,
      %swap3A_742 = vector.shape_cast %swap3A_741 : vector<16xf32> to vector<16xf32>
      %swap3A_743 = vector.shape_cast %broadcast_in_dim3A_739 : vector<16xf32> to vector<16xf32>
      tpu.vector_store %arg9[%swap3A_740], %swap3A_743 {strides = array<i32>} : memref<8192xf32, #tpu.memory_space<vmem>>, vector<16xf32>,
      %broadcast_in_dim3A_744 = arith.constant 0.000000e+00 : f32
      %broadcast_in_dim3A_745 = vector.broadcast %broadcast_in_dim3A_744 : f32 to vector<16xf32>
      %swap3A_746 = arith.constant 1712 : index
      %swap3A_747 = tpu.vector_load %arg9[%swap3A_746] {strides = array<i32>} : memref<8192xf32, #tpu.memory_space<vmem>>, vector<16xf32>,
      %swap3A_748 = vector.shape_cast %swap3A_747 : vector<16xf32> to vector<16xf32>
      %swap3A_749 = vector.shape_cast %broadcast_in_dim3A_745 : vector<16xf32> to vector<16xf32>
      tpu.vector_store %arg9[%swap3A_746], %swap3A_749 {strides = array<i32>} : memref<8192xf32, #tpu.memory_space<vmem>>, vector<16xf32>,
      %broadcast_in_dim3A_750 = arith.constant 0.000000e+00 : f32
      %broadcast_in_dim3A_751 = vector.broadcast %broadcast_in_dim3A_750 : f32 to vector<16xf32>
      %swap3A_752 = arith.constant 1728 : index
      %swap3A_753 = tpu.vector_load %arg9[%swap3A_752] {strides = array<i32>} : memref<8192xf32, #tpu.memory_space<vmem>>, vector<16xf32>,
      %swap3A_754 = vector.shape_cast %swap3A_753 : vector<16xf32> to vector<16xf32>
      %swap3A_755 = vector.shape_cast %broadcast_in_dim3A_751 : vector<16xf32> to vector<16xf32>
      tpu.vector_store %arg9[%swap3A_752], %swap3A_755 {strides = array<i32>} : memref<8192xf32, #tpu.memory_space<vmem>>, vector<16xf32>,
      %broadcast_in_dim3A_756 = arith.constant 0.000000e+00 : f32
      %broadcast_in_dim3A_757 = vector.broadcast %broadcast_in_dim3A_756 : f32 to vector<16xf32>
      %swap3A_758 = arith.constant 1744 : index
      %swap3A_759 = tpu.vector_load %arg9[%swap3A_758] {strides = array<i32>} : memref<8192xf32, #tpu.memory_space<vmem>>, vector<16xf32>,
      %swap3A_760 = vector.shape_cast %swap3A_759 : vector<16xf32> to vector<16xf32>
      %swap3A_761 = vector.shape_cast %broadcast_in_dim3A_757 : vector<16xf32> to vector<16xf32>
      tpu.vector_store %arg9[%swap3A_758], %swap3A_761 {strides = array<i32>} : memref<8192xf32, #tpu.memory_space<vmem>>, vector<16xf32>,
      %broadcast_in_dim3A_762 = arith.constant 0.000000e+00 : f32
      %broadcast_in_dim3A_763 = vector.broadcast %broadcast_in_dim3A_762 : f32 to vector<16xf32>
      %swap3A_764 = arith.constant 1760 : index
      %swap3A_765 = tpu.vector_load %arg9[%swap3A_764] {strides = array<i32>} : memref<8192xf32, #tpu.memory_space<vmem>>, vector<16xf32>,
      %swap3A_766 = vector.shape_cast %swap3A_765 : vector<16xf32> to vector<16xf32>
      %swap3A_767 = vector.shape_cast %broadcast_in_dim3A_763 : vector<16xf32> to vector<16xf32>
      tpu.vector_store %arg9[%swap3A_764], %swap3A_767 {strides = array<i32>} : memref<8192xf32, #tpu.memory_space<vmem>>, vector<16xf32>,
      %broadcast_in_dim3A_768 = arith.constant 0.000000e+00 : f32
      %broadcast_in_dim3A_769 = vector.broadcast %broadcast_in_dim3A_768 : f32 to vector<16xf32>
      %swap3A_770 = arith.constant 1776 : index
      %swap3A_771 = tpu.vector_load %arg9[%swap3A_770] {strides = array<i32>} : memref<8192xf32, #tpu.memory_space<vmem>>, vector<16xf32>,
      %swap3A_772 = vector.shape_cast %swap3A_771 : vector<16xf32> to vector<16xf32>
      %swap3A_773 = vector.shape_cast %broadcast_in_dim3A_769 : vector<16xf32> to vector<16xf32>
      tpu.vector_store %arg9[%swap3A_770], %swap3A_773 {strides = array<i32>} : memref<8192xf32, #tpu.memory_space<vmem>>, vector<16xf32>,
      %broadcast_in_dim3A_774 = arith.constant 0.000000e+00 : f32
      %broadcast_in_dim3A_775 = vector.broadcast %broadcast_in_dim3A_774 : f32 to vector<16xf32>
      %swap3A_776 = arith.constant 1792 : index
      %swap3A_777 = tpu.vector_load %arg9[%swap3A_776] {strides = array<i32>} : memref<8192xf32, #tpu.memory_space<vmem>>, vector<16xf32>,
      %swap3A_778 = vector.shape_cast %swap3A_777 : vector<16xf32> to vector<16xf32>
      %swap3A_779 = vector.shape_cast %broadcast_in_dim3A_775 : vector<16xf32> to vector<16xf32>
      tpu.vector_store %arg9[%swap3A_776], %swap3A_779 {strides = array<i32>} : memref<8192xf32, #tpu.memory_space<vmem>>, vector<16xf32>,
      %broadcast_in_dim3A_780 = arith.constant 0.000000e+00 : f32
      %broadcast_in_dim3A_781 = vector.broadcast %broadcast_in_dim3A_780 : f32 to vector<16xf32>
      %swap3A_782 = arith.constant 1808 : index
      %swap3A_783 = tpu.vector_load %arg9[%swap3A_782] {strides = array<i32>} : memref<8192xf32, #tpu.memory_space<vmem>>, vector<16xf32>,
      %swap3A_784 = vector.shape_cast %swap3A_783 : vector<16xf32> to vector<16xf32>
      %swap3A_785 = vector.shape_cast %broadcast_in_dim3A_781 : vector<16xf32> to vector<16xf32>
      tpu.vector_store %arg9[%swap3A_782], %swap3A_785 {strides = array<i32>} : memref<8192xf32, #tpu.memory_space<vmem>>, vector<16xf32>,
      %broadcast_in_dim3A_786 = arith.constant 0.000000e+00 : f32
      %broadcast_in_dim3A_787 = vector.broadcast %broadcast_in_dim3A_786 : f32 to vector<16xf32>
      %swap3A_788 = arith.constant 1824 : index
      %swap3A_789 = tpu.vector_load %arg9[%swap3A_788] {strides = array<i32>} : memref<8192xf32, #tpu.memory_space<vmem>>, vector<16xf32>,
      %swap3A_790 = vector.shape_cast %swap3A_789 : vector<16xf32> to vector<16xf32>
      %swap3A_791 = vector.shape_cast %broadcast_in_dim3A_787 : vector<16xf32> to vector<16xf32>
      tpu.vector_store %arg9[%swap3A_788], %swap3A_791 {strides = array<i32>} : memref<8192xf32, #tpu.memory_space<vmem>>, vector<16xf32>,
      %broadcast_in_dim3A_792 = arith.constant 0.000000e+00 : f32
      %broadcast_in_dim3A_793 = vector.broadcast %broadcast_in_dim3A_792 : f32 to vector<16xf32>
      %swap3A_794 = arith.constant 1840 : index
      %swap3A_795 = tpu.vector_load %arg9[%swap3A_794] {strides = array<i32>} : memref<8192xf32, #tpu.memory_space<vmem>>, vector<16xf32>,
      %swap3A_796 = vector.shape_cast %swap3A_795 : vector<16xf32> to vector<16xf32>
      %swap3A_797 = vector.shape_cast %broadcast_in_dim3A_793 : vector<16xf32> to vector<16xf32>
      tpu.vector_store %arg9[%swap3A_794], %swap3A_797 {strides = array<i32>} : memref<8192xf32, #tpu.memory_space<vmem>>, vector<16xf32>,
      %broadcast_in_dim3A_798 = arith.constant 0.000000e+00 : f32
      %broadcast_in_dim3A_799 = vector.broadcast %broadcast_in_dim3A_798 : f32 to vector<16xf32>
      %swap3A_800 = arith.constant 1856 : index
      %swap3A_801 = tpu.vector_load %arg9[%swap3A_800] {strides = array<i32>} : memref<8192xf32, #tpu.memory_space<vmem>>, vector<16xf32>,
      %swap3A_802 = vector.shape_cast %swap3A_801 : vector<16xf32> to vector<16xf32>
      %swap3A_803 = vector.shape_cast %broadcast_in_dim3A_799 : vector<16xf32> to vector<16xf32>
      tpu.vector_store %arg9[%swap3A_800], %swap3A_803 {strides = array<i32>} : memref<8192xf32, #tpu.memory_space<vmem>>, vector<16xf32>,
      %broadcast_in_dim3A_804 = arith.constant 0.000000e+00 : f32
      %broadcast_in_dim3A_805 = vector.broadcast %broadcast_in_dim3A_804 : f32 to vector<16xf32>
      %swap3A_806 = arith.constant 1872 : index
      %swap3A_807 = tpu.vector_load %arg9[%swap3A_806] {strides = array<i32>} : memref<8192xf32, #tpu.memory_space<vmem>>, vector<16xf32>,
      %swap3A_808 = vector.shape_cast %swap3A_807 : vector<16xf32> to vector<16xf32>
      %swap3A_809 = vector.shape_cast %broadcast_in_dim3A_805 : vector<16xf32> to vector<16xf32>
      tpu.vector_store %arg9[%swap3A_806], %swap3A_809 {strides = array<i32>} : memref<8192xf32, #tpu.memory_space<vmem>>, vector<16xf32>,
      %broadcast_in_dim3A_810 = arith.constant 0.000000e+00 : f32
      %broadcast_in_dim3A_811 = vector.broadcast %broadcast_in_dim3A_810 : f32 to vector<16xf32>
      %swap3A_812 = arith.constant 1888 : index
      %swap3A_813 = tpu.vector_load %arg9[%swap3A_812] {strides = array<i32>} : memref<8192xf32, #tpu.memory_space<vmem>>, vector<16xf32>,
      %swap3A_814 = vector.shape_cast %swap3A_813 : vector<16xf32> to vector<16xf32>
      %swap3A_815 = vector.shape_cast %broadcast_in_dim3A_811 : vector<16xf32> to vector<16xf32>
      tpu.vector_store %arg9[%swap3A_812], %swap3A_815 {strides = array<i32>} : memref<8192xf32, #tpu.memory_space<vmem>>, vector<16xf32>,
      %broadcast_in_dim3A_816 = arith.constant 0.000000e+00 : f32
      %broadcast_in_dim3A_817 = vector.broadcast %broadcast_in_dim3A_816 : f32 to vector<16xf32>
      %swap3A_818 = arith.constant 1904 : index
      %swap3A_819 = tpu.vector_load %arg9[%swap3A_818] {strides = array<i32>} : memref<8192xf32, #tpu.memory_space<vmem>>, vector<16xf32>,
      %swap3A_820 = vector.shape_cast %swap3A_819 : vector<16xf32> to vector<16xf32>
      %swap3A_821 = vector.shape_cast %broadcast_in_dim3A_817 : vector<16xf32> to vector<16xf32>
      tpu.vector_store %arg9[%swap3A_818], %swap3A_821 {strides = array<i32>} : memref<8192xf32, #tpu.memory_space<vmem>>, vector<16xf32>,
      %broadcast_in_dim3A_822 = arith.constant 0.000000e+00 : f32
      %broadcast_in_dim3A_823 = vector.broadcast %broadcast_in_dim3A_822 : f32 to vector<16xf32>
      %swap3A_824 = arith.constant 1920 : index
      %swap3A_825 = tpu.vector_load %arg9[%swap3A_824] {strides = array<i32>} : memref<8192xf32, #tpu.memory_space<vmem>>, vector<16xf32>,
      %swap3A_826 = vector.shape_cast %swap3A_825 : vector<16xf32> to vector<16xf32>
      %swap3A_827 = vector.shape_cast %broadcast_in_dim3A_823 : vector<16xf32> to vector<16xf32>
      tpu.vector_store %arg9[%swap3A_824], %swap3A_827 {strides = array<i32>} : memref<8192xf32, #tpu.memory_space<vmem>>, vector<16xf32>,
      %broadcast_in_dim3A_828 = arith.constant 0.000000e+00 : f32
      %broadcast_in_dim3A_829 = vector.broadcast %broadcast_in_dim3A_828 : f32 to vector<16xf32>
      %swap3A_830 = arith.constant 1936 : index
      %swap3A_831 = tpu.vector_load %arg9[%swap3A_830] {strides = array<i32>} : memref<8192xf32, #tpu.memory_space<vmem>>, vector<16xf32>,
      %swap3A_832 = vector.shape_cast %swap3A_831 : vector<16xf32> to vector<16xf32>
      %swap3A_833 = vector.shape_cast %broadcast_in_dim3A_829 : vector<16xf32> to vector<16xf32>
      tpu.vector_store %arg9[%swap3A_830], %swap3A_833 {strides = array<i32>} : memref<8192xf32, #tpu.memory_space<vmem>>, vector<16xf32>,
      %broadcast_in_dim3A_834 = arith.constant 0.000000e+00 : f32
      %broadcast_in_dim3A_835 = vector.broadcast %broadcast_in_dim3A_834 : f32 to vector<16xf32>
      %swap3A_836 = arith.constant 1952 : index
      %swap3A_837 = tpu.vector_load %arg9[%swap3A_836] {strides = array<i32>} : memref<8192xf32, #tpu.memory_space<vmem>>, vector<16xf32>,
      %swap3A_838 = vector.shape_cast %swap3A_837 : vector<16xf32> to vector<16xf32>
      %swap3A_839 = vector.shape_cast %broadcast_in_dim3A_835 : vector<16xf32> to vector<16xf32>
      tpu.vector_store %arg9[%swap3A_836], %swap3A_839 {strides = array<i32>} : memref<8192xf32, #tpu.memory_space<vmem>>, vector<16xf32>,
      %broadcast_in_dim3A_840 = arith.constant 0.000000e+00 : f32
      %broadcast_in_dim3A_841 = vector.broadcast %broadcast_in_dim3A_840 : f32 to vector<16xf32>
      %swap3A_842 = arith.constant 1968 : index
      %swap3A_843 = tpu.vector_load %arg9[%swap3A_842] {strides = array<i32>} : memref<8192xf32, #tpu.memory_space<vmem>>, vector<16xf32>,
      %swap3A_844 = vector.shape_cast %swap3A_843 : vector<16xf32> to vector<16xf32>
      %swap3A_845 = vector.shape_cast %broadcast_in_dim3A_841 : vector<16xf32> to vector<16xf32>
      tpu.vector_store %arg9[%swap3A_842], %swap3A_845 {strides = array<i32>} : memref<8192xf32, #tpu.memory_space<vmem>>, vector<16xf32>,
      %broadcast_in_dim3A_846 = arith.constant 0.000000e+00 : f32
      %broadcast_in_dim3A_847 = vector.broadcast %broadcast_in_dim3A_846 : f32 to vector<16xf32>
      %swap3A_848 = arith.constant 1984 : index
      %swap3A_849 = tpu.vector_load %arg9[%swap3A_848] {strides = array<i32>} : memref<8192xf32, #tpu.memory_space<vmem>>, vector<16xf32>,
      %swap3A_850 = vector.shape_cast %swap3A_849 : vector<16xf32> to vector<16xf32>
      %swap3A_851 = vector.shape_cast %broadcast_in_dim3A_847 : vector<16xf32> to vector<16xf32>
      tpu.vector_store %arg9[%swap3A_848], %swap3A_851 {strides = array<i32>} : memref<8192xf32, #tpu.memory_space<vmem>>, vector<16xf32>,
      %broadcast_in_dim3A_852 = arith.constant 0.000000e+00 : f32
      %broadcast_in_dim3A_853 = vector.broadcast %broadcast_in_dim3A_852 : f32 to vector<16xf32>
      %swap3A_854 = arith.constant 2000 : index
      %swap3A_855 = tpu.vector_load %arg9[%swap3A_854] {strides = array<i32>} : memref<8192xf32, #tpu.memory_space<vmem>>, vector<16xf32>,
      %swap3A_856 = vector.shape_cast %swap3A_855 : vector<16xf32> to vector<16xf32>
      %swap3A_857 = vector.shape_cast %broadcast_in_dim3A_853 : vector<16xf32> to vector<16xf32>
      tpu.vector_store %arg9[%swap3A_854], %swap3A_857 {strides = array<i32>} : memref<8192xf32, #tpu.memory_space<vmem>>, vector<16xf32>,
      %broadcast_in_dim3A_858 = arith.constant 0.000000e+00 : f32
      %broadcast_in_dim3A_859 = vector.broadcast %broadcast_in_dim3A_858 : f32 to vector<16xf32>
      %swap3A_860 = arith.constant 2016 : index
      %swap3A_861 = tpu.vector_load %arg9[%swap3A_860] {strides = array<i32>} : memref<8192xf32, #tpu.memory_space<vmem>>, vector<16xf32>,
      %swap3A_862 = vector.shape_cast %swap3A_861 : vector<16xf32> to vector<16xf32>
      %swap3A_863 = vector.shape_cast %broadcast_in_dim3A_859 : vector<16xf32> to vector<16xf32>
      tpu.vector_store %arg9[%swap3A_860], %swap3A_863 {strides = array<i32>} : memref<8192xf32, #tpu.memory_space<vmem>>, vector<16xf32>,
      %broadcast_in_dim3A_864 = arith.constant 0.000000e+00 : f32
      %broadcast_in_dim3A_865 = vector.broadcast %broadcast_in_dim3A_864 : f32 to vector<16xf32>
      %swap3A_866 = arith.constant 2032 : index
      %swap3A_867 = tpu.vector_load %arg9[%swap3A_866] {strides = array<i32>} : memref<8192xf32, #tpu.memory_space<vmem>>, vector<16xf32>,
      %swap3A_868 = vector.shape_cast %swap3A_867 : vector<16xf32> to vector<16xf32>
      %swap3A_869 = vector.shape_cast %broadcast_in_dim3A_865 : vector<16xf32> to vector<16xf32>
      tpu.vector_store %arg9[%swap3A_866], %swap3A_869 {strides = array<i32>} : memref<8192xf32, #tpu.memory_space<vmem>>, vector<16xf32>,
      %broadcast_in_dim3A_870 = arith.constant 0.000000e+00 : f32
      %broadcast_in_dim3A_871 = vector.broadcast %broadcast_in_dim3A_870 : f32 to vector<16xf32>
      %swap3A_872 = arith.constant 2048 : index
      %swap3A_873 = tpu.vector_load %arg9[%swap3A_872] {strides = array<i32>} : memref<8192xf32, #tpu.memory_space<vmem>>, vector<16xf32>,
      %swap3A_874 = vector.shape_cast %swap3A_873 : vector<16xf32> to vector<16xf32>
      %swap3A_875 = vector.shape_cast %broadcast_in_dim3A_871 : vector<16xf32> to vector<16xf32>
      tpu.vector_store %arg9[%swap3A_872], %swap3A_875 {strides = array<i32>} : memref<8192xf32, #tpu.memory_space<vmem>>, vector<16xf32>,
      %broadcast_in_dim3A_876 = arith.constant 0.000000e+00 : f32
      %broadcast_in_dim3A_877 = vector.broadcast %broadcast_in_dim3A_876 : f32 to vector<16xf32>
      %swap3A_878 = arith.constant 2064 : index
      %swap3A_879 = tpu.vector_load %arg9[%swap3A_878] {strides = array<i32>} : memref<8192xf32, #tpu.memory_space<vmem>>, vector<16xf32>,
      %swap3A_880 = vector.shape_cast %swap3A_879 : vector<16xf32> to vector<16xf32>
      %swap3A_881 = vector.shape_cast %broadcast_in_dim3A_877 : vector<16xf32> to vector<16xf32>
      tpu.vector_store %arg9[%swap3A_878], %swap3A_881 {strides = array<i32>} : memref<8192xf32, #tpu.memory_space<vmem>>, vector<16xf32>,
      %broadcast_in_dim3A_882 = arith.constant 0.000000e+00 : f32
      %broadcast_in_dim3A_883 = vector.broadcast %broadcast_in_dim3A_882 : f32 to vector<16xf32>
      %swap3A_884 = arith.constant 2080 : index
      %swap3A_885 = tpu.vector_load %arg9[%swap3A_884] {strides = array<i32>} : memref<8192xf32, #tpu.memory_space<vmem>>, vector<16xf32>,
      %swap3A_886 = vector.shape_cast %swap3A_885 : vector<16xf32> to vector<16xf32>
      %swap3A_887 = vector.shape_cast %broadcast_in_dim3A_883 : vector<16xf32> to vector<16xf32>
      tpu.vector_store %arg9[%swap3A_884], %swap3A_887 {strides = array<i32>} : memref<8192xf32, #tpu.memory_space<vmem>>, vector<16xf32>,
      %broadcast_in_dim3A_888 = arith.constant 0.000000e+00 : f32
      %broadcast_in_dim3A_889 = vector.broadcast %broadcast_in_dim3A_888 : f32 to vector<16xf32>
      %swap3A_890 = arith.constant 2096 : index
      %swap3A_891 = tpu.vector_load %arg9[%swap3A_890] {strides = array<i32>} : memref<8192xf32, #tpu.memory_space<vmem>>, vector<16xf32>,
      %swap3A_892 = vector.shape_cast %swap3A_891 : vector<16xf32> to vector<16xf32>
      %swap3A_893 = vector.shape_cast %broadcast_in_dim3A_889 : vector<16xf32> to vector<16xf32>
      tpu.vector_store %arg9[%swap3A_890], %swap3A_893 {strides = array<i32>} : memref<8192xf32, #tpu.memory_space<vmem>>, vector<16xf32>,
      %broadcast_in_dim3A_894 = arith.constant 0.000000e+00 : f32
      %broadcast_in_dim3A_895 = vector.broadcast %broadcast_in_dim3A_894 : f32 to vector<16xf32>
      %swap3A_896 = arith.constant 2112 : index
      %swap3A_897 = tpu.vector_load %arg9[%swap3A_896] {strides = array<i32>} : memref<8192xf32, #tpu.memory_space<vmem>>, vector<16xf32>,
      %swap3A_898 = vector.shape_cast %swap3A_897 : vector<16xf32> to vector<16xf32>
      %swap3A_899 = vector.shape_cast %broadcast_in_dim3A_895 : vector<16xf32> to vector<16xf32>
      tpu.vector_store %arg9[%swap3A_896], %swap3A_899 {strides = array<i32>} : memref<8192xf32, #tpu.memory_space<vmem>>, vector<16xf32>,
      %broadcast_in_dim3A_900 = arith.constant 0.000000e+00 : f32
      %broadcast_in_dim3A_901 = vector.broadcast %broadcast_in_dim3A_900 : f32 to vector<16xf32>
      %swap3A_902 = arith.constant 2128 : index
      %swap3A_903 = tpu.vector_load %arg9[%swap3A_902] {strides = array<i32>} : memref<8192xf32, #tpu.memory_space<vmem>>, vector<16xf32>,
      %swap3A_904 = vector.shape_cast %swap3A_903 : vector<16xf32> to vector<16xf32>
      %swap3A_905 = vector.shape_cast %broadcast_in_dim3A_901 : vector<16xf32> to vector<16xf32>
      tpu.vector_store %arg9[%swap3A_902], %swap3A_905 {strides = array<i32>} : memref<8192xf32, #tpu.memory_space<vmem>>, vector<16xf32>,
      %broadcast_in_dim3A_906 = arith.constant 0.000000e+00 : f32
      %broadcast_in_dim3A_907 = vector.broadcast %broadcast_in_dim3A_906 : f32 to vector<16xf32>
      %swap3A_908 = arith.constant 2144 : index
      %swap3A_909 = tpu.vector_load %arg9[%swap3A_908] {strides = array<i32>} : memref<8192xf32, #tpu.memory_space<vmem>>, vector<16xf32>,
      %swap3A_910 = vector.shape_cast %swap3A_909 : vector<16xf32> to vector<16xf32>
      %swap3A_911 = vector.shape_cast %broadcast_in_dim3A_907 : vector<16xf32> to vector<16xf32>
      tpu.vector_store %arg9[%swap3A_908], %swap3A_911 {strides = array<i32>} : memref<8192xf32, #tpu.memory_space<vmem>>, vector<16xf32>,
      %broadcast_in_dim3A_912 = arith.constant 0.000000e+00 : f32
      %broadcast_in_dim3A_913 = vector.broadcast %broadcast_in_dim3A_912 : f32 to vector<16xf32>
      %swap3A_914 = arith.constant 2160 : index
      %swap3A_915 = tpu.vector_load %arg9[%swap3A_914] {strides = array<i32>} : memref<8192xf32, #tpu.memory_space<vmem>>, vector<16xf32>,
      %swap3A_916 = vector.shape_cast %swap3A_915 : vector<16xf32> to vector<16xf32>
      %swap3A_917 = vector.shape_cast %broadcast_in_dim3A_913 : vector<16xf32> to vector<16xf32>
      tpu.vector_store %arg9[%swap3A_914], %swap3A_917 {strides = array<i32>} : memref<8192xf32, #tpu.memory_space<vmem>>, vector<16xf32>,
      %broadcast_in_dim3A_918 = arith.constant 0.000000e+00 : f32
      %broadcast_in_dim3A_919 = vector.broadcast %broadcast_in_dim3A_918 : f32 to vector<16xf32>
      %swap3A_920 = arith.constant 2176 : index
      %swap3A_921 = tpu.vector_load %arg9[%swap3A_920] {strides = array<i32>} : memref<8192xf32, #tpu.memory_space<vmem>>, vector<16xf32>,
      %swap3A_922 = vector.shape_cast %swap3A_921 : vector<16xf32> to vector<16xf32>
      %swap3A_923 = vector.shape_cast %broadcast_in_dim3A_919 : vector<16xf32> to vector<16xf32>
      tpu.vector_store %arg9[%swap3A_920], %swap3A_923 {strides = array<i32>} : memref<8192xf32, #tpu.memory_space<vmem>>, vector<16xf32>,
      %broadcast_in_dim3A_924 = arith.constant 0.000000e+00 : f32
      %broadcast_in_dim3A_925 = vector.broadcast %broadcast_in_dim3A_924 : f32 to vector<16xf32>
      %swap3A_926 = arith.constant 2192 : index
      %swap3A_927 = tpu.vector_load %arg9[%swap3A_926] {strides = array<i32>} : memref<8192xf32, #tpu.memory_space<vmem>>, vector<16xf32>,
      %swap3A_928 = vector.shape_cast %swap3A_927 : vector<16xf32> to vector<16xf32>
      %swap3A_929 = vector.shape_cast %broadcast_in_dim3A_925 : vector<16xf32> to vector<16xf32>
      tpu.vector_store %arg9[%swap3A_926], %swap3A_929 {strides = array<i32>} : memref<8192xf32, #tpu.memory_space<vmem>>, vector<16xf32>,
      %broadcast_in_dim3A_930 = arith.constant 0.000000e+00 : f32
      %broadcast_in_dim3A_931 = vector.broadcast %broadcast_in_dim3A_930 : f32 to vector<16xf32>
      %swap3A_932 = arith.constant 2208 : index
      %swap3A_933 = tpu.vector_load %arg9[%swap3A_932] {strides = array<i32>} : memref<8192xf32, #tpu.memory_space<vmem>>, vector<16xf32>,
      %swap3A_934 = vector.shape_cast %swap3A_933 : vector<16xf32> to vector<16xf32>
      %swap3A_935 = vector.shape_cast %broadcast_in_dim3A_931 : vector<16xf32> to vector<16xf32>
      tpu.vector_store %arg9[%swap3A_932], %swap3A_935 {strides = array<i32>} : memref<8192xf32, #tpu.memory_space<vmem>>, vector<16xf32>,
      %broadcast_in_dim3A_936 = arith.constant 0.000000e+00 : f32
      %broadcast_in_dim3A_937 = vector.broadcast %broadcast_in_dim3A_936 : f32 to vector<16xf32>
      %swap3A_938 = arith.constant 2224 : index
      %swap3A_939 = tpu.vector_load %arg9[%swap3A_938] {strides = array<i32>} : memref<8192xf32, #tpu.memory_space<vmem>>, vector<16xf32>,
      %swap3A_940 = vector.shape_cast %swap3A_939 : vector<16xf32> to vector<16xf32>
      %swap3A_941 = vector.shape_cast %broadcast_in_dim3A_937 : vector<16xf32> to vector<16xf32>
      tpu.vector_store %arg9[%swap3A_938], %swap3A_941 {strides = array<i32>} : memref<8192xf32, #tpu.memory_space<vmem>>, vector<16xf32>,
      %broadcast_in_dim3A_942 = arith.constant 0.000000e+00 : f32
      %broadcast_in_dim3A_943 = vector.broadcast %broadcast_in_dim3A_942 : f32 to vector<16xf32>
      %swap3A_944 = arith.constant 2240 : index
      %swap3A_945 = tpu.vector_load %arg9[%swap3A_944] {strides = array<i32>} : memref<8192xf32, #tpu.memory_space<vmem>>, vector<16xf32>,
      %swap3A_946 = vector.shape_cast %swap3A_945 : vector<16xf32> to vector<16xf32>
      %swap3A_947 = vector.shape_cast %broadcast_in_dim3A_943 : vector<16xf32> to vector<16xf32>
      tpu.vector_store %arg9[%swap3A_944], %swap3A_947 {strides = array<i32>} : memref<8192xf32, #tpu.memory_space<vmem>>, vector<16xf32>,
      %broadcast_in_dim3A_948 = arith.constant 0.000000e+00 : f32
      %broadcast_in_dim3A_949 = vector.broadcast %broadcast_in_dim3A_948 : f32 to vector<16xf32>
      %swap3A_950 = arith.constant 2256 : index
      %swap3A_951 = tpu.vector_load %arg9[%swap3A_950] {strides = array<i32>} : memref<8192xf32, #tpu.memory_space<vmem>>, vector<16xf32>,
      %swap3A_952 = vector.shape_cast %swap3A_951 : vector<16xf32> to vector<16xf32>
      %swap3A_953 = vector.shape_cast %broadcast_in_dim3A_949 : vector<16xf32> to vector<16xf32>
      tpu.vector_store %arg9[%swap3A_950], %swap3A_953 {strides = array<i32>} : memref<8192xf32, #tpu.memory_space<vmem>>, vector<16xf32>,
      %broadcast_in_dim3A_954 = arith.constant 0.000000e+00 : f32
      %broadcast_in_dim3A_955 = vector.broadcast %broadcast_in_dim3A_954 : f32 to vector<16xf32>
      %swap3A_956 = arith.constant 2272 : index
      %swap3A_957 = tpu.vector_load %arg9[%swap3A_956] {strides = array<i32>} : memref<8192xf32, #tpu.memory_space<vmem>>, vector<16xf32>,
      %swap3A_958 = vector.shape_cast %swap3A_957 : vector<16xf32> to vector<16xf32>
      %swap3A_959 = vector.shape_cast %broadcast_in_dim3A_955 : vector<16xf32> to vector<16xf32>
      tpu.vector_store %arg9[%swap3A_956], %swap3A_959 {strides = array<i32>} : memref<8192xf32, #tpu.memory_space<vmem>>, vector<16xf32>,
      %broadcast_in_dim3A_960 = arith.constant 0.000000e+00 : f32
      %broadcast_in_dim3A_961 = vector.broadcast %broadcast_in_dim3A_960 : f32 to vector<16xf32>
      %swap3A_962 = arith.constant 2288 : index
      %swap3A_963 = tpu.vector_load %arg9[%swap3A_962] {strides = array<i32>} : memref<8192xf32, #tpu.memory_space<vmem>>, vector<16xf32>,
      %swap3A_964 = vector.shape_cast %swap3A_963 : vector<16xf32> to vector<16xf32>
      %swap3A_965 = vector.shape_cast %broadcast_in_dim3A_961 : vector<16xf32> to vector<16xf32>
      tpu.vector_store %arg9[%swap3A_962], %swap3A_965 {strides = array<i32>} : memref<8192xf32, #tpu.memory_space<vmem>>, vector<16xf32>,
      %broadcast_in_dim3A_966 = arith.constant 0.000000e+00 : f32
      %broadcast_in_dim3A_967 = vector.broadcast %broadcast_in_dim3A_966 : f32 to vector<16xf32>
      %swap3A_968 = arith.constant 2304 : index
      %swap3A_969 = tpu.vector_load %arg9[%swap3A_968] {strides = array<i32>} : memref<8192xf32, #tpu.memory_space<vmem>>, vector<16xf32>,
      %swap3A_970 = vector.shape_cast %swap3A_969 : vector<16xf32> to vector<16xf32>
      %swap3A_971 = vector.shape_cast %broadcast_in_dim3A_967 : vector<16xf32> to vector<16xf32>
      tpu.vector_store %arg9[%swap3A_968], %swap3A_971 {strides = array<i32>} : memref<8192xf32, #tpu.memory_space<vmem>>, vector<16xf32>,
      %broadcast_in_dim3A_972 = arith.constant 0.000000e+00 : f32
      %broadcast_in_dim3A_973 = vector.broadcast %broadcast_in_dim3A_972 : f32 to vector<16xf32>
      %swap3A_974 = arith.constant 2320 : index
      %swap3A_975 = tpu.vector_load %arg9[%swap3A_974] {strides = array<i32>} : memref<8192xf32, #tpu.memory_space<vmem>>, vector<16xf32>,
      %swap3A_976 = vector.shape_cast %swap3A_975 : vector<16xf32> to vector<16xf32>
      %swap3A_977 = vector.shape_cast %broadcast_in_dim3A_973 : vector<16xf32> to vector<16xf32>
      tpu.vector_store %arg9[%swap3A_974], %swap3A_977 {strides = array<i32>} : memref<8192xf32, #tpu.memory_space<vmem>>, vector<16xf32>,
      %broadcast_in_dim3A_978 = arith.constant 0.000000e+00 : f32
      %broadcast_in_dim3A_979 = vector.broadcast %broadcast_in_dim3A_978 : f32 to vector<16xf32>
      %swap3A_980 = arith.constant 2336 : index
      %swap3A_981 = tpu.vector_load %arg9[%swap3A_980] {strides = array<i32>} : memref<8192xf32, #tpu.memory_space<vmem>>, vector<16xf32>,
      %swap3A_982 = vector.shape_cast %swap3A_981 : vector<16xf32> to vector<16xf32>
      %swap3A_983 = vector.shape_cast %broadcast_in_dim3A_979 : vector<16xf32> to vector<16xf32>
      tpu.vector_store %arg9[%swap3A_980], %swap3A_983 {strides = array<i32>} : memref<8192xf32, #tpu.memory_space<vmem>>, vector<16xf32>,
      %broadcast_in_dim3A_984 = arith.constant 0.000000e+00 : f32
      %broadcast_in_dim3A_985 = vector.broadcast %broadcast_in_dim3A_984 : f32 to vector<16xf32>
      %swap3A_986 = arith.constant 2352 : index
      %swap3A_987 = tpu.vector_load %arg9[%swap3A_986] {strides = array<i32>} : memref<8192xf32, #tpu.memory_space<vmem>>, vector<16xf32>,
      %swap3A_988 = vector.shape_cast %swap3A_987 : vector<16xf32> to vector<16xf32>
      %swap3A_989 = vector.shape_cast %broadcast_in_dim3A_985 : vector<16xf32> to vector<16xf32>
      tpu.vector_store %arg9[%swap3A_986], %swap3A_989 {strides = array<i32>} : memref<8192xf32, #tpu.memory_space<vmem>>, vector<16xf32>,
      %broadcast_in_dim3A_990 = arith.constant 0.000000e+00 : f32
      %broadcast_in_dim3A_991 = vector.broadcast %broadcast_in_dim3A_990 : f32 to vector<16xf32>
      %swap3A_992 = arith.constant 2368 : index
      %swap3A_993 = tpu.vector_load %arg9[%swap3A_992] {strides = array<i32>} : memref<8192xf32, #tpu.memory_space<vmem>>, vector<16xf32>,
      %swap3A_994 = vector.shape_cast %swap3A_993 : vector<16xf32> to vector<16xf32>
      %swap3A_995 = vector.shape_cast %broadcast_in_dim3A_991 : vector<16xf32> to vector<16xf32>
      tpu.vector_store %arg9[%swap3A_992], %swap3A_995 {strides = array<i32>} : memref<8192xf32, #tpu.memory_space<vmem>>, vector<16xf32>,
      %broadcast_in_dim3A_996 = arith.constant 0.000000e+00 : f32
      %broadcast_in_dim3A_997 = vector.broadcast %broadcast_in_dim3A_996 : f32 to vector<16xf32>
      %swap3A_998 = arith.constant 2384 : index
      %swap3A_999 = tpu.vector_load %arg9[%swap3A_998] {strides = array<i32>} : memref<8192xf32, #tpu.memory_space<vmem>>, vector<16xf32>,
      %swap3A_1000 = vector.shape_cast %swap3A_999 : vector<16xf32> to vector<16xf32>
      %swap3A_1001 = vector.shape_cast %broadcast_in_dim3A_997 : vector<16xf32> to vector<16xf32>
      tpu.vector_store %arg9[%swap3A_998], %swap3A_1001 {strides = array<i32>} : memref<8192xf32, #tpu.memory_space<vmem>>, vector<16xf32>,
      %broadcast_in_dim3A_1002 = arith.constant 0.000000e+00 : f32
      %broadcast_in_dim3A_1003 = vector.broadcast %broadcast_in_dim3A_1002 : f32 to vector<16xf32>
      %swap3A_1004 = arith.constant 2400 : index
      %swap3A_1005 = tpu.vector_load %arg9[%swap3A_1004] {strides = array<i32>} : memref<8192xf32, #tpu.memory_space<vmem>>, vector<16xf32>,
      %swap3A_1006 = vector.shape_cast %swap3A_1005 : vector<16xf32> to vector<16xf32>
      %swap3A_1007 = vector.shape_cast %broadcast_in_dim3A_1003 : vector<16xf32> to vector<16xf32>
      tpu.vector_store %arg9[%swap3A_1004], %swap3A_1007 {strides = array<i32>} : memref<8192xf32, #tpu.memory_space<vmem>>, vector<16xf32>,
      %broadcast_in_dim3A_1008 = arith.constant 0.000000e+00 : f32
      %broadcast_in_dim3A_1009 = vector.broadcast %broadcast_in_dim3A_1008 : f32 to vector<16xf32>
      %swap3A_1010 = arith.constant 2416 : index
      %swap3A_1011 = tpu.vector_load %arg9[%swap3A_1010] {strides = array<i32>} : memref<8192xf32, #tpu.memory_space<vmem>>, vector<16xf32>,
      %swap3A_1012 = vector.shape_cast %swap3A_1011 : vector<16xf32> to vector<16xf32>
      %swap3A_1013 = vector.shape_cast %broadcast_in_dim3A_1009 : vector<16xf32> to vector<16xf32>
      tpu.vector_store %arg9[%swap3A_1010], %swap3A_1013 {strides = array<i32>} : memref<8192xf32, #tpu.memory_space<vmem>>, vector<16xf32>,
      %broadcast_in_dim3A_1014 = arith.constant 0.000000e+00 : f32
      %broadcast_in_dim3A_1015 = vector.broadcast %broadcast_in_dim3A_1014 : f32 to vector<16xf32>
      %swap3A_1016 = arith.constant 2432 : index
      %swap3A_1017 = tpu.vector_load %arg9[%swap3A_1016] {strides = array<i32>} : memref<8192xf32, #tpu.memory_space<vmem>>, vector<16xf32>,
      %swap3A_1018 = vector.shape_cast %swap3A_1017 : vector<16xf32> to vector<16xf32>
      %swap3A_1019 = vector.shape_cast %broadcast_in_dim3A_1015 : vector<16xf32> to vector<16xf32>
      tpu.vector_store %arg9[%swap3A_1016], %swap3A_1019 {strides = array<i32>} : memref<8192xf32, #tpu.memory_space<vmem>>, vector<16xf32>,
      %broadcast_in_dim3A_1020 = arith.constant 0.000000e+00 : f32
      %broadcast_in_dim3A_1021 = vector.broadcast %broadcast_in_dim3A_1020 : f32 to vector<16xf32>
      %swap3A_1022 = arith.constant 2448 : index
      %swap3A_1023 = tpu.vector_load %arg9[%swap3A_1022] {strides = array<i32>} : memref<8192xf32, #tpu.memory_space<vmem>>, vector<16xf32>,
      %swap3A_1024 = vector.shape_cast %swap3A_1023 : vector<16xf32> to vector<16xf32>
      %swap3A_1025 = vector.shape_cast %broadcast_in_dim3A_1021 : vector<16xf32> to vector<16xf32>
      tpu.vector_store %arg9[%swap3A_1022], %swap3A_1025 {strides = array<i32>} : memref<8192xf32, #tpu.memory_space<vmem>>, vector<16xf32>,
      %broadcast_in_dim3A_1026 = arith.constant 0.000000e+00 : f32
      %broadcast_in_dim3A_1027 = vector.broadcast %broadcast_in_dim3A_1026 : f32 to vector<16xf32>
      %swap3A_1028 = arith.constant 2464 : index
      %swap3A_1029 = tpu.vector_load %arg9[%swap3A_1028] {strides = array<i32>} : memref<8192xf32, #tpu.memory_space<vmem>>, vector<16xf32>,
      %swap3A_1030 = vector.shape_cast %swap3A_1029 : vector<16xf32> to vector<16xf32>
      %swap3A_1031 = vector.shape_cast %broadcast_in_dim3A_1027 : vector<16xf32> to vector<16xf32>
      tpu.vector_store %arg9[%swap3A_1028], %swap3A_1031 {strides = array<i32>} : memref<8192xf32, #tpu.memory_space<vmem>>, vector<16xf32>,
      %broadcast_in_dim3A_1032 = arith.constant 0.000000e+00 : f32
      %broadcast_in_dim3A_1033 = vector.broadcast %broadcast_in_dim3A_1032 : f32 to vector<16xf32>
      %swap3A_1034 = arith.constant 2480 : index
      %swap3A_1035 = tpu.vector_load %arg9[%swap3A_1034] {strides = array<i32>} : memref<8192xf32, #tpu.memory_space<vmem>>, vector<16xf32>,
      %swap3A_1036 = vector.shape_cast %swap3A_1035 : vector<16xf32> to vector<16xf32>
      %swap3A_1037 = vector.shape_cast %broadcast_in_dim3A_1033 : vector<16xf32> to vector<16xf32>
      tpu.vector_store %arg9[%swap3A_1034], %swap3A_1037 {strides = array<i32>} : memref<8192xf32, #tpu.memory_space<vmem>>, vector<16xf32>,
      %broadcast_in_dim3A_1038 = arith.constant 0.000000e+00 : f32
      %broadcast_in_dim3A_1039 = vector.broadcast %broadcast_in_dim3A_1038 : f32 to vector<16xf32>
      %swap3A_1040 = arith.constant 2496 : index
      %swap3A_1041 = tpu.vector_load %arg9[%swap3A_1040] {strides = array<i32>} : memref<8192xf32, #tpu.memory_space<vmem>>, vector<16xf32>,
      %swap3A_1042 = vector.shape_cast %swap3A_1041 : vector<16xf32> to vector<16xf32>
      %swap3A_1043 = vector.shape_cast %broadcast_in_dim3A_1039 : vector<16xf32> to vector<16xf32>
      tpu.vector_store %arg9[%swap3A_1040], %swap3A_1043 {strides = array<i32>} : memref<8192xf32, #tpu.memory_space<vmem>>, vector<16xf32>,
      %broadcast_in_dim3A_1044 = arith.constant 0.000000e+00 : f32
      %broadcast_in_dim3A_1045 = vector.broadcast %broadcast_in_dim3A_1044 : f32 to vector<16xf32>
      %swap3A_1046 = arith.constant 2512 : index
      %swap3A_1047 = tpu.vector_load %arg9[%swap3A_1046] {strides = array<i32>} : memref<8192xf32, #tpu.memory_space<vmem>>, vector<16xf32>,
      %swap3A_1048 = vector.shape_cast %swap3A_1047 : vector<16xf32> to vector<16xf32>
      %swap3A_1049 = vector.shape_cast %broadcast_in_dim3A_1045 : vector<16xf32> to vector<16xf32>
      tpu.vector_store %arg9[%swap3A_1046], %swap3A_1049 {strides = array<i32>} : memref<8192xf32, #tpu.memory_space<vmem>>, vector<16xf32>,
      %broadcast_in_dim3A_1050 = arith.constant 0.000000e+00 : f32
      %broadcast_in_dim3A_1051 = vector.broadcast %broadcast_in_dim3A_1050 : f32 to vector<16xf32>
      %swap3A_1052 = arith.constant 2528 : index
      %swap3A_1053 = tpu.vector_load %arg9[%swap3A_1052] {strides = array<i32>} : memref<8192xf32, #tpu.memory_space<vmem>>, vector<16xf32>,
      %swap3A_1054 = vector.shape_cast %swap3A_1053 : vector<16xf32> to vector<16xf32>
      %swap3A_1055 = vector.shape_cast %broadcast_in_dim3A_1051 : vector<16xf32> to vector<16xf32>
      tpu.vector_store %arg9[%swap3A_1052], %swap3A_1055 {strides = array<i32>} : memref<8192xf32, #tpu.memory_space<vmem>>, vector<16xf32>,
      %broadcast_in_dim3A_1056 = arith.constant 0.000000e+00 : f32
      %broadcast_in_dim3A_1057 = vector.broadcast %broadcast_in_dim3A_1056 : f32 to vector<16xf32>
      %swap3A_1058 = arith.constant 2544 : index
      %swap3A_1059 = tpu.vector_load %arg9[%swap3A_1058] {strides = array<i32>} : memref<8192xf32, #tpu.memory_space<vmem>>, vector<16xf32>,
      %swap3A_1060 = vector.shape_cast %swap3A_1059 : vector<16xf32> to vector<16xf32>
      %swap3A_1061 = vector.shape_cast %broadcast_in_dim3A_1057 : vector<16xf32> to vector<16xf32>
      tpu.vector_store %arg9[%swap3A_1058], %swap3A_1061 {strides = array<i32>} : memref<8192xf32, #tpu.memory_space<vmem>>, vector<16xf32>,
      %broadcast_in_dim3A_1062 = arith.constant 0.000000e+00 : f32
      %broadcast_in_dim3A_1063 = vector.broadcast %broadcast_in_dim3A_1062 : f32 to vector<16xf32>
      %swap3A_1064 = arith.constant 2560 : index
      %swap3A_1065 = tpu.vector_load %arg9[%swap3A_1064] {strides = array<i32>} : memref<8192xf32, #tpu.memory_space<vmem>>, vector<16xf32>,
      %swap3A_1066 = vector.shape_cast %swap3A_1065 : vector<16xf32> to vector<16xf32>
      %swap3A_1067 = vector.shape_cast %broadcast_in_dim3A_1063 : vector<16xf32> to vector<16xf32>
      tpu.vector_store %arg9[%swap3A_1064], %swap3A_1067 {strides = array<i32>} : memref<8192xf32, #tpu.memory_space<vmem>>, vector<16xf32>,
      %broadcast_in_dim3A_1068 = arith.constant 0.000000e+00 : f32
      %broadcast_in_dim3A_1069 = vector.broadcast %broadcast_in_dim3A_1068 : f32 to vector<16xf32>
      %swap3A_1070 = arith.constant 2576 : index
      %swap3A_1071 = tpu.vector_load %arg9[%swap3A_1070] {strides = array<i32>} : memref<8192xf32, #tpu.memory_space<vmem>>, vector<16xf32>,
      %swap3A_1072 = vector.shape_cast %swap3A_1071 : vector<16xf32> to vector<16xf32>
      %swap3A_1073 = vector.shape_cast %broadcast_in_dim3A_1069 : vector<16xf32> to vector<16xf32>
      tpu.vector_store %arg9[%swap3A_1070], %swap3A_1073 {strides = array<i32>} : memref<8192xf32, #tpu.memory_space<vmem>>, vector<16xf32>,
      %broadcast_in_dim3A_1074 = arith.constant 0.000000e+00 : f32
      %broadcast_in_dim3A_1075 = vector.broadcast %broadcast_in_dim3A_1074 : f32 to vector<16xf32>
      %swap3A_1076 = arith.constant 2592 : index
      %swap3A_1077 = tpu.vector_load %arg9[%swap3A_1076] {strides = array<i32>} : memref<8192xf32, #tpu.memory_space<vmem>>, vector<16xf32>,
      %swap3A_1078 = vector.shape_cast %swap3A_1077 : vector<16xf32> to vector<16xf32>
      %swap3A_1079 = vector.shape_cast %broadcast_in_dim3A_1075 : vector<16xf32> to vector<16xf32>
      tpu.vector_store %arg9[%swap3A_1076], %swap3A_1079 {strides = array<i32>} : memref<8192xf32, #tpu.memory_space<vmem>>, vector<16xf32>,
      %broadcast_in_dim3A_1080 = arith.constant 0.000000e+00 : f32
      %broadcast_in_dim3A_1081 = vector.broadcast %broadcast_in_dim3A_1080 : f32 to vector<16xf32>
      %swap3A_1082 = arith.constant 2608 : index
      %swap3A_1083 = tpu.vector_load %arg9[%swap3A_1082] {strides = array<i32>} : memref<8192xf32, #tpu.memory_space<vmem>>, vector<16xf32>,
      %swap3A_1084 = vector.shape_cast %swap3A_1083 : vector<16xf32> to vector<16xf32>
      %swap3A_1085 = vector.shape_cast %broadcast_in_dim3A_1081 : vector<16xf32> to vector<16xf32>
      tpu.vector_store %arg9[%swap3A_1082], %swap3A_1085 {strides = array<i32>} : memref<8192xf32, #tpu.memory_space<vmem>>, vector<16xf32>,
      %broadcast_in_dim3A_1086 = arith.constant 0.000000e+00 : f32
      %broadcast_in_dim3A_1087 = vector.broadcast %broadcast_in_dim3A_1086 : f32 to vector<16xf32>
      %swap3A_1088 = arith.constant 2624 : index
      %swap3A_1089 = tpu.vector_load %arg9[%swap3A_1088] {strides = array<i32>} : memref<8192xf32, #tpu.memory_space<vmem>>, vector<16xf32>,
      %swap3A_1090 = vector.shape_cast %swap3A_1089 : vector<16xf32> to vector<16xf32>
      %swap3A_1091 = vector.shape_cast %broadcast_in_dim3A_1087 : vector<16xf32> to vector<16xf32>
      tpu.vector_store %arg9[%swap3A_1088], %swap3A_1091 {strides = array<i32>} : memref<8192xf32, #tpu.memory_space<vmem>>, vector<16xf32>,
      %broadcast_in_dim3A_1092 = arith.constant 0.000000e+00 : f32
      %broadcast_in_dim3A_1093 = vector.broadcast %broadcast_in_dim3A_1092 : f32 to vector<16xf32>
      %swap3A_1094 = arith.constant 2640 : index
      %swap3A_1095 = tpu.vector_load %arg9[%swap3A_1094] {strides = array<i32>} : memref<8192xf32, #tpu.memory_space<vmem>>, vector<16xf32>,
      %swap3A_1096 = vector.shape_cast %swap3A_1095 : vector<16xf32> to vector<16xf32>
      %swap3A_1097 = vector.shape_cast %broadcast_in_dim3A_1093 : vector<16xf32> to vector<16xf32>
      tpu.vector_store %arg9[%swap3A_1094], %swap3A_1097 {strides = array<i32>} : memref<8192xf32, #tpu.memory_space<vmem>>, vector<16xf32>,
      %broadcast_in_dim3A_1098 = arith.constant 0.000000e+00 : f32
      %broadcast_in_dim3A_1099 = vector.broadcast %broadcast_in_dim3A_1098 : f32 to vector<16xf32>
      %swap3A_1100 = arith.constant 2656 : index
      %swap3A_1101 = tpu.vector_load %arg9[%swap3A_1100] {strides = array<i32>} : memref<8192xf32, #tpu.memory_space<vmem>>, vector<16xf32>,
      %swap3A_1102 = vector.shape_cast %swap3A_1101 : vector<16xf32> to vector<16xf32>
      %swap3A_1103 = vector.shape_cast %broadcast_in_dim3A_1099 : vector<16xf32> to vector<16xf32>
      tpu.vector_store %arg9[%swap3A_1100], %swap3A_1103 {strides = array<i32>} : memref<8192xf32, #tpu.memory_space<vmem>>, vector<16xf32>,
      %broadcast_in_dim3A_1104 = arith.constant 0.000000e+00 : f32
      %broadcast_in_dim3A_1105 = vector.broadcast %broadcast_in_dim3A_1104 : f32 to vector<16xf32>
      %swap3A_1106 = arith.constant 2672 : index
      %swap3A_1107 = tpu.vector_load %arg9[%swap3A_1106] {strides = array<i32>} : memref<8192xf32, #tpu.memory_space<vmem>>, vector<16xf32>,
      %swap3A_1108 = vector.shape_cast %swap3A_1107 : vector<16xf32> to vector<16xf32>
      %swap3A_1109 = vector.shape_cast %broadcast_in_dim3A_1105 : vector<16xf32> to vector<16xf32>
      tpu.vector_store %arg9[%swap3A_1106], %swap3A_1109 {strides = array<i32>} : memref<8192xf32, #tpu.memory_space<vmem>>, vector<16xf32>,
      %broadcast_in_dim3A_1110 = arith.constant 0.000000e+00 : f32
      %broadcast_in_dim3A_1111 = vector.broadcast %broadcast_in_dim3A_1110 : f32 to vector<16xf32>
      %swap3A_1112 = arith.constant 2688 : index
      %swap3A_1113 = tpu.vector_load %arg9[%swap3A_1112] {strides = array<i32>} : memref<8192xf32, #tpu.memory_space<vmem>>, vector<16xf32>,
      %swap3A_1114 = vector.shape_cast %swap3A_1113 : vector<16xf32> to vector<16xf32>
      %swap3A_1115 = vector.shape_cast %broadcast_in_dim3A_1111 : vector<16xf32> to vector<16xf32>
      tpu.vector_store %arg9[%swap3A_1112], %swap3A_1115 {strides = array<i32>} : memref<8192xf32, #tpu.memory_space<vmem>>, vector<16xf32>,
      %broadcast_in_dim3A_1116 = arith.constant 0.000000e+00 : f32
      %broadcast_in_dim3A_1117 = vector.broadcast %broadcast_in_dim3A_1116 : f32 to vector<16xf32>
      %swap3A_1118 = arith.constant 2704 : index
      %swap3A_1119 = tpu.vector_load %arg9[%swap3A_1118] {strides = array<i32>} : memref<8192xf32, #tpu.memory_space<vmem>>, vector<16xf32>,
      %swap3A_1120 = vector.shape_cast %swap3A_1119 : vector<16xf32> to vector<16xf32>
      %swap3A_1121 = vector.shape_cast %broadcast_in_dim3A_1117 : vector<16xf32> to vector<16xf32>
      tpu.vector_store %arg9[%swap3A_1118], %swap3A_1121 {strides = array<i32>} : memref<8192xf32, #tpu.memory_space<vmem>>, vector<16xf32>,
      %broadcast_in_dim3A_1122 = arith.constant 0.000000e+00 : f32
      %broadcast_in_dim3A_1123 = vector.broadcast %broadcast_in_dim3A_1122 : f32 to vector<16xf32>
      %swap3A_1124 = arith.constant 2720 : index
      %swap3A_1125 = tpu.vector_load %arg9[%swap3A_1124] {strides = array<i32>} : memref<8192xf32, #tpu.memory_space<vmem>>, vector<16xf32>,
      %swap3A_1126 = vector.shape_cast %swap3A_1125 : vector<16xf32> to vector<16xf32>
      %swap3A_1127 = vector.shape_cast %broadcast_in_dim3A_1123 : vector<16xf32> to vector<16xf32>
      tpu.vector_store %arg9[%swap3A_1124], %swap3A_1127 {strides = array<i32>} : memref<8192xf32, #tpu.memory_space<vmem>>, vector<16xf32>,
      %broadcast_in_dim3A_1128 = arith.constant 0.000000e+00 : f32
      %broadcast_in_dim3A_1129 = vector.broadcast %broadcast_in_dim3A_1128 : f32 to vector<16xf32>
      %swap3A_1130 = arith.constant 2736 : index
      %swap3A_1131 = tpu.vector_load %arg9[%swap3A_1130] {strides = array<i32>} : memref<8192xf32, #tpu.memory_space<vmem>>, vector<16xf32>,
      %swap3A_1132 = vector.shape_cast %swap3A_1131 : vector<16xf32> to vector<16xf32>
      %swap3A_1133 = vector.shape_cast %broadcast_in_dim3A_1129 : vector<16xf32> to vector<16xf32>
      tpu.vector_store %arg9[%swap3A_1130], %swap3A_1133 {strides = array<i32>} : memref<8192xf32, #tpu.memory_space<vmem>>, vector<16xf32>,
      %broadcast_in_dim3A_1134 = arith.constant 0.000000e+00 : f32
      %broadcast_in_dim3A_1135 = vector.broadcast %broadcast_in_dim3A_1134 : f32 to vector<16xf32>
      %swap3A_1136 = arith.constant 2752 : index
      %swap3A_1137 = tpu.vector_load %arg9[%swap3A_1136] {strides = array<i32>} : memref<8192xf32, #tpu.memory_space<vmem>>, vector<16xf32>,
      %swap3A_1138 = vector.shape_cast %swap3A_1137 : vector<16xf32> to vector<16xf32>
      %swap3A_1139 = vector.shape_cast %broadcast_in_dim3A_1135 : vector<16xf32> to vector<16xf32>
      tpu.vector_store %arg9[%swap3A_1136], %swap3A_1139 {strides = array<i32>} : memref<8192xf32, #tpu.memory_space<vmem>>, vector<16xf32>,
      %broadcast_in_dim3A_1140 = arith.constant 0.000000e+00 : f32
      %broadcast_in_dim3A_1141 = vector.broadcast %broadcast_in_dim3A_1140 : f32 to vector<16xf32>
      %swap3A_1142 = arith.constant 2768 : index
      %swap3A_1143 = tpu.vector_load %arg9[%swap3A_1142] {strides = array<i32>} : memref<8192xf32, #tpu.memory_space<vmem>>, vector<16xf32>,
      %swap3A_1144 = vector.shape_cast %swap3A_1143 : vector<16xf32> to vector<16xf32>
      %swap3A_1145 = vector.shape_cast %broadcast_in_dim3A_1141 : vector<16xf32> to vector<16xf32>
      tpu.vector_store %arg9[%swap3A_1142], %swap3A_1145 {strides = array<i32>} : memref<8192xf32, #tpu.memory_space<vmem>>, vector<16xf32>,
      %broadcast_in_dim3A_1146 = arith.constant 0.000000e+00 : f32
      %broadcast_in_dim3A_1147 = vector.broadcast %broadcast_in_dim3A_1146 : f32 to vector<16xf32>
      %swap3A_1148 = arith.constant 2784 : index
      %swap3A_1149 = tpu.vector_load %arg9[%swap3A_1148] {strides = array<i32>} : memref<8192xf32, #tpu.memory_space<vmem>>, vector<16xf32>,
      %swap3A_1150 = vector.shape_cast %swap3A_1149 : vector<16xf32> to vector<16xf32>
      %swap3A_1151 = vector.shape_cast %broadcast_in_dim3A_1147 : vector<16xf32> to vector<16xf32>
      tpu.vector_store %arg9[%swap3A_1148], %swap3A_1151 {strides = array<i32>} : memref<8192xf32, #tpu.memory_space<vmem>>, vector<16xf32>,
      %broadcast_in_dim3A_1152 = arith.constant 0.000000e+00 : f32
      %broadcast_in_dim3A_1153 = vector.broadcast %broadcast_in_dim3A_1152 : f32 to vector<16xf32>
      %swap3A_1154 = arith.constant 2800 : index
      %swap3A_1155 = tpu.vector_load %arg9[%swap3A_1154] {strides = array<i32>} : memref<8192xf32, #tpu.memory_space<vmem>>, vector<16xf32>,
      %swap3A_1156 = vector.shape_cast %swap3A_1155 : vector<16xf32> to vector<16xf32>
      %swap3A_1157 = vector.shape_cast %broadcast_in_dim3A_1153 : vector<16xf32> to vector<16xf32>
      tpu.vector_store %arg9[%swap3A_1154], %swap3A_1157 {strides = array<i32>} : memref<8192xf32, #tpu.memory_space<vmem>>, vector<16xf32>,
      %broadcast_in_dim3A_1158 = arith.constant 0.000000e+00 : f32
      %broadcast_in_dim3A_1159 = vector.broadcast %broadcast_in_dim3A_1158 : f32 to vector<16xf32>
      %swap3A_1160 = arith.constant 2816 : index
      %swap3A_1161 = tpu.vector_load %arg9[%swap3A_1160] {strides = array<i32>} : memref<8192xf32, #tpu.memory_space<vmem>>, vector<16xf32>,
      %swap3A_1162 = vector.shape_cast %swap3A_1161 : vector<16xf32> to vector<16xf32>
      %swap3A_1163 = vector.shape_cast %broadcast_in_dim3A_1159 : vector<16xf32> to vector<16xf32>
      tpu.vector_store %arg9[%swap3A_1160], %swap3A_1163 {strides = array<i32>} : memref<8192xf32, #tpu.memory_space<vmem>>, vector<16xf32>,
      %broadcast_in_dim3A_1164 = arith.constant 0.000000e+00 : f32
      %broadcast_in_dim3A_1165 = vector.broadcast %broadcast_in_dim3A_1164 : f32 to vector<16xf32>
      %swap3A_1166 = arith.constant 2832 : index
      %swap3A_1167 = tpu.vector_load %arg9[%swap3A_1166] {strides = array<i32>} : memref<8192xf32, #tpu.memory_space<vmem>>, vector<16xf32>,
      %swap3A_1168 = vector.shape_cast %swap3A_1167 : vector<16xf32> to vector<16xf32>
      %swap3A_1169 = vector.shape_cast %broadcast_in_dim3A_1165 : vector<16xf32> to vector<16xf32>
      tpu.vector_store %arg9[%swap3A_1166], %swap3A_1169 {strides = array<i32>} : memref<8192xf32, #tpu.memory_space<vmem>>, vector<16xf32>,
      %broadcast_in_dim3A_1170 = arith.constant 0.000000e+00 : f32
      %broadcast_in_dim3A_1171 = vector.broadcast %broadcast_in_dim3A_1170 : f32 to vector<16xf32>
      %swap3A_1172 = arith.constant 2848 : index
      %swap3A_1173 = tpu.vector_load %arg9[%swap3A_1172] {strides = array<i32>} : memref<8192xf32, #tpu.memory_space<vmem>>, vector<16xf32>,
      %swap3A_1174 = vector.shape_cast %swap3A_1173 : vector<16xf32> to vector<16xf32>
      %swap3A_1175 = vector.shape_cast %broadcast_in_dim3A_1171 : vector<16xf32> to vector<16xf32>
      tpu.vector_store %arg9[%swap3A_1172], %swap3A_1175 {strides = array<i32>} : memref<8192xf32, #tpu.memory_space<vmem>>, vector<16xf32>,
      %broadcast_in_dim3A_1176 = arith.constant 0.000000e+00 : f32
      %broadcast_in_dim3A_1177 = vector.broadcast %broadcast_in_dim3A_1176 : f32 to vector<16xf32>
      %swap3A_1178 = arith.constant 2864 : index
      %swap3A_1179 = tpu.vector_load %arg9[%swap3A_1178] {strides = array<i32>} : memref<8192xf32, #tpu.memory_space<vmem>>, vector<16xf32>,
      %swap3A_1180 = vector.shape_cast %swap3A_1179 : vector<16xf32> to vector<16xf32>
      %swap3A_1181 = vector.shape_cast %broadcast_in_dim3A_1177 : vector<16xf32> to vector<16xf32>
      tpu.vector_store %arg9[%swap3A_1178], %swap3A_1181 {strides = array<i32>} : memref<8192xf32, #tpu.memory_space<vmem>>, vector<16xf32>,
      %broadcast_in_dim3A_1182 = arith.constant 0.000000e+00 : f32
      %broadcast_in_dim3A_1183 = vector.broadcast %broadcast_in_dim3A_1182 : f32 to vector<16xf32>
      %swap3A_1184 = arith.constant 2880 : index
      %swap3A_1185 = tpu.vector_load %arg9[%swap3A_1184] {strides = array<i32>} : memref<8192xf32, #tpu.memory_space<vmem>>, vector<16xf32>,
      %swap3A_1186 = vector.shape_cast %swap3A_1185 : vector<16xf32> to vector<16xf32>
      %swap3A_1187 = vector.shape_cast %broadcast_in_dim3A_1183 : vector<16xf32> to vector<16xf32>
      tpu.vector_store %arg9[%swap3A_1184], %swap3A_1187 {strides = array<i32>} : memref<8192xf32, #tpu.memory_space<vmem>>, vector<16xf32>,
      %broadcast_in_dim3A_1188 = arith.constant 0.000000e+00 : f32
      %broadcast_in_dim3A_1189 = vector.broadcast %broadcast_in_dim3A_1188 : f32 to vector<16xf32>
      %swap3A_1190 = arith.constant 2896 : index
      %swap3A_1191 = tpu.vector_load %arg9[%swap3A_1190] {strides = array<i32>} : memref<8192xf32, #tpu.memory_space<vmem>>, vector<16xf32>,
      %swap3A_1192 = vector.shape_cast %swap3A_1191 : vector<16xf32> to vector<16xf32>
      %swap3A_1193 = vector.shape_cast %broadcast_in_dim3A_1189 : vector<16xf32> to vector<16xf32>
      tpu.vector_store %arg9[%swap3A_1190], %swap3A_1193 {strides = array<i32>} : memref<8192xf32, #tpu.memory_space<vmem>>, vector<16xf32>,
      %broadcast_in_dim3A_1194 = arith.constant 0.000000e+00 : f32
      %broadcast_in_dim3A_1195 = vector.broadcast %broadcast_in_dim3A_1194 : f32 to vector<16xf32>
      %swap3A_1196 = arith.constant 2912 : index
      %swap3A_1197 = tpu.vector_load %arg9[%swap3A_1196] {strides = array<i32>} : memref<8192xf32, #tpu.memory_space<vmem>>, vector<16xf32>,
      %swap3A_1198 = vector.shape_cast %swap3A_1197 : vector<16xf32> to vector<16xf32>
      %swap3A_1199 = vector.shape_cast %broadcast_in_dim3A_1195 : vector<16xf32> to vector<16xf32>
      tpu.vector_store %arg9[%swap3A_1196], %swap3A_1199 {strides = array<i32>} : memref<8192xf32, #tpu.memory_space<vmem>>, vector<16xf32>,
      %broadcast_in_dim3A_1200 = arith.constant 0.000000e+00 : f32
      %broadcast_in_dim3A_1201 = vector.broadcast %broadcast_in_dim3A_1200 : f32 to vector<16xf32>
      %swap3A_1202 = arith.constant 2928 : index
      %swap3A_1203 = tpu.vector_load %arg9[%swap3A_1202] {strides = array<i32>} : memref<8192xf32, #tpu.memory_space<vmem>>, vector<16xf32>,
      %swap3A_1204 = vector.shape_cast %swap3A_1203 : vector<16xf32> to vector<16xf32>
      %swap3A_1205 = vector.shape_cast %broadcast_in_dim3A_1201 : vector<16xf32> to vector<16xf32>
      tpu.vector_store %arg9[%swap3A_1202], %swap3A_1205 {strides = array<i32>} : memref<8192xf32, #tpu.memory_space<vmem>>, vector<16xf32>,
      %broadcast_in_dim3A_1206 = arith.constant 0.000000e+00 : f32
      %broadcast_in_dim3A_1207 = vector.broadcast %broadcast_in_dim3A_1206 : f32 to vector<16xf32>
      %swap3A_1208 = arith.constant 2944 : index
      %swap3A_1209 = tpu.vector_load %arg9[%swap3A_1208] {strides = array<i32>} : memref<8192xf32, #tpu.memory_space<vmem>>, vector<16xf32>,
      %swap3A_1210 = vector.shape_cast %swap3A_1209 : vector<16xf32> to vector<16xf32>
      %swap3A_1211 = vector.shape_cast %broadcast_in_dim3A_1207 : vector<16xf32> to vector<16xf32>
      tpu.vector_store %arg9[%swap3A_1208], %swap3A_1211 {strides = array<i32>} : memref<8192xf32, #tpu.memory_space<vmem>>, vector<16xf32>,
      %broadcast_in_dim3A_1212 = arith.constant 0.000000e+00 : f32
      %broadcast_in_dim3A_1213 = vector.broadcast %broadcast_in_dim3A_1212 : f32 to vector<16xf32>
      %swap3A_1214 = arith.constant 2960 : index
      %swap3A_1215 = tpu.vector_load %arg9[%swap3A_1214] {strides = array<i32>} : memref<8192xf32, #tpu.memory_space<vmem>>, vector<16xf32>,
      %swap3A_1216 = vector.shape_cast %swap3A_1215 : vector<16xf32> to vector<16xf32>
      %swap3A_1217 = vector.shape_cast %broadcast_in_dim3A_1213 : vector<16xf32> to vector<16xf32>
      tpu.vector_store %arg9[%swap3A_1214], %swap3A_1217 {strides = array<i32>} : memref<8192xf32, #tpu.memory_space<vmem>>, vector<16xf32>,
      %broadcast_in_dim3A_1218 = arith.constant 0.000000e+00 : f32
      %broadcast_in_dim3A_1219 = vector.broadcast %broadcast_in_dim3A_1218 : f32 to vector<16xf32>
      %swap3A_1220 = arith.constant 2976 : index
      %swap3A_1221 = tpu.vector_load %arg9[%swap3A_1220] {strides = array<i32>} : memref<8192xf32, #tpu.memory_space<vmem>>, vector<16xf32>,
      %swap3A_1222 = vector.shape_cast %swap3A_1221 : vector<16xf32> to vector<16xf32>
      %swap3A_1223 = vector.shape_cast %broadcast_in_dim3A_1219 : vector<16xf32> to vector<16xf32>
      tpu.vector_store %arg9[%swap3A_1220], %swap3A_1223 {strides = array<i32>} : memref<8192xf32, #tpu.memory_space<vmem>>, vector<16xf32>,
      %broadcast_in_dim3A_1224 = arith.constant 0.000000e+00 : f32
      %broadcast_in_dim3A_1225 = vector.broadcast %broadcast_in_dim3A_1224 : f32 to vector<16xf32>
      %swap3A_1226 = arith.constant 2992 : index
      %swap3A_1227 = tpu.vector_load %arg9[%swap3A_1226] {strides = array<i32>} : memref<8192xf32, #tpu.memory_space<vmem>>, vector<16xf32>,
      %swap3A_1228 = vector.shape_cast %swap3A_1227 : vector<16xf32> to vector<16xf32>
      %swap3A_1229 = vector.shape_cast %broadcast_in_dim3A_1225 : vector<16xf32> to vector<16xf32>
      tpu.vector_store %arg9[%swap3A_1226], %swap3A_1229 {strides = array<i32>} : memref<8192xf32, #tpu.memory_space<vmem>>, vector<16xf32>,
      %broadcast_in_dim3A_1230 = arith.constant 0.000000e+00 : f32
      %broadcast_in_dim3A_1231 = vector.broadcast %broadcast_in_dim3A_1230 : f32 to vector<16xf32>
      %swap3A_1232 = arith.constant 3008 : index
      %swap3A_1233 = tpu.vector_load %arg9[%swap3A_1232] {strides = array<i32>} : memref<8192xf32, #tpu.memory_space<vmem>>, vector<16xf32>,
      %swap3A_1234 = vector.shape_cast %swap3A_1233 : vector<16xf32> to vector<16xf32>
      %swap3A_1235 = vector.shape_cast %broadcast_in_dim3A_1231 : vector<16xf32> to vector<16xf32>
      tpu.vector_store %arg9[%swap3A_1232], %swap3A_1235 {strides = array<i32>} : memref<8192xf32, #tpu.memory_space<vmem>>, vector<16xf32>,
      %broadcast_in_dim3A_1236 = arith.constant 0.000000e+00 : f32
      %broadcast_in_dim3A_1237 = vector.broadcast %broadcast_in_dim3A_1236 : f32 to vector<16xf32>
      %swap3A_1238 = arith.constant 3024 : index
      %swap3A_1239 = tpu.vector_load %arg9[%swap3A_1238] {strides = array<i32>} : memref<8192xf32, #tpu.memory_space<vmem>>, vector<16xf32>,
      %swap3A_1240 = vector.shape_cast %swap3A_1239 : vector<16xf32> to vector<16xf32>
      %swap3A_1241 = vector.shape_cast %broadcast_in_dim3A_1237 : vector<16xf32> to vector<16xf32>
      tpu.vector_store %arg9[%swap3A_1238], %swap3A_1241 {strides = array<i32>} : memref<8192xf32, #tpu.memory_space<vmem>>, vector<16xf32>,
      %broadcast_in_dim3A_1242 = arith.constant 0.000000e+00 : f32
      %broadcast_in_dim3A_1243 = vector.broadcast %broadcast_in_dim3A_1242 : f32 to vector<16xf32>
      %swap3A_1244 = arith.constant 3040 : index
      %swap3A_1245 = tpu.vector_load %arg9[%swap3A_1244] {strides = array<i32>} : memref<8192xf32, #tpu.memory_space<vmem>>, vector<16xf32>,
      %swap3A_1246 = vector.shape_cast %swap3A_1245 : vector<16xf32> to vector<16xf32>
      %swap3A_1247 = vector.shape_cast %broadcast_in_dim3A_1243 : vector<16xf32> to vector<16xf32>
      tpu.vector_store %arg9[%swap3A_1244], %swap3A_1247 {strides = array<i32>} : memref<8192xf32, #tpu.memory_space<vmem>>, vector<16xf32>,
      %broadcast_in_dim3A_1248 = arith.constant 0.000000e+00 : f32
      %broadcast_in_dim3A_1249 = vector.broadcast %broadcast_in_dim3A_1248 : f32 to vector<16xf32>
      %swap3A_1250 = arith.constant 3056 : index
      %swap3A_1251 = tpu.vector_load %arg9[%swap3A_1250] {strides = array<i32>} : memref<8192xf32, #tpu.memory_space<vmem>>, vector<16xf32>,
      %swap3A_1252 = vector.shape_cast %swap3A_1251 : vector<16xf32> to vector<16xf32>
      %swap3A_1253 = vector.shape_cast %broadcast_in_dim3A_1249 : vector<16xf32> to vector<16xf32>
      tpu.vector_store %arg9[%swap3A_1250], %swap3A_1253 {strides = array<i32>} : memref<8192xf32, #tpu.memory_space<vmem>>, vector<16xf32>,
      %broadcast_in_dim3A_1254 = arith.constant 0.000000e+00 : f32
      %broadcast_in_dim3A_1255 = vector.broadcast %broadcast_in_dim3A_1254 : f32 to vector<16xf32>
      %swap3A_1256 = arith.constant 3072 : index
      %swap3A_1257 = tpu.vector_load %arg9[%swap3A_1256] {strides = array<i32>} : memref<8192xf32, #tpu.memory_space<vmem>>, vector<16xf32>,
      %swap3A_1258 = vector.shape_cast %swap3A_1257 : vector<16xf32> to vector<16xf32>
      %swap3A_1259 = vector.shape_cast %broadcast_in_dim3A_1255 : vector<16xf32> to vector<16xf32>
      tpu.vector_store %arg9[%swap3A_1256], %swap3A_1259 {strides = array<i32>} : memref<8192xf32, #tpu.memory_space<vmem>>, vector<16xf32>,
      %broadcast_in_dim3A_1260 = arith.constant 0.000000e+00 : f32
      %broadcast_in_dim3A_1261 = vector.broadcast %broadcast_in_dim3A_1260 : f32 to vector<16xf32>
      %swap3A_1262 = arith.constant 3088 : index
      %swap3A_1263 = tpu.vector_load %arg9[%swap3A_1262] {strides = array<i32>} : memref<8192xf32, #tpu.memory_space<vmem>>, vector<16xf32>,
      %swap3A_1264 = vector.shape_cast %swap3A_1263 : vector<16xf32> to vector<16xf32>
      %swap3A_1265 = vector.shape_cast %broadcast_in_dim3A_1261 : vector<16xf32> to vector<16xf32>
      tpu.vector_store %arg9[%swap3A_1262], %swap3A_1265 {strides = array<i32>} : memref<8192xf32, #tpu.memory_space<vmem>>, vector<16xf32>,
      %broadcast_in_dim3A_1266 = arith.constant 0.000000e+00 : f32
      %broadcast_in_dim3A_1267 = vector.broadcast %broadcast_in_dim3A_1266 : f32 to vector<16xf32>
      %swap3A_1268 = arith.constant 3104 : index
      %swap3A_1269 = tpu.vector_load %arg9[%swap3A_1268] {strides = array<i32>} : memref<8192xf32, #tpu.memory_space<vmem>>, vector<16xf32>,
      %swap3A_1270 = vector.shape_cast %swap3A_1269 : vector<16xf32> to vector<16xf32>
      %swap3A_1271 = vector.shape_cast %broadcast_in_dim3A_1267 : vector<16xf32> to vector<16xf32>
      tpu.vector_store %arg9[%swap3A_1268], %swap3A_1271 {strides = array<i32>} : memref<8192xf32, #tpu.memory_space<vmem>>, vector<16xf32>,
      %broadcast_in_dim3A_1272 = arith.constant 0.000000e+00 : f32
      %broadcast_in_dim3A_1273 = vector.broadcast %broadcast_in_dim3A_1272 : f32 to vector<16xf32>
      %swap3A_1274 = arith.constant 3120 : index
      %swap3A_1275 = tpu.vector_load %arg9[%swap3A_1274] {strides = array<i32>} : memref<8192xf32, #tpu.memory_space<vmem>>, vector<16xf32>,
      %swap3A_1276 = vector.shape_cast %swap3A_1275 : vector<16xf32> to vector<16xf32>
      %swap3A_1277 = vector.shape_cast %broadcast_in_dim3A_1273 : vector<16xf32> to vector<16xf32>
      tpu.vector_store %arg9[%swap3A_1274], %swap3A_1277 {strides = array<i32>} : memref<8192xf32, #tpu.memory_space<vmem>>, vector<16xf32>,
      %broadcast_in_dim3A_1278 = arith.constant 0.000000e+00 : f32
      %broadcast_in_dim3A_1279 = vector.broadcast %broadcast_in_dim3A_1278 : f32 to vector<16xf32>
      %swap3A_1280 = arith.constant 3136 : index
      %swap3A_1281 = tpu.vector_load %arg9[%swap3A_1280] {strides = array<i32>} : memref<8192xf32, #tpu.memory_space<vmem>>, vector<16xf32>,
      %swap3A_1282 = vector.shape_cast %swap3A_1281 : vector<16xf32> to vector<16xf32>
      %swap3A_1283 = vector.shape_cast %broadcast_in_dim3A_1279 : vector<16xf32> to vector<16xf32>
      tpu.vector_store %arg9[%swap3A_1280], %swap3A_1283 {strides = array<i32>} : memref<8192xf32, #tpu.memory_space<vmem>>, vector<16xf32>,
      %broadcast_in_dim3A_1284 = arith.constant 0.000000e+00 : f32
      %broadcast_in_dim3A_1285 = vector.broadcast %broadcast_in_dim3A_1284 : f32 to vector<16xf32>
      %swap3A_1286 = arith.constant 3152 : index
      %swap3A_1287 = tpu.vector_load %arg9[%swap3A_1286] {strides = array<i32>} : memref<8192xf32, #tpu.memory_space<vmem>>, vector<16xf32>,
      %swap3A_1288 = vector.shape_cast %swap3A_1287 : vector<16xf32> to vector<16xf32>
      %swap3A_1289 = vector.shape_cast %broadcast_in_dim3A_1285 : vector<16xf32> to vector<16xf32>
      tpu.vector_store %arg9[%swap3A_1286], %swap3A_1289 {strides = array<i32>} : memref<8192xf32, #tpu.memory_space<vmem>>, vector<16xf32>,
      %broadcast_in_dim3A_1290 = arith.constant 0.000000e+00 : f32
      %broadcast_in_dim3A_1291 = vector.broadcast %broadcast_in_dim3A_1290 : f32 to vector<16xf32>
      %swap3A_1292 = arith.constant 3168 : index
      %swap3A_1293 = tpu.vector_load %arg9[%swap3A_1292] {strides = array<i32>} : memref<8192xf32, #tpu.memory_space<vmem>>, vector<16xf32>,
      %swap3A_1294 = vector.shape_cast %swap3A_1293 : vector<16xf32> to vector<16xf32>
      %swap3A_1295 = vector.shape_cast %broadcast_in_dim3A_1291 : vector<16xf32> to vector<16xf32>
      tpu.vector_store %arg9[%swap3A_1292], %swap3A_1295 {strides = array<i32>} : memref<8192xf32, #tpu.memory_space<vmem>>, vector<16xf32>,
      %broadcast_in_dim3A_1296 = arith.constant 0.000000e+00 : f32
      %broadcast_in_dim3A_1297 = vector.broadcast %broadcast_in_dim3A_1296 : f32 to vector<16xf32>
      %swap3A_1298 = arith.constant 3184 : index
      %swap3A_1299 = tpu.vector_load %arg9[%swap3A_1298] {strides = array<i32>} : memref<8192xf32, #tpu.memory_space<vmem>>, vector<16xf32>,
      %swap3A_1300 = vector.shape_cast %swap3A_1299 : vector<16xf32> to vector<16xf32>
      %swap3A_1301 = vector.shape_cast %broadcast_in_dim3A_1297 : vector<16xf32> to vector<16xf32>
      tpu.vector_store %arg9[%swap3A_1298], %swap3A_1301 {strides = array<i32>} : memref<8192xf32, #tpu.memory_space<vmem>>, vector<16xf32>,
      %broadcast_in_dim3A_1302 = arith.constant 0.000000e+00 : f32
      %broadcast_in_dim3A_1303 = vector.broadcast %broadcast_in_dim3A_1302 : f32 to vector<16xf32>
      %swap3A_1304 = arith.constant 3200 : index
      %swap3A_1305 = tpu.vector_load %arg9[%swap3A_1304] {strides = array<i32>} : memref<8192xf32, #tpu.memory_space<vmem>>, vector<16xf32>,
      %swap3A_1306 = vector.shape_cast %swap3A_1305 : vector<16xf32> to vector<16xf32>
      %swap3A_1307 = vector.shape_cast %broadcast_in_dim3A_1303 : vector<16xf32> to vector<16xf32>
      tpu.vector_store %arg9[%swap3A_1304], %swap3A_1307 {strides = array<i32>} : memref<8192xf32, #tpu.memory_space<vmem>>, vector<16xf32>,
      %broadcast_in_dim3A_1308 = arith.constant 0.000000e+00 : f32
      %broadcast_in_dim3A_1309 = vector.broadcast %broadcast_in_dim3A_1308 : f32 to vector<16xf32>
      %swap3A_1310 = arith.constant 3216 : index
      %swap3A_1311 = tpu.vector_load %arg9[%swap3A_1310] {strides = array<i32>} : memref<8192xf32, #tpu.memory_space<vmem>>, vector<16xf32>,
      %swap3A_1312 = vector.shape_cast %swap3A_1311 : vector<16xf32> to vector<16xf32>
      %swap3A_1313 = vector.shape_cast %broadcast_in_dim3A_1309 : vector<16xf32> to vector<16xf32>
      tpu.vector_store %arg9[%swap3A_1310], %swap3A_1313 {strides = array<i32>} : memref<8192xf32, #tpu.memory_space<vmem>>, vector<16xf32>,
      %broadcast_in_dim3A_1314 = arith.constant 0.000000e+00 : f32
      %broadcast_in_dim3A_1315 = vector.broadcast %broadcast_in_dim3A_1314 : f32 to vector<16xf32>
      %swap3A_1316 = arith.constant 3232 : index
      %swap3A_1317 = tpu.vector_load %arg9[%swap3A_1316] {strides = array<i32>} : memref<8192xf32, #tpu.memory_space<vmem>>, vector<16xf32>,
      %swap3A_1318 = vector.shape_cast %swap3A_1317 : vector<16xf32> to vector<16xf32>
      %swap3A_1319 = vector.shape_cast %broadcast_in_dim3A_1315 : vector<16xf32> to vector<16xf32>
      tpu.vector_store %arg9[%swap3A_1316], %swap3A_1319 {strides = array<i32>} : memref<8192xf32, #tpu.memory_space<vmem>>, vector<16xf32>,
      %broadcast_in_dim3A_1320 = arith.constant 0.000000e+00 : f32
      %broadcast_in_dim3A_1321 = vector.broadcast %broadcast_in_dim3A_1320 : f32 to vector<16xf32>
      %swap3A_1322 = arith.constant 3248 : index
      %swap3A_1323 = tpu.vector_load %arg9[%swap3A_1322] {strides = array<i32>} : memref<8192xf32, #tpu.memory_space<vmem>>, vector<16xf32>,
      %swap3A_1324 = vector.shape_cast %swap3A_1323 : vector<16xf32> to vector<16xf32>
      %swap3A_1325 = vector.shape_cast %broadcast_in_dim3A_1321 : vector<16xf32> to vector<16xf32>
      tpu.vector_store %arg9[%swap3A_1322], %swap3A_1325 {strides = array<i32>} : memref<8192xf32, #tpu.memory_space<vmem>>, vector<16xf32>,
      %broadcast_in_dim3A_1326 = arith.constant 0.000000e+00 : f32
      %broadcast_in_dim3A_1327 = vector.broadcast %broadcast_in_dim3A_1326 : f32 to vector<16xf32>
      %swap3A_1328 = arith.constant 3264 : index
      %swap3A_1329 = tpu.vector_load %arg9[%swap3A_1328] {strides = array<i32>} : memref<8192xf32, #tpu.memory_space<vmem>>, vector<16xf32>,
      %swap3A_1330 = vector.shape_cast %swap3A_1329 : vector<16xf32> to vector<16xf32>
      %swap3A_1331 = vector.shape_cast %broadcast_in_dim3A_1327 : vector<16xf32> to vector<16xf32>
      tpu.vector_store %arg9[%swap3A_1328], %swap3A_1331 {strides = array<i32>} : memref<8192xf32, #tpu.memory_space<vmem>>, vector<16xf32>,
      %broadcast_in_dim3A_1332 = arith.constant 0.000000e+00 : f32
      %broadcast_in_dim3A_1333 = vector.broadcast %broadcast_in_dim3A_1332 : f32 to vector<16xf32>
      %swap3A_1334 = arith.constant 3280 : index
      %swap3A_1335 = tpu.vector_load %arg9[%swap3A_1334] {strides = array<i32>} : memref<8192xf32, #tpu.memory_space<vmem>>, vector<16xf32>,
      %swap3A_1336 = vector.shape_cast %swap3A_1335 : vector<16xf32> to vector<16xf32>
      %swap3A_1337 = vector.shape_cast %broadcast_in_dim3A_1333 : vector<16xf32> to vector<16xf32>
      tpu.vector_store %arg9[%swap3A_1334], %swap3A_1337 {strides = array<i32>} : memref<8192xf32, #tpu.memory_space<vmem>>, vector<16xf32>,
      %broadcast_in_dim3A_1338 = arith.constant 0.000000e+00 : f32
      %broadcast_in_dim3A_1339 = vector.broadcast %broadcast_in_dim3A_1338 : f32 to vector<16xf32>
      %swap3A_1340 = arith.constant 3296 : index
      %swap3A_1341 = tpu.vector_load %arg9[%swap3A_1340] {strides = array<i32>} : memref<8192xf32, #tpu.memory_space<vmem>>, vector<16xf32>,
      %swap3A_1342 = vector.shape_cast %swap3A_1341 : vector<16xf32> to vector<16xf32>
      %swap3A_1343 = vector.shape_cast %broadcast_in_dim3A_1339 : vector<16xf32> to vector<16xf32>
      tpu.vector_store %arg9[%swap3A_1340], %swap3A_1343 {strides = array<i32>} : memref<8192xf32, #tpu.memory_space<vmem>>, vector<16xf32>,
      %broadcast_in_dim3A_1344 = arith.constant 0.000000e+00 : f32
      %broadcast_in_dim3A_1345 = vector.broadcast %broadcast_in_dim3A_1344 : f32 to vector<16xf32>
      %swap3A_1346 = arith.constant 3312 : index
      %swap3A_1347 = tpu.vector_load %arg9[%swap3A_1346] {strides = array<i32>} : memref<8192xf32, #tpu.memory_space<vmem>>, vector<16xf32>,
      %swap3A_1348 = vector.shape_cast %swap3A_1347 : vector<16xf32> to vector<16xf32>
      %swap3A_1349 = vector.shape_cast %broadcast_in_dim3A_1345 : vector<16xf32> to vector<16xf32>
      tpu.vector_store %arg9[%swap3A_1346], %swap3A_1349 {strides = array<i32>} : memref<8192xf32, #tpu.memory_space<vmem>>, vector<16xf32>,
      %broadcast_in_dim3A_1350 = arith.constant 0.000000e+00 : f32
      %broadcast_in_dim3A_1351 = vector.broadcast %broadcast_in_dim3A_1350 : f32 to vector<16xf32>
      %swap3A_1352 = arith.constant 3328 : index
      %swap3A_1353 = tpu.vector_load %arg9[%swap3A_1352] {strides = array<i32>} : memref<8192xf32, #tpu.memory_space<vmem>>, vector<16xf32>,
      %swap3A_1354 = vector.shape_cast %swap3A_1353 : vector<16xf32> to vector<16xf32>
      %swap3A_1355 = vector.shape_cast %broadcast_in_dim3A_1351 : vector<16xf32> to vector<16xf32>
      tpu.vector_store %arg9[%swap3A_1352], %swap3A_1355 {strides = array<i32>} : memref<8192xf32, #tpu.memory_space<vmem>>, vector<16xf32>,
      %broadcast_in_dim3A_1356 = arith.constant 0.000000e+00 : f32
      %broadcast_in_dim3A_1357 = vector.broadcast %broadcast_in_dim3A_1356 : f32 to vector<16xf32>
      %swap3A_1358 = arith.constant 3344 : index
      %swap3A_1359 = tpu.vector_load %arg9[%swap3A_1358] {strides = array<i32>} : memref<8192xf32, #tpu.memory_space<vmem>>, vector<16xf32>,
      %swap3A_1360 = vector.shape_cast %swap3A_1359 : vector<16xf32> to vector<16xf32>
      %swap3A_1361 = vector.shape_cast %broadcast_in_dim3A_1357 : vector<16xf32> to vector<16xf32>
      tpu.vector_store %arg9[%swap3A_1358], %swap3A_1361 {strides = array<i32>} : memref<8192xf32, #tpu.memory_space<vmem>>, vector<16xf32>,
      %broadcast_in_dim3A_1362 = arith.constant 0.000000e+00 : f32
      %broadcast_in_dim3A_1363 = vector.broadcast %broadcast_in_dim3A_1362 : f32 to vector<16xf32>
      %swap3A_1364 = arith.constant 3360 : index
      %swap3A_1365 = tpu.vector_load %arg9[%swap3A_1364] {strides = array<i32>} : memref<8192xf32, #tpu.memory_space<vmem>>, vector<16xf32>,
      %swap3A_1366 = vector.shape_cast %swap3A_1365 : vector<16xf32> to vector<16xf32>
      %swap3A_1367 = vector.shape_cast %broadcast_in_dim3A_1363 : vector<16xf32> to vector<16xf32>
      tpu.vector_store %arg9[%swap3A_1364], %swap3A_1367 {strides = array<i32>} : memref<8192xf32, #tpu.memory_space<vmem>>, vector<16xf32>,
      %broadcast_in_dim3A_1368 = arith.constant 0.000000e+00 : f32
      %broadcast_in_dim3A_1369 = vector.broadcast %broadcast_in_dim3A_1368 : f32 to vector<16xf32>
      %swap3A_1370 = arith.constant 3376 : index
      %swap3A_1371 = tpu.vector_load %arg9[%swap3A_1370] {strides = array<i32>} : memref<8192xf32, #tpu.memory_space<vmem>>, vector<16xf32>,
      %swap3A_1372 = vector.shape_cast %swap3A_1371 : vector<16xf32> to vector<16xf32>
      %swap3A_1373 = vector.shape_cast %broadcast_in_dim3A_1369 : vector<16xf32> to vector<16xf32>
      tpu.vector_store %arg9[%swap3A_1370], %swap3A_1373 {strides = array<i32>} : memref<8192xf32, #tpu.memory_space<vmem>>, vector<16xf32>,
      %broadcast_in_dim3A_1374 = arith.constant 0.000000e+00 : f32
      %broadcast_in_dim3A_1375 = vector.broadcast %broadcast_in_dim3A_1374 : f32 to vector<16xf32>
      %swap3A_1376 = arith.constant 3392 : index
      %swap3A_1377 = tpu.vector_load %arg9[%swap3A_1376] {strides = array<i32>} : memref<8192xf32, #tpu.memory_space<vmem>>, vector<16xf32>,
      %swap3A_1378 = vector.shape_cast %swap3A_1377 : vector<16xf32> to vector<16xf32>
      %swap3A_1379 = vector.shape_cast %broadcast_in_dim3A_1375 : vector<16xf32> to vector<16xf32>
      tpu.vector_store %arg9[%swap3A_1376], %swap3A_1379 {strides = array<i32>} : memref<8192xf32, #tpu.memory_space<vmem>>, vector<16xf32>,
      %broadcast_in_dim3A_1380 = arith.constant 0.000000e+00 : f32
      %broadcast_in_dim3A_1381 = vector.broadcast %broadcast_in_dim3A_1380 : f32 to vector<16xf32>
      %swap3A_1382 = arith.constant 3408 : index
      %swap3A_1383 = tpu.vector_load %arg9[%swap3A_1382] {strides = array<i32>} : memref<8192xf32, #tpu.memory_space<vmem>>, vector<16xf32>,
      %swap3A_1384 = vector.shape_cast %swap3A_1383 : vector<16xf32> to vector<16xf32>
      %swap3A_1385 = vector.shape_cast %broadcast_in_dim3A_1381 : vector<16xf32> to vector<16xf32>
      tpu.vector_store %arg9[%swap3A_1382], %swap3A_1385 {strides = array<i32>} : memref<8192xf32, #tpu.memory_space<vmem>>, vector<16xf32>,
      %broadcast_in_dim3A_1386 = arith.constant 0.000000e+00 : f32
      %broadcast_in_dim3A_1387 = vector.broadcast %broadcast_in_dim3A_1386 : f32 to vector<16xf32>
      %swap3A_1388 = arith.constant 3424 : index
      %swap3A_1389 = tpu.vector_load %arg9[%swap3A_1388] {strides = array<i32>} : memref<8192xf32, #tpu.memory_space<vmem>>, vector<16xf32>,
      %swap3A_1390 = vector.shape_cast %swap3A_1389 : vector<16xf32> to vector<16xf32>
      %swap3A_1391 = vector.shape_cast %broadcast_in_dim3A_1387 : vector<16xf32> to vector<16xf32>
      tpu.vector_store %arg9[%swap3A_1388], %swap3A_1391 {strides = array<i32>} : memref<8192xf32, #tpu.memory_space<vmem>>, vector<16xf32>,
      %broadcast_in_dim3A_1392 = arith.constant 0.000000e+00 : f32
      %broadcast_in_dim3A_1393 = vector.broadcast %broadcast_in_dim3A_1392 : f32 to vector<16xf32>
      %swap3A_1394 = arith.constant 3440 : index
      %swap3A_1395 = tpu.vector_load %arg9[%swap3A_1394] {strides = array<i32>} : memref<8192xf32, #tpu.memory_space<vmem>>, vector<16xf32>,
      %swap3A_1396 = vector.shape_cast %swap3A_1395 : vector<16xf32> to vector<16xf32>
      %swap3A_1397 = vector.shape_cast %broadcast_in_dim3A_1393 : vector<16xf32> to vector<16xf32>
      tpu.vector_store %arg9[%swap3A_1394], %swap3A_1397 {strides = array<i32>} : memref<8192xf32, #tpu.memory_space<vmem>>, vector<16xf32>,
      %broadcast_in_dim3A_1398 = arith.constant 0.000000e+00 : f32
      %broadcast_in_dim3A_1399 = vector.broadcast %broadcast_in_dim3A_1398 : f32 to vector<16xf32>
      %swap3A_1400 = arith.constant 3456 : index
      %swap3A_1401 = tpu.vector_load %arg9[%swap3A_1400] {strides = array<i32>} : memref<8192xf32, #tpu.memory_space<vmem>>, vector<16xf32>,
      %swap3A_1402 = vector.shape_cast %swap3A_1401 : vector<16xf32> to vector<16xf32>
      %swap3A_1403 = vector.shape_cast %broadcast_in_dim3A_1399 : vector<16xf32> to vector<16xf32>
      tpu.vector_store %arg9[%swap3A_1400], %swap3A_1403 {strides = array<i32>} : memref<8192xf32, #tpu.memory_space<vmem>>, vector<16xf32>,
      %broadcast_in_dim3A_1404 = arith.constant 0.000000e+00 : f32
      %broadcast_in_dim3A_1405 = vector.broadcast %broadcast_in_dim3A_1404 : f32 to vector<16xf32>
      %swap3A_1406 = arith.constant 3472 : index
      %swap3A_1407 = tpu.vector_load %arg9[%swap3A_1406] {strides = array<i32>} : memref<8192xf32, #tpu.memory_space<vmem>>, vector<16xf32>,
      %swap3A_1408 = vector.shape_cast %swap3A_1407 : vector<16xf32> to vector<16xf32>
      %swap3A_1409 = vector.shape_cast %broadcast_in_dim3A_1405 : vector<16xf32> to vector<16xf32>
      tpu.vector_store %arg9[%swap3A_1406], %swap3A_1409 {strides = array<i32>} : memref<8192xf32, #tpu.memory_space<vmem>>, vector<16xf32>,
      %broadcast_in_dim3A_1410 = arith.constant 0.000000e+00 : f32
      %broadcast_in_dim3A_1411 = vector.broadcast %broadcast_in_dim3A_1410 : f32 to vector<16xf32>
      %swap3A_1412 = arith.constant 3488 : index
      %swap3A_1413 = tpu.vector_load %arg9[%swap3A_1412] {strides = array<i32>} : memref<8192xf32, #tpu.memory_space<vmem>>, vector<16xf32>,
      %swap3A_1414 = vector.shape_cast %swap3A_1413 : vector<16xf32> to vector<16xf32>
      %swap3A_1415 = vector.shape_cast %broadcast_in_dim3A_1411 : vector<16xf32> to vector<16xf32>
      tpu.vector_store %arg9[%swap3A_1412], %swap3A_1415 {strides = array<i32>} : memref<8192xf32, #tpu.memory_space<vmem>>, vector<16xf32>,
      %broadcast_in_dim3A_1416 = arith.constant 0.000000e+00 : f32
      %broadcast_in_dim3A_1417 = vector.broadcast %broadcast_in_dim3A_1416 : f32 to vector<16xf32>
      %swap3A_1418 = arith.constant 3504 : index
      %swap3A_1419 = tpu.vector_load %arg9[%swap3A_1418] {strides = array<i32>} : memref<8192xf32, #tpu.memory_space<vmem>>, vector<16xf32>,
      %swap3A_1420 = vector.shape_cast %swap3A_1419 : vector<16xf32> to vector<16xf32>
      %swap3A_1421 = vector.shape_cast %broadcast_in_dim3A_1417 : vector<16xf32> to vector<16xf32>
      tpu.vector_store %arg9[%swap3A_1418], %swap3A_1421 {strides = array<i32>} : memref<8192xf32, #tpu.memory_space<vmem>>, vector<16xf32>,
      %broadcast_in_dim3A_1422 = arith.constant 0.000000e+00 : f32
      %broadcast_in_dim3A_1423 = vector.broadcast %broadcast_in_dim3A_1422 : f32 to vector<16xf32>
      %swap3A_1424 = arith.constant 3520 : index
      %swap3A_1425 = tpu.vector_load %arg9[%swap3A_1424] {strides = array<i32>} : memref<8192xf32, #tpu.memory_space<vmem>>, vector<16xf32>,
      %swap3A_1426 = vector.shape_cast %swap3A_1425 : vector<16xf32> to vector<16xf32>
      %swap3A_1427 = vector.shape_cast %broadcast_in_dim3A_1423 : vector<16xf32> to vector<16xf32>
      tpu.vector_store %arg9[%swap3A_1424], %swap3A_1427 {strides = array<i32>} : memref<8192xf32, #tpu.memory_space<vmem>>, vector<16xf32>,
      %broadcast_in_dim3A_1428 = arith.constant 0.000000e+00 : f32
      %broadcast_in_dim3A_1429 = vector.broadcast %broadcast_in_dim3A_1428 : f32 to vector<16xf32>
      %swap3A_1430 = arith.constant 3536 : index
      %swap3A_1431 = tpu.vector_load %arg9[%swap3A_1430] {strides = array<i32>} : memref<8192xf32, #tpu.memory_space<vmem>>, vector<16xf32>,
      %swap3A_1432 = vector.shape_cast %swap3A_1431 : vector<16xf32> to vector<16xf32>
      %swap3A_1433 = vector.shape_cast %broadcast_in_dim3A_1429 : vector<16xf32> to vector<16xf32>
      tpu.vector_store %arg9[%swap3A_1430], %swap3A_1433 {strides = array<i32>} : memref<8192xf32, #tpu.memory_space<vmem>>, vector<16xf32>,
      %broadcast_in_dim3A_1434 = arith.constant 0.000000e+00 : f32
      %broadcast_in_dim3A_1435 = vector.broadcast %broadcast_in_dim3A_1434 : f32 to vector<16xf32>
      %swap3A_1436 = arith.constant 3552 : index
      %swap3A_1437 = tpu.vector_load %arg9[%swap3A_1436] {strides = array<i32>} : memref<8192xf32, #tpu.memory_space<vmem>>, vector<16xf32>,
      %swap3A_1438 = vector.shape_cast %swap3A_1437 : vector<16xf32> to vector<16xf32>
      %swap3A_1439 = vector.shape_cast %broadcast_in_dim3A_1435 : vector<16xf32> to vector<16xf32>
      tpu.vector_store %arg9[%swap3A_1436], %swap3A_1439 {strides = array<i32>} : memref<8192xf32, #tpu.memory_space<vmem>>, vector<16xf32>,
      %broadcast_in_dim3A_1440 = arith.constant 0.000000e+00 : f32
      %broadcast_in_dim3A_1441 = vector.broadcast %broadcast_in_dim3A_1440 : f32 to vector<16xf32>
      %swap3A_1442 = arith.constant 3568 : index
      %swap3A_1443 = tpu.vector_load %arg9[%swap3A_1442] {strides = array<i32>} : memref<8192xf32, #tpu.memory_space<vmem>>, vector<16xf32>,
      %swap3A_1444 = vector.shape_cast %swap3A_1443 : vector<16xf32> to vector<16xf32>
      %swap3A_1445 = vector.shape_cast %broadcast_in_dim3A_1441 : vector<16xf32> to vector<16xf32>
      tpu.vector_store %arg9[%swap3A_1442], %swap3A_1445 {strides = array<i32>} : memref<8192xf32, #tpu.memory_space<vmem>>, vector<16xf32>,
      %broadcast_in_dim3A_1446 = arith.constant 0.000000e+00 : f32
      %broadcast_in_dim3A_1447 = vector.broadcast %broadcast_in_dim3A_1446 : f32 to vector<16xf32>
      %swap3A_1448 = arith.constant 3584 : index
      %swap3A_1449 = tpu.vector_load %arg9[%swap3A_1448] {strides = array<i32>} : memref<8192xf32, #tpu.memory_space<vmem>>, vector<16xf32>,
      %swap3A_1450 = vector.shape_cast %swap3A_1449 : vector<16xf32> to vector<16xf32>
      %swap3A_1451 = vector.shape_cast %broadcast_in_dim3A_1447 : vector<16xf32> to vector<16xf32>
      tpu.vector_store %arg9[%swap3A_1448], %swap3A_1451 {strides = array<i32>} : memref<8192xf32, #tpu.memory_space<vmem>>, vector<16xf32>,
      %broadcast_in_dim3A_1452 = arith.constant 0.000000e+00 : f32
      %broadcast_in_dim3A_1453 = vector.broadcast %broadcast_in_dim3A_1452 : f32 to vector<16xf32>
      %swap3A_1454 = arith.constant 3600 : index
      %swap3A_1455 = tpu.vector_load %arg9[%swap3A_1454] {strides = array<i32>} : memref<8192xf32, #tpu.memory_space<vmem>>, vector<16xf32>,
      %swap3A_1456 = vector.shape_cast %swap3A_1455 : vector<16xf32> to vector<16xf32>
      %swap3A_1457 = vector.shape_cast %broadcast_in_dim3A_1453 : vector<16xf32> to vector<16xf32>
      tpu.vector_store %arg9[%swap3A_1454], %swap3A_1457 {strides = array<i32>} : memref<8192xf32, #tpu.memory_space<vmem>>, vector<16xf32>,
      %broadcast_in_dim3A_1458 = arith.constant 0.000000e+00 : f32
      %broadcast_in_dim3A_1459 = vector.broadcast %broadcast_in_dim3A_1458 : f32 to vector<16xf32>
      %swap3A_1460 = arith.constant 3616 : index
      %swap3A_1461 = tpu.vector_load %arg9[%swap3A_1460] {strides = array<i32>} : memref<8192xf32, #tpu.memory_space<vmem>>, vector<16xf32>,
      %swap3A_1462 = vector.shape_cast %swap3A_1461 : vector<16xf32> to vector<16xf32>
      %swap3A_1463 = vector.shape_cast %broadcast_in_dim3A_1459 : vector<16xf32> to vector<16xf32>
      tpu.vector_store %arg9[%swap3A_1460], %swap3A_1463 {strides = array<i32>} : memref<8192xf32, #tpu.memory_space<vmem>>, vector<16xf32>,
      %broadcast_in_dim3A_1464 = arith.constant 0.000000e+00 : f32
      %broadcast_in_dim3A_1465 = vector.broadcast %broadcast_in_dim3A_1464 : f32 to vector<16xf32>
      %swap3A_1466 = arith.constant 3632 : index
      %swap3A_1467 = tpu.vector_load %arg9[%swap3A_1466] {strides = array<i32>} : memref<8192xf32, #tpu.memory_space<vmem>>, vector<16xf32>,
      %swap3A_1468 = vector.shape_cast %swap3A_1467 : vector<16xf32> to vector<16xf32>
      %swap3A_1469 = vector.shape_cast %broadcast_in_dim3A_1465 : vector<16xf32> to vector<16xf32>
      tpu.vector_store %arg9[%swap3A_1466], %swap3A_1469 {strides = array<i32>} : memref<8192xf32, #tpu.memory_space<vmem>>, vector<16xf32>,
      %broadcast_in_dim3A_1470 = arith.constant 0.000000e+00 : f32
      %broadcast_in_dim3A_1471 = vector.broadcast %broadcast_in_dim3A_1470 : f32 to vector<16xf32>
      %swap3A_1472 = arith.constant 3648 : index
      %swap3A_1473 = tpu.vector_load %arg9[%swap3A_1472] {strides = array<i32>} : memref<8192xf32, #tpu.memory_space<vmem>>, vector<16xf32>,
      %swap3A_1474 = vector.shape_cast %swap3A_1473 : vector<16xf32> to vector<16xf32>
      %swap3A_1475 = vector.shape_cast %broadcast_in_dim3A_1471 : vector<16xf32> to vector<16xf32>
      tpu.vector_store %arg9[%swap3A_1472], %swap3A_1475 {strides = array<i32>} : memref<8192xf32, #tpu.memory_space<vmem>>, vector<16xf32>,
      %broadcast_in_dim3A_1476 = arith.constant 0.000000e+00 : f32
      %broadcast_in_dim3A_1477 = vector.broadcast %broadcast_in_dim3A_1476 : f32 to vector<16xf32>
      %swap3A_1478 = arith.constant 3664 : index
      %swap3A_1479 = tpu.vector_load %arg9[%swap3A_1478] {strides = array<i32>} : memref<8192xf32, #tpu.memory_space<vmem>>, vector<16xf32>,
      %swap3A_1480 = vector.shape_cast %swap3A_1479 : vector<16xf32> to vector<16xf32>
      %swap3A_1481 = vector.shape_cast %broadcast_in_dim3A_1477 : vector<16xf32> to vector<16xf32>
      tpu.vector_store %arg9[%swap3A_1478], %swap3A_1481 {strides = array<i32>} : memref<8192xf32, #tpu.memory_space<vmem>>, vector<16xf32>,
      %broadcast_in_dim3A_1482 = arith.constant 0.000000e+00 : f32
      %broadcast_in_dim3A_1483 = vector.broadcast %broadcast_in_dim3A_1482 : f32 to vector<16xf32>
      %swap3A_1484 = arith.constant 3680 : index
      %swap3A_1485 = tpu.vector_load %arg9[%swap3A_1484] {strides = array<i32>} : memref<8192xf32, #tpu.memory_space<vmem>>, vector<16xf32>,
      %swap3A_1486 = vector.shape_cast %swap3A_1485 : vector<16xf32> to vector<16xf32>
      %swap3A_1487 = vector.shape_cast %broadcast_in_dim3A_1483 : vector<16xf32> to vector<16xf32>
      tpu.vector_store %arg9[%swap3A_1484], %swap3A_1487 {strides = array<i32>} : memref<8192xf32, #tpu.memory_space<vmem>>, vector<16xf32>,
      %broadcast_in_dim3A_1488 = arith.constant 0.000000e+00 : f32
      %broadcast_in_dim3A_1489 = vector.broadcast %broadcast_in_dim3A_1488 : f32 to vector<16xf32>
      %swap3A_1490 = arith.constant 3696 : index
      %swap3A_1491 = tpu.vector_load %arg9[%swap3A_1490] {strides = array<i32>} : memref<8192xf32, #tpu.memory_space<vmem>>, vector<16xf32>,
      %swap3A_1492 = vector.shape_cast %swap3A_1491 : vector<16xf32> to vector<16xf32>
      %swap3A_1493 = vector.shape_cast %broadcast_in_dim3A_1489 : vector<16xf32> to vector<16xf32>
      tpu.vector_store %arg9[%swap3A_1490], %swap3A_1493 {strides = array<i32>} : memref<8192xf32, #tpu.memory_space<vmem>>, vector<16xf32>,
      %broadcast_in_dim3A_1494 = arith.constant 0.000000e+00 : f32
      %broadcast_in_dim3A_1495 = vector.broadcast %broadcast_in_dim3A_1494 : f32 to vector<16xf32>
      %swap3A_1496 = arith.constant 3712 : index
      %swap3A_1497 = tpu.vector_load %arg9[%swap3A_1496] {strides = array<i32>} : memref<8192xf32, #tpu.memory_space<vmem>>, vector<16xf32>,
      %swap3A_1498 = vector.shape_cast %swap3A_1497 : vector<16xf32> to vector<16xf32>
      %swap3A_1499 = vector.shape_cast %broadcast_in_dim3A_1495 : vector<16xf32> to vector<16xf32>
      tpu.vector_store %arg9[%swap3A_1496], %swap3A_1499 {strides = array<i32>} : memref<8192xf32, #tpu.memory_space<vmem>>, vector<16xf32>,
      %broadcast_in_dim3A_1500 = arith.constant 0.000000e+00 : f32
      %broadcast_in_dim3A_1501 = vector.broadcast %broadcast_in_dim3A_1500 : f32 to vector<16xf32>
      %swap3A_1502 = arith.constant 3728 : index
      %swap3A_1503 = tpu.vector_load %arg9[%swap3A_1502] {strides = array<i32>} : memref<8192xf32, #tpu.memory_space<vmem>>, vector<16xf32>,
      %swap3A_1504 = vector.shape_cast %swap3A_1503 : vector<16xf32> to vector<16xf32>
      %swap3A_1505 = vector.shape_cast %broadcast_in_dim3A_1501 : vector<16xf32> to vector<16xf32>
      tpu.vector_store %arg9[%swap3A_1502], %swap3A_1505 {strides = array<i32>} : memref<8192xf32, #tpu.memory_space<vmem>>, vector<16xf32>,
      %broadcast_in_dim3A_1506 = arith.constant 0.000000e+00 : f32
      %broadcast_in_dim3A_1507 = vector.broadcast %broadcast_in_dim3A_1506 : f32 to vector<16xf32>
      %swap3A_1508 = arith.constant 3744 : index
      %swap3A_1509 = tpu.vector_load %arg9[%swap3A_1508] {strides = array<i32>} : memref<8192xf32, #tpu.memory_space<vmem>>, vector<16xf32>,
      %swap3A_1510 = vector.shape_cast %swap3A_1509 : vector<16xf32> to vector<16xf32>
      %swap3A_1511 = vector.shape_cast %broadcast_in_dim3A_1507 : vector<16xf32> to vector<16xf32>
      tpu.vector_store %arg9[%swap3A_1508], %swap3A_1511 {strides = array<i32>} : memref<8192xf32, #tpu.memory_space<vmem>>, vector<16xf32>,
      %broadcast_in_dim3A_1512 = arith.constant 0.000000e+00 : f32
      %broadcast_in_dim3A_1513 = vector.broadcast %broadcast_in_dim3A_1512 : f32 to vector<16xf32>
      %swap3A_1514 = arith.constant 3760 : index
      %swap3A_1515 = tpu.vector_load %arg9[%swap3A_1514] {strides = array<i32>} : memref<8192xf32, #tpu.memory_space<vmem>>, vector<16xf32>,
      %swap3A_1516 = vector.shape_cast %swap3A_1515 : vector<16xf32> to vector<16xf32>
      %swap3A_1517 = vector.shape_cast %broadcast_in_dim3A_1513 : vector<16xf32> to vector<16xf32>
      tpu.vector_store %arg9[%swap3A_1514], %swap3A_1517 {strides = array<i32>} : memref<8192xf32, #tpu.memory_space<vmem>>, vector<16xf32>,
      %broadcast_in_dim3A_1518 = arith.constant 0.000000e+00 : f32
      %broadcast_in_dim3A_1519 = vector.broadcast %broadcast_in_dim3A_1518 : f32 to vector<16xf32>
      %swap3A_1520 = arith.constant 3776 : index
      %swap3A_1521 = tpu.vector_load %arg9[%swap3A_1520] {strides = array<i32>} : memref<8192xf32, #tpu.memory_space<vmem>>, vector<16xf32>,
      %swap3A_1522 = vector.shape_cast %swap3A_1521 : vector<16xf32> to vector<16xf32>
      %swap3A_1523 = vector.shape_cast %broadcast_in_dim3A_1519 : vector<16xf32> to vector<16xf32>
      tpu.vector_store %arg9[%swap3A_1520], %swap3A_1523 {strides = array<i32>} : memref<8192xf32, #tpu.memory_space<vmem>>, vector<16xf32>,
      %broadcast_in_dim3A_1524 = arith.constant 0.000000e+00 : f32
      %broadcast_in_dim3A_1525 = vector.broadcast %broadcast_in_dim3A_1524 : f32 to vector<16xf32>
      %swap3A_1526 = arith.constant 3792 : index
      %swap3A_1527 = tpu.vector_load %arg9[%swap3A_1526] {strides = array<i32>} : memref<8192xf32, #tpu.memory_space<vmem>>, vector<16xf32>,
      %swap3A_1528 = vector.shape_cast %swap3A_1527 : vector<16xf32> to vector<16xf32>
      %swap3A_1529 = vector.shape_cast %broadcast_in_dim3A_1525 : vector<16xf32> to vector<16xf32>
      tpu.vector_store %arg9[%swap3A_1526], %swap3A_1529 {strides = array<i32>} : memref<8192xf32, #tpu.memory_space<vmem>>, vector<16xf32>,
      %broadcast_in_dim3A_1530 = arith.constant 0.000000e+00 : f32
      %broadcast_in_dim3A_1531 = vector.broadcast %broadcast_in_dim3A_1530 : f32 to vector<16xf32>
      %swap3A_1532 = arith.constant 3808 : index
      %swap3A_1533 = tpu.vector_load %arg9[%swap3A_1532] {strides = array<i32>} : memref<8192xf32, #tpu.memory_space<vmem>>, vector<16xf32>,
      %swap3A_1534 = vector.shape_cast %swap3A_1533 : vector<16xf32> to vector<16xf32>
      %swap3A_1535 = vector.shape_cast %broadcast_in_dim3A_1531 : vector<16xf32> to vector<16xf32>
      tpu.vector_store %arg9[%swap3A_1532], %swap3A_1535 {strides = array<i32>} : memref<8192xf32, #tpu.memory_space<vmem>>, vector<16xf32>,
      %broadcast_in_dim3A_1536 = arith.constant 0.000000e+00 : f32
      %broadcast_in_dim3A_1537 = vector.broadcast %broadcast_in_dim3A_1536 : f32 to vector<16xf32>
      %swap3A_1538 = arith.constant 3824 : index
      %swap3A_1539 = tpu.vector_load %arg9[%swap3A_1538] {strides = array<i32>} : memref<8192xf32, #tpu.memory_space<vmem>>, vector<16xf32>,
      %swap3A_1540 = vector.shape_cast %swap3A_1539 : vector<16xf32> to vector<16xf32>
      %swap3A_1541 = vector.shape_cast %broadcast_in_dim3A_1537 : vector<16xf32> to vector<16xf32>
      tpu.vector_store %arg9[%swap3A_1538], %swap3A_1541 {strides = array<i32>} : memref<8192xf32, #tpu.memory_space<vmem>>, vector<16xf32>,
      %broadcast_in_dim3A_1542 = arith.constant 0.000000e+00 : f32
      %broadcast_in_dim3A_1543 = vector.broadcast %broadcast_in_dim3A_1542 : f32 to vector<16xf32>
      %swap3A_1544 = arith.constant 3840 : index
      %swap3A_1545 = tpu.vector_load %arg9[%swap3A_1544] {strides = array<i32>} : memref<8192xf32, #tpu.memory_space<vmem>>, vector<16xf32>,
      %swap3A_1546 = vector.shape_cast %swap3A_1545 : vector<16xf32> to vector<16xf32>
      %swap3A_1547 = vector.shape_cast %broadcast_in_dim3A_1543 : vector<16xf32> to vector<16xf32>
      tpu.vector_store %arg9[%swap3A_1544], %swap3A_1547 {strides = array<i32>} : memref<8192xf32, #tpu.memory_space<vmem>>, vector<16xf32>,
      %broadcast_in_dim3A_1548 = arith.constant 0.000000e+00 : f32
      %broadcast_in_dim3A_1549 = vector.broadcast %broadcast_in_dim3A_1548 : f32 to vector<16xf32>
      %swap3A_1550 = arith.constant 3856 : index
      %swap3A_1551 = tpu.vector_load %arg9[%swap3A_1550] {strides = array<i32>} : memref<8192xf32, #tpu.memory_space<vmem>>, vector<16xf32>,
      %swap3A_1552 = vector.shape_cast %swap3A_1551 : vector<16xf32> to vector<16xf32>
      %swap3A_1553 = vector.shape_cast %broadcast_in_dim3A_1549 : vector<16xf32> to vector<16xf32>
      tpu.vector_store %arg9[%swap3A_1550], %swap3A_1553 {strides = array<i32>} : memref<8192xf32, #tpu.memory_space<vmem>>, vector<16xf32>,
      %broadcast_in_dim3A_1554 = arith.constant 0.000000e+00 : f32
      %broadcast_in_dim3A_1555 = vector.broadcast %broadcast_in_dim3A_1554 : f32 to vector<16xf32>
      %swap3A_1556 = arith.constant 3872 : index
      %swap3A_1557 = tpu.vector_load %arg9[%swap3A_1556] {strides = array<i32>} : memref<8192xf32, #tpu.memory_space<vmem>>, vector<16xf32>,
      %swap3A_1558 = vector.shape_cast %swap3A_1557 : vector<16xf32> to vector<16xf32>
      %swap3A_1559 = vector.shape_cast %broadcast_in_dim3A_1555 : vector<16xf32> to vector<16xf32>
      tpu.vector_store %arg9[%swap3A_1556], %swap3A_1559 {strides = array<i32>} : memref<8192xf32, #tpu.memory_space<vmem>>, vector<16xf32>,
      %broadcast_in_dim3A_1560 = arith.constant 0.000000e+00 : f32
      %broadcast_in_dim3A_1561 = vector.broadcast %broadcast_in_dim3A_1560 : f32 to vector<16xf32>
      %swap3A_1562 = arith.constant 3888 : index
      %swap3A_1563 = tpu.vector_load %arg9[%swap3A_1562] {strides = array<i32>} : memref<8192xf32, #tpu.memory_space<vmem>>, vector<16xf32>,
      %swap3A_1564 = vector.shape_cast %swap3A_1563 : vector<16xf32> to vector<16xf32>
      %swap3A_1565 = vector.shape_cast %broadcast_in_dim3A_1561 : vector<16xf32> to vector<16xf32>
      tpu.vector_store %arg9[%swap3A_1562], %swap3A_1565 {strides = array<i32>} : memref<8192xf32, #tpu.memory_space<vmem>>, vector<16xf32>,
      %broadcast_in_dim3A_1566 = arith.constant 0.000000e+00 : f32
      %broadcast_in_dim3A_1567 = vector.broadcast %broadcast_in_dim3A_1566 : f32 to vector<16xf32>
      %swap3A_1568 = arith.constant 3904 : index
      %swap3A_1569 = tpu.vector_load %arg9[%swap3A_1568] {strides = array<i32>} : memref<8192xf32, #tpu.memory_space<vmem>>, vector<16xf32>,
      %swap3A_1570 = vector.shape_cast %swap3A_1569 : vector<16xf32> to vector<16xf32>
      %swap3A_1571 = vector.shape_cast %broadcast_in_dim3A_1567 : vector<16xf32> to vector<16xf32>
      tpu.vector_store %arg9[%swap3A_1568], %swap3A_1571 {strides = array<i32>} : memref<8192xf32, #tpu.memory_space<vmem>>, vector<16xf32>,
      %broadcast_in_dim3A_1572 = arith.constant 0.000000e+00 : f32
      %broadcast_in_dim3A_1573 = vector.broadcast %broadcast_in_dim3A_1572 : f32 to vector<16xf32>
      %swap3A_1574 = arith.constant 3920 : index
      %swap3A_1575 = tpu.vector_load %arg9[%swap3A_1574] {strides = array<i32>} : memref<8192xf32, #tpu.memory_space<vmem>>, vector<16xf32>,
      %swap3A_1576 = vector.shape_cast %swap3A_1575 : vector<16xf32> to vector<16xf32>
      %swap3A_1577 = vector.shape_cast %broadcast_in_dim3A_1573 : vector<16xf32> to vector<16xf32>
      tpu.vector_store %arg9[%swap3A_1574], %swap3A_1577 {strides = array<i32>} : memref<8192xf32, #tpu.memory_space<vmem>>, vector<16xf32>,
      %broadcast_in_dim3A_1578 = arith.constant 0.000000e+00 : f32
      %broadcast_in_dim3A_1579 = vector.broadcast %broadcast_in_dim3A_1578 : f32 to vector<16xf32>
      %swap3A_1580 = arith.constant 3936 : index
      %swap3A_1581 = tpu.vector_load %arg9[%swap3A_1580] {strides = array<i32>} : memref<8192xf32, #tpu.memory_space<vmem>>, vector<16xf32>,
      %swap3A_1582 = vector.shape_cast %swap3A_1581 : vector<16xf32> to vector<16xf32>
      %swap3A_1583 = vector.shape_cast %broadcast_in_dim3A_1579 : vector<16xf32> to vector<16xf32>
      tpu.vector_store %arg9[%swap3A_1580], %swap3A_1583 {strides = array<i32>} : memref<8192xf32, #tpu.memory_space<vmem>>, vector<16xf32>,
      %broadcast_in_dim3A_1584 = arith.constant 0.000000e+00 : f32
      %broadcast_in_dim3A_1585 = vector.broadcast %broadcast_in_dim3A_1584 : f32 to vector<16xf32>
      %swap3A_1586 = arith.constant 3952 : index
      %swap3A_1587 = tpu.vector_load %arg9[%swap3A_1586] {strides = array<i32>} : memref<8192xf32, #tpu.memory_space<vmem>>, vector<16xf32>,
      %swap3A_1588 = vector.shape_cast %swap3A_1587 : vector<16xf32> to vector<16xf32>
      %swap3A_1589 = vector.shape_cast %broadcast_in_dim3A_1585 : vector<16xf32> to vector<16xf32>
      tpu.vector_store %arg9[%swap3A_1586], %swap3A_1589 {strides = array<i32>} : memref<8192xf32, #tpu.memory_space<vmem>>, vector<16xf32>,
      %broadcast_in_dim3A_1590 = arith.constant 0.000000e+00 : f32
      %broadcast_in_dim3A_1591 = vector.broadcast %broadcast_in_dim3A_1590 : f32 to vector<16xf32>
      %swap3A_1592 = arith.constant 3968 : index
      %swap3A_1593 = tpu.vector_load %arg9[%swap3A_1592] {strides = array<i32>} : memref<8192xf32, #tpu.memory_space<vmem>>, vector<16xf32>,
      %swap3A_1594 = vector.shape_cast %swap3A_1593 : vector<16xf32> to vector<16xf32>
      %swap3A_1595 = vector.shape_cast %broadcast_in_dim3A_1591 : vector<16xf32> to vector<16xf32>
      tpu.vector_store %arg9[%swap3A_1592], %swap3A_1595 {strides = array<i32>} : memref<8192xf32, #tpu.memory_space<vmem>>, vector<16xf32>,
      %broadcast_in_dim3A_1596 = arith.constant 0.000000e+00 : f32
      %broadcast_in_dim3A_1597 = vector.broadcast %broadcast_in_dim3A_1596 : f32 to vector<16xf32>
      %swap3A_1598 = arith.constant 3984 : index
      %swap3A_1599 = tpu.vector_load %arg9[%swap3A_1598] {strides = array<i32>} : memref<8192xf32, #tpu.memory_space<vmem>>, vector<16xf32>,
      %swap3A_1600 = vector.shape_cast %swap3A_1599 : vector<16xf32> to vector<16xf32>
      %swap3A_1601 = vector.shape_cast %broadcast_in_dim3A_1597 : vector<16xf32> to vector<16xf32>
      tpu.vector_store %arg9[%swap3A_1598], %swap3A_1601 {strides = array<i32>} : memref<8192xf32, #tpu.memory_space<vmem>>, vector<16xf32>,
      %broadcast_in_dim3A_1602 = arith.constant 0.000000e+00 : f32
      %broadcast_in_dim3A_1603 = vector.broadcast %broadcast_in_dim3A_1602 : f32 to vector<16xf32>
      %swap3A_1604 = arith.constant 4000 : index
      %swap3A_1605 = tpu.vector_load %arg9[%swap3A_1604] {strides = array<i32>} : memref<8192xf32, #tpu.memory_space<vmem>>, vector<16xf32>,
      %swap3A_1606 = vector.shape_cast %swap3A_1605 : vector<16xf32> to vector<16xf32>
      %swap3A_1607 = vector.shape_cast %broadcast_in_dim3A_1603 : vector<16xf32> to vector<16xf32>
      tpu.vector_store %arg9[%swap3A_1604], %swap3A_1607 {strides = array<i32>} : memref<8192xf32, #tpu.memory_space<vmem>>, vector<16xf32>,
      %broadcast_in_dim3A_1608 = arith.constant 0.000000e+00 : f32
      %broadcast_in_dim3A_1609 = vector.broadcast %broadcast_in_dim3A_1608 : f32 to vector<16xf32>
      %swap3A_1610 = arith.constant 4016 : index
      %swap3A_1611 = tpu.vector_load %arg9[%swap3A_1610] {strides = array<i32>} : memref<8192xf32, #tpu.memory_space<vmem>>, vector<16xf32>,
      %swap3A_1612 = vector.shape_cast %swap3A_1611 : vector<16xf32> to vector<16xf32>
      %swap3A_1613 = vector.shape_cast %broadcast_in_dim3A_1609 : vector<16xf32> to vector<16xf32>
      tpu.vector_store %arg9[%swap3A_1610], %swap3A_1613 {strides = array<i32>} : memref<8192xf32, #tpu.memory_space<vmem>>, vector<16xf32>,
      %broadcast_in_dim3A_1614 = arith.constant 0.000000e+00 : f32
      %broadcast_in_dim3A_1615 = vector.broadcast %broadcast_in_dim3A_1614 : f32 to vector<16xf32>
      %swap3A_1616 = arith.constant 4032 : index
      %swap3A_1617 = tpu.vector_load %arg9[%swap3A_1616] {strides = array<i32>} : memref<8192xf32, #tpu.memory_space<vmem>>, vector<16xf32>,
      %swap3A_1618 = vector.shape_cast %swap3A_1617 : vector<16xf32> to vector<16xf32>
      %swap3A_1619 = vector.shape_cast %broadcast_in_dim3A_1615 : vector<16xf32> to vector<16xf32>
      tpu.vector_store %arg9[%swap3A_1616], %swap3A_1619 {strides = array<i32>} : memref<8192xf32, #tpu.memory_space<vmem>>, vector<16xf32>,
      %broadcast_in_dim3A_1620 = arith.constant 0.000000e+00 : f32
      %broadcast_in_dim3A_1621 = vector.broadcast %broadcast_in_dim3A_1620 : f32 to vector<16xf32>
      %swap3A_1622 = arith.constant 4048 : index
      %swap3A_1623 = tpu.vector_load %arg9[%swap3A_1622] {strides = array<i32>} : memref<8192xf32, #tpu.memory_space<vmem>>, vector<16xf32>,
      %swap3A_1624 = vector.shape_cast %swap3A_1623 : vector<16xf32> to vector<16xf32>
      %swap3A_1625 = vector.shape_cast %broadcast_in_dim3A_1621 : vector<16xf32> to vector<16xf32>
      tpu.vector_store %arg9[%swap3A_1622], %swap3A_1625 {strides = array<i32>} : memref<8192xf32, #tpu.memory_space<vmem>>, vector<16xf32>,
      %broadcast_in_dim3A_1626 = arith.constant 0.000000e+00 : f32
      %broadcast_in_dim3A_1627 = vector.broadcast %broadcast_in_dim3A_1626 : f32 to vector<16xf32>
      %swap3A_1628 = arith.constant 4064 : index
      %swap3A_1629 = tpu.vector_load %arg9[%swap3A_1628] {strides = array<i32>} : memref<8192xf32, #tpu.memory_space<vmem>>, vector<16xf32>,
      %swap3A_1630 = vector.shape_cast %swap3A_1629 : vector<16xf32> to vector<16xf32>
      %swap3A_1631 = vector.shape_cast %broadcast_in_dim3A_1627 : vector<16xf32> to vector<16xf32>
      tpu.vector_store %arg9[%swap3A_1628], %swap3A_1631 {strides = array<i32>} : memref<8192xf32, #tpu.memory_space<vmem>>, vector<16xf32>,
      %broadcast_in_dim3A_1632 = arith.constant 0.000000e+00 : f32
      %broadcast_in_dim3A_1633 = vector.broadcast %broadcast_in_dim3A_1632 : f32 to vector<16xf32>
      %swap3A_1634 = arith.constant 4080 : index
      %swap3A_1635 = tpu.vector_load %arg9[%swap3A_1634] {strides = array<i32>} : memref<8192xf32, #tpu.memory_space<vmem>>, vector<16xf32>,
      %swap3A_1636 = vector.shape_cast %swap3A_1635 : vector<16xf32> to vector<16xf32>
      %swap3A_1637 = vector.shape_cast %broadcast_in_dim3A_1633 : vector<16xf32> to vector<16xf32>
      tpu.vector_store %arg9[%swap3A_1634], %swap3A_1637 {strides = array<i32>} : memref<8192xf32, #tpu.memory_space<vmem>>, vector<16xf32>,
      %broadcast_in_dim3A_1638 = arith.constant 0.000000e+00 : f32
      %broadcast_in_dim3A_1639 = vector.broadcast %broadcast_in_dim3A_1638 : f32 to vector<16xf32>
      %swap3A_1640 = arith.constant 4096 : index
      %swap3A_1641 = tpu.vector_load %arg9[%swap3A_1640] {strides = array<i32>} : memref<8192xf32, #tpu.memory_space<vmem>>, vector<16xf32>,
      %swap3A_1642 = vector.shape_cast %swap3A_1641 : vector<16xf32> to vector<16xf32>
      %swap3A_1643 = vector.shape_cast %broadcast_in_dim3A_1639 : vector<16xf32> to vector<16xf32>
      tpu.vector_store %arg9[%swap3A_1640], %swap3A_1643 {strides = array<i32>} : memref<8192xf32, #tpu.memory_space<vmem>>, vector<16xf32>,
      %broadcast_in_dim3A_1644 = arith.constant 0.000000e+00 : f32
      %broadcast_in_dim3A_1645 = vector.broadcast %broadcast_in_dim3A_1644 : f32 to vector<16xf32>
      %swap3A_1646 = arith.constant 4112 : index
      %swap3A_1647 = tpu.vector_load %arg9[%swap3A_1646] {strides = array<i32>} : memref<8192xf32, #tpu.memory_space<vmem>>, vector<16xf32>,
      %swap3A_1648 = vector.shape_cast %swap3A_1647 : vector<16xf32> to vector<16xf32>
      %swap3A_1649 = vector.shape_cast %broadcast_in_dim3A_1645 : vector<16xf32> to vector<16xf32>
      tpu.vector_store %arg9[%swap3A_1646], %swap3A_1649 {strides = array<i32>} : memref<8192xf32, #tpu.memory_space<vmem>>, vector<16xf32>,
      %broadcast_in_dim3A_1650 = arith.constant 0.000000e+00 : f32
      %broadcast_in_dim3A_1651 = vector.broadcast %broadcast_in_dim3A_1650 : f32 to vector<16xf32>
      %swap3A_1652 = arith.constant 4128 : index
      %swap3A_1653 = tpu.vector_load %arg9[%swap3A_1652] {strides = array<i32>} : memref<8192xf32, #tpu.memory_space<vmem>>, vector<16xf32>,
      %swap3A_1654 = vector.shape_cast %swap3A_1653 : vector<16xf32> to vector<16xf32>
      %swap3A_1655 = vector.shape_cast %broadcast_in_dim3A_1651 : vector<16xf32> to vector<16xf32>
      tpu.vector_store %arg9[%swap3A_1652], %swap3A_1655 {strides = array<i32>} : memref<8192xf32, #tpu.memory_space<vmem>>, vector<16xf32>,
      %broadcast_in_dim3A_1656 = arith.constant 0.000000e+00 : f32
      %broadcast_in_dim3A_1657 = vector.broadcast %broadcast_in_dim3A_1656 : f32 to vector<16xf32>
      %swap3A_1658 = arith.constant 4144 : index
      %swap3A_1659 = tpu.vector_load %arg9[%swap3A_1658] {strides = array<i32>} : memref<8192xf32, #tpu.memory_space<vmem>>, vector<16xf32>,
      %swap3A_1660 = vector.shape_cast %swap3A_1659 : vector<16xf32> to vector<16xf32>
      %swap3A_1661 = vector.shape_cast %broadcast_in_dim3A_1657 : vector<16xf32> to vector<16xf32>
      tpu.vector_store %arg9[%swap3A_1658], %swap3A_1661 {strides = array<i32>} : memref<8192xf32, #tpu.memory_space<vmem>>, vector<16xf32>,
      %broadcast_in_dim3A_1662 = arith.constant 0.000000e+00 : f32
      %broadcast_in_dim3A_1663 = vector.broadcast %broadcast_in_dim3A_1662 : f32 to vector<16xf32>
      %swap3A_1664 = arith.constant 4160 : index
      %swap3A_1665 = tpu.vector_load %arg9[%swap3A_1664] {strides = array<i32>} : memref<8192xf32, #tpu.memory_space<vmem>>, vector<16xf32>,
      %swap3A_1666 = vector.shape_cast %swap3A_1665 : vector<16xf32> to vector<16xf32>
      %swap3A_1667 = vector.shape_cast %broadcast_in_dim3A_1663 : vector<16xf32> to vector<16xf32>
      tpu.vector_store %arg9[%swap3A_1664], %swap3A_1667 {strides = array<i32>} : memref<8192xf32, #tpu.memory_space<vmem>>, vector<16xf32>,
      %broadcast_in_dim3A_1668 = arith.constant 0.000000e+00 : f32
      %broadcast_in_dim3A_1669 = vector.broadcast %broadcast_in_dim3A_1668 : f32 to vector<16xf32>
      %swap3A_1670 = arith.constant 4176 : index
      %swap3A_1671 = tpu.vector_load %arg9[%swap3A_1670] {strides = array<i32>} : memref<8192xf32, #tpu.memory_space<vmem>>, vector<16xf32>,
      %swap3A_1672 = vector.shape_cast %swap3A_1671 : vector<16xf32> to vector<16xf32>
      %swap3A_1673 = vector.shape_cast %broadcast_in_dim3A_1669 : vector<16xf32> to vector<16xf32>
      tpu.vector_store %arg9[%swap3A_1670], %swap3A_1673 {strides = array<i32>} : memref<8192xf32, #tpu.memory_space<vmem>>, vector<16xf32>,
      %broadcast_in_dim3A_1674 = arith.constant 0.000000e+00 : f32
      %broadcast_in_dim3A_1675 = vector.broadcast %broadcast_in_dim3A_1674 : f32 to vector<16xf32>
      %swap3A_1676 = arith.constant 4192 : index
      %swap3A_1677 = tpu.vector_load %arg9[%swap3A_1676] {strides = array<i32>} : memref<8192xf32, #tpu.memory_space<vmem>>, vector<16xf32>,
      %swap3A_1678 = vector.shape_cast %swap3A_1677 : vector<16xf32> to vector<16xf32>
      %swap3A_1679 = vector.shape_cast %broadcast_in_dim3A_1675 : vector<16xf32> to vector<16xf32>
      tpu.vector_store %arg9[%swap3A_1676], %swap3A_1679 {strides = array<i32>} : memref<8192xf32, #tpu.memory_space<vmem>>, vector<16xf32>,
      %broadcast_in_dim3A_1680 = arith.constant 0.000000e+00 : f32
      %broadcast_in_dim3A_1681 = vector.broadcast %broadcast_in_dim3A_1680 : f32 to vector<16xf32>
      %swap3A_1682 = arith.constant 4208 : index
      %swap3A_1683 = tpu.vector_load %arg9[%swap3A_1682] {strides = array<i32>} : memref<8192xf32, #tpu.memory_space<vmem>>, vector<16xf32>,
      %swap3A_1684 = vector.shape_cast %swap3A_1683 : vector<16xf32> to vector<16xf32>
      %swap3A_1685 = vector.shape_cast %broadcast_in_dim3A_1681 : vector<16xf32> to vector<16xf32>
      tpu.vector_store %arg9[%swap3A_1682], %swap3A_1685 {strides = array<i32>} : memref<8192xf32, #tpu.memory_space<vmem>>, vector<16xf32>,
      %broadcast_in_dim3A_1686 = arith.constant 0.000000e+00 : f32
      %broadcast_in_dim3A_1687 = vector.broadcast %broadcast_in_dim3A_1686 : f32 to vector<16xf32>
      %swap3A_1688 = arith.constant 4224 : index
      %swap3A_1689 = tpu.vector_load %arg9[%swap3A_1688] {strides = array<i32>} : memref<8192xf32, #tpu.memory_space<vmem>>, vector<16xf32>,
      %swap3A_1690 = vector.shape_cast %swap3A_1689 : vector<16xf32> to vector<16xf32>
      %swap3A_1691 = vector.shape_cast %broadcast_in_dim3A_1687 : vector<16xf32> to vector<16xf32>
      tpu.vector_store %arg9[%swap3A_1688], %swap3A_1691 {strides = array<i32>} : memref<8192xf32, #tpu.memory_space<vmem>>, vector<16xf32>,
      %broadcast_in_dim3A_1692 = arith.constant 0.000000e+00 : f32
      %broadcast_in_dim3A_1693 = vector.broadcast %broadcast_in_dim3A_1692 : f32 to vector<16xf32>
      %swap3A_1694 = arith.constant 4240 : index
      %swap3A_1695 = tpu.vector_load %arg9[%swap3A_1694] {strides = array<i32>} : memref<8192xf32, #tpu.memory_space<vmem>>, vector<16xf32>,
      %swap3A_1696 = vector.shape_cast %swap3A_1695 : vector<16xf32> to vector<16xf32>
      %swap3A_1697 = vector.shape_cast %broadcast_in_dim3A_1693 : vector<16xf32> to vector<16xf32>
      tpu.vector_store %arg9[%swap3A_1694], %swap3A_1697 {strides = array<i32>} : memref<8192xf32, #tpu.memory_space<vmem>>, vector<16xf32>,
      %broadcast_in_dim3A_1698 = arith.constant 0.000000e+00 : f32
      %broadcast_in_dim3A_1699 = vector.broadcast %broadcast_in_dim3A_1698 : f32 to vector<16xf32>
      %swap3A_1700 = arith.constant 4256 : index
      %swap3A_1701 = tpu.vector_load %arg9[%swap3A_1700] {strides = array<i32>} : memref<8192xf32, #tpu.memory_space<vmem>>, vector<16xf32>,
      %swap3A_1702 = vector.shape_cast %swap3A_1701 : vector<16xf32> to vector<16xf32>
      %swap3A_1703 = vector.shape_cast %broadcast_in_dim3A_1699 : vector<16xf32> to vector<16xf32>
      tpu.vector_store %arg9[%swap3A_1700], %swap3A_1703 {strides = array<i32>} : memref<8192xf32, #tpu.memory_space<vmem>>, vector<16xf32>,
      %broadcast_in_dim3A_1704 = arith.constant 0.000000e+00 : f32
      %broadcast_in_dim3A_1705 = vector.broadcast %broadcast_in_dim3A_1704 : f32 to vector<16xf32>
      %swap3A_1706 = arith.constant 4272 : index
      %swap3A_1707 = tpu.vector_load %arg9[%swap3A_1706] {strides = array<i32>} : memref<8192xf32, #tpu.memory_space<vmem>>, vector<16xf32>,
      %swap3A_1708 = vector.shape_cast %swap3A_1707 : vector<16xf32> to vector<16xf32>
      %swap3A_1709 = vector.shape_cast %broadcast_in_dim3A_1705 : vector<16xf32> to vector<16xf32>
      tpu.vector_store %arg9[%swap3A_1706], %swap3A_1709 {strides = array<i32>} : memref<8192xf32, #tpu.memory_space<vmem>>, vector<16xf32>,
      %broadcast_in_dim3A_1710 = arith.constant 0.000000e+00 : f32
      %broadcast_in_dim3A_1711 = vector.broadcast %broadcast_in_dim3A_1710 : f32 to vector<16xf32>
      %swap3A_1712 = arith.constant 4288 : index
      %swap3A_1713 = tpu.vector_load %arg9[%swap3A_1712] {strides = array<i32>} : memref<8192xf32, #tpu.memory_space<vmem>>, vector<16xf32>,
      %swap3A_1714 = vector.shape_cast %swap3A_1713 : vector<16xf32> to vector<16xf32>
      %swap3A_1715 = vector.shape_cast %broadcast_in_dim3A_1711 : vector<16xf32> to vector<16xf32>
      tpu.vector_store %arg9[%swap3A_1712], %swap3A_1715 {strides = array<i32>} : memref<8192xf32, #tpu.memory_space<vmem>>, vector<16xf32>,
      %broadcast_in_dim3A_1716 = arith.constant 0.000000e+00 : f32
      %broadcast_in_dim3A_1717 = vector.broadcast %broadcast_in_dim3A_1716 : f32 to vector<16xf32>
      %swap3A_1718 = arith.constant 4304 : index
      %swap3A_1719 = tpu.vector_load %arg9[%swap3A_1718] {strides = array<i32>} : memref<8192xf32, #tpu.memory_space<vmem>>, vector<16xf32>,
      %swap3A_1720 = vector.shape_cast %swap3A_1719 : vector<16xf32> to vector<16xf32>
      %swap3A_1721 = vector.shape_cast %broadcast_in_dim3A_1717 : vector<16xf32> to vector<16xf32>
      tpu.vector_store %arg9[%swap3A_1718], %swap3A_1721 {strides = array<i32>} : memref<8192xf32, #tpu.memory_space<vmem>>, vector<16xf32>,
      %broadcast_in_dim3A_1722 = arith.constant 0.000000e+00 : f32
      %broadcast_in_dim3A_1723 = vector.broadcast %broadcast_in_dim3A_1722 : f32 to vector<16xf32>
      %swap3A_1724 = arith.constant 4320 : index
      %swap3A_1725 = tpu.vector_load %arg9[%swap3A_1724] {strides = array<i32>} : memref<8192xf32, #tpu.memory_space<vmem>>, vector<16xf32>,
      %swap3A_1726 = vector.shape_cast %swap3A_1725 : vector<16xf32> to vector<16xf32>
      %swap3A_1727 = vector.shape_cast %broadcast_in_dim3A_1723 : vector<16xf32> to vector<16xf32>
      tpu.vector_store %arg9[%swap3A_1724], %swap3A_1727 {strides = array<i32>} : memref<8192xf32, #tpu.memory_space<vmem>>, vector<16xf32>,
      %broadcast_in_dim3A_1728 = arith.constant 0.000000e+00 : f32
      %broadcast_in_dim3A_1729 = vector.broadcast %broadcast_in_dim3A_1728 : f32 to vector<16xf32>
      %swap3A_1730 = arith.constant 4336 : index
      %swap3A_1731 = tpu.vector_load %arg9[%swap3A_1730] {strides = array<i32>} : memref<8192xf32, #tpu.memory_space<vmem>>, vector<16xf32>,
      %swap3A_1732 = vector.shape_cast %swap3A_1731 : vector<16xf32> to vector<16xf32>
      %swap3A_1733 = vector.shape_cast %broadcast_in_dim3A_1729 : vector<16xf32> to vector<16xf32>
      tpu.vector_store %arg9[%swap3A_1730], %swap3A_1733 {strides = array<i32>} : memref<8192xf32, #tpu.memory_space<vmem>>, vector<16xf32>,
      %broadcast_in_dim3A_1734 = arith.constant 0.000000e+00 : f32
      %broadcast_in_dim3A_1735 = vector.broadcast %broadcast_in_dim3A_1734 : f32 to vector<16xf32>
      %swap3A_1736 = arith.constant 4352 : index
      %swap3A_1737 = tpu.vector_load %arg9[%swap3A_1736] {strides = array<i32>} : memref<8192xf32, #tpu.memory_space<vmem>>, vector<16xf32>,
      %swap3A_1738 = vector.shape_cast %swap3A_1737 : vector<16xf32> to vector<16xf32>
      %swap3A_1739 = vector.shape_cast %broadcast_in_dim3A_1735 : vector<16xf32> to vector<16xf32>
      tpu.vector_store %arg9[%swap3A_1736], %swap3A_1739 {strides = array<i32>} : memref<8192xf32, #tpu.memory_space<vmem>>, vector<16xf32>,
      %broadcast_in_dim3A_1740 = arith.constant 0.000000e+00 : f32
      %broadcast_in_dim3A_1741 = vector.broadcast %broadcast_in_dim3A_1740 : f32 to vector<16xf32>
      %swap3A_1742 = arith.constant 4368 : index
      %swap3A_1743 = tpu.vector_load %arg9[%swap3A_1742] {strides = array<i32>} : memref<8192xf32, #tpu.memory_space<vmem>>, vector<16xf32>,
      %swap3A_1744 = vector.shape_cast %swap3A_1743 : vector<16xf32> to vector<16xf32>
      %swap3A_1745 = vector.shape_cast %broadcast_in_dim3A_1741 : vector<16xf32> to vector<16xf32>
      tpu.vector_store %arg9[%swap3A_1742], %swap3A_1745 {strides = array<i32>} : memref<8192xf32, #tpu.memory_space<vmem>>, vector<16xf32>,
      %broadcast_in_dim3A_1746 = arith.constant 0.000000e+00 : f32
      %broadcast_in_dim3A_1747 = vector.broadcast %broadcast_in_dim3A_1746 : f32 to vector<16xf32>
      %swap3A_1748 = arith.constant 4384 : index
      %swap3A_1749 = tpu.vector_load %arg9[%swap3A_1748] {strides = array<i32>} : memref<8192xf32, #tpu.memory_space<vmem>>, vector<16xf32>,
      %swap3A_1750 = vector.shape_cast %swap3A_1749 : vector<16xf32> to vector<16xf32>
      %swap3A_1751 = vector.shape_cast %broadcast_in_dim3A_1747 : vector<16xf32> to vector<16xf32>
      tpu.vector_store %arg9[%swap3A_1748], %swap3A_1751 {strides = array<i32>} : memref<8192xf32, #tpu.memory_space<vmem>>, vector<16xf32>,
      %broadcast_in_dim3A_1752 = arith.constant 0.000000e+00 : f32
      %broadcast_in_dim3A_1753 = vector.broadcast %broadcast_in_dim3A_1752 : f32 to vector<16xf32>
      %swap3A_1754 = arith.constant 4400 : index
      %swap3A_1755 = tpu.vector_load %arg9[%swap3A_1754] {strides = array<i32>} : memref<8192xf32, #tpu.memory_space<vmem>>, vector<16xf32>,
      %swap3A_1756 = vector.shape_cast %swap3A_1755 : vector<16xf32> to vector<16xf32>
      %swap3A_1757 = vector.shape_cast %broadcast_in_dim3A_1753 : vector<16xf32> to vector<16xf32>
      tpu.vector_store %arg9[%swap3A_1754], %swap3A_1757 {strides = array<i32>} : memref<8192xf32, #tpu.memory_space<vmem>>, vector<16xf32>,
      %broadcast_in_dim3A_1758 = arith.constant 0.000000e+00 : f32
      %broadcast_in_dim3A_1759 = vector.broadcast %broadcast_in_dim3A_1758 : f32 to vector<16xf32>
      %swap3A_1760 = arith.constant 4416 : index
      %swap3A_1761 = tpu.vector_load %arg9[%swap3A_1760] {strides = array<i32>} : memref<8192xf32, #tpu.memory_space<vmem>>, vector<16xf32>,
      %swap3A_1762 = vector.shape_cast %swap3A_1761 : vector<16xf32> to vector<16xf32>
      %swap3A_1763 = vector.shape_cast %broadcast_in_dim3A_1759 : vector<16xf32> to vector<16xf32>
      tpu.vector_store %arg9[%swap3A_1760], %swap3A_1763 {strides = array<i32>} : memref<8192xf32, #tpu.memory_space<vmem>>, vector<16xf32>,
      %broadcast_in_dim3A_1764 = arith.constant 0.000000e+00 : f32
      %broadcast_in_dim3A_1765 = vector.broadcast %broadcast_in_dim3A_1764 : f32 to vector<16xf32>
      %swap3A_1766 = arith.constant 4432 : index
      %swap3A_1767 = tpu.vector_load %arg9[%swap3A_1766] {strides = array<i32>} : memref<8192xf32, #tpu.memory_space<vmem>>, vector<16xf32>,
      %swap3A_1768 = vector.shape_cast %swap3A_1767 : vector<16xf32> to vector<16xf32>
      %swap3A_1769 = vector.shape_cast %broadcast_in_dim3A_1765 : vector<16xf32> to vector<16xf32>
      tpu.vector_store %arg9[%swap3A_1766], %swap3A_1769 {strides = array<i32>} : memref<8192xf32, #tpu.memory_space<vmem>>, vector<16xf32>,
      %broadcast_in_dim3A_1770 = arith.constant 0.000000e+00 : f32
      %broadcast_in_dim3A_1771 = vector.broadcast %broadcast_in_dim3A_1770 : f32 to vector<16xf32>
      %swap3A_1772 = arith.constant 4448 : index
      %swap3A_1773 = tpu.vector_load %arg9[%swap3A_1772] {strides = array<i32>} : memref<8192xf32, #tpu.memory_space<vmem>>, vector<16xf32>,
      %swap3A_1774 = vector.shape_cast %swap3A_1773 : vector<16xf32> to vector<16xf32>
      %swap3A_1775 = vector.shape_cast %broadcast_in_dim3A_1771 : vector<16xf32> to vector<16xf32>
      tpu.vector_store %arg9[%swap3A_1772], %swap3A_1775 {strides = array<i32>} : memref<8192xf32, #tpu.memory_space<vmem>>, vector<16xf32>,
      %broadcast_in_dim3A_1776 = arith.constant 0.000000e+00 : f32
      %broadcast_in_dim3A_1777 = vector.broadcast %broadcast_in_dim3A_1776 : f32 to vector<16xf32>
      %swap3A_1778 = arith.constant 4464 : index
      %swap3A_1779 = tpu.vector_load %arg9[%swap3A_1778] {strides = array<i32>} : memref<8192xf32, #tpu.memory_space<vmem>>, vector<16xf32>,
      %swap3A_1780 = vector.shape_cast %swap3A_1779 : vector<16xf32> to vector<16xf32>
      %swap3A_1781 = vector.shape_cast %broadcast_in_dim3A_1777 : vector<16xf32> to vector<16xf32>
      tpu.vector_store %arg9[%swap3A_1778], %swap3A_1781 {strides = array<i32>} : memref<8192xf32, #tpu.memory_space<vmem>>, vector<16xf32>,
      %broadcast_in_dim3A_1782 = arith.constant 0.000000e+00 : f32
      %broadcast_in_dim3A_1783 = vector.broadcast %broadcast_in_dim3A_1782 : f32 to vector<16xf32>
      %swap3A_1784 = arith.constant 4480 : index
      %swap3A_1785 = tpu.vector_load %arg9[%swap3A_1784] {strides = array<i32>} : memref<8192xf32, #tpu.memory_space<vmem>>, vector<16xf32>,
      %swap3A_1786 = vector.shape_cast %swap3A_1785 : vector<16xf32> to vector<16xf32>
      %swap3A_1787 = vector.shape_cast %broadcast_in_dim3A_1783 : vector<16xf32> to vector<16xf32>
      tpu.vector_store %arg9[%swap3A_1784], %swap3A_1787 {strides = array<i32>} : memref<8192xf32, #tpu.memory_space<vmem>>, vector<16xf32>,
      %broadcast_in_dim3A_1788 = arith.constant 0.000000e+00 : f32
      %broadcast_in_dim3A_1789 = vector.broadcast %broadcast_in_dim3A_1788 : f32 to vector<16xf32>
      %swap3A_1790 = arith.constant 4496 : index
      %swap3A_1791 = tpu.vector_load %arg9[%swap3A_1790] {strides = array<i32>} : memref<8192xf32, #tpu.memory_space<vmem>>, vector<16xf32>,
      %swap3A_1792 = vector.shape_cast %swap3A_1791 : vector<16xf32> to vector<16xf32>
      %swap3A_1793 = vector.shape_cast %broadcast_in_dim3A_1789 : vector<16xf32> to vector<16xf32>
      tpu.vector_store %arg9[%swap3A_1790], %swap3A_1793 {strides = array<i32>} : memref<8192xf32, #tpu.memory_space<vmem>>, vector<16xf32>,
      %broadcast_in_dim3A_1794 = arith.constant 0.000000e+00 : f32
      %broadcast_in_dim3A_1795 = vector.broadcast %broadcast_in_dim3A_1794 : f32 to vector<16xf32>
      %swap3A_1796 = arith.constant 4512 : index
      %swap3A_1797 = tpu.vector_load %arg9[%swap3A_1796] {strides = array<i32>} : memref<8192xf32, #tpu.memory_space<vmem>>, vector<16xf32>,
      %swap3A_1798 = vector.shape_cast %swap3A_1797 : vector<16xf32> to vector<16xf32>
      %swap3A_1799 = vector.shape_cast %broadcast_in_dim3A_1795 : vector<16xf32> to vector<16xf32>
      tpu.vector_store %arg9[%swap3A_1796], %swap3A_1799 {strides = array<i32>} : memref<8192xf32, #tpu.memory_space<vmem>>, vector<16xf32>,
      %broadcast_in_dim3A_1800 = arith.constant 0.000000e+00 : f32
      %broadcast_in_dim3A_1801 = vector.broadcast %broadcast_in_dim3A_1800 : f32 to vector<16xf32>
      %swap3A_1802 = arith.constant 4528 : index
      %swap3A_1803 = tpu.vector_load %arg9[%swap3A_1802] {strides = array<i32>} : memref<8192xf32, #tpu.memory_space<vmem>>, vector<16xf32>,
      %swap3A_1804 = vector.shape_cast %swap3A_1803 : vector<16xf32> to vector<16xf32>
      %swap3A_1805 = vector.shape_cast %broadcast_in_dim3A_1801 : vector<16xf32> to vector<16xf32>
      tpu.vector_store %arg9[%swap3A_1802], %swap3A_1805 {strides = array<i32>} : memref<8192xf32, #tpu.memory_space<vmem>>, vector<16xf32>,
      %broadcast_in_dim3A_1806 = arith.constant 0.000000e+00 : f32
      %broadcast_in_dim3A_1807 = vector.broadcast %broadcast_in_dim3A_1806 : f32 to vector<16xf32>
      %swap3A_1808 = arith.constant 4544 : index
      %swap3A_1809 = tpu.vector_load %arg9[%swap3A_1808] {strides = array<i32>} : memref<8192xf32, #tpu.memory_space<vmem>>, vector<16xf32>,
      %swap3A_1810 = vector.shape_cast %swap3A_1809 : vector<16xf32> to vector<16xf32>
      %swap3A_1811 = vector.shape_cast %broadcast_in_dim3A_1807 : vector<16xf32> to vector<16xf32>
      tpu.vector_store %arg9[%swap3A_1808], %swap3A_1811 {strides = array<i32>} : memref<8192xf32, #tpu.memory_space<vmem>>, vector<16xf32>,
      %broadcast_in_dim3A_1812 = arith.constant 0.000000e+00 : f32
      %broadcast_in_dim3A_1813 = vector.broadcast %broadcast_in_dim3A_1812 : f32 to vector<16xf32>
      %swap3A_1814 = arith.constant 4560 : index
      %swap3A_1815 = tpu.vector_load %arg9[%swap3A_1814] {strides = array<i32>} : memref<8192xf32, #tpu.memory_space<vmem>>, vector<16xf32>,
      %swap3A_1816 = vector.shape_cast %swap3A_1815 : vector<16xf32> to vector<16xf32>
      %swap3A_1817 = vector.shape_cast %broadcast_in_dim3A_1813 : vector<16xf32> to vector<16xf32>
      tpu.vector_store %arg9[%swap3A_1814], %swap3A_1817 {strides = array<i32>} : memref<8192xf32, #tpu.memory_space<vmem>>, vector<16xf32>,
      %broadcast_in_dim3A_1818 = arith.constant 0.000000e+00 : f32
      %broadcast_in_dim3A_1819 = vector.broadcast %broadcast_in_dim3A_1818 : f32 to vector<16xf32>
      %swap3A_1820 = arith.constant 4576 : index
      %swap3A_1821 = tpu.vector_load %arg9[%swap3A_1820] {strides = array<i32>} : memref<8192xf32, #tpu.memory_space<vmem>>, vector<16xf32>,
      %swap3A_1822 = vector.shape_cast %swap3A_1821 : vector<16xf32> to vector<16xf32>
      %swap3A_1823 = vector.shape_cast %broadcast_in_dim3A_1819 : vector<16xf32> to vector<16xf32>
      tpu.vector_store %arg9[%swap3A_1820], %swap3A_1823 {strides = array<i32>} : memref<8192xf32, #tpu.memory_space<vmem>>, vector<16xf32>,
      %broadcast_in_dim3A_1824 = arith.constant 0.000000e+00 : f32
      %broadcast_in_dim3A_1825 = vector.broadcast %broadcast_in_dim3A_1824 : f32 to vector<16xf32>
      %swap3A_1826 = arith.constant 4592 : index
      %swap3A_1827 = tpu.vector_load %arg9[%swap3A_1826] {strides = array<i32>} : memref<8192xf32, #tpu.memory_space<vmem>>, vector<16xf32>,
      %swap3A_1828 = vector.shape_cast %swap3A_1827 : vector<16xf32> to vector<16xf32>
      %swap3A_1829 = vector.shape_cast %broadcast_in_dim3A_1825 : vector<16xf32> to vector<16xf32>
      tpu.vector_store %arg9[%swap3A_1826], %swap3A_1829 {strides = array<i32>} : memref<8192xf32, #tpu.memory_space<vmem>>, vector<16xf32>,
      %broadcast_in_dim3A_1830 = arith.constant 0.000000e+00 : f32
      %broadcast_in_dim3A_1831 = vector.broadcast %broadcast_in_dim3A_1830 : f32 to vector<16xf32>
      %swap3A_1832 = arith.constant 4608 : index
      %swap3A_1833 = tpu.vector_load %arg9[%swap3A_1832] {strides = array<i32>} : memref<8192xf32, #tpu.memory_space<vmem>>, vector<16xf32>,
      %swap3A_1834 = vector.shape_cast %swap3A_1833 : vector<16xf32> to vector<16xf32>
      %swap3A_1835 = vector.shape_cast %broadcast_in_dim3A_1831 : vector<16xf32> to vector<16xf32>
      tpu.vector_store %arg9[%swap3A_1832], %swap3A_1835 {strides = array<i32>} : memref<8192xf32, #tpu.memory_space<vmem>>, vector<16xf32>,
      %broadcast_in_dim3A_1836 = arith.constant 0.000000e+00 : f32
      %broadcast_in_dim3A_1837 = vector.broadcast %broadcast_in_dim3A_1836 : f32 to vector<16xf32>
      %swap3A_1838 = arith.constant 4624 : index
      %swap3A_1839 = tpu.vector_load %arg9[%swap3A_1838] {strides = array<i32>} : memref<8192xf32, #tpu.memory_space<vmem>>, vector<16xf32>,
      %swap3A_1840 = vector.shape_cast %swap3A_1839 : vector<16xf32> to vector<16xf32>
      %swap3A_1841 = vector.shape_cast %broadcast_in_dim3A_1837 : vector<16xf32> to vector<16xf32>
      tpu.vector_store %arg9[%swap3A_1838], %swap3A_1841 {strides = array<i32>} : memref<8192xf32, #tpu.memory_space<vmem>>, vector<16xf32>,
      %broadcast_in_dim3A_1842 = arith.constant 0.000000e+00 : f32
      %broadcast_in_dim3A_1843 = vector.broadcast %broadcast_in_dim3A_1842 : f32 to vector<16xf32>
      %swap3A_1844 = arith.constant 4640 : index
      %swap3A_1845 = tpu.vector_load %arg9[%swap3A_1844] {strides = array<i32>} : memref<8192xf32, #tpu.memory_space<vmem>>, vector<16xf32>,
      %swap3A_1846 = vector.shape_cast %swap3A_1845 : vector<16xf32> to vector<16xf32>
      %swap3A_1847 = vector.shape_cast %broadcast_in_dim3A_1843 : vector<16xf32> to vector<16xf32>
      tpu.vector_store %arg9[%swap3A_1844], %swap3A_1847 {strides = array<i32>} : memref<8192xf32, #tpu.memory_space<vmem>>, vector<16xf32>,
      %broadcast_in_dim3A_1848 = arith.constant 0.000000e+00 : f32
      %broadcast_in_dim3A_1849 = vector.broadcast %broadcast_in_dim3A_1848 : f32 to vector<16xf32>
      %swap3A_1850 = arith.constant 4656 : index
      %swap3A_1851 = tpu.vector_load %arg9[%swap3A_1850] {strides = array<i32>} : memref<8192xf32, #tpu.memory_space<vmem>>, vector<16xf32>,
      %swap3A_1852 = vector.shape_cast %swap3A_1851 : vector<16xf32> to vector<16xf32>
      %swap3A_1853 = vector.shape_cast %broadcast_in_dim3A_1849 : vector<16xf32> to vector<16xf32>
      tpu.vector_store %arg9[%swap3A_1850], %swap3A_1853 {strides = array<i32>} : memref<8192xf32, #tpu.memory_space<vmem>>, vector<16xf32>,
      %broadcast_in_dim3A_1854 = arith.constant 0.000000e+00 : f32
      %broadcast_in_dim3A_1855 = vector.broadcast %broadcast_in_dim3A_1854 : f32 to vector<16xf32>
      %swap3A_1856 = arith.constant 4672 : index
      %swap3A_1857 = tpu.vector_load %arg9[%swap3A_1856] {strides = array<i32>} : memref<8192xf32, #tpu.memory_space<vmem>>, vector<16xf32>,
      %swap3A_1858 = vector.shape_cast %swap3A_1857 : vector<16xf32> to vector<16xf32>
      %swap3A_1859 = vector.shape_cast %broadcast_in_dim3A_1855 : vector<16xf32> to vector<16xf32>
      tpu.vector_store %arg9[%swap3A_1856], %swap3A_1859 {strides = array<i32>} : memref<8192xf32, #tpu.memory_space<vmem>>, vector<16xf32>,
      %broadcast_in_dim3A_1860 = arith.constant 0.000000e+00 : f32
      %broadcast_in_dim3A_1861 = vector.broadcast %broadcast_in_dim3A_1860 : f32 to vector<16xf32>
      %swap3A_1862 = arith.constant 4688 : index
      %swap3A_1863 = tpu.vector_load %arg9[%swap3A_1862] {strides = array<i32>} : memref<8192xf32, #tpu.memory_space<vmem>>, vector<16xf32>,
      %swap3A_1864 = vector.shape_cast %swap3A_1863 : vector<16xf32> to vector<16xf32>
      %swap3A_1865 = vector.shape_cast %broadcast_in_dim3A_1861 : vector<16xf32> to vector<16xf32>
      tpu.vector_store %arg9[%swap3A_1862], %swap3A_1865 {strides = array<i32>} : memref<8192xf32, #tpu.memory_space<vmem>>, vector<16xf32>,
      %broadcast_in_dim3A_1866 = arith.constant 0.000000e+00 : f32
      %broadcast_in_dim3A_1867 = vector.broadcast %broadcast_in_dim3A_1866 : f32 to vector<16xf32>
      %swap3A_1868 = arith.constant 4704 : index
      %swap3A_1869 = tpu.vector_load %arg9[%swap3A_1868] {strides = array<i32>} : memref<8192xf32, #tpu.memory_space<vmem>>, vector<16xf32>,
      %swap3A_1870 = vector.shape_cast %swap3A_1869 : vector<16xf32> to vector<16xf32>
      %swap3A_1871 = vector.shape_cast %broadcast_in_dim3A_1867 : vector<16xf32> to vector<16xf32>
      tpu.vector_store %arg9[%swap3A_1868], %swap3A_1871 {strides = array<i32>} : memref<8192xf32, #tpu.memory_space<vmem>>, vector<16xf32>,
      %broadcast_in_dim3A_1872 = arith.constant 0.000000e+00 : f32
      %broadcast_in_dim3A_1873 = vector.broadcast %broadcast_in_dim3A_1872 : f32 to vector<16xf32>
      %swap3A_1874 = arith.constant 4720 : index
      %swap3A_1875 = tpu.vector_load %arg9[%swap3A_1874] {strides = array<i32>} : memref<8192xf32, #tpu.memory_space<vmem>>, vector<16xf32>,
      %swap3A_1876 = vector.shape_cast %swap3A_1875 : vector<16xf32> to vector<16xf32>
      %swap3A_1877 = vector.shape_cast %broadcast_in_dim3A_1873 : vector<16xf32> to vector<16xf32>
      tpu.vector_store %arg9[%swap3A_1874], %swap3A_1877 {strides = array<i32>} : memref<8192xf32, #tpu.memory_space<vmem>>, vector<16xf32>,
      %broadcast_in_dim3A_1878 = arith.constant 0.000000e+00 : f32
      %broadcast_in_dim3A_1879 = vector.broadcast %broadcast_in_dim3A_1878 : f32 to vector<16xf32>
      %swap3A_1880 = arith.constant 4736 : index
      %swap3A_1881 = tpu.vector_load %arg9[%swap3A_1880] {strides = array<i32>} : memref<8192xf32, #tpu.memory_space<vmem>>, vector<16xf32>,
      %swap3A_1882 = vector.shape_cast %swap3A_1881 : vector<16xf32> to vector<16xf32>
      %swap3A_1883 = vector.shape_cast %broadcast_in_dim3A_1879 : vector<16xf32> to vector<16xf32>
      tpu.vector_store %arg9[%swap3A_1880], %swap3A_1883 {strides = array<i32>} : memref<8192xf32, #tpu.memory_space<vmem>>, vector<16xf32>,
      %broadcast_in_dim3A_1884 = arith.constant 0.000000e+00 : f32
      %broadcast_in_dim3A_1885 = vector.broadcast %broadcast_in_dim3A_1884 : f32 to vector<16xf32>
      %swap3A_1886 = arith.constant 4752 : index
      %swap3A_1887 = tpu.vector_load %arg9[%swap3A_1886] {strides = array<i32>} : memref<8192xf32, #tpu.memory_space<vmem>>, vector<16xf32>,
      %swap3A_1888 = vector.shape_cast %swap3A_1887 : vector<16xf32> to vector<16xf32>
      %swap3A_1889 = vector.shape_cast %broadcast_in_dim3A_1885 : vector<16xf32> to vector<16xf32>
      tpu.vector_store %arg9[%swap3A_1886], %swap3A_1889 {strides = array<i32>} : memref<8192xf32, #tpu.memory_space<vmem>>, vector<16xf32>,
      %broadcast_in_dim3A_1890 = arith.constant 0.000000e+00 : f32
      %broadcast_in_dim3A_1891 = vector.broadcast %broadcast_in_dim3A_1890 : f32 to vector<16xf32>
      %swap3A_1892 = arith.constant 4768 : index
      %swap3A_1893 = tpu.vector_load %arg9[%swap3A_1892] {strides = array<i32>} : memref<8192xf32, #tpu.memory_space<vmem>>, vector<16xf32>,
      %swap3A_1894 = vector.shape_cast %swap3A_1893 : vector<16xf32> to vector<16xf32>
      %swap3A_1895 = vector.shape_cast %broadcast_in_dim3A_1891 : vector<16xf32> to vector<16xf32>
      tpu.vector_store %arg9[%swap3A_1892], %swap3A_1895 {strides = array<i32>} : memref<8192xf32, #tpu.memory_space<vmem>>, vector<16xf32>,
      %broadcast_in_dim3A_1896 = arith.constant 0.000000e+00 : f32
      %broadcast_in_dim3A_1897 = vector.broadcast %broadcast_in_dim3A_1896 : f32 to vector<16xf32>
      %swap3A_1898 = arith.constant 4784 : index
      %swap3A_1899 = tpu.vector_load %arg9[%swap3A_1898] {strides = array<i32>} : memref<8192xf32, #tpu.memory_space<vmem>>, vector<16xf32>,
      %swap3A_1900 = vector.shape_cast %swap3A_1899 : vector<16xf32> to vector<16xf32>
      %swap3A_1901 = vector.shape_cast %broadcast_in_dim3A_1897 : vector<16xf32> to vector<16xf32>
      tpu.vector_store %arg9[%swap3A_1898], %swap3A_1901 {strides = array<i32>} : memref<8192xf32, #tpu.memory_space<vmem>>, vector<16xf32>,
      %broadcast_in_dim3A_1902 = arith.constant 0.000000e+00 : f32
      %broadcast_in_dim3A_1903 = vector.broadcast %broadcast_in_dim3A_1902 : f32 to vector<16xf32>
      %swap3A_1904 = arith.constant 4800 : index
      %swap3A_1905 = tpu.vector_load %arg9[%swap3A_1904] {strides = array<i32>} : memref<8192xf32, #tpu.memory_space<vmem>>, vector<16xf32>,
      %swap3A_1906 = vector.shape_cast %swap3A_1905 : vector<16xf32> to vector<16xf32>
      %swap3A_1907 = vector.shape_cast %broadcast_in_dim3A_1903 : vector<16xf32> to vector<16xf32>
      tpu.vector_store %arg9[%swap3A_1904], %swap3A_1907 {strides = array<i32>} : memref<8192xf32, #tpu.memory_space<vmem>>, vector<16xf32>,
      %broadcast_in_dim3A_1908 = arith.constant 0.000000e+00 : f32
      %broadcast_in_dim3A_1909 = vector.broadcast %broadcast_in_dim3A_1908 : f32 to vector<16xf32>
      %swap3A_1910 = arith.constant 4816 : index
      %swap3A_1911 = tpu.vector_load %arg9[%swap3A_1910] {strides = array<i32>} : memref<8192xf32, #tpu.memory_space<vmem>>, vector<16xf32>,
      %swap3A_1912 = vector.shape_cast %swap3A_1911 : vector<16xf32> to vector<16xf32>
      %swap3A_1913 = vector.shape_cast %broadcast_in_dim3A_1909 : vector<16xf32> to vector<16xf32>
      tpu.vector_store %arg9[%swap3A_1910], %swap3A_1913 {strides = array<i32>} : memref<8192xf32, #tpu.memory_space<vmem>>, vector<16xf32>,
      %broadcast_in_dim3A_1914 = arith.constant 0.000000e+00 : f32
      %broadcast_in_dim3A_1915 = vector.broadcast %broadcast_in_dim3A_1914 : f32 to vector<16xf32>
      %swap3A_1916 = arith.constant 4832 : index
      %swap3A_1917 = tpu.vector_load %arg9[%swap3A_1916] {strides = array<i32>} : memref<8192xf32, #tpu.memory_space<vmem>>, vector<16xf32>,
      %swap3A_1918 = vector.shape_cast %swap3A_1917 : vector<16xf32> to vector<16xf32>
      %swap3A_1919 = vector.shape_cast %broadcast_in_dim3A_1915 : vector<16xf32> to vector<16xf32>
      tpu.vector_store %arg9[%swap3A_1916], %swap3A_1919 {strides = array<i32>} : memref<8192xf32, #tpu.memory_space<vmem>>, vector<16xf32>,
      %broadcast_in_dim3A_1920 = arith.constant 0.000000e+00 : f32
      %broadcast_in_dim3A_1921 = vector.broadcast %broadcast_in_dim3A_1920 : f32 to vector<16xf32>
      %swap3A_1922 = arith.constant 4848 : index
      %swap3A_1923 = tpu.vector_load %arg9[%swap3A_1922] {strides = array<i32>} : memref<8192xf32, #tpu.memory_space<vmem>>, vector<16xf32>,
      %swap3A_1924 = vector.shape_cast %swap3A_1923 : vector<16xf32> to vector<16xf32>
      %swap3A_1925 = vector.shape_cast %broadcast_in_dim3A_1921 : vector<16xf32> to vector<16xf32>
      tpu.vector_store %arg9[%swap3A_1922], %swap3A_1925 {strides = array<i32>} : memref<8192xf32, #tpu.memory_space<vmem>>, vector<16xf32>,
      %broadcast_in_dim3A_1926 = arith.constant 0.000000e+00 : f32
      %broadcast_in_dim3A_1927 = vector.broadcast %broadcast_in_dim3A_1926 : f32 to vector<16xf32>
      %swap3A_1928 = arith.constant 4864 : index
      %swap3A_1929 = tpu.vector_load %arg9[%swap3A_1928] {strides = array<i32>} : memref<8192xf32, #tpu.memory_space<vmem>>, vector<16xf32>,
      %swap3A_1930 = vector.shape_cast %swap3A_1929 : vector<16xf32> to vector<16xf32>
      %swap3A_1931 = vector.shape_cast %broadcast_in_dim3A_1927 : vector<16xf32> to vector<16xf32>
      tpu.vector_store %arg9[%swap3A_1928], %swap3A_1931 {strides = array<i32>} : memref<8192xf32, #tpu.memory_space<vmem>>, vector<16xf32>,
      %broadcast_in_dim3A_1932 = arith.constant 0.000000e+00 : f32
      %broadcast_in_dim3A_1933 = vector.broadcast %broadcast_in_dim3A_1932 : f32 to vector<16xf32>
      %swap3A_1934 = arith.constant 4880 : index
      %swap3A_1935 = tpu.vector_load %arg9[%swap3A_1934] {strides = array<i32>} : memref<8192xf32, #tpu.memory_space<vmem>>, vector<16xf32>,
      %swap3A_1936 = vector.shape_cast %swap3A_1935 : vector<16xf32> to vector<16xf32>
      %swap3A_1937 = vector.shape_cast %broadcast_in_dim3A_1933 : vector<16xf32> to vector<16xf32>
      tpu.vector_store %arg9[%swap3A_1934], %swap3A_1937 {strides = array<i32>} : memref<8192xf32, #tpu.memory_space<vmem>>, vector<16xf32>,
      %broadcast_in_dim3A_1938 = arith.constant 0.000000e+00 : f32
      %broadcast_in_dim3A_1939 = vector.broadcast %broadcast_in_dim3A_1938 : f32 to vector<16xf32>
      %swap3A_1940 = arith.constant 4896 : index
      %swap3A_1941 = tpu.vector_load %arg9[%swap3A_1940] {strides = array<i32>} : memref<8192xf32, #tpu.memory_space<vmem>>, vector<16xf32>,
      %swap3A_1942 = vector.shape_cast %swap3A_1941 : vector<16xf32> to vector<16xf32>
      %swap3A_1943 = vector.shape_cast %broadcast_in_dim3A_1939 : vector<16xf32> to vector<16xf32>
      tpu.vector_store %arg9[%swap3A_1940], %swap3A_1943 {strides = array<i32>} : memref<8192xf32, #tpu.memory_space<vmem>>, vector<16xf32>,
      %broadcast_in_dim3A_1944 = arith.constant 0.000000e+00 : f32
      %broadcast_in_dim3A_1945 = vector.broadcast %broadcast_in_dim3A_1944 : f32 to vector<16xf32>
      %swap3A_1946 = arith.constant 4912 : index
      %swap3A_1947 = tpu.vector_load %arg9[%swap3A_1946] {strides = array<i32>} : memref<8192xf32, #tpu.memory_space<vmem>>, vector<16xf32>,
      %swap3A_1948 = vector.shape_cast %swap3A_1947 : vector<16xf32> to vector<16xf32>
      %swap3A_1949 = vector.shape_cast %broadcast_in_dim3A_1945 : vector<16xf32> to vector<16xf32>
      tpu.vector_store %arg9[%swap3A_1946], %swap3A_1949 {strides = array<i32>} : memref<8192xf32, #tpu.memory_space<vmem>>, vector<16xf32>,
      %broadcast_in_dim3A_1950 = arith.constant 0.000000e+00 : f32
      %broadcast_in_dim3A_1951 = vector.broadcast %broadcast_in_dim3A_1950 : f32 to vector<16xf32>
      %swap3A_1952 = arith.constant 4928 : index
      %swap3A_1953 = tpu.vector_load %arg9[%swap3A_1952] {strides = array<i32>} : memref<8192xf32, #tpu.memory_space<vmem>>, vector<16xf32>,
      %swap3A_1954 = vector.shape_cast %swap3A_1953 : vector<16xf32> to vector<16xf32>
      %swap3A_1955 = vector.shape_cast %broadcast_in_dim3A_1951 : vector<16xf32> to vector<16xf32>
      tpu.vector_store %arg9[%swap3A_1952], %swap3A_1955 {strides = array<i32>} : memref<8192xf32, #tpu.memory_space<vmem>>, vector<16xf32>,
      %broadcast_in_dim3A_1956 = arith.constant 0.000000e+00 : f32
      %broadcast_in_dim3A_1957 = vector.broadcast %broadcast_in_dim3A_1956 : f32 to vector<16xf32>
      %swap3A_1958 = arith.constant 4944 : index
      %swap3A_1959 = tpu.vector_load %arg9[%swap3A_1958] {strides = array<i32>} : memref<8192xf32, #tpu.memory_space<vmem>>, vector<16xf32>,
      %swap3A_1960 = vector.shape_cast %swap3A_1959 : vector<16xf32> to vector<16xf32>
      %swap3A_1961 = vector.shape_cast %broadcast_in_dim3A_1957 : vector<16xf32> to vector<16xf32>
      tpu.vector_store %arg9[%swap3A_1958], %swap3A_1961 {strides = array<i32>} : memref<8192xf32, #tpu.memory_space<vmem>>, vector<16xf32>,
      %broadcast_in_dim3A_1962 = arith.constant 0.000000e+00 : f32
      %broadcast_in_dim3A_1963 = vector.broadcast %broadcast_in_dim3A_1962 : f32 to vector<16xf32>
      %swap3A_1964 = arith.constant 4960 : index
      %swap3A_1965 = tpu.vector_load %arg9[%swap3A_1964] {strides = array<i32>} : memref<8192xf32, #tpu.memory_space<vmem>>, vector<16xf32>,
      %swap3A_1966 = vector.shape_cast %swap3A_1965 : vector<16xf32> to vector<16xf32>
      %swap3A_1967 = vector.shape_cast %broadcast_in_dim3A_1963 : vector<16xf32> to vector<16xf32>
      tpu.vector_store %arg9[%swap3A_1964], %swap3A_1967 {strides = array<i32>} : memref<8192xf32, #tpu.memory_space<vmem>>, vector<16xf32>,
      %broadcast_in_dim3A_1968 = arith.constant 0.000000e+00 : f32
      %broadcast_in_dim3A_1969 = vector.broadcast %broadcast_in_dim3A_1968 : f32 to vector<16xf32>
      %swap3A_1970 = arith.constant 4976 : index
      %swap3A_1971 = tpu.vector_load %arg9[%swap3A_1970] {strides = array<i32>} : memref<8192xf32, #tpu.memory_space<vmem>>, vector<16xf32>,
      %swap3A_1972 = vector.shape_cast %swap3A_1971 : vector<16xf32> to vector<16xf32>
      %swap3A_1973 = vector.shape_cast %broadcast_in_dim3A_1969 : vector<16xf32> to vector<16xf32>
      tpu.vector_store %arg9[%swap3A_1970], %swap3A_1973 {strides = array<i32>} : memref<8192xf32, #tpu.memory_space<vmem>>, vector<16xf32>,
      %broadcast_in_dim3A_1974 = arith.constant 0.000000e+00 : f32
      %broadcast_in_dim3A_1975 = vector.broadcast %broadcast_in_dim3A_1974 : f32 to vector<16xf32>
      %swap3A_1976 = arith.constant 4992 : index
      %swap3A_1977 = tpu.vector_load %arg9[%swap3A_1976] {strides = array<i32>} : memref<8192xf32, #tpu.memory_space<vmem>>, vector<16xf32>,
      %swap3A_1978 = vector.shape_cast %swap3A_1977 : vector<16xf32> to vector<16xf32>
      %swap3A_1979 = vector.shape_cast %broadcast_in_dim3A_1975 : vector<16xf32> to vector<16xf32>
      tpu.vector_store %arg9[%swap3A_1976], %swap3A_1979 {strides = array<i32>} : memref<8192xf32, #tpu.memory_space<vmem>>, vector<16xf32>,
      %broadcast_in_dim3A_1980 = arith.constant 0.000000e+00 : f32
      %broadcast_in_dim3A_1981 = vector.broadcast %broadcast_in_dim3A_1980 : f32 to vector<16xf32>
      %swap3A_1982 = arith.constant 5008 : index
      %swap3A_1983 = tpu.vector_load %arg9[%swap3A_1982] {strides = array<i32>} : memref<8192xf32, #tpu.memory_space<vmem>>, vector<16xf32>,
      %swap3A_1984 = vector.shape_cast %swap3A_1983 : vector<16xf32> to vector<16xf32>
      %swap3A_1985 = vector.shape_cast %broadcast_in_dim3A_1981 : vector<16xf32> to vector<16xf32>
      tpu.vector_store %arg9[%swap3A_1982], %swap3A_1985 {strides = array<i32>} : memref<8192xf32, #tpu.memory_space<vmem>>, vector<16xf32>,
      %broadcast_in_dim3A_1986 = arith.constant 0.000000e+00 : f32
      %broadcast_in_dim3A_1987 = vector.broadcast %broadcast_in_dim3A_1986 : f32 to vector<16xf32>
      %swap3A_1988 = arith.constant 5024 : index
      %swap3A_1989 = tpu.vector_load %arg9[%swap3A_1988] {strides = array<i32>} : memref<8192xf32, #tpu.memory_space<vmem>>, vector<16xf32>,
      %swap3A_1990 = vector.shape_cast %swap3A_1989 : vector<16xf32> to vector<16xf32>
      %swap3A_1991 = vector.shape_cast %broadcast_in_dim3A_1987 : vector<16xf32> to vector<16xf32>
      tpu.vector_store %arg9[%swap3A_1988], %swap3A_1991 {strides = array<i32>} : memref<8192xf32, #tpu.memory_space<vmem>>, vector<16xf32>,
      %broadcast_in_dim3A_1992 = arith.constant 0.000000e+00 : f32
      %broadcast_in_dim3A_1993 = vector.broadcast %broadcast_in_dim3A_1992 : f32 to vector<16xf32>
      %swap3A_1994 = arith.constant 5040 : index
      %swap3A_1995 = tpu.vector_load %arg9[%swap3A_1994] {strides = array<i32>} : memref<8192xf32, #tpu.memory_space<vmem>>, vector<16xf32>,
      %swap3A_1996 = vector.shape_cast %swap3A_1995 : vector<16xf32> to vector<16xf32>
      %swap3A_1997 = vector.shape_cast %broadcast_in_dim3A_1993 : vector<16xf32> to vector<16xf32>
      tpu.vector_store %arg9[%swap3A_1994], %swap3A_1997 {strides = array<i32>} : memref<8192xf32, #tpu.memory_space<vmem>>, vector<16xf32>,
      %broadcast_in_dim3A_1998 = arith.constant 0.000000e+00 : f32
      %broadcast_in_dim3A_1999 = vector.broadcast %broadcast_in_dim3A_1998 : f32 to vector<16xf32>
      %swap3A_2000 = arith.constant 5056 : index
      %swap3A_2001 = tpu.vector_load %arg9[%swap3A_2000] {strides = array<i32>} : memref<8192xf32, #tpu.memory_space<vmem>>, vector<16xf32>,
      %swap3A_2002 = vector.shape_cast %swap3A_2001 : vector<16xf32> to vector<16xf32>
      %swap3A_2003 = vector.shape_cast %broadcast_in_dim3A_1999 : vector<16xf32> to vector<16xf32>
      tpu.vector_store %arg9[%swap3A_2000], %swap3A_2003 {strides = array<i32>} : memref<8192xf32, #tpu.memory_space<vmem>>, vector<16xf32>,
      %broadcast_in_dim3A_2004 = arith.constant 0.000000e+00 : f32
      %broadcast_in_dim3A_2005 = vector.broadcast %broadcast_in_dim3A_2004 : f32 to vector<16xf32>
      %swap3A_2006 = arith.constant 5072 : index
      %swap3A_2007 = tpu.vector_load %arg9[%swap3A_2006] {strides = array<i32>} : memref<8192xf32, #tpu.memory_space<vmem>>, vector<16xf32>,
      %swap3A_2008 = vector.shape_cast %swap3A_2007 : vector<16xf32> to vector<16xf32>
      %swap3A_2009 = vector.shape_cast %broadcast_in_dim3A_2005 : vector<16xf32> to vector<16xf32>
      tpu.vector_store %arg9[%swap3A_2006], %swap3A_2009 {strides = array<i32>} : memref<8192xf32, #tpu.memory_space<vmem>>, vector<16xf32>,
      %broadcast_in_dim3A_2010 = arith.constant 0.000000e+00 : f32
      %broadcast_in_dim3A_2011 = vector.broadcast %broadcast_in_dim3A_2010 : f32 to vector<16xf32>
      %swap3A_2012 = arith.constant 5088 : index
      %swap3A_2013 = tpu.vector_load %arg9[%swap3A_2012] {strides = array<i32>} : memref<8192xf32, #tpu.memory_space<vmem>>, vector<16xf32>,
      %swap3A_2014 = vector.shape_cast %swap3A_2013 : vector<16xf32> to vector<16xf32>
      %swap3A_2015 = vector.shape_cast %broadcast_in_dim3A_2011 : vector<16xf32> to vector<16xf32>
      tpu.vector_store %arg9[%swap3A_2012], %swap3A_2015 {strides = array<i32>} : memref<8192xf32, #tpu.memory_space<vmem>>, vector<16xf32>,
      %broadcast_in_dim3A_2016 = arith.constant 0.000000e+00 : f32
      %broadcast_in_dim3A_2017 = vector.broadcast %broadcast_in_dim3A_2016 : f32 to vector<16xf32>
      %swap3A_2018 = arith.constant 5104 : index
      %swap3A_2019 = tpu.vector_load %arg9[%swap3A_2018] {strides = array<i32>} : memref<8192xf32, #tpu.memory_space<vmem>>, vector<16xf32>,
      %swap3A_2020 = vector.shape_cast %swap3A_2019 : vector<16xf32> to vector<16xf32>
      %swap3A_2021 = vector.shape_cast %broadcast_in_dim3A_2017 : vector<16xf32> to vector<16xf32>
      tpu.vector_store %arg9[%swap3A_2018], %swap3A_2021 {strides = array<i32>} : memref<8192xf32, #tpu.memory_space<vmem>>, vector<16xf32>,
      %broadcast_in_dim3A_2022 = arith.constant 0.000000e+00 : f32
      %broadcast_in_dim3A_2023 = vector.broadcast %broadcast_in_dim3A_2022 : f32 to vector<16xf32>
      %swap3A_2024 = arith.constant 5120 : index
      %swap3A_2025 = tpu.vector_load %arg9[%swap3A_2024] {strides = array<i32>} : memref<8192xf32, #tpu.memory_space<vmem>>, vector<16xf32>,
      %swap3A_2026 = vector.shape_cast %swap3A_2025 : vector<16xf32> to vector<16xf32>
      %swap3A_2027 = vector.shape_cast %broadcast_in_dim3A_2023 : vector<16xf32> to vector<16xf32>
      tpu.vector_store %arg9[%swap3A_2024], %swap3A_2027 {strides = array<i32>} : memref<8192xf32, #tpu.memory_space<vmem>>, vector<16xf32>,
      %broadcast_in_dim3A_2028 = arith.constant 0.000000e+00 : f32
      %broadcast_in_dim3A_2029 = vector.broadcast %broadcast_in_dim3A_2028 : f32 to vector<16xf32>
      %swap3A_2030 = arith.constant 5136 : index
      %swap3A_2031 = tpu.vector_load %arg9[%swap3A_2030] {strides = array<i32>} : memref<8192xf32, #tpu.memory_space<vmem>>, vector<16xf32>,
      %swap3A_2032 = vector.shape_cast %swap3A_2031 : vector<16xf32> to vector<16xf32>
      %swap3A_2033 = vector.shape_cast %broadcast_in_dim3A_2029 : vector<16xf32> to vector<16xf32>
      tpu.vector_store %arg9[%swap3A_2030], %swap3A_2033 {strides = array<i32>} : memref<8192xf32, #tpu.memory_space<vmem>>, vector<16xf32>,
      %broadcast_in_dim3A_2034 = arith.constant 0.000000e+00 : f32
      %broadcast_in_dim3A_2035 = vector.broadcast %broadcast_in_dim3A_2034 : f32 to vector<16xf32>
      %swap3A_2036 = arith.constant 5152 : index
      %swap3A_2037 = tpu.vector_load %arg9[%swap3A_2036] {strides = array<i32>} : memref<8192xf32, #tpu.memory_space<vmem>>, vector<16xf32>,
      %swap3A_2038 = vector.shape_cast %swap3A_2037 : vector<16xf32> to vector<16xf32>
      %swap3A_2039 = vector.shape_cast %broadcast_in_dim3A_2035 : vector<16xf32> to vector<16xf32>
      tpu.vector_store %arg9[%swap3A_2036], %swap3A_2039 {strides = array<i32>} : memref<8192xf32, #tpu.memory_space<vmem>>, vector<16xf32>,
      %broadcast_in_dim3A_2040 = arith.constant 0.000000e+00 : f32
      %broadcast_in_dim3A_2041 = vector.broadcast %broadcast_in_dim3A_2040 : f32 to vector<16xf32>
      %swap3A_2042 = arith.constant 5168 : index
      %swap3A_2043 = tpu.vector_load %arg9[%swap3A_2042] {strides = array<i32>} : memref<8192xf32, #tpu.memory_space<vmem>>, vector<16xf32>,
      %swap3A_2044 = vector.shape_cast %swap3A_2043 : vector<16xf32> to vector<16xf32>
      %swap3A_2045 = vector.shape_cast %broadcast_in_dim3A_2041 : vector<16xf32> to vector<16xf32>
      tpu.vector_store %arg9[%swap3A_2042], %swap3A_2045 {strides = array<i32>} : memref<8192xf32, #tpu.memory_space<vmem>>, vector<16xf32>,
      %broadcast_in_dim3A_2046 = arith.constant 0.000000e+00 : f32
      %broadcast_in_dim3A_2047 = vector.broadcast %broadcast_in_dim3A_2046 : f32 to vector<16xf32>
      %swap3A_2048 = arith.constant 5184 : index
      %swap3A_2049 = tpu.vector_load %arg9[%swap3A_2048] {strides = array<i32>} : memref<8192xf32, #tpu.memory_space<vmem>>, vector<16xf32>,
      %swap3A_2050 = vector.shape_cast %swap3A_2049 : vector<16xf32> to vector<16xf32>
      %swap3A_2051 = vector.shape_cast %broadcast_in_dim3A_2047 : vector<16xf32> to vector<16xf32>
      tpu.vector_store %arg9[%swap3A_2048], %swap3A_2051 {strides = array<i32>} : memref<8192xf32, #tpu.memory_space<vmem>>, vector<16xf32>,
      %broadcast_in_dim3A_2052 = arith.constant 0.000000e+00 : f32
      %broadcast_in_dim3A_2053 = vector.broadcast %broadcast_in_dim3A_2052 : f32 to vector<16xf32>
      %swap3A_2054 = arith.constant 5200 : index
      %swap3A_2055 = tpu.vector_load %arg9[%swap3A_2054] {strides = array<i32>} : memref<8192xf32, #tpu.memory_space<vmem>>, vector<16xf32>,
      %swap3A_2056 = vector.shape_cast %swap3A_2055 : vector<16xf32> to vector<16xf32>
      %swap3A_2057 = vector.shape_cast %broadcast_in_dim3A_2053 : vector<16xf32> to vector<16xf32>
      tpu.vector_store %arg9[%swap3A_2054], %swap3A_2057 {strides = array<i32>} : memref<8192xf32, #tpu.memory_space<vmem>>, vector<16xf32>,
      %broadcast_in_dim3A_2058 = arith.constant 0.000000e+00 : f32
      %broadcast_in_dim3A_2059 = vector.broadcast %broadcast_in_dim3A_2058 : f32 to vector<16xf32>
      %swap3A_2060 = arith.constant 5216 : index
      %swap3A_2061 = tpu.vector_load %arg9[%swap3A_2060] {strides = array<i32>} : memref<8192xf32, #tpu.memory_space<vmem>>, vector<16xf32>,
      %swap3A_2062 = vector.shape_cast %swap3A_2061 : vector<16xf32> to vector<16xf32>
      %swap3A_2063 = vector.shape_cast %broadcast_in_dim3A_2059 : vector<16xf32> to vector<16xf32>
      tpu.vector_store %arg9[%swap3A_2060], %swap3A_2063 {strides = array<i32>} : memref<8192xf32, #tpu.memory_space<vmem>>, vector<16xf32>,
      %broadcast_in_dim3A_2064 = arith.constant 0.000000e+00 : f32
      %broadcast_in_dim3A_2065 = vector.broadcast %broadcast_in_dim3A_2064 : f32 to vector<16xf32>
      %swap3A_2066 = arith.constant 5232 : index
      %swap3A_2067 = tpu.vector_load %arg9[%swap3A_2066] {strides = array<i32>} : memref<8192xf32, #tpu.memory_space<vmem>>, vector<16xf32>,
      %swap3A_2068 = vector.shape_cast %swap3A_2067 : vector<16xf32> to vector<16xf32>
      %swap3A_2069 = vector.shape_cast %broadcast_in_dim3A_2065 : vector<16xf32> to vector<16xf32>
      tpu.vector_store %arg9[%swap3A_2066], %swap3A_2069 {strides = array<i32>} : memref<8192xf32, #tpu.memory_space<vmem>>, vector<16xf32>,
      %broadcast_in_dim3A_2070 = arith.constant 0.000000e+00 : f32
      %broadcast_in_dim3A_2071 = vector.broadcast %broadcast_in_dim3A_2070 : f32 to vector<16xf32>
      %swap3A_2072 = arith.constant 5248 : index
      %swap3A_2073 = tpu.vector_load %arg9[%swap3A_2072] {strides = array<i32>} : memref<8192xf32, #tpu.memory_space<vmem>>, vector<16xf32>,
      %swap3A_2074 = vector.shape_cast %swap3A_2073 : vector<16xf32> to vector<16xf32>
      %swap3A_2075 = vector.shape_cast %broadcast_in_dim3A_2071 : vector<16xf32> to vector<16xf32>
      tpu.vector_store %arg9[%swap3A_2072], %swap3A_2075 {strides = array<i32>} : memref<8192xf32, #tpu.memory_space<vmem>>, vector<16xf32>,
      %broadcast_in_dim3A_2076 = arith.constant 0.000000e+00 : f32
      %broadcast_in_dim3A_2077 = vector.broadcast %broadcast_in_dim3A_2076 : f32 to vector<16xf32>
      %swap3A_2078 = arith.constant 5264 : index
      %swap3A_2079 = tpu.vector_load %arg9[%swap3A_2078] {strides = array<i32>} : memref<8192xf32, #tpu.memory_space<vmem>>, vector<16xf32>,
      %swap3A_2080 = vector.shape_cast %swap3A_2079 : vector<16xf32> to vector<16xf32>
      %swap3A_2081 = vector.shape_cast %broadcast_in_dim3A_2077 : vector<16xf32> to vector<16xf32>
      tpu.vector_store %arg9[%swap3A_2078], %swap3A_2081 {strides = array<i32>} : memref<8192xf32, #tpu.memory_space<vmem>>, vector<16xf32>,
      %broadcast_in_dim3A_2082 = arith.constant 0.000000e+00 : f32
      %broadcast_in_dim3A_2083 = vector.broadcast %broadcast_in_dim3A_2082 : f32 to vector<16xf32>
      %swap3A_2084 = arith.constant 5280 : index
      %swap3A_2085 = tpu.vector_load %arg9[%swap3A_2084] {strides = array<i32>} : memref<8192xf32, #tpu.memory_space<vmem>>, vector<16xf32>,
      %swap3A_2086 = vector.shape_cast %swap3A_2085 : vector<16xf32> to vector<16xf32>
      %swap3A_2087 = vector.shape_cast %broadcast_in_dim3A_2083 : vector<16xf32> to vector<16xf32>
      tpu.vector_store %arg9[%swap3A_2084], %swap3A_2087 {strides = array<i32>} : memref<8192xf32, #tpu.memory_space<vmem>>, vector<16xf32>,
      %broadcast_in_dim3A_2088 = arith.constant 0.000000e+00 : f32
      %broadcast_in_dim3A_2089 = vector.broadcast %broadcast_in_dim3A_2088 : f32 to vector<16xf32>
      %swap3A_2090 = arith.constant 5296 : index
      %swap3A_2091 = tpu.vector_load %arg9[%swap3A_2090] {strides = array<i32>} : memref<8192xf32, #tpu.memory_space<vmem>>, vector<16xf32>,
      %swap3A_2092 = vector.shape_cast %swap3A_2091 : vector<16xf32> to vector<16xf32>
      %swap3A_2093 = vector.shape_cast %broadcast_in_dim3A_2089 : vector<16xf32> to vector<16xf32>
      tpu.vector_store %arg9[%swap3A_2090], %swap3A_2093 {strides = array<i32>} : memref<8192xf32, #tpu.memory_space<vmem>>, vector<16xf32>,
      %broadcast_in_dim3A_2094 = arith.constant 0.000000e+00 : f32
      %broadcast_in_dim3A_2095 = vector.broadcast %broadcast_in_dim3A_2094 : f32 to vector<16xf32>
      %swap3A_2096 = arith.constant 5312 : index
      %swap3A_2097 = tpu.vector_load %arg9[%swap3A_2096] {strides = array<i32>} : memref<8192xf32, #tpu.memory_space<vmem>>, vector<16xf32>,
      %swap3A_2098 = vector.shape_cast %swap3A_2097 : vector<16xf32> to vector<16xf32>
      %swap3A_2099 = vector.shape_cast %broadcast_in_dim3A_2095 : vector<16xf32> to vector<16xf32>
      tpu.vector_store %arg9[%swap3A_2096], %swap3A_2099 {strides = array<i32>} : memref<8192xf32, #tpu.memory_space<vmem>>, vector<16xf32>,
      %broadcast_in_dim3A_2100 = arith.constant 0.000000e+00 : f32
      %broadcast_in_dim3A_2101 = vector.broadcast %broadcast_in_dim3A_2100 : f32 to vector<16xf32>
      %swap3A_2102 = arith.constant 5328 : index
      %swap3A_2103 = tpu.vector_load %arg9[%swap3A_2102] {strides = array<i32>} : memref<8192xf32, #tpu.memory_space<vmem>>, vector<16xf32>,
      %swap3A_2104 = vector.shape_cast %swap3A_2103 : vector<16xf32> to vector<16xf32>
      %swap3A_2105 = vector.shape_cast %broadcast_in_dim3A_2101 : vector<16xf32> to vector<16xf32>
      tpu.vector_store %arg9[%swap3A_2102], %swap3A_2105 {strides = array<i32>} : memref<8192xf32, #tpu.memory_space<vmem>>, vector<16xf32>,
      %broadcast_in_dim3A_2106 = arith.constant 0.000000e+00 : f32
      %broadcast_in_dim3A_2107 = vector.broadcast %broadcast_in_dim3A_2106 : f32 to vector<16xf32>
      %swap3A_2108 = arith.constant 5344 : index
      %swap3A_2109 = tpu.vector_load %arg9[%swap3A_2108] {strides = array<i32>} : memref<8192xf32, #tpu.memory_space<vmem>>, vector<16xf32>,
      %swap3A_2110 = vector.shape_cast %swap3A_2109 : vector<16xf32> to vector<16xf32>
      %swap3A_2111 = vector.shape_cast %broadcast_in_dim3A_2107 : vector<16xf32> to vector<16xf32>
      tpu.vector_store %arg9[%swap3A_2108], %swap3A_2111 {strides = array<i32>} : memref<8192xf32, #tpu.memory_space<vmem>>, vector<16xf32>,
      %broadcast_in_dim3A_2112 = arith.constant 0.000000e+00 : f32
      %broadcast_in_dim3A_2113 = vector.broadcast %broadcast_in_dim3A_2112 : f32 to vector<16xf32>
      %swap3A_2114 = arith.constant 5360 : index
      %swap3A_2115 = tpu.vector_load %arg9[%swap3A_2114] {strides = array<i32>} : memref<8192xf32, #tpu.memory_space<vmem>>, vector<16xf32>,
      %swap3A_2116 = vector.shape_cast %swap3A_2115 : vector<16xf32> to vector<16xf32>
      %swap3A_2117 = vector.shape_cast %broadcast_in_dim3A_2113 : vector<16xf32> to vector<16xf32>
      tpu.vector_store %arg9[%swap3A_2114], %swap3A_2117 {strides = array<i32>} : memref<8192xf32, #tpu.memory_space<vmem>>, vector<16xf32>,
      %broadcast_in_dim3A_2118 = arith.constant 0.000000e+00 : f32
      %broadcast_in_dim3A_2119 = vector.broadcast %broadcast_in_dim3A_2118 : f32 to vector<16xf32>
      %swap3A_2120 = arith.constant 5376 : index
      %swap3A_2121 = tpu.vector_load %arg9[%swap3A_2120] {strides = array<i32>} : memref<8192xf32, #tpu.memory_space<vmem>>, vector<16xf32>,
      %swap3A_2122 = vector.shape_cast %swap3A_2121 : vector<16xf32> to vector<16xf32>
      %swap3A_2123 = vector.shape_cast %broadcast_in_dim3A_2119 : vector<16xf32> to vector<16xf32>
      tpu.vector_store %arg9[%swap3A_2120], %swap3A_2123 {strides = array<i32>} : memref<8192xf32, #tpu.memory_space<vmem>>, vector<16xf32>,
      %broadcast_in_dim3A_2124 = arith.constant 0.000000e+00 : f32
      %broadcast_in_dim3A_2125 = vector.broadcast %broadcast_in_dim3A_2124 : f32 to vector<16xf32>
      %swap3A_2126 = arith.constant 5392 : index
      %swap3A_2127 = tpu.vector_load %arg9[%swap3A_2126] {strides = array<i32>} : memref<8192xf32, #tpu.memory_space<vmem>>, vector<16xf32>,
      %swap3A_2128 = vector.shape_cast %swap3A_2127 : vector<16xf32> to vector<16xf32>
      %swap3A_2129 = vector.shape_cast %broadcast_in_dim3A_2125 : vector<16xf32> to vector<16xf32>
      tpu.vector_store %arg9[%swap3A_2126], %swap3A_2129 {strides = array<i32>} : memref<8192xf32, #tpu.memory_space<vmem>>, vector<16xf32>,
      %broadcast_in_dim3A_2130 = arith.constant 0.000000e+00 : f32
      %broadcast_in_dim3A_2131 = vector.broadcast %broadcast_in_dim3A_2130 : f32 to vector<16xf32>
      %swap3A_2132 = arith.constant 5408 : index
      %swap3A_2133 = tpu.vector_load %arg9[%swap3A_2132] {strides = array<i32>} : memref<8192xf32, #tpu.memory_space<vmem>>, vector<16xf32>,
      %swap3A_2134 = vector.shape_cast %swap3A_2133 : vector<16xf32> to vector<16xf32>
      %swap3A_2135 = vector.shape_cast %broadcast_in_dim3A_2131 : vector<16xf32> to vector<16xf32>
      tpu.vector_store %arg9[%swap3A_2132], %swap3A_2135 {strides = array<i32>} : memref<8192xf32, #tpu.memory_space<vmem>>, vector<16xf32>,
      %broadcast_in_dim3A_2136 = arith.constant 0.000000e+00 : f32
      %broadcast_in_dim3A_2137 = vector.broadcast %broadcast_in_dim3A_2136 : f32 to vector<16xf32>
      %swap3A_2138 = arith.constant 5424 : index
      %swap3A_2139 = tpu.vector_load %arg9[%swap3A_2138] {strides = array<i32>} : memref<8192xf32, #tpu.memory_space<vmem>>, vector<16xf32>,
      %swap3A_2140 = vector.shape_cast %swap3A_2139 : vector<16xf32> to vector<16xf32>
      %swap3A_2141 = vector.shape_cast %broadcast_in_dim3A_2137 : vector<16xf32> to vector<16xf32>
      tpu.vector_store %arg9[%swap3A_2138], %swap3A_2141 {strides = array<i32>} : memref<8192xf32, #tpu.memory_space<vmem>>, vector<16xf32>,
      %broadcast_in_dim3A_2142 = arith.constant 0.000000e+00 : f32
      %broadcast_in_dim3A_2143 = vector.broadcast %broadcast_in_dim3A_2142 : f32 to vector<16xf32>
      %swap3A_2144 = arith.constant 5440 : index
      %swap3A_2145 = tpu.vector_load %arg9[%swap3A_2144] {strides = array<i32>} : memref<8192xf32, #tpu.memory_space<vmem>>, vector<16xf32>,
      %swap3A_2146 = vector.shape_cast %swap3A_2145 : vector<16xf32> to vector<16xf32>
      %swap3A_2147 = vector.shape_cast %broadcast_in_dim3A_2143 : vector<16xf32> to vector<16xf32>
      tpu.vector_store %arg9[%swap3A_2144], %swap3A_2147 {strides = array<i32>} : memref<8192xf32, #tpu.memory_space<vmem>>, vector<16xf32>,
      %broadcast_in_dim3A_2148 = arith.constant 0.000000e+00 : f32
      %broadcast_in_dim3A_2149 = vector.broadcast %broadcast_in_dim3A_2148 : f32 to vector<16xf32>
      %swap3A_2150 = arith.constant 5456 : index
      %swap3A_2151 = tpu.vector_load %arg9[%swap3A_2150] {strides = array<i32>} : memref<8192xf32, #tpu.memory_space<vmem>>, vector<16xf32>,
      %swap3A_2152 = vector.shape_cast %swap3A_2151 : vector<16xf32> to vector<16xf32>
      %swap3A_2153 = vector.shape_cast %broadcast_in_dim3A_2149 : vector<16xf32> to vector<16xf32>
      tpu.vector_store %arg9[%swap3A_2150], %swap3A_2153 {strides = array<i32>} : memref<8192xf32, #tpu.memory_space<vmem>>, vector<16xf32>,
      %broadcast_in_dim3A_2154 = arith.constant 0.000000e+00 : f32
      %broadcast_in_dim3A_2155 = vector.broadcast %broadcast_in_dim3A_2154 : f32 to vector<16xf32>
      %swap3A_2156 = arith.constant 5472 : index
      %swap3A_2157 = tpu.vector_load %arg9[%swap3A_2156] {strides = array<i32>} : memref<8192xf32, #tpu.memory_space<vmem>>, vector<16xf32>,
      %swap3A_2158 = vector.shape_cast %swap3A_2157 : vector<16xf32> to vector<16xf32>
      %swap3A_2159 = vector.shape_cast %broadcast_in_dim3A_2155 : vector<16xf32> to vector<16xf32>
      tpu.vector_store %arg9[%swap3A_2156], %swap3A_2159 {strides = array<i32>} : memref<8192xf32, #tpu.memory_space<vmem>>, vector<16xf32>,
      %broadcast_in_dim3A_2160 = arith.constant 0.000000e+00 : f32
      %broadcast_in_dim3A_2161 = vector.broadcast %broadcast_in_dim3A_2160 : f32 to vector<16xf32>
      %swap3A_2162 = arith.constant 5488 : index
      %swap3A_2163 = tpu.vector_load %arg9[%swap3A_2162] {strides = array<i32>} : memref<8192xf32, #tpu.memory_space<vmem>>, vector<16xf32>,
      %swap3A_2164 = vector.shape_cast %swap3A_2163 : vector<16xf32> to vector<16xf32>
      %swap3A_2165 = vector.shape_cast %broadcast_in_dim3A_2161 : vector<16xf32> to vector<16xf32>
      tpu.vector_store %arg9[%swap3A_2162], %swap3A_2165 {strides = array<i32>} : memref<8192xf32, #tpu.memory_space<vmem>>, vector<16xf32>,
      %broadcast_in_dim3A_2166 = arith.constant 0.000000e+00 : f32
      %broadcast_in_dim3A_2167 = vector.broadcast %broadcast_in_dim3A_2166 : f32 to vector<16xf32>
      %swap3A_2168 = arith.constant 5504 : index
      %swap3A_2169 = tpu.vector_load %arg9[%swap3A_2168] {strides = array<i32>} : memref<8192xf32, #tpu.memory_space<vmem>>, vector<16xf32>,
      %swap3A_2170 = vector.shape_cast %swap3A_2169 : vector<16xf32> to vector<16xf32>
      %swap3A_2171 = vector.shape_cast %broadcast_in_dim3A_2167 : vector<16xf32> to vector<16xf32>
      tpu.vector_store %arg9[%swap3A_2168], %swap3A_2171 {strides = array<i32>} : memref<8192xf32, #tpu.memory_space<vmem>>, vector<16xf32>,
      %broadcast_in_dim3A_2172 = arith.constant 0.000000e+00 : f32
      %broadcast_in_dim3A_2173 = vector.broadcast %broadcast_in_dim3A_2172 : f32 to vector<16xf32>
      %swap3A_2174 = arith.constant 5520 : index
      %swap3A_2175 = tpu.vector_load %arg9[%swap3A_2174] {strides = array<i32>} : memref<8192xf32, #tpu.memory_space<vmem>>, vector<16xf32>,
      %swap3A_2176 = vector.shape_cast %swap3A_2175 : vector<16xf32> to vector<16xf32>
      %swap3A_2177 = vector.shape_cast %broadcast_in_dim3A_2173 : vector<16xf32> to vector<16xf32>
      tpu.vector_store %arg9[%swap3A_2174], %swap3A_2177 {strides = array<i32>} : memref<8192xf32, #tpu.memory_space<vmem>>, vector<16xf32>,
      %broadcast_in_dim3A_2178 = arith.constant 0.000000e+00 : f32
      %broadcast_in_dim3A_2179 = vector.broadcast %broadcast_in_dim3A_2178 : f32 to vector<16xf32>
      %swap3A_2180 = arith.constant 5536 : index
      %swap3A_2181 = tpu.vector_load %arg9[%swap3A_2180] {strides = array<i32>} : memref<8192xf32, #tpu.memory_space<vmem>>, vector<16xf32>,
      %swap3A_2182 = vector.shape_cast %swap3A_2181 : vector<16xf32> to vector<16xf32>
      %swap3A_2183 = vector.shape_cast %broadcast_in_dim3A_2179 : vector<16xf32> to vector<16xf32>
      tpu.vector_store %arg9[%swap3A_2180], %swap3A_2183 {strides = array<i32>} : memref<8192xf32, #tpu.memory_space<vmem>>, vector<16xf32>,
      %broadcast_in_dim3A_2184 = arith.constant 0.000000e+00 : f32
      %broadcast_in_dim3A_2185 = vector.broadcast %broadcast_in_dim3A_2184 : f32 to vector<16xf32>
      %swap3A_2186 = arith.constant 5552 : index
      %swap3A_2187 = tpu.vector_load %arg9[%swap3A_2186] {strides = array<i32>} : memref<8192xf32, #tpu.memory_space<vmem>>, vector<16xf32>,
      %swap3A_2188 = vector.shape_cast %swap3A_2187 : vector<16xf32> to vector<16xf32>
      %swap3A_2189 = vector.shape_cast %broadcast_in_dim3A_2185 : vector<16xf32> to vector<16xf32>
      tpu.vector_store %arg9[%swap3A_2186], %swap3A_2189 {strides = array<i32>} : memref<8192xf32, #tpu.memory_space<vmem>>, vector<16xf32>,
      %broadcast_in_dim3A_2190 = arith.constant 0.000000e+00 : f32
      %broadcast_in_dim3A_2191 = vector.broadcast %broadcast_in_dim3A_2190 : f32 to vector<16xf32>
      %swap3A_2192 = arith.constant 5568 : index
      %swap3A_2193 = tpu.vector_load %arg9[%swap3A_2192] {strides = array<i32>} : memref<8192xf32, #tpu.memory_space<vmem>>, vector<16xf32>,
      %swap3A_2194 = vector.shape_cast %swap3A_2193 : vector<16xf32> to vector<16xf32>
      %swap3A_2195 = vector.shape_cast %broadcast_in_dim3A_2191 : vector<16xf32> to vector<16xf32>
      tpu.vector_store %arg9[%swap3A_2192], %swap3A_2195 {strides = array<i32>} : memref<8192xf32, #tpu.memory_space<vmem>>, vector<16xf32>,
      %broadcast_in_dim3A_2196 = arith.constant 0.000000e+00 : f32
      %broadcast_in_dim3A_2197 = vector.broadcast %broadcast_in_dim3A_2196 : f32 to vector<16xf32>
      %swap3A_2198 = arith.constant 5584 : index
      %swap3A_2199 = tpu.vector_load %arg9[%swap3A_2198] {strides = array<i32>} : memref<8192xf32, #tpu.memory_space<vmem>>, vector<16xf32>,
      %swap3A_2200 = vector.shape_cast %swap3A_2199 : vector<16xf32> to vector<16xf32>
      %swap3A_2201 = vector.shape_cast %broadcast_in_dim3A_2197 : vector<16xf32> to vector<16xf32>
      tpu.vector_store %arg9[%swap3A_2198], %swap3A_2201 {strides = array<i32>} : memref<8192xf32, #tpu.memory_space<vmem>>, vector<16xf32>,
      %broadcast_in_dim3A_2202 = arith.constant 0.000000e+00 : f32
      %broadcast_in_dim3A_2203 = vector.broadcast %broadcast_in_dim3A_2202 : f32 to vector<16xf32>
      %swap3A_2204 = arith.constant 5600 : index
      %swap3A_2205 = tpu.vector_load %arg9[%swap3A_2204] {strides = array<i32>} : memref<8192xf32, #tpu.memory_space<vmem>>, vector<16xf32>,
      %swap3A_2206 = vector.shape_cast %swap3A_2205 : vector<16xf32> to vector<16xf32>
      %swap3A_2207 = vector.shape_cast %broadcast_in_dim3A_2203 : vector<16xf32> to vector<16xf32>
      tpu.vector_store %arg9[%swap3A_2204], %swap3A_2207 {strides = array<i32>} : memref<8192xf32, #tpu.memory_space<vmem>>, vector<16xf32>,
      %broadcast_in_dim3A_2208 = arith.constant 0.000000e+00 : f32
      %broadcast_in_dim3A_2209 = vector.broadcast %broadcast_in_dim3A_2208 : f32 to vector<16xf32>
      %swap3A_2210 = arith.constant 5616 : index
      %swap3A_2211 = tpu.vector_load %arg9[%swap3A_2210] {strides = array<i32>} : memref<8192xf32, #tpu.memory_space<vmem>>, vector<16xf32>,
      %swap3A_2212 = vector.shape_cast %swap3A_2211 : vector<16xf32> to vector<16xf32>
      %swap3A_2213 = vector.shape_cast %broadcast_in_dim3A_2209 : vector<16xf32> to vector<16xf32>
      tpu.vector_store %arg9[%swap3A_2210], %swap3A_2213 {strides = array<i32>} : memref<8192xf32, #tpu.memory_space<vmem>>, vector<16xf32>,
      %broadcast_in_dim3A_2214 = arith.constant 0.000000e+00 : f32
      %broadcast_in_dim3A_2215 = vector.broadcast %broadcast_in_dim3A_2214 : f32 to vector<16xf32>
      %swap3A_2216 = arith.constant 5632 : index
      %swap3A_2217 = tpu.vector_load %arg9[%swap3A_2216] {strides = array<i32>} : memref<8192xf32, #tpu.memory_space<vmem>>, vector<16xf32>,
      %swap3A_2218 = vector.shape_cast %swap3A_2217 : vector<16xf32> to vector<16xf32>
      %swap3A_2219 = vector.shape_cast %broadcast_in_dim3A_2215 : vector<16xf32> to vector<16xf32>
      tpu.vector_store %arg9[%swap3A_2216], %swap3A_2219 {strides = array<i32>} : memref<8192xf32, #tpu.memory_space<vmem>>, vector<16xf32>,
      %broadcast_in_dim3A_2220 = arith.constant 0.000000e+00 : f32
      %broadcast_in_dim3A_2221 = vector.broadcast %broadcast_in_dim3A_2220 : f32 to vector<16xf32>
      %swap3A_2222 = arith.constant 5648 : index
      %swap3A_2223 = tpu.vector_load %arg9[%swap3A_2222] {strides = array<i32>} : memref<8192xf32, #tpu.memory_space<vmem>>, vector<16xf32>,
      %swap3A_2224 = vector.shape_cast %swap3A_2223 : vector<16xf32> to vector<16xf32>
      %swap3A_2225 = vector.shape_cast %broadcast_in_dim3A_2221 : vector<16xf32> to vector<16xf32>
      tpu.vector_store %arg9[%swap3A_2222], %swap3A_2225 {strides = array<i32>} : memref<8192xf32, #tpu.memory_space<vmem>>, vector<16xf32>,
      %broadcast_in_dim3A_2226 = arith.constant 0.000000e+00 : f32
      %broadcast_in_dim3A_2227 = vector.broadcast %broadcast_in_dim3A_2226 : f32 to vector<16xf32>
      %swap3A_2228 = arith.constant 5664 : index
      %swap3A_2229 = tpu.vector_load %arg9[%swap3A_2228] {strides = array<i32>} : memref<8192xf32, #tpu.memory_space<vmem>>, vector<16xf32>,
      %swap3A_2230 = vector.shape_cast %swap3A_2229 : vector<16xf32> to vector<16xf32>
      %swap3A_2231 = vector.shape_cast %broadcast_in_dim3A_2227 : vector<16xf32> to vector<16xf32>
      tpu.vector_store %arg9[%swap3A_2228], %swap3A_2231 {strides = array<i32>} : memref<8192xf32, #tpu.memory_space<vmem>>, vector<16xf32>,
      %broadcast_in_dim3A_2232 = arith.constant 0.000000e+00 : f32
      %broadcast_in_dim3A_2233 = vector.broadcast %broadcast_in_dim3A_2232 : f32 to vector<16xf32>
      %swap3A_2234 = arith.constant 5680 : index
      %swap3A_2235 = tpu.vector_load %arg9[%swap3A_2234] {strides = array<i32>} : memref<8192xf32, #tpu.memory_space<vmem>>, vector<16xf32>,
      %swap3A_2236 = vector.shape_cast %swap3A_2235 : vector<16xf32> to vector<16xf32>
      %swap3A_2237 = vector.shape_cast %broadcast_in_dim3A_2233 : vector<16xf32> to vector<16xf32>
      tpu.vector_store %arg9[%swap3A_2234], %swap3A_2237 {strides = array<i32>} : memref<8192xf32, #tpu.memory_space<vmem>>, vector<16xf32>,
      %broadcast_in_dim3A_2238 = arith.constant 0.000000e+00 : f32
      %broadcast_in_dim3A_2239 = vector.broadcast %broadcast_in_dim3A_2238 : f32 to vector<16xf32>
      %swap3A_2240 = arith.constant 5696 : index
      %swap3A_2241 = tpu.vector_load %arg9[%swap3A_2240] {strides = array<i32>} : memref<8192xf32, #tpu.memory_space<vmem>>, vector<16xf32>,
      %swap3A_2242 = vector.shape_cast %swap3A_2241 : vector<16xf32> to vector<16xf32>
      %swap3A_2243 = vector.shape_cast %broadcast_in_dim3A_2239 : vector<16xf32> to vector<16xf32>
      tpu.vector_store %arg9[%swap3A_2240], %swap3A_2243 {strides = array<i32>} : memref<8192xf32, #tpu.memory_space<vmem>>, vector<16xf32>,
      %broadcast_in_dim3A_2244 = arith.constant 0.000000e+00 : f32
      %broadcast_in_dim3A_2245 = vector.broadcast %broadcast_in_dim3A_2244 : f32 to vector<16xf32>
      %swap3A_2246 = arith.constant 5712 : index
      %swap3A_2247 = tpu.vector_load %arg9[%swap3A_2246] {strides = array<i32>} : memref<8192xf32, #tpu.memory_space<vmem>>, vector<16xf32>,
      %swap3A_2248 = vector.shape_cast %swap3A_2247 : vector<16xf32> to vector<16xf32>
      %swap3A_2249 = vector.shape_cast %broadcast_in_dim3A_2245 : vector<16xf32> to vector<16xf32>
      tpu.vector_store %arg9[%swap3A_2246], %swap3A_2249 {strides = array<i32>} : memref<8192xf32, #tpu.memory_space<vmem>>, vector<16xf32>,
      %broadcast_in_dim3A_2250 = arith.constant 0.000000e+00 : f32
      %broadcast_in_dim3A_2251 = vector.broadcast %broadcast_in_dim3A_2250 : f32 to vector<16xf32>
      %swap3A_2252 = arith.constant 5728 : index
      %swap3A_2253 = tpu.vector_load %arg9[%swap3A_2252] {strides = array<i32>} : memref<8192xf32, #tpu.memory_space<vmem>>, vector<16xf32>,
      %swap3A_2254 = vector.shape_cast %swap3A_2253 : vector<16xf32> to vector<16xf32>
      %swap3A_2255 = vector.shape_cast %broadcast_in_dim3A_2251 : vector<16xf32> to vector<16xf32>
      tpu.vector_store %arg9[%swap3A_2252], %swap3A_2255 {strides = array<i32>} : memref<8192xf32, #tpu.memory_space<vmem>>, vector<16xf32>,
      %broadcast_in_dim3A_2256 = arith.constant 0.000000e+00 : f32
      %broadcast_in_dim3A_2257 = vector.broadcast %broadcast_in_dim3A_2256 : f32 to vector<16xf32>
      %swap3A_2258 = arith.constant 5744 : index
      %swap3A_2259 = tpu.vector_load %arg9[%swap3A_2258] {strides = array<i32>} : memref<8192xf32, #tpu.memory_space<vmem>>, vector<16xf32>,
      %swap3A_2260 = vector.shape_cast %swap3A_2259 : vector<16xf32> to vector<16xf32>
      %swap3A_2261 = vector.shape_cast %broadcast_in_dim3A_2257 : vector<16xf32> to vector<16xf32>
      tpu.vector_store %arg9[%swap3A_2258], %swap3A_2261 {strides = array<i32>} : memref<8192xf32, #tpu.memory_space<vmem>>, vector<16xf32>,
      %broadcast_in_dim3A_2262 = arith.constant 0.000000e+00 : f32
      %broadcast_in_dim3A_2263 = vector.broadcast %broadcast_in_dim3A_2262 : f32 to vector<16xf32>
      %swap3A_2264 = arith.constant 5760 : index
      %swap3A_2265 = tpu.vector_load %arg9[%swap3A_2264] {strides = array<i32>} : memref<8192xf32, #tpu.memory_space<vmem>>, vector<16xf32>,
      %swap3A_2266 = vector.shape_cast %swap3A_2265 : vector<16xf32> to vector<16xf32>
      %swap3A_2267 = vector.shape_cast %broadcast_in_dim3A_2263 : vector<16xf32> to vector<16xf32>
      tpu.vector_store %arg9[%swap3A_2264], %swap3A_2267 {strides = array<i32>} : memref<8192xf32, #tpu.memory_space<vmem>>, vector<16xf32>,
      %broadcast_in_dim3A_2268 = arith.constant 0.000000e+00 : f32
      %broadcast_in_dim3A_2269 = vector.broadcast %broadcast_in_dim3A_2268 : f32 to vector<16xf32>
      %swap3A_2270 = arith.constant 5776 : index
      %swap3A_2271 = tpu.vector_load %arg9[%swap3A_2270] {strides = array<i32>} : memref<8192xf32, #tpu.memory_space<vmem>>, vector<16xf32>,
      %swap3A_2272 = vector.shape_cast %swap3A_2271 : vector<16xf32> to vector<16xf32>
      %swap3A_2273 = vector.shape_cast %broadcast_in_dim3A_2269 : vector<16xf32> to vector<16xf32>
      tpu.vector_store %arg9[%swap3A_2270], %swap3A_2273 {strides = array<i32>} : memref<8192xf32, #tpu.memory_space<vmem>>, vector<16xf32>,
      %broadcast_in_dim3A_2274 = arith.constant 0.000000e+00 : f32
      %broadcast_in_dim3A_2275 = vector.broadcast %broadcast_in_dim3A_2274 : f32 to vector<16xf32>
      %swap3A_2276 = arith.constant 5792 : index
      %swap3A_2277 = tpu.vector_load %arg9[%swap3A_2276] {strides = array<i32>} : memref<8192xf32, #tpu.memory_space<vmem>>, vector<16xf32>,
      %swap3A_2278 = vector.shape_cast %swap3A_2277 : vector<16xf32> to vector<16xf32>
      %swap3A_2279 = vector.shape_cast %broadcast_in_dim3A_2275 : vector<16xf32> to vector<16xf32>
      tpu.vector_store %arg9[%swap3A_2276], %swap3A_2279 {strides = array<i32>} : memref<8192xf32, #tpu.memory_space<vmem>>, vector<16xf32>,
      %broadcast_in_dim3A_2280 = arith.constant 0.000000e+00 : f32
      %broadcast_in_dim3A_2281 = vector.broadcast %broadcast_in_dim3A_2280 : f32 to vector<16xf32>
      %swap3A_2282 = arith.constant 5808 : index
      %swap3A_2283 = tpu.vector_load %arg9[%swap3A_2282] {strides = array<i32>} : memref<8192xf32, #tpu.memory_space<vmem>>, vector<16xf32>,
      %swap3A_2284 = vector.shape_cast %swap3A_2283 : vector<16xf32> to vector<16xf32>
      %swap3A_2285 = vector.shape_cast %broadcast_in_dim3A_2281 : vector<16xf32> to vector<16xf32>
      tpu.vector_store %arg9[%swap3A_2282], %swap3A_2285 {strides = array<i32>} : memref<8192xf32, #tpu.memory_space<vmem>>, vector<16xf32>,
      %broadcast_in_dim3A_2286 = arith.constant 0.000000e+00 : f32
      %broadcast_in_dim3A_2287 = vector.broadcast %broadcast_in_dim3A_2286 : f32 to vector<16xf32>
      %swap3A_2288 = arith.constant 5824 : index
      %swap3A_2289 = tpu.vector_load %arg9[%swap3A_2288] {strides = array<i32>} : memref<8192xf32, #tpu.memory_space<vmem>>, vector<16xf32>,
      %swap3A_2290 = vector.shape_cast %swap3A_2289 : vector<16xf32> to vector<16xf32>
      %swap3A_2291 = vector.shape_cast %broadcast_in_dim3A_2287 : vector<16xf32> to vector<16xf32>
      tpu.vector_store %arg9[%swap3A_2288], %swap3A_2291 {strides = array<i32>} : memref<8192xf32, #tpu.memory_space<vmem>>, vector<16xf32>,
      %broadcast_in_dim3A_2292 = arith.constant 0.000000e+00 : f32
      %broadcast_in_dim3A_2293 = vector.broadcast %broadcast_in_dim3A_2292 : f32 to vector<16xf32>
      %swap3A_2294 = arith.constant 5840 : index
      %swap3A_2295 = tpu.vector_load %arg9[%swap3A_2294] {strides = array<i32>} : memref<8192xf32, #tpu.memory_space<vmem>>, vector<16xf32>,
      %swap3A_2296 = vector.shape_cast %swap3A_2295 : vector<16xf32> to vector<16xf32>
      %swap3A_2297 = vector.shape_cast %broadcast_in_dim3A_2293 : vector<16xf32> to vector<16xf32>
      tpu.vector_store %arg9[%swap3A_2294], %swap3A_2297 {strides = array<i32>} : memref<8192xf32, #tpu.memory_space<vmem>>, vector<16xf32>,
      %broadcast_in_dim3A_2298 = arith.constant 0.000000e+00 : f32
      %broadcast_in_dim3A_2299 = vector.broadcast %broadcast_in_dim3A_2298 : f32 to vector<16xf32>
      %swap3A_2300 = arith.constant 5856 : index
      %swap3A_2301 = tpu.vector_load %arg9[%swap3A_2300] {strides = array<i32>} : memref<8192xf32, #tpu.memory_space<vmem>>, vector<16xf32>,
      %swap3A_2302 = vector.shape_cast %swap3A_2301 : vector<16xf32> to vector<16xf32>
      %swap3A_2303 = vector.shape_cast %broadcast_in_dim3A_2299 : vector<16xf32> to vector<16xf32>
      tpu.vector_store %arg9[%swap3A_2300], %swap3A_2303 {strides = array<i32>} : memref<8192xf32, #tpu.memory_space<vmem>>, vector<16xf32>,
      %broadcast_in_dim3A_2304 = arith.constant 0.000000e+00 : f32
      %broadcast_in_dim3A_2305 = vector.broadcast %broadcast_in_dim3A_2304 : f32 to vector<16xf32>
      %swap3A_2306 = arith.constant 5872 : index
      %swap3A_2307 = tpu.vector_load %arg9[%swap3A_2306] {strides = array<i32>} : memref<8192xf32, #tpu.memory_space<vmem>>, vector<16xf32>,
      %swap3A_2308 = vector.shape_cast %swap3A_2307 : vector<16xf32> to vector<16xf32>
      %swap3A_2309 = vector.shape_cast %broadcast_in_dim3A_2305 : vector<16xf32> to vector<16xf32>
      tpu.vector_store %arg9[%swap3A_2306], %swap3A_2309 {strides = array<i32>} : memref<8192xf32, #tpu.memory_space<vmem>>, vector<16xf32>,
      %broadcast_in_dim3A_2310 = arith.constant 0.000000e+00 : f32
      %broadcast_in_dim3A_2311 = vector.broadcast %broadcast_in_dim3A_2310 : f32 to vector<16xf32>
      %swap3A_2312 = arith.constant 5888 : index
      %swap3A_2313 = tpu.vector_load %arg9[%swap3A_2312] {strides = array<i32>} : memref<8192xf32, #tpu.memory_space<vmem>>, vector<16xf32>,
      %swap3A_2314 = vector.shape_cast %swap3A_2313 : vector<16xf32> to vector<16xf32>
      %swap3A_2315 = vector.shape_cast %broadcast_in_dim3A_2311 : vector<16xf32> to vector<16xf32>
      tpu.vector_store %arg9[%swap3A_2312], %swap3A_2315 {strides = array<i32>} : memref<8192xf32, #tpu.memory_space<vmem>>, vector<16xf32>,
      %broadcast_in_dim3A_2316 = arith.constant 0.000000e+00 : f32
      %broadcast_in_dim3A_2317 = vector.broadcast %broadcast_in_dim3A_2316 : f32 to vector<16xf32>
      %swap3A_2318 = arith.constant 5904 : index
      %swap3A_2319 = tpu.vector_load %arg9[%swap3A_2318] {strides = array<i32>} : memref<8192xf32, #tpu.memory_space<vmem>>, vector<16xf32>,
      %swap3A_2320 = vector.shape_cast %swap3A_2319 : vector<16xf32> to vector<16xf32>
      %swap3A_2321 = vector.shape_cast %broadcast_in_dim3A_2317 : vector<16xf32> to vector<16xf32>
      tpu.vector_store %arg9[%swap3A_2318], %swap3A_2321 {strides = array<i32>} : memref<8192xf32, #tpu.memory_space<vmem>>, vector<16xf32>,
      %broadcast_in_dim3A_2322 = arith.constant 0.000000e+00 : f32
      %broadcast_in_dim3A_2323 = vector.broadcast %broadcast_in_dim3A_2322 : f32 to vector<16xf32>
      %swap3A_2324 = arith.constant 5920 : index
      %swap3A_2325 = tpu.vector_load %arg9[%swap3A_2324] {strides = array<i32>} : memref<8192xf32, #tpu.memory_space<vmem>>, vector<16xf32>,
      %swap3A_2326 = vector.shape_cast %swap3A_2325 : vector<16xf32> to vector<16xf32>
      %swap3A_2327 = vector.shape_cast %broadcast_in_dim3A_2323 : vector<16xf32> to vector<16xf32>
      tpu.vector_store %arg9[%swap3A_2324], %swap3A_2327 {strides = array<i32>} : memref<8192xf32, #tpu.memory_space<vmem>>, vector<16xf32>,
      %broadcast_in_dim3A_2328 = arith.constant 0.000000e+00 : f32
      %broadcast_in_dim3A_2329 = vector.broadcast %broadcast_in_dim3A_2328 : f32 to vector<16xf32>
      %swap3A_2330 = arith.constant 5936 : index
      %swap3A_2331 = tpu.vector_load %arg9[%swap3A_2330] {strides = array<i32>} : memref<8192xf32, #tpu.memory_space<vmem>>, vector<16xf32>,
      %swap3A_2332 = vector.shape_cast %swap3A_2331 : vector<16xf32> to vector<16xf32>
      %swap3A_2333 = vector.shape_cast %broadcast_in_dim3A_2329 : vector<16xf32> to vector<16xf32>
      tpu.vector_store %arg9[%swap3A_2330], %swap3A_2333 {strides = array<i32>} : memref<8192xf32, #tpu.memory_space<vmem>>, vector<16xf32>,
      %broadcast_in_dim3A_2334 = arith.constant 0.000000e+00 : f32
      %broadcast_in_dim3A_2335 = vector.broadcast %broadcast_in_dim3A_2334 : f32 to vector<16xf32>
      %swap3A_2336 = arith.constant 5952 : index
      %swap3A_2337 = tpu.vector_load %arg9[%swap3A_2336] {strides = array<i32>} : memref<8192xf32, #tpu.memory_space<vmem>>, vector<16xf32>,
      %swap3A_2338 = vector.shape_cast %swap3A_2337 : vector<16xf32> to vector<16xf32>
      %swap3A_2339 = vector.shape_cast %broadcast_in_dim3A_2335 : vector<16xf32> to vector<16xf32>
      tpu.vector_store %arg9[%swap3A_2336], %swap3A_2339 {strides = array<i32>} : memref<8192xf32, #tpu.memory_space<vmem>>, vector<16xf32>,
      %broadcast_in_dim3A_2340 = arith.constant 0.000000e+00 : f32
      %broadcast_in_dim3A_2341 = vector.broadcast %broadcast_in_dim3A_2340 : f32 to vector<16xf32>
      %swap3A_2342 = arith.constant 5968 : index
      %swap3A_2343 = tpu.vector_load %arg9[%swap3A_2342] {strides = array<i32>} : memref<8192xf32, #tpu.memory_space<vmem>>, vector<16xf32>,
      %swap3A_2344 = vector.shape_cast %swap3A_2343 : vector<16xf32> to vector<16xf32>
      %swap3A_2345 = vector.shape_cast %broadcast_in_dim3A_2341 : vector<16xf32> to vector<16xf32>
      tpu.vector_store %arg9[%swap3A_2342], %swap3A_2345 {strides = array<i32>} : memref<8192xf32, #tpu.memory_space<vmem>>, vector<16xf32>,
      %broadcast_in_dim3A_2346 = arith.constant 0.000000e+00 : f32
      %broadcast_in_dim3A_2347 = vector.broadcast %broadcast_in_dim3A_2346 : f32 to vector<16xf32>
      %swap3A_2348 = arith.constant 5984 : index
      %swap3A_2349 = tpu.vector_load %arg9[%swap3A_2348] {strides = array<i32>} : memref<8192xf32, #tpu.memory_space<vmem>>, vector<16xf32>,
      %swap3A_2350 = vector.shape_cast %swap3A_2349 : vector<16xf32> to vector<16xf32>
      %swap3A_2351 = vector.shape_cast %broadcast_in_dim3A_2347 : vector<16xf32> to vector<16xf32>
      tpu.vector_store %arg9[%swap3A_2348], %swap3A_2351 {strides = array<i32>} : memref<8192xf32, #tpu.memory_space<vmem>>, vector<16xf32>,
      %broadcast_in_dim3A_2352 = arith.constant 0.000000e+00 : f32
      %broadcast_in_dim3A_2353 = vector.broadcast %broadcast_in_dim3A_2352 : f32 to vector<16xf32>
      %swap3A_2354 = arith.constant 6000 : index
      %swap3A_2355 = tpu.vector_load %arg9[%swap3A_2354] {strides = array<i32>} : memref<8192xf32, #tpu.memory_space<vmem>>, vector<16xf32>,
      %swap3A_2356 = vector.shape_cast %swap3A_2355 : vector<16xf32> to vector<16xf32>
      %swap3A_2357 = vector.shape_cast %broadcast_in_dim3A_2353 : vector<16xf32> to vector<16xf32>
      tpu.vector_store %arg9[%swap3A_2354], %swap3A_2357 {strides = array<i32>} : memref<8192xf32, #tpu.memory_space<vmem>>, vector<16xf32>,
      %broadcast_in_dim3A_2358 = arith.constant 0.000000e+00 : f32
      %broadcast_in_dim3A_2359 = vector.broadcast %broadcast_in_dim3A_2358 : f32 to vector<16xf32>
      %swap3A_2360 = arith.constant 6016 : index
      %swap3A_2361 = tpu.vector_load %arg9[%swap3A_2360] {strides = array<i32>} : memref<8192xf32, #tpu.memory_space<vmem>>, vector<16xf32>,
      %swap3A_2362 = vector.shape_cast %swap3A_2361 : vector<16xf32> to vector<16xf32>
      %swap3A_2363 = vector.shape_cast %broadcast_in_dim3A_2359 : vector<16xf32> to vector<16xf32>
      tpu.vector_store %arg9[%swap3A_2360], %swap3A_2363 {strides = array<i32>} : memref<8192xf32, #tpu.memory_space<vmem>>, vector<16xf32>,
      %broadcast_in_dim3A_2364 = arith.constant 0.000000e+00 : f32
      %broadcast_in_dim3A_2365 = vector.broadcast %broadcast_in_dim3A_2364 : f32 to vector<16xf32>
      %swap3A_2366 = arith.constant 6032 : index
      %swap3A_2367 = tpu.vector_load %arg9[%swap3A_2366] {strides = array<i32>} : memref<8192xf32, #tpu.memory_space<vmem>>, vector<16xf32>,
      %swap3A_2368 = vector.shape_cast %swap3A_2367 : vector<16xf32> to vector<16xf32>
      %swap3A_2369 = vector.shape_cast %broadcast_in_dim3A_2365 : vector<16xf32> to vector<16xf32>
      tpu.vector_store %arg9[%swap3A_2366], %swap3A_2369 {strides = array<i32>} : memref<8192xf32, #tpu.memory_space<vmem>>, vector<16xf32>,
      %broadcast_in_dim3A_2370 = arith.constant 0.000000e+00 : f32
      %broadcast_in_dim3A_2371 = vector.broadcast %broadcast_in_dim3A_2370 : f32 to vector<16xf32>
      %swap3A_2372 = arith.constant 6048 : index
      %swap3A_2373 = tpu.vector_load %arg9[%swap3A_2372] {strides = array<i32>} : memref<8192xf32, #tpu.memory_space<vmem>>, vector<16xf32>,
      %swap3A_2374 = vector.shape_cast %swap3A_2373 : vector<16xf32> to vector<16xf32>
      %swap3A_2375 = vector.shape_cast %broadcast_in_dim3A_2371 : vector<16xf32> to vector<16xf32>
      tpu.vector_store %arg9[%swap3A_2372], %swap3A_2375 {strides = array<i32>} : memref<8192xf32, #tpu.memory_space<vmem>>, vector<16xf32>,
      %broadcast_in_dim3A_2376 = arith.constant 0.000000e+00 : f32
      %broadcast_in_dim3A_2377 = vector.broadcast %broadcast_in_dim3A_2376 : f32 to vector<16xf32>
      %swap3A_2378 = arith.constant 6064 : index
      %swap3A_2379 = tpu.vector_load %arg9[%swap3A_2378] {strides = array<i32>} : memref<8192xf32, #tpu.memory_space<vmem>>, vector<16xf32>,
      %swap3A_2380 = vector.shape_cast %swap3A_2379 : vector<16xf32> to vector<16xf32>
      %swap3A_2381 = vector.shape_cast %broadcast_in_dim3A_2377 : vector<16xf32> to vector<16xf32>
      tpu.vector_store %arg9[%swap3A_2378], %swap3A_2381 {strides = array<i32>} : memref<8192xf32, #tpu.memory_space<vmem>>, vector<16xf32>,
      %broadcast_in_dim3A_2382 = arith.constant 0.000000e+00 : f32
      %broadcast_in_dim3A_2383 = vector.broadcast %broadcast_in_dim3A_2382 : f32 to vector<16xf32>
      %swap3A_2384 = arith.constant 6080 : index
      %swap3A_2385 = tpu.vector_load %arg9[%swap3A_2384] {strides = array<i32>} : memref<8192xf32, #tpu.memory_space<vmem>>, vector<16xf32>,
      %swap3A_2386 = vector.shape_cast %swap3A_2385 : vector<16xf32> to vector<16xf32>
      %swap3A_2387 = vector.shape_cast %broadcast_in_dim3A_2383 : vector<16xf32> to vector<16xf32>
      tpu.vector_store %arg9[%swap3A_2384], %swap3A_2387 {strides = array<i32>} : memref<8192xf32, #tpu.memory_space<vmem>>, vector<16xf32>,
      %broadcast_in_dim3A_2388 = arith.constant 0.000000e+00 : f32
      %broadcast_in_dim3A_2389 = vector.broadcast %broadcast_in_dim3A_2388 : f32 to vector<16xf32>
      %swap3A_2390 = arith.constant 6096 : index
      %swap3A_2391 = tpu.vector_load %arg9[%swap3A_2390] {strides = array<i32>} : memref<8192xf32, #tpu.memory_space<vmem>>, vector<16xf32>,
      %swap3A_2392 = vector.shape_cast %swap3A_2391 : vector<16xf32> to vector<16xf32>
      %swap3A_2393 = vector.shape_cast %broadcast_in_dim3A_2389 : vector<16xf32> to vector<16xf32>
      tpu.vector_store %arg9[%swap3A_2390], %swap3A_2393 {strides = array<i32>} : memref<8192xf32, #tpu.memory_space<vmem>>, vector<16xf32>,
      %broadcast_in_dim3A_2394 = arith.constant 0.000000e+00 : f32
      %broadcast_in_dim3A_2395 = vector.broadcast %broadcast_in_dim3A_2394 : f32 to vector<16xf32>
      %swap3A_2396 = arith.constant 6112 : index
      %swap3A_2397 = tpu.vector_load %arg9[%swap3A_2396] {strides = array<i32>} : memref<8192xf32, #tpu.memory_space<vmem>>, vector<16xf32>,
      %swap3A_2398 = vector.shape_cast %swap3A_2397 : vector<16xf32> to vector<16xf32>
      %swap3A_2399 = vector.shape_cast %broadcast_in_dim3A_2395 : vector<16xf32> to vector<16xf32>
      tpu.vector_store %arg9[%swap3A_2396], %swap3A_2399 {strides = array<i32>} : memref<8192xf32, #tpu.memory_space<vmem>>, vector<16xf32>,
      %broadcast_in_dim3A_2400 = arith.constant 0.000000e+00 : f32
      %broadcast_in_dim3A_2401 = vector.broadcast %broadcast_in_dim3A_2400 : f32 to vector<16xf32>
      %swap3A_2402 = arith.constant 6128 : index
      %swap3A_2403 = tpu.vector_load %arg9[%swap3A_2402] {strides = array<i32>} : memref<8192xf32, #tpu.memory_space<vmem>>, vector<16xf32>,
      %swap3A_2404 = vector.shape_cast %swap3A_2403 : vector<16xf32> to vector<16xf32>
      %swap3A_2405 = vector.shape_cast %broadcast_in_dim3A_2401 : vector<16xf32> to vector<16xf32>
      tpu.vector_store %arg9[%swap3A_2402], %swap3A_2405 {strides = array<i32>} : memref<8192xf32, #tpu.memory_space<vmem>>, vector<16xf32>,
      %broadcast_in_dim3A_2406 = arith.constant 0.000000e+00 : f32
      %broadcast_in_dim3A_2407 = vector.broadcast %broadcast_in_dim3A_2406 : f32 to vector<16xf32>
      %swap3A_2408 = arith.constant 6144 : index
      %swap3A_2409 = tpu.vector_load %arg9[%swap3A_2408] {strides = array<i32>} : memref<8192xf32, #tpu.memory_space<vmem>>, vector<16xf32>,
      %swap3A_2410 = vector.shape_cast %swap3A_2409 : vector<16xf32> to vector<16xf32>
      %swap3A_2411 = vector.shape_cast %broadcast_in_dim3A_2407 : vector<16xf32> to vector<16xf32>
      tpu.vector_store %arg9[%swap3A_2408], %swap3A_2411 {strides = array<i32>} : memref<8192xf32, #tpu.memory_space<vmem>>, vector<16xf32>,
      %broadcast_in_dim3A_2412 = arith.constant 0.000000e+00 : f32
      %broadcast_in_dim3A_2413 = vector.broadcast %broadcast_in_dim3A_2412 : f32 to vector<16xf32>
      %swap3A_2414 = arith.constant 6160 : index
      %swap3A_2415 = tpu.vector_load %arg9[%swap3A_2414] {strides = array<i32>} : memref<8192xf32, #tpu.memory_space<vmem>>, vector<16xf32>,
      %swap3A_2416 = vector.shape_cast %swap3A_2415 : vector<16xf32> to vector<16xf32>
      %swap3A_2417 = vector.shape_cast %broadcast_in_dim3A_2413 : vector<16xf32> to vector<16xf32>
      tpu.vector_store %arg9[%swap3A_2414], %swap3A_2417 {strides = array<i32>} : memref<8192xf32, #tpu.memory_space<vmem>>, vector<16xf32>,
      %broadcast_in_dim3A_2418 = arith.constant 0.000000e+00 : f32
      %broadcast_in_dim3A_2419 = vector.broadcast %broadcast_in_dim3A_2418 : f32 to vector<16xf32>
      %swap3A_2420 = arith.constant 6176 : index
      %swap3A_2421 = tpu.vector_load %arg9[%swap3A_2420] {strides = array<i32>} : memref<8192xf32, #tpu.memory_space<vmem>>, vector<16xf32>,
      %swap3A_2422 = vector.shape_cast %swap3A_2421 : vector<16xf32> to vector<16xf32>
      %swap3A_2423 = vector.shape_cast %broadcast_in_dim3A_2419 : vector<16xf32> to vector<16xf32>
      tpu.vector_store %arg9[%swap3A_2420], %swap3A_2423 {strides = array<i32>} : memref<8192xf32, #tpu.memory_space<vmem>>, vector<16xf32>,
      %broadcast_in_dim3A_2424 = arith.constant 0.000000e+00 : f32
      %broadcast_in_dim3A_2425 = vector.broadcast %broadcast_in_dim3A_2424 : f32 to vector<16xf32>
      %swap3A_2426 = arith.constant 6192 : index
      %swap3A_2427 = tpu.vector_load %arg9[%swap3A_2426] {strides = array<i32>} : memref<8192xf32, #tpu.memory_space<vmem>>, vector<16xf32>,
      %swap3A_2428 = vector.shape_cast %swap3A_2427 : vector<16xf32> to vector<16xf32>
      %swap3A_2429 = vector.shape_cast %broadcast_in_dim3A_2425 : vector<16xf32> to vector<16xf32>
      tpu.vector_store %arg9[%swap3A_2426], %swap3A_2429 {strides = array<i32>} : memref<8192xf32, #tpu.memory_space<vmem>>, vector<16xf32>,
      %broadcast_in_dim3A_2430 = arith.constant 0.000000e+00 : f32
      %broadcast_in_dim3A_2431 = vector.broadcast %broadcast_in_dim3A_2430 : f32 to vector<16xf32>
      %swap3A_2432 = arith.constant 6208 : index
      %swap3A_2433 = tpu.vector_load %arg9[%swap3A_2432] {strides = array<i32>} : memref<8192xf32, #tpu.memory_space<vmem>>, vector<16xf32>,
      %swap3A_2434 = vector.shape_cast %swap3A_2433 : vector<16xf32> to vector<16xf32>
      %swap3A_2435 = vector.shape_cast %broadcast_in_dim3A_2431 : vector<16xf32> to vector<16xf32>
      tpu.vector_store %arg9[%swap3A_2432], %swap3A_2435 {strides = array<i32>} : memref<8192xf32, #tpu.memory_space<vmem>>, vector<16xf32>,
      %broadcast_in_dim3A_2436 = arith.constant 0.000000e+00 : f32
      %broadcast_in_dim3A_2437 = vector.broadcast %broadcast_in_dim3A_2436 : f32 to vector<16xf32>
      %swap3A_2438 = arith.constant 6224 : index
      %swap3A_2439 = tpu.vector_load %arg9[%swap3A_2438] {strides = array<i32>} : memref<8192xf32, #tpu.memory_space<vmem>>, vector<16xf32>,
      %swap3A_2440 = vector.shape_cast %swap3A_2439 : vector<16xf32> to vector<16xf32>
      %swap3A_2441 = vector.shape_cast %broadcast_in_dim3A_2437 : vector<16xf32> to vector<16xf32>
      tpu.vector_store %arg9[%swap3A_2438], %swap3A_2441 {strides = array<i32>} : memref<8192xf32, #tpu.memory_space<vmem>>, vector<16xf32>,
      %broadcast_in_dim3A_2442 = arith.constant 0.000000e+00 : f32
      %broadcast_in_dim3A_2443 = vector.broadcast %broadcast_in_dim3A_2442 : f32 to vector<16xf32>
      %swap3A_2444 = arith.constant 6240 : index
      %swap3A_2445 = tpu.vector_load %arg9[%swap3A_2444] {strides = array<i32>} : memref<8192xf32, #tpu.memory_space<vmem>>, vector<16xf32>,
      %swap3A_2446 = vector.shape_cast %swap3A_2445 : vector<16xf32> to vector<16xf32>
      %swap3A_2447 = vector.shape_cast %broadcast_in_dim3A_2443 : vector<16xf32> to vector<16xf32>
      tpu.vector_store %arg9[%swap3A_2444], %swap3A_2447 {strides = array<i32>} : memref<8192xf32, #tpu.memory_space<vmem>>, vector<16xf32>,
      %broadcast_in_dim3A_2448 = arith.constant 0.000000e+00 : f32
      %broadcast_in_dim3A_2449 = vector.broadcast %broadcast_in_dim3A_2448 : f32 to vector<16xf32>
      %swap3A_2450 = arith.constant 6256 : index
      %swap3A_2451 = tpu.vector_load %arg9[%swap3A_2450] {strides = array<i32>} : memref<8192xf32, #tpu.memory_space<vmem>>, vector<16xf32>,
      %swap3A_2452 = vector.shape_cast %swap3A_2451 : vector<16xf32> to vector<16xf32>
      %swap3A_2453 = vector.shape_cast %broadcast_in_dim3A_2449 : vector<16xf32> to vector<16xf32>
      tpu.vector_store %arg9[%swap3A_2450], %swap3A_2453 {strides = array<i32>} : memref<8192xf32, #tpu.memory_space<vmem>>, vector<16xf32>,
      %broadcast_in_dim3A_2454 = arith.constant 0.000000e+00 : f32
      %broadcast_in_dim3A_2455 = vector.broadcast %broadcast_in_dim3A_2454 : f32 to vector<16xf32>
      %swap3A_2456 = arith.constant 6272 : index
      %swap3A_2457 = tpu.vector_load %arg9[%swap3A_2456] {strides = array<i32>} : memref<8192xf32, #tpu.memory_space<vmem>>, vector<16xf32>,
      %swap3A_2458 = vector.shape_cast %swap3A_2457 : vector<16xf32> to vector<16xf32>
      %swap3A_2459 = vector.shape_cast %broadcast_in_dim3A_2455 : vector<16xf32> to vector<16xf32>
      tpu.vector_store %arg9[%swap3A_2456], %swap3A_2459 {strides = array<i32>} : memref<8192xf32, #tpu.memory_space<vmem>>, vector<16xf32>,
      %broadcast_in_dim3A_2460 = arith.constant 0.000000e+00 : f32
      %broadcast_in_dim3A_2461 = vector.broadcast %broadcast_in_dim3A_2460 : f32 to vector<16xf32>
      %swap3A_2462 = arith.constant 6288 : index
      %swap3A_2463 = tpu.vector_load %arg9[%swap3A_2462] {strides = array<i32>} : memref<8192xf32, #tpu.memory_space<vmem>>, vector<16xf32>,
      %swap3A_2464 = vector.shape_cast %swap3A_2463 : vector<16xf32> to vector<16xf32>
      %swap3A_2465 = vector.shape_cast %broadcast_in_dim3A_2461 : vector<16xf32> to vector<16xf32>
      tpu.vector_store %arg9[%swap3A_2462], %swap3A_2465 {strides = array<i32>} : memref<8192xf32, #tpu.memory_space<vmem>>, vector<16xf32>,
      %broadcast_in_dim3A_2466 = arith.constant 0.000000e+00 : f32
      %broadcast_in_dim3A_2467 = vector.broadcast %broadcast_in_dim3A_2466 : f32 to vector<16xf32>
      %swap3A_2468 = arith.constant 6304 : index
      %swap3A_2469 = tpu.vector_load %arg9[%swap3A_2468] {strides = array<i32>} : memref<8192xf32, #tpu.memory_space<vmem>>, vector<16xf32>,
      %swap3A_2470 = vector.shape_cast %swap3A_2469 : vector<16xf32> to vector<16xf32>
      %swap3A_2471 = vector.shape_cast %broadcast_in_dim3A_2467 : vector<16xf32> to vector<16xf32>
      tpu.vector_store %arg9[%swap3A_2468], %swap3A_2471 {strides = array<i32>} : memref<8192xf32, #tpu.memory_space<vmem>>, vector<16xf32>,
      %broadcast_in_dim3A_2472 = arith.constant 0.000000e+00 : f32
      %broadcast_in_dim3A_2473 = vector.broadcast %broadcast_in_dim3A_2472 : f32 to vector<16xf32>
      %swap3A_2474 = arith.constant 6320 : index
      %swap3A_2475 = tpu.vector_load %arg9[%swap3A_2474] {strides = array<i32>} : memref<8192xf32, #tpu.memory_space<vmem>>, vector<16xf32>,
      %swap3A_2476 = vector.shape_cast %swap3A_2475 : vector<16xf32> to vector<16xf32>
      %swap3A_2477 = vector.shape_cast %broadcast_in_dim3A_2473 : vector<16xf32> to vector<16xf32>
      tpu.vector_store %arg9[%swap3A_2474], %swap3A_2477 {strides = array<i32>} : memref<8192xf32, #tpu.memory_space<vmem>>, vector<16xf32>,
      %broadcast_in_dim3A_2478 = arith.constant 0.000000e+00 : f32
      %broadcast_in_dim3A_2479 = vector.broadcast %broadcast_in_dim3A_2478 : f32 to vector<16xf32>
      %swap3A_2480 = arith.constant 6336 : index
      %swap3A_2481 = tpu.vector_load %arg9[%swap3A_2480] {strides = array<i32>} : memref<8192xf32, #tpu.memory_space<vmem>>, vector<16xf32>,
      %swap3A_2482 = vector.shape_cast %swap3A_2481 : vector<16xf32> to vector<16xf32>
      %swap3A_2483 = vector.shape_cast %broadcast_in_dim3A_2479 : vector<16xf32> to vector<16xf32>
      tpu.vector_store %arg9[%swap3A_2480], %swap3A_2483 {strides = array<i32>} : memref<8192xf32, #tpu.memory_space<vmem>>, vector<16xf32>,
      %broadcast_in_dim3A_2484 = arith.constant 0.000000e+00 : f32
      %broadcast_in_dim3A_2485 = vector.broadcast %broadcast_in_dim3A_2484 : f32 to vector<16xf32>
      %swap3A_2486 = arith.constant 6352 : index
      %swap3A_2487 = tpu.vector_load %arg9[%swap3A_2486] {strides = array<i32>} : memref<8192xf32, #tpu.memory_space<vmem>>, vector<16xf32>,
      %swap3A_2488 = vector.shape_cast %swap3A_2487 : vector<16xf32> to vector<16xf32>
      %swap3A_2489 = vector.shape_cast %broadcast_in_dim3A_2485 : vector<16xf32> to vector<16xf32>
      tpu.vector_store %arg9[%swap3A_2486], %swap3A_2489 {strides = array<i32>} : memref<8192xf32, #tpu.memory_space<vmem>>, vector<16xf32>,
      %broadcast_in_dim3A_2490 = arith.constant 0.000000e+00 : f32
      %broadcast_in_dim3A_2491 = vector.broadcast %broadcast_in_dim3A_2490 : f32 to vector<16xf32>
      %swap3A_2492 = arith.constant 6368 : index
      %swap3A_2493 = tpu.vector_load %arg9[%swap3A_2492] {strides = array<i32>} : memref<8192xf32, #tpu.memory_space<vmem>>, vector<16xf32>,
      %swap3A_2494 = vector.shape_cast %swap3A_2493 : vector<16xf32> to vector<16xf32>
      %swap3A_2495 = vector.shape_cast %broadcast_in_dim3A_2491 : vector<16xf32> to vector<16xf32>
      tpu.vector_store %arg9[%swap3A_2492], %swap3A_2495 {strides = array<i32>} : memref<8192xf32, #tpu.memory_space<vmem>>, vector<16xf32>,
      %broadcast_in_dim3A_2496 = arith.constant 0.000000e+00 : f32
      %broadcast_in_dim3A_2497 = vector.broadcast %broadcast_in_dim3A_2496 : f32 to vector<16xf32>
      %swap3A_2498 = arith.constant 6384 : index
      %swap3A_2499 = tpu.vector_load %arg9[%swap3A_2498] {strides = array<i32>} : memref<8192xf32, #tpu.memory_space<vmem>>, vector<16xf32>,
      %swap3A_2500 = vector.shape_cast %swap3A_2499 : vector<16xf32> to vector<16xf32>
      %swap3A_2501 = vector.shape_cast %broadcast_in_dim3A_2497 : vector<16xf32> to vector<16xf32>
      tpu.vector_store %arg9[%swap3A_2498], %swap3A_2501 {strides = array<i32>} : memref<8192xf32, #tpu.memory_space<vmem>>, vector<16xf32>,
      %broadcast_in_dim3A_2502 = arith.constant 0.000000e+00 : f32
      %broadcast_in_dim3A_2503 = vector.broadcast %broadcast_in_dim3A_2502 : f32 to vector<16xf32>
      %swap3A_2504 = arith.constant 6400 : index
      %swap3A_2505 = tpu.vector_load %arg9[%swap3A_2504] {strides = array<i32>} : memref<8192xf32, #tpu.memory_space<vmem>>, vector<16xf32>,
      %swap3A_2506 = vector.shape_cast %swap3A_2505 : vector<16xf32> to vector<16xf32>
      %swap3A_2507 = vector.shape_cast %broadcast_in_dim3A_2503 : vector<16xf32> to vector<16xf32>
      tpu.vector_store %arg9[%swap3A_2504], %swap3A_2507 {strides = array<i32>} : memref<8192xf32, #tpu.memory_space<vmem>>, vector<16xf32>,
      %broadcast_in_dim3A_2508 = arith.constant 0.000000e+00 : f32
      %broadcast_in_dim3A_2509 = vector.broadcast %broadcast_in_dim3A_2508 : f32 to vector<16xf32>
      %swap3A_2510 = arith.constant 6416 : index
      %swap3A_2511 = tpu.vector_load %arg9[%swap3A_2510] {strides = array<i32>} : memref<8192xf32, #tpu.memory_space<vmem>>, vector<16xf32>,
      %swap3A_2512 = vector.shape_cast %swap3A_2511 : vector<16xf32> to vector<16xf32>
      %swap3A_2513 = vector.shape_cast %broadcast_in_dim3A_2509 : vector<16xf32> to vector<16xf32>
      tpu.vector_store %arg9[%swap3A_2510], %swap3A_2513 {strides = array<i32>} : memref<8192xf32, #tpu.memory_space<vmem>>, vector<16xf32>,
      %broadcast_in_dim3A_2514 = arith.constant 0.000000e+00 : f32
      %broadcast_in_dim3A_2515 = vector.broadcast %broadcast_in_dim3A_2514 : f32 to vector<16xf32>
      %swap3A_2516 = arith.constant 6432 : index
      %swap3A_2517 = tpu.vector_load %arg9[%swap3A_2516] {strides = array<i32>} : memref<8192xf32, #tpu.memory_space<vmem>>, vector<16xf32>,
      %swap3A_2518 = vector.shape_cast %swap3A_2517 : vector<16xf32> to vector<16xf32>
      %swap3A_2519 = vector.shape_cast %broadcast_in_dim3A_2515 : vector<16xf32> to vector<16xf32>
      tpu.vector_store %arg9[%swap3A_2516], %swap3A_2519 {strides = array<i32>} : memref<8192xf32, #tpu.memory_space<vmem>>, vector<16xf32>,
      %broadcast_in_dim3A_2520 = arith.constant 0.000000e+00 : f32
      %broadcast_in_dim3A_2521 = vector.broadcast %broadcast_in_dim3A_2520 : f32 to vector<16xf32>
      %swap3A_2522 = arith.constant 6448 : index
      %swap3A_2523 = tpu.vector_load %arg9[%swap3A_2522] {strides = array<i32>} : memref<8192xf32, #tpu.memory_space<vmem>>, vector<16xf32>,
      %swap3A_2524 = vector.shape_cast %swap3A_2523 : vector<16xf32> to vector<16xf32>
      %swap3A_2525 = vector.shape_cast %broadcast_in_dim3A_2521 : vector<16xf32> to vector<16xf32>
      tpu.vector_store %arg9[%swap3A_2522], %swap3A_2525 {strides = array<i32>} : memref<8192xf32, #tpu.memory_space<vmem>>, vector<16xf32>,
      %broadcast_in_dim3A_2526 = arith.constant 0.000000e+00 : f32
      %broadcast_in_dim3A_2527 = vector.broadcast %broadcast_in_dim3A_2526 : f32 to vector<16xf32>
      %swap3A_2528 = arith.constant 6464 : index
      %swap3A_2529 = tpu.vector_load %arg9[%swap3A_2528] {strides = array<i32>} : memref<8192xf32, #tpu.memory_space<vmem>>, vector<16xf32>,
      %swap3A_2530 = vector.shape_cast %swap3A_2529 : vector<16xf32> to vector<16xf32>
      %swap3A_2531 = vector.shape_cast %broadcast_in_dim3A_2527 : vector<16xf32> to vector<16xf32>
      tpu.vector_store %arg9[%swap3A_2528], %swap3A_2531 {strides = array<i32>} : memref<8192xf32, #tpu.memory_space<vmem>>, vector<16xf32>,
      %broadcast_in_dim3A_2532 = arith.constant 0.000000e+00 : f32
      %broadcast_in_dim3A_2533 = vector.broadcast %broadcast_in_dim3A_2532 : f32 to vector<16xf32>
      %swap3A_2534 = arith.constant 6480 : index
      %swap3A_2535 = tpu.vector_load %arg9[%swap3A_2534] {strides = array<i32>} : memref<8192xf32, #tpu.memory_space<vmem>>, vector<16xf32>,
      %swap3A_2536 = vector.shape_cast %swap3A_2535 : vector<16xf32> to vector<16xf32>
      %swap3A_2537 = vector.shape_cast %broadcast_in_dim3A_2533 : vector<16xf32> to vector<16xf32>
      tpu.vector_store %arg9[%swap3A_2534], %swap3A_2537 {strides = array<i32>} : memref<8192xf32, #tpu.memory_space<vmem>>, vector<16xf32>,
      %broadcast_in_dim3A_2538 = arith.constant 0.000000e+00 : f32
      %broadcast_in_dim3A_2539 = vector.broadcast %broadcast_in_dim3A_2538 : f32 to vector<16xf32>
      %swap3A_2540 = arith.constant 6496 : index
      %swap3A_2541 = tpu.vector_load %arg9[%swap3A_2540] {strides = array<i32>} : memref<8192xf32, #tpu.memory_space<vmem>>, vector<16xf32>,
      %swap3A_2542 = vector.shape_cast %swap3A_2541 : vector<16xf32> to vector<16xf32>
      %swap3A_2543 = vector.shape_cast %broadcast_in_dim3A_2539 : vector<16xf32> to vector<16xf32>
      tpu.vector_store %arg9[%swap3A_2540], %swap3A_2543 {strides = array<i32>} : memref<8192xf32, #tpu.memory_space<vmem>>, vector<16xf32>,
      %broadcast_in_dim3A_2544 = arith.constant 0.000000e+00 : f32
      %broadcast_in_dim3A_2545 = vector.broadcast %broadcast_in_dim3A_2544 : f32 to vector<16xf32>
      %swap3A_2546 = arith.constant 6512 : index
      %swap3A_2547 = tpu.vector_load %arg9[%swap3A_2546] {strides = array<i32>} : memref<8192xf32, #tpu.memory_space<vmem>>, vector<16xf32>,
      %swap3A_2548 = vector.shape_cast %swap3A_2547 : vector<16xf32> to vector<16xf32>
      %swap3A_2549 = vector.shape_cast %broadcast_in_dim3A_2545 : vector<16xf32> to vector<16xf32>
      tpu.vector_store %arg9[%swap3A_2546], %swap3A_2549 {strides = array<i32>} : memref<8192xf32, #tpu.memory_space<vmem>>, vector<16xf32>,
      %broadcast_in_dim3A_2550 = arith.constant 0.000000e+00 : f32
      %broadcast_in_dim3A_2551 = vector.broadcast %broadcast_in_dim3A_2550 : f32 to vector<16xf32>
      %swap3A_2552 = arith.constant 6528 : index
      %swap3A_2553 = tpu.vector_load %arg9[%swap3A_2552] {strides = array<i32>} : memref<8192xf32, #tpu.memory_space<vmem>>, vector<16xf32>,
      %swap3A_2554 = vector.shape_cast %swap3A_2553 : vector<16xf32> to vector<16xf32>
      %swap3A_2555 = vector.shape_cast %broadcast_in_dim3A_2551 : vector<16xf32> to vector<16xf32>
      tpu.vector_store %arg9[%swap3A_2552], %swap3A_2555 {strides = array<i32>} : memref<8192xf32, #tpu.memory_space<vmem>>, vector<16xf32>,
      %broadcast_in_dim3A_2556 = arith.constant 0.000000e+00 : f32
      %broadcast_in_dim3A_2557 = vector.broadcast %broadcast_in_dim3A_2556 : f32 to vector<16xf32>
      %swap3A_2558 = arith.constant 6544 : index
      %swap3A_2559 = tpu.vector_load %arg9[%swap3A_2558] {strides = array<i32>} : memref<8192xf32, #tpu.memory_space<vmem>>, vector<16xf32>,
      %swap3A_2560 = vector.shape_cast %swap3A_2559 : vector<16xf32> to vector<16xf32>
      %swap3A_2561 = vector.shape_cast %broadcast_in_dim3A_2557 : vector<16xf32> to vector<16xf32>
      tpu.vector_store %arg9[%swap3A_2558], %swap3A_2561 {strides = array<i32>} : memref<8192xf32, #tpu.memory_space<vmem>>, vector<16xf32>,
      %broadcast_in_dim3A_2562 = arith.constant 0.000000e+00 : f32
      %broadcast_in_dim3A_2563 = vector.broadcast %broadcast_in_dim3A_2562 : f32 to vector<16xf32>
      %swap3A_2564 = arith.constant 6560 : index
      %swap3A_2565 = tpu.vector_load %arg9[%swap3A_2564] {strides = array<i32>} : memref<8192xf32, #tpu.memory_space<vmem>>, vector<16xf32>,
      %swap3A_2566 = vector.shape_cast %swap3A_2565 : vector<16xf32> to vector<16xf32>
      %swap3A_2567 = vector.shape_cast %broadcast_in_dim3A_2563 : vector<16xf32> to vector<16xf32>
      tpu.vector_store %arg9[%swap3A_2564], %swap3A_2567 {strides = array<i32>} : memref<8192xf32, #tpu.memory_space<vmem>>, vector<16xf32>,
      %broadcast_in_dim3A_2568 = arith.constant 0.000000e+00 : f32
      %broadcast_in_dim3A_2569 = vector.broadcast %broadcast_in_dim3A_2568 : f32 to vector<16xf32>
      %swap3A_2570 = arith.constant 6576 : index
      %swap3A_2571 = tpu.vector_load %arg9[%swap3A_2570] {strides = array<i32>} : memref<8192xf32, #tpu.memory_space<vmem>>, vector<16xf32>,
      %swap3A_2572 = vector.shape_cast %swap3A_2571 : vector<16xf32> to vector<16xf32>
      %swap3A_2573 = vector.shape_cast %broadcast_in_dim3A_2569 : vector<16xf32> to vector<16xf32>
      tpu.vector_store %arg9[%swap3A_2570], %swap3A_2573 {strides = array<i32>} : memref<8192xf32, #tpu.memory_space<vmem>>, vector<16xf32>,
      %broadcast_in_dim3A_2574 = arith.constant 0.000000e+00 : f32
      %broadcast_in_dim3A_2575 = vector.broadcast %broadcast_in_dim3A_2574 : f32 to vector<16xf32>
      %swap3A_2576 = arith.constant 6592 : index
      %swap3A_2577 = tpu.vector_load %arg9[%swap3A_2576] {strides = array<i32>} : memref<8192xf32, #tpu.memory_space<vmem>>, vector<16xf32>,
      %swap3A_2578 = vector.shape_cast %swap3A_2577 : vector<16xf32> to vector<16xf32>
      %swap3A_2579 = vector.shape_cast %broadcast_in_dim3A_2575 : vector<16xf32> to vector<16xf32>
      tpu.vector_store %arg9[%swap3A_2576], %swap3A_2579 {strides = array<i32>} : memref<8192xf32, #tpu.memory_space<vmem>>, vector<16xf32>,
      %broadcast_in_dim3A_2580 = arith.constant 0.000000e+00 : f32
      %broadcast_in_dim3A_2581 = vector.broadcast %broadcast_in_dim3A_2580 : f32 to vector<16xf32>
      %swap3A_2582 = arith.constant 6608 : index
      %swap3A_2583 = tpu.vector_load %arg9[%swap3A_2582] {strides = array<i32>} : memref<8192xf32, #tpu.memory_space<vmem>>, vector<16xf32>,
      %swap3A_2584 = vector.shape_cast %swap3A_2583 : vector<16xf32> to vector<16xf32>
      %swap3A_2585 = vector.shape_cast %broadcast_in_dim3A_2581 : vector<16xf32> to vector<16xf32>
      tpu.vector_store %arg9[%swap3A_2582], %swap3A_2585 {strides = array<i32>} : memref<8192xf32, #tpu.memory_space<vmem>>, vector<16xf32>,
      %broadcast_in_dim3A_2586 = arith.constant 0.000000e+00 : f32
      %broadcast_in_dim3A_2587 = vector.broadcast %broadcast_in_dim3A_2586 : f32 to vector<16xf32>
      %swap3A_2588 = arith.constant 6624 : index
      %swap3A_2589 = tpu.vector_load %arg9[%swap3A_2588] {strides = array<i32>} : memref<8192xf32, #tpu.memory_space<vmem>>, vector<16xf32>,
      %swap3A_2590 = vector.shape_cast %swap3A_2589 : vector<16xf32> to vector<16xf32>
      %swap3A_2591 = vector.shape_cast %broadcast_in_dim3A_2587 : vector<16xf32> to vector<16xf32>
      tpu.vector_store %arg9[%swap3A_2588], %swap3A_2591 {strides = array<i32>} : memref<8192xf32, #tpu.memory_space<vmem>>, vector<16xf32>,
      %broadcast_in_dim3A_2592 = arith.constant 0.000000e+00 : f32
      %broadcast_in_dim3A_2593 = vector.broadcast %broadcast_in_dim3A_2592 : f32 to vector<16xf32>
      %swap3A_2594 = arith.constant 6640 : index
      %swap3A_2595 = tpu.vector_load %arg9[%swap3A_2594] {strides = array<i32>} : memref<8192xf32, #tpu.memory_space<vmem>>, vector<16xf32>,
      %swap3A_2596 = vector.shape_cast %swap3A_2595 : vector<16xf32> to vector<16xf32>
      %swap3A_2597 = vector.shape_cast %broadcast_in_dim3A_2593 : vector<16xf32> to vector<16xf32>
      tpu.vector_store %arg9[%swap3A_2594], %swap3A_2597 {strides = array<i32>} : memref<8192xf32, #tpu.memory_space<vmem>>, vector<16xf32>,
      %broadcast_in_dim3A_2598 = arith.constant 0.000000e+00 : f32
      %broadcast_in_dim3A_2599 = vector.broadcast %broadcast_in_dim3A_2598 : f32 to vector<16xf32>
      %swap3A_2600 = arith.constant 6656 : index
      %swap3A_2601 = tpu.vector_load %arg9[%swap3A_2600] {strides = array<i32>} : memref<8192xf32, #tpu.memory_space<vmem>>, vector<16xf32>,
      %swap3A_2602 = vector.shape_cast %swap3A_2601 : vector<16xf32> to vector<16xf32>
      %swap3A_2603 = vector.shape_cast %broadcast_in_dim3A_2599 : vector<16xf32> to vector<16xf32>
      tpu.vector_store %arg9[%swap3A_2600], %swap3A_2603 {strides = array<i32>} : memref<8192xf32, #tpu.memory_space<vmem>>, vector<16xf32>,
      %broadcast_in_dim3A_2604 = arith.constant 0.000000e+00 : f32
      %broadcast_in_dim3A_2605 = vector.broadcast %broadcast_in_dim3A_2604 : f32 to vector<16xf32>
      %swap3A_2606 = arith.constant 6672 : index
      %swap3A_2607 = tpu.vector_load %arg9[%swap3A_2606] {strides = array<i32>} : memref<8192xf32, #tpu.memory_space<vmem>>, vector<16xf32>,
      %swap3A_2608 = vector.shape_cast %swap3A_2607 : vector<16xf32> to vector<16xf32>
      %swap3A_2609 = vector.shape_cast %broadcast_in_dim3A_2605 : vector<16xf32> to vector<16xf32>
      tpu.vector_store %arg9[%swap3A_2606], %swap3A_2609 {strides = array<i32>} : memref<8192xf32, #tpu.memory_space<vmem>>, vector<16xf32>,
      %broadcast_in_dim3A_2610 = arith.constant 0.000000e+00 : f32
      %broadcast_in_dim3A_2611 = vector.broadcast %broadcast_in_dim3A_2610 : f32 to vector<16xf32>
      %swap3A_2612 = arith.constant 6688 : index
      %swap3A_2613 = tpu.vector_load %arg9[%swap3A_2612] {strides = array<i32>} : memref<8192xf32, #tpu.memory_space<vmem>>, vector<16xf32>,
      %swap3A_2614 = vector.shape_cast %swap3A_2613 : vector<16xf32> to vector<16xf32>
      %swap3A_2615 = vector.shape_cast %broadcast_in_dim3A_2611 : vector<16xf32> to vector<16xf32>
      tpu.vector_store %arg9[%swap3A_2612], %swap3A_2615 {strides = array<i32>} : memref<8192xf32, #tpu.memory_space<vmem>>, vector<16xf32>,
      %broadcast_in_dim3A_2616 = arith.constant 0.000000e+00 : f32
      %broadcast_in_dim3A_2617 = vector.broadcast %broadcast_in_dim3A_2616 : f32 to vector<16xf32>
      %swap3A_2618 = arith.constant 6704 : index
      %swap3A_2619 = tpu.vector_load %arg9[%swap3A_2618] {strides = array<i32>} : memref<8192xf32, #tpu.memory_space<vmem>>, vector<16xf32>,
      %swap3A_2620 = vector.shape_cast %swap3A_2619 : vector<16xf32> to vector<16xf32>
      %swap3A_2621 = vector.shape_cast %broadcast_in_dim3A_2617 : vector<16xf32> to vector<16xf32>
      tpu.vector_store %arg9[%swap3A_2618], %swap3A_2621 {strides = array<i32>} : memref<8192xf32, #tpu.memory_space<vmem>>, vector<16xf32>,
      %broadcast_in_dim3A_2622 = arith.constant 0.000000e+00 : f32
      %broadcast_in_dim3A_2623 = vector.broadcast %broadcast_in_dim3A_2622 : f32 to vector<16xf32>
      %swap3A_2624 = arith.constant 6720 : index
      %swap3A_2625 = tpu.vector_load %arg9[%swap3A_2624] {strides = array<i32>} : memref<8192xf32, #tpu.memory_space<vmem>>, vector<16xf32>,
      %swap3A_2626 = vector.shape_cast %swap3A_2625 : vector<16xf32> to vector<16xf32>
      %swap3A_2627 = vector.shape_cast %broadcast_in_dim3A_2623 : vector<16xf32> to vector<16xf32>
      tpu.vector_store %arg9[%swap3A_2624], %swap3A_2627 {strides = array<i32>} : memref<8192xf32, #tpu.memory_space<vmem>>, vector<16xf32>,
      %broadcast_in_dim3A_2628 = arith.constant 0.000000e+00 : f32
      %broadcast_in_dim3A_2629 = vector.broadcast %broadcast_in_dim3A_2628 : f32 to vector<16xf32>
      %swap3A_2630 = arith.constant 6736 : index
      %swap3A_2631 = tpu.vector_load %arg9[%swap3A_2630] {strides = array<i32>} : memref<8192xf32, #tpu.memory_space<vmem>>, vector<16xf32>,
      %swap3A_2632 = vector.shape_cast %swap3A_2631 : vector<16xf32> to vector<16xf32>
      %swap3A_2633 = vector.shape_cast %broadcast_in_dim3A_2629 : vector<16xf32> to vector<16xf32>
      tpu.vector_store %arg9[%swap3A_2630], %swap3A_2633 {strides = array<i32>} : memref<8192xf32, #tpu.memory_space<vmem>>, vector<16xf32>,
      %broadcast_in_dim3A_2634 = arith.constant 0.000000e+00 : f32
      %broadcast_in_dim3A_2635 = vector.broadcast %broadcast_in_dim3A_2634 : f32 to vector<16xf32>
      %swap3A_2636 = arith.constant 6752 : index
      %swap3A_2637 = tpu.vector_load %arg9[%swap3A_2636] {strides = array<i32>} : memref<8192xf32, #tpu.memory_space<vmem>>, vector<16xf32>,
      %swap3A_2638 = vector.shape_cast %swap3A_2637 : vector<16xf32> to vector<16xf32>
      %swap3A_2639 = vector.shape_cast %broadcast_in_dim3A_2635 : vector<16xf32> to vector<16xf32>
      tpu.vector_store %arg9[%swap3A_2636], %swap3A_2639 {strides = array<i32>} : memref<8192xf32, #tpu.memory_space<vmem>>, vector<16xf32>,
      %broadcast_in_dim3A_2640 = arith.constant 0.000000e+00 : f32
      %broadcast_in_dim3A_2641 = vector.broadcast %broadcast_in_dim3A_2640 : f32 to vector<16xf32>
      %swap3A_2642 = arith.constant 6768 : index
      %swap3A_2643 = tpu.vector_load %arg9[%swap3A_2642] {strides = array<i32>} : memref<8192xf32, #tpu.memory_space<vmem>>, vector<16xf32>,
      %swap3A_2644 = vector.shape_cast %swap3A_2643 : vector<16xf32> to vector<16xf32>
      %swap3A_2645 = vector.shape_cast %broadcast_in_dim3A_2641 : vector<16xf32> to vector<16xf32>
      tpu.vector_store %arg9[%swap3A_2642], %swap3A_2645 {strides = array<i32>} : memref<8192xf32, #tpu.memory_space<vmem>>, vector<16xf32>,
      %broadcast_in_dim3A_2646 = arith.constant 0.000000e+00 : f32
      %broadcast_in_dim3A_2647 = vector.broadcast %broadcast_in_dim3A_2646 : f32 to vector<16xf32>
      %swap3A_2648 = arith.constant 6784 : index
      %swap3A_2649 = tpu.vector_load %arg9[%swap3A_2648] {strides = array<i32>} : memref<8192xf32, #tpu.memory_space<vmem>>, vector<16xf32>,
      %swap3A_2650 = vector.shape_cast %swap3A_2649 : vector<16xf32> to vector<16xf32>
      %swap3A_2651 = vector.shape_cast %broadcast_in_dim3A_2647 : vector<16xf32> to vector<16xf32>
      tpu.vector_store %arg9[%swap3A_2648], %swap3A_2651 {strides = array<i32>} : memref<8192xf32, #tpu.memory_space<vmem>>, vector<16xf32>,
      %broadcast_in_dim3A_2652 = arith.constant 0.000000e+00 : f32
      %broadcast_in_dim3A_2653 = vector.broadcast %broadcast_in_dim3A_2652 : f32 to vector<16xf32>
      %swap3A_2654 = arith.constant 6800 : index
      %swap3A_2655 = tpu.vector_load %arg9[%swap3A_2654] {strides = array<i32>} : memref<8192xf32, #tpu.memory_space<vmem>>, vector<16xf32>,
      %swap3A_2656 = vector.shape_cast %swap3A_2655 : vector<16xf32> to vector<16xf32>
      %swap3A_2657 = vector.shape_cast %broadcast_in_dim3A_2653 : vector<16xf32> to vector<16xf32>
      tpu.vector_store %arg9[%swap3A_2654], %swap3A_2657 {strides = array<i32>} : memref<8192xf32, #tpu.memory_space<vmem>>, vector<16xf32>,
      %broadcast_in_dim3A_2658 = arith.constant 0.000000e+00 : f32
      %broadcast_in_dim3A_2659 = vector.broadcast %broadcast_in_dim3A_2658 : f32 to vector<16xf32>
      %swap3A_2660 = arith.constant 6816 : index
      %swap3A_2661 = tpu.vector_load %arg9[%swap3A_2660] {strides = array<i32>} : memref<8192xf32, #tpu.memory_space<vmem>>, vector<16xf32>,
      %swap3A_2662 = vector.shape_cast %swap3A_2661 : vector<16xf32> to vector<16xf32>
      %swap3A_2663 = vector.shape_cast %broadcast_in_dim3A_2659 : vector<16xf32> to vector<16xf32>
      tpu.vector_store %arg9[%swap3A_2660], %swap3A_2663 {strides = array<i32>} : memref<8192xf32, #tpu.memory_space<vmem>>, vector<16xf32>,
      %broadcast_in_dim3A_2664 = arith.constant 0.000000e+00 : f32
      %broadcast_in_dim3A_2665 = vector.broadcast %broadcast_in_dim3A_2664 : f32 to vector<16xf32>
      %swap3A_2666 = arith.constant 6832 : index
      %swap3A_2667 = tpu.vector_load %arg9[%swap3A_2666] {strides = array<i32>} : memref<8192xf32, #tpu.memory_space<vmem>>, vector<16xf32>,
      %swap3A_2668 = vector.shape_cast %swap3A_2667 : vector<16xf32> to vector<16xf32>
      %swap3A_2669 = vector.shape_cast %broadcast_in_dim3A_2665 : vector<16xf32> to vector<16xf32>
      tpu.vector_store %arg9[%swap3A_2666], %swap3A_2669 {strides = array<i32>} : memref<8192xf32, #tpu.memory_space<vmem>>, vector<16xf32>,
      %broadcast_in_dim3A_2670 = arith.constant 0.000000e+00 : f32
      %broadcast_in_dim3A_2671 = vector.broadcast %broadcast_in_dim3A_2670 : f32 to vector<16xf32>
      %swap3A_2672 = arith.constant 6848 : index
      %swap3A_2673 = tpu.vector_load %arg9[%swap3A_2672] {strides = array<i32>} : memref<8192xf32, #tpu.memory_space<vmem>>, vector<16xf32>,
      %swap3A_2674 = vector.shape_cast %swap3A_2673 : vector<16xf32> to vector<16xf32>
      %swap3A_2675 = vector.shape_cast %broadcast_in_dim3A_2671 : vector<16xf32> to vector<16xf32>
      tpu.vector_store %arg9[%swap3A_2672], %swap3A_2675 {strides = array<i32>} : memref<8192xf32, #tpu.memory_space<vmem>>, vector<16xf32>,
      %broadcast_in_dim3A_2676 = arith.constant 0.000000e+00 : f32
      %broadcast_in_dim3A_2677 = vector.broadcast %broadcast_in_dim3A_2676 : f32 to vector<16xf32>
      %swap3A_2678 = arith.constant 6864 : index
      %swap3A_2679 = tpu.vector_load %arg9[%swap3A_2678] {strides = array<i32>} : memref<8192xf32, #tpu.memory_space<vmem>>, vector<16xf32>,
      %swap3A_2680 = vector.shape_cast %swap3A_2679 : vector<16xf32> to vector<16xf32>
      %swap3A_2681 = vector.shape_cast %broadcast_in_dim3A_2677 : vector<16xf32> to vector<16xf32>
      tpu.vector_store %arg9[%swap3A_2678], %swap3A_2681 {strides = array<i32>} : memref<8192xf32, #tpu.memory_space<vmem>>, vector<16xf32>,
      %broadcast_in_dim3A_2682 = arith.constant 0.000000e+00 : f32
      %broadcast_in_dim3A_2683 = vector.broadcast %broadcast_in_dim3A_2682 : f32 to vector<16xf32>
      %swap3A_2684 = arith.constant 6880 : index
      %swap3A_2685 = tpu.vector_load %arg9[%swap3A_2684] {strides = array<i32>} : memref<8192xf32, #tpu.memory_space<vmem>>, vector<16xf32>,
      %swap3A_2686 = vector.shape_cast %swap3A_2685 : vector<16xf32> to vector<16xf32>
      %swap3A_2687 = vector.shape_cast %broadcast_in_dim3A_2683 : vector<16xf32> to vector<16xf32>
      tpu.vector_store %arg9[%swap3A_2684], %swap3A_2687 {strides = array<i32>} : memref<8192xf32, #tpu.memory_space<vmem>>, vector<16xf32>,
      %broadcast_in_dim3A_2688 = arith.constant 0.000000e+00 : f32
      %broadcast_in_dim3A_2689 = vector.broadcast %broadcast_in_dim3A_2688 : f32 to vector<16xf32>
      %swap3A_2690 = arith.constant 6896 : index
      %swap3A_2691 = tpu.vector_load %arg9[%swap3A_2690] {strides = array<i32>} : memref<8192xf32, #tpu.memory_space<vmem>>, vector<16xf32>,
      %swap3A_2692 = vector.shape_cast %swap3A_2691 : vector<16xf32> to vector<16xf32>
      %swap3A_2693 = vector.shape_cast %broadcast_in_dim3A_2689 : vector<16xf32> to vector<16xf32>
      tpu.vector_store %arg9[%swap3A_2690], %swap3A_2693 {strides = array<i32>} : memref<8192xf32, #tpu.memory_space<vmem>>, vector<16xf32>,
      %broadcast_in_dim3A_2694 = arith.constant 0.000000e+00 : f32
      %broadcast_in_dim3A_2695 = vector.broadcast %broadcast_in_dim3A_2694 : f32 to vector<16xf32>
      %swap3A_2696 = arith.constant 6912 : index
      %swap3A_2697 = tpu.vector_load %arg9[%swap3A_2696] {strides = array<i32>} : memref<8192xf32, #tpu.memory_space<vmem>>, vector<16xf32>,
      %swap3A_2698 = vector.shape_cast %swap3A_2697 : vector<16xf32> to vector<16xf32>
      %swap3A_2699 = vector.shape_cast %broadcast_in_dim3A_2695 : vector<16xf32> to vector<16xf32>
      tpu.vector_store %arg9[%swap3A_2696], %swap3A_2699 {strides = array<i32>} : memref<8192xf32, #tpu.memory_space<vmem>>, vector<16xf32>,
      %broadcast_in_dim3A_2700 = arith.constant 0.000000e+00 : f32
      %broadcast_in_dim3A_2701 = vector.broadcast %broadcast_in_dim3A_2700 : f32 to vector<16xf32>
      %swap3A_2702 = arith.constant 6928 : index
      %swap3A_2703 = tpu.vector_load %arg9[%swap3A_2702] {strides = array<i32>} : memref<8192xf32, #tpu.memory_space<vmem>>, vector<16xf32>,
      %swap3A_2704 = vector.shape_cast %swap3A_2703 : vector<16xf32> to vector<16xf32>
      %swap3A_2705 = vector.shape_cast %broadcast_in_dim3A_2701 : vector<16xf32> to vector<16xf32>
      tpu.vector_store %arg9[%swap3A_2702], %swap3A_2705 {strides = array<i32>} : memref<8192xf32, #tpu.memory_space<vmem>>, vector<16xf32>,
      %broadcast_in_dim3A_2706 = arith.constant 0.000000e+00 : f32
      %broadcast_in_dim3A_2707 = vector.broadcast %broadcast_in_dim3A_2706 : f32 to vector<16xf32>
      %swap3A_2708 = arith.constant 6944 : index
      %swap3A_2709 = tpu.vector_load %arg9[%swap3A_2708] {strides = array<i32>} : memref<8192xf32, #tpu.memory_space<vmem>>, vector<16xf32>,
      %swap3A_2710 = vector.shape_cast %swap3A_2709 : vector<16xf32> to vector<16xf32>
      %swap3A_2711 = vector.shape_cast %broadcast_in_dim3A_2707 : vector<16xf32> to vector<16xf32>
      tpu.vector_store %arg9[%swap3A_2708], %swap3A_2711 {strides = array<i32>} : memref<8192xf32, #tpu.memory_space<vmem>>, vector<16xf32>,
      %broadcast_in_dim3A_2712 = arith.constant 0.000000e+00 : f32
      %broadcast_in_dim3A_2713 = vector.broadcast %broadcast_in_dim3A_2712 : f32 to vector<16xf32>
      %swap3A_2714 = arith.constant 6960 : index
      %swap3A_2715 = tpu.vector_load %arg9[%swap3A_2714] {strides = array<i32>} : memref<8192xf32, #tpu.memory_space<vmem>>, vector<16xf32>,
      %swap3A_2716 = vector.shape_cast %swap3A_2715 : vector<16xf32> to vector<16xf32>
      %swap3A_2717 = vector.shape_cast %broadcast_in_dim3A_2713 : vector<16xf32> to vector<16xf32>
      tpu.vector_store %arg9[%swap3A_2714], %swap3A_2717 {strides = array<i32>} : memref<8192xf32, #tpu.memory_space<vmem>>, vector<16xf32>,
      %broadcast_in_dim3A_2718 = arith.constant 0.000000e+00 : f32
      %broadcast_in_dim3A_2719 = vector.broadcast %broadcast_in_dim3A_2718 : f32 to vector<16xf32>
      %swap3A_2720 = arith.constant 6976 : index
      %swap3A_2721 = tpu.vector_load %arg9[%swap3A_2720] {strides = array<i32>} : memref<8192xf32, #tpu.memory_space<vmem>>, vector<16xf32>,
      %swap3A_2722 = vector.shape_cast %swap3A_2721 : vector<16xf32> to vector<16xf32>
      %swap3A_2723 = vector.shape_cast %broadcast_in_dim3A_2719 : vector<16xf32> to vector<16xf32>
      tpu.vector_store %arg9[%swap3A_2720], %swap3A_2723 {strides = array<i32>} : memref<8192xf32, #tpu.memory_space<vmem>>, vector<16xf32>,
      %broadcast_in_dim3A_2724 = arith.constant 0.000000e+00 : f32
      %broadcast_in_dim3A_2725 = vector.broadcast %broadcast_in_dim3A_2724 : f32 to vector<16xf32>
      %swap3A_2726 = arith.constant 6992 : index
      %swap3A_2727 = tpu.vector_load %arg9[%swap3A_2726] {strides = array<i32>} : memref<8192xf32, #tpu.memory_space<vmem>>, vector<16xf32>,
      %swap3A_2728 = vector.shape_cast %swap3A_2727 : vector<16xf32> to vector<16xf32>
      %swap3A_2729 = vector.shape_cast %broadcast_in_dim3A_2725 : vector<16xf32> to vector<16xf32>
      tpu.vector_store %arg9[%swap3A_2726], %swap3A_2729 {strides = array<i32>} : memref<8192xf32, #tpu.memory_space<vmem>>, vector<16xf32>,
      %broadcast_in_dim3A_2730 = arith.constant 0.000000e+00 : f32
      %broadcast_in_dim3A_2731 = vector.broadcast %broadcast_in_dim3A_2730 : f32 to vector<16xf32>
      %swap3A_2732 = arith.constant 7008 : index
      %swap3A_2733 = tpu.vector_load %arg9[%swap3A_2732] {strides = array<i32>} : memref<8192xf32, #tpu.memory_space<vmem>>, vector<16xf32>,
      %swap3A_2734 = vector.shape_cast %swap3A_2733 : vector<16xf32> to vector<16xf32>
      %swap3A_2735 = vector.shape_cast %broadcast_in_dim3A_2731 : vector<16xf32> to vector<16xf32>
      tpu.vector_store %arg9[%swap3A_2732], %swap3A_2735 {strides = array<i32>} : memref<8192xf32, #tpu.memory_space<vmem>>, vector<16xf32>,
      %broadcast_in_dim3A_2736 = arith.constant 0.000000e+00 : f32
      %broadcast_in_dim3A_2737 = vector.broadcast %broadcast_in_dim3A_2736 : f32 to vector<16xf32>
      %swap3A_2738 = arith.constant 7024 : index
      %swap3A_2739 = tpu.vector_load %arg9[%swap3A_2738] {strides = array<i32>} : memref<8192xf32, #tpu.memory_space<vmem>>, vector<16xf32>,
      %swap3A_2740 = vector.shape_cast %swap3A_2739 : vector<16xf32> to vector<16xf32>
      %swap3A_2741 = vector.shape_cast %broadcast_in_dim3A_2737 : vector<16xf32> to vector<16xf32>
      tpu.vector_store %arg9[%swap3A_2738], %swap3A_2741 {strides = array<i32>} : memref<8192xf32, #tpu.memory_space<vmem>>, vector<16xf32>,
      %broadcast_in_dim3A_2742 = arith.constant 0.000000e+00 : f32
      %broadcast_in_dim3A_2743 = vector.broadcast %broadcast_in_dim3A_2742 : f32 to vector<16xf32>
      %swap3A_2744 = arith.constant 7040 : index
      %swap3A_2745 = tpu.vector_load %arg9[%swap3A_2744] {strides = array<i32>} : memref<8192xf32, #tpu.memory_space<vmem>>, vector<16xf32>,
      %swap3A_2746 = vector.shape_cast %swap3A_2745 : vector<16xf32> to vector<16xf32>
      %swap3A_2747 = vector.shape_cast %broadcast_in_dim3A_2743 : vector<16xf32> to vector<16xf32>
      tpu.vector_store %arg9[%swap3A_2744], %swap3A_2747 {strides = array<i32>} : memref<8192xf32, #tpu.memory_space<vmem>>, vector<16xf32>,
      %broadcast_in_dim3A_2748 = arith.constant 0.000000e+00 : f32
      %broadcast_in_dim3A_2749 = vector.broadcast %broadcast_in_dim3A_2748 : f32 to vector<16xf32>
      %swap3A_2750 = arith.constant 7056 : index
      %swap3A_2751 = tpu.vector_load %arg9[%swap3A_2750] {strides = array<i32>} : memref<8192xf32, #tpu.memory_space<vmem>>, vector<16xf32>,
      %swap3A_2752 = vector.shape_cast %swap3A_2751 : vector<16xf32> to vector<16xf32>
      %swap3A_2753 = vector.shape_cast %broadcast_in_dim3A_2749 : vector<16xf32> to vector<16xf32>
      tpu.vector_store %arg9[%swap3A_2750], %swap3A_2753 {strides = array<i32>} : memref<8192xf32, #tpu.memory_space<vmem>>, vector<16xf32>,
      %broadcast_in_dim3A_2754 = arith.constant 0.000000e+00 : f32
      %broadcast_in_dim3A_2755 = vector.broadcast %broadcast_in_dim3A_2754 : f32 to vector<16xf32>
      %swap3A_2756 = arith.constant 7072 : index
      %swap3A_2757 = tpu.vector_load %arg9[%swap3A_2756] {strides = array<i32>} : memref<8192xf32, #tpu.memory_space<vmem>>, vector<16xf32>,
      %swap3A_2758 = vector.shape_cast %swap3A_2757 : vector<16xf32> to vector<16xf32>
      %swap3A_2759 = vector.shape_cast %broadcast_in_dim3A_2755 : vector<16xf32> to vector<16xf32>
      tpu.vector_store %arg9[%swap3A_2756], %swap3A_2759 {strides = array<i32>} : memref<8192xf32, #tpu.memory_space<vmem>>, vector<16xf32>,
      %broadcast_in_dim3A_2760 = arith.constant 0.000000e+00 : f32
      %broadcast_in_dim3A_2761 = vector.broadcast %broadcast_in_dim3A_2760 : f32 to vector<16xf32>
      %swap3A_2762 = arith.constant 7088 : index
      %swap3A_2763 = tpu.vector_load %arg9[%swap3A_2762] {strides = array<i32>} : memref<8192xf32, #tpu.memory_space<vmem>>, vector<16xf32>,
      %swap3A_2764 = vector.shape_cast %swap3A_2763 : vector<16xf32> to vector<16xf32>
      %swap3A_2765 = vector.shape_cast %broadcast_in_dim3A_2761 : vector<16xf32> to vector<16xf32>
      tpu.vector_store %arg9[%swap3A_2762], %swap3A_2765 {strides = array<i32>} : memref<8192xf32, #tpu.memory_space<vmem>>, vector<16xf32>,
      %broadcast_in_dim3A_2766 = arith.constant 0.000000e+00 : f32
      %broadcast_in_dim3A_2767 = vector.broadcast %broadcast_in_dim3A_2766 : f32 to vector<16xf32>
      %swap3A_2768 = arith.constant 7104 : index
      %swap3A_2769 = tpu.vector_load %arg9[%swap3A_2768] {strides = array<i32>} : memref<8192xf32, #tpu.memory_space<vmem>>, vector<16xf32>,
      %swap3A_2770 = vector.shape_cast %swap3A_2769 : vector<16xf32> to vector<16xf32>
      %swap3A_2771 = vector.shape_cast %broadcast_in_dim3A_2767 : vector<16xf32> to vector<16xf32>
      tpu.vector_store %arg9[%swap3A_2768], %swap3A_2771 {strides = array<i32>} : memref<8192xf32, #tpu.memory_space<vmem>>, vector<16xf32>,
      %broadcast_in_dim3A_2772 = arith.constant 0.000000e+00 : f32
      %broadcast_in_dim3A_2773 = vector.broadcast %broadcast_in_dim3A_2772 : f32 to vector<16xf32>
      %swap3A_2774 = arith.constant 7120 : index
      %swap3A_2775 = tpu.vector_load %arg9[%swap3A_2774] {strides = array<i32>} : memref<8192xf32, #tpu.memory_space<vmem>>, vector<16xf32>,
      %swap3A_2776 = vector.shape_cast %swap3A_2775 : vector<16xf32> to vector<16xf32>
      %swap3A_2777 = vector.shape_cast %broadcast_in_dim3A_2773 : vector<16xf32> to vector<16xf32>
      tpu.vector_store %arg9[%swap3A_2774], %swap3A_2777 {strides = array<i32>} : memref<8192xf32, #tpu.memory_space<vmem>>, vector<16xf32>,
      %broadcast_in_dim3A_2778 = arith.constant 0.000000e+00 : f32
      %broadcast_in_dim3A_2779 = vector.broadcast %broadcast_in_dim3A_2778 : f32 to vector<16xf32>
      %swap3A_2780 = arith.constant 7136 : index
      %swap3A_2781 = tpu.vector_load %arg9[%swap3A_2780] {strides = array<i32>} : memref<8192xf32, #tpu.memory_space<vmem>>, vector<16xf32>,
      %swap3A_2782 = vector.shape_cast %swap3A_2781 : vector<16xf32> to vector<16xf32>
      %swap3A_2783 = vector.shape_cast %broadcast_in_dim3A_2779 : vector<16xf32> to vector<16xf32>
      tpu.vector_store %arg9[%swap3A_2780], %swap3A_2783 {strides = array<i32>} : memref<8192xf32, #tpu.memory_space<vmem>>, vector<16xf32>,
      %broadcast_in_dim3A_2784 = arith.constant 0.000000e+00 : f32
      %broadcast_in_dim3A_2785 = vector.broadcast %broadcast_in_dim3A_2784 : f32 to vector<16xf32>
      %swap3A_2786 = arith.constant 7152 : index
      %swap3A_2787 = tpu.vector_load %arg9[%swap3A_2786] {strides = array<i32>} : memref<8192xf32, #tpu.memory_space<vmem>>, vector<16xf32>,
      %swap3A_2788 = vector.shape_cast %swap3A_2787 : vector<16xf32> to vector<16xf32>
      %swap3A_2789 = vector.shape_cast %broadcast_in_dim3A_2785 : vector<16xf32> to vector<16xf32>
      tpu.vector_store %arg9[%swap3A_2786], %swap3A_2789 {strides = array<i32>} : memref<8192xf32, #tpu.memory_space<vmem>>, vector<16xf32>,
      %broadcast_in_dim3A_2790 = arith.constant 0.000000e+00 : f32
      %broadcast_in_dim3A_2791 = vector.broadcast %broadcast_in_dim3A_2790 : f32 to vector<16xf32>
      %swap3A_2792 = arith.constant 7168 : index
      %swap3A_2793 = tpu.vector_load %arg9[%swap3A_2792] {strides = array<i32>} : memref<8192xf32, #tpu.memory_space<vmem>>, vector<16xf32>,
      %swap3A_2794 = vector.shape_cast %swap3A_2793 : vector<16xf32> to vector<16xf32>
      %swap3A_2795 = vector.shape_cast %broadcast_in_dim3A_2791 : vector<16xf32> to vector<16xf32>
      tpu.vector_store %arg9[%swap3A_2792], %swap3A_2795 {strides = array<i32>} : memref<8192xf32, #tpu.memory_space<vmem>>, vector<16xf32>,
      %broadcast_in_dim3A_2796 = arith.constant 0.000000e+00 : f32
      %broadcast_in_dim3A_2797 = vector.broadcast %broadcast_in_dim3A_2796 : f32 to vector<16xf32>
      %swap3A_2798 = arith.constant 7184 : index
      %swap3A_2799 = tpu.vector_load %arg9[%swap3A_2798] {strides = array<i32>} : memref<8192xf32, #tpu.memory_space<vmem>>, vector<16xf32>,
      %swap3A_2800 = vector.shape_cast %swap3A_2799 : vector<16xf32> to vector<16xf32>
      %swap3A_2801 = vector.shape_cast %broadcast_in_dim3A_2797 : vector<16xf32> to vector<16xf32>
      tpu.vector_store %arg9[%swap3A_2798], %swap3A_2801 {strides = array<i32>} : memref<8192xf32, #tpu.memory_space<vmem>>, vector<16xf32>,
      %broadcast_in_dim3A_2802 = arith.constant 0.000000e+00 : f32
      %broadcast_in_dim3A_2803 = vector.broadcast %broadcast_in_dim3A_2802 : f32 to vector<16xf32>
      %swap3A_2804 = arith.constant 7200 : index
      %swap3A_2805 = tpu.vector_load %arg9[%swap3A_2804] {strides = array<i32>} : memref<8192xf32, #tpu.memory_space<vmem>>, vector<16xf32>,
      %swap3A_2806 = vector.shape_cast %swap3A_2805 : vector<16xf32> to vector<16xf32>
      %swap3A_2807 = vector.shape_cast %broadcast_in_dim3A_2803 : vector<16xf32> to vector<16xf32>
      tpu.vector_store %arg9[%swap3A_2804], %swap3A_2807 {strides = array<i32>} : memref<8192xf32, #tpu.memory_space<vmem>>, vector<16xf32>,
      %broadcast_in_dim3A_2808 = arith.constant 0.000000e+00 : f32
      %broadcast_in_dim3A_2809 = vector.broadcast %broadcast_in_dim3A_2808 : f32 to vector<16xf32>
      %swap3A_2810 = arith.constant 7216 : index
      %swap3A_2811 = tpu.vector_load %arg9[%swap3A_2810] {strides = array<i32>} : memref<8192xf32, #tpu.memory_space<vmem>>, vector<16xf32>,
      %swap3A_2812 = vector.shape_cast %swap3A_2811 : vector<16xf32> to vector<16xf32>
      %swap3A_2813 = vector.shape_cast %broadcast_in_dim3A_2809 : vector<16xf32> to vector<16xf32>
      tpu.vector_store %arg9[%swap3A_2810], %swap3A_2813 {strides = array<i32>} : memref<8192xf32, #tpu.memory_space<vmem>>, vector<16xf32>,
      %broadcast_in_dim3A_2814 = arith.constant 0.000000e+00 : f32
      %broadcast_in_dim3A_2815 = vector.broadcast %broadcast_in_dim3A_2814 : f32 to vector<16xf32>
      %swap3A_2816 = arith.constant 7232 : index
      %swap3A_2817 = tpu.vector_load %arg9[%swap3A_2816] {strides = array<i32>} : memref<8192xf32, #tpu.memory_space<vmem>>, vector<16xf32>,
      %swap3A_2818 = vector.shape_cast %swap3A_2817 : vector<16xf32> to vector<16xf32>
      %swap3A_2819 = vector.shape_cast %broadcast_in_dim3A_2815 : vector<16xf32> to vector<16xf32>
      tpu.vector_store %arg9[%swap3A_2816], %swap3A_2819 {strides = array<i32>} : memref<8192xf32, #tpu.memory_space<vmem>>, vector<16xf32>,
      %broadcast_in_dim3A_2820 = arith.constant 0.000000e+00 : f32
      %broadcast_in_dim3A_2821 = vector.broadcast %broadcast_in_dim3A_2820 : f32 to vector<16xf32>
      %swap3A_2822 = arith.constant 7248 : index
      %swap3A_2823 = tpu.vector_load %arg9[%swap3A_2822] {strides = array<i32>} : memref<8192xf32, #tpu.memory_space<vmem>>, vector<16xf32>,
      %swap3A_2824 = vector.shape_cast %swap3A_2823 : vector<16xf32> to vector<16xf32>
      %swap3A_2825 = vector.shape_cast %broadcast_in_dim3A_2821 : vector<16xf32> to vector<16xf32>
      tpu.vector_store %arg9[%swap3A_2822], %swap3A_2825 {strides = array<i32>} : memref<8192xf32, #tpu.memory_space<vmem>>, vector<16xf32>,
      %broadcast_in_dim3A_2826 = arith.constant 0.000000e+00 : f32
      %broadcast_in_dim3A_2827 = vector.broadcast %broadcast_in_dim3A_2826 : f32 to vector<16xf32>
      %swap3A_2828 = arith.constant 7264 : index
      %swap3A_2829 = tpu.vector_load %arg9[%swap3A_2828] {strides = array<i32>} : memref<8192xf32, #tpu.memory_space<vmem>>, vector<16xf32>,
      %swap3A_2830 = vector.shape_cast %swap3A_2829 : vector<16xf32> to vector<16xf32>
      %swap3A_2831 = vector.shape_cast %broadcast_in_dim3A_2827 : vector<16xf32> to vector<16xf32>
      tpu.vector_store %arg9[%swap3A_2828], %swap3A_2831 {strides = array<i32>} : memref<8192xf32, #tpu.memory_space<vmem>>, vector<16xf32>,
      %broadcast_in_dim3A_2832 = arith.constant 0.000000e+00 : f32
      %broadcast_in_dim3A_2833 = vector.broadcast %broadcast_in_dim3A_2832 : f32 to vector<16xf32>
      %swap3A_2834 = arith.constant 7280 : index
      %swap3A_2835 = tpu.vector_load %arg9[%swap3A_2834] {strides = array<i32>} : memref<8192xf32, #tpu.memory_space<vmem>>, vector<16xf32>,
      %swap3A_2836 = vector.shape_cast %swap3A_2835 : vector<16xf32> to vector<16xf32>
      %swap3A_2837 = vector.shape_cast %broadcast_in_dim3A_2833 : vector<16xf32> to vector<16xf32>
      tpu.vector_store %arg9[%swap3A_2834], %swap3A_2837 {strides = array<i32>} : memref<8192xf32, #tpu.memory_space<vmem>>, vector<16xf32>,
      %broadcast_in_dim3A_2838 = arith.constant 0.000000e+00 : f32
      %broadcast_in_dim3A_2839 = vector.broadcast %broadcast_in_dim3A_2838 : f32 to vector<16xf32>
      %swap3A_2840 = arith.constant 7296 : index
      %swap3A_2841 = tpu.vector_load %arg9[%swap3A_2840] {strides = array<i32>} : memref<8192xf32, #tpu.memory_space<vmem>>, vector<16xf32>,
      %swap3A_2842 = vector.shape_cast %swap3A_2841 : vector<16xf32> to vector<16xf32>
      %swap3A_2843 = vector.shape_cast %broadcast_in_dim3A_2839 : vector<16xf32> to vector<16xf32>
      tpu.vector_store %arg9[%swap3A_2840], %swap3A_2843 {strides = array<i32>} : memref<8192xf32, #tpu.memory_space<vmem>>, vector<16xf32>,
      %broadcast_in_dim3A_2844 = arith.constant 0.000000e+00 : f32
      %broadcast_in_dim3A_2845 = vector.broadcast %broadcast_in_dim3A_2844 : f32 to vector<16xf32>
      %swap3A_2846 = arith.constant 7312 : index
      %swap3A_2847 = tpu.vector_load %arg9[%swap3A_2846] {strides = array<i32>} : memref<8192xf32, #tpu.memory_space<vmem>>, vector<16xf32>,
      %swap3A_2848 = vector.shape_cast %swap3A_2847 : vector<16xf32> to vector<16xf32>
      %swap3A_2849 = vector.shape_cast %broadcast_in_dim3A_2845 : vector<16xf32> to vector<16xf32>
      tpu.vector_store %arg9[%swap3A_2846], %swap3A_2849 {strides = array<i32>} : memref<8192xf32, #tpu.memory_space<vmem>>, vector<16xf32>,
      %broadcast_in_dim3A_2850 = arith.constant 0.000000e+00 : f32
      %broadcast_in_dim3A_2851 = vector.broadcast %broadcast_in_dim3A_2850 : f32 to vector<16xf32>
      %swap3A_2852 = arith.constant 7328 : index
      %swap3A_2853 = tpu.vector_load %arg9[%swap3A_2852] {strides = array<i32>} : memref<8192xf32, #tpu.memory_space<vmem>>, vector<16xf32>,
      %swap3A_2854 = vector.shape_cast %swap3A_2853 : vector<16xf32> to vector<16xf32>
      %swap3A_2855 = vector.shape_cast %broadcast_in_dim3A_2851 : vector<16xf32> to vector<16xf32>
      tpu.vector_store %arg9[%swap3A_2852], %swap3A_2855 {strides = array<i32>} : memref<8192xf32, #tpu.memory_space<vmem>>, vector<16xf32>,
      %broadcast_in_dim3A_2856 = arith.constant 0.000000e+00 : f32
      %broadcast_in_dim3A_2857 = vector.broadcast %broadcast_in_dim3A_2856 : f32 to vector<16xf32>
      %swap3A_2858 = arith.constant 7344 : index
      %swap3A_2859 = tpu.vector_load %arg9[%swap3A_2858] {strides = array<i32>} : memref<8192xf32, #tpu.memory_space<vmem>>, vector<16xf32>,
      %swap3A_2860 = vector.shape_cast %swap3A_2859 : vector<16xf32> to vector<16xf32>
      %swap3A_2861 = vector.shape_cast %broadcast_in_dim3A_2857 : vector<16xf32> to vector<16xf32>
      tpu.vector_store %arg9[%swap3A_2858], %swap3A_2861 {strides = array<i32>} : memref<8192xf32, #tpu.memory_space<vmem>>, vector<16xf32>,
      %broadcast_in_dim3A_2862 = arith.constant 0.000000e+00 : f32
      %broadcast_in_dim3A_2863 = vector.broadcast %broadcast_in_dim3A_2862 : f32 to vector<16xf32>
      %swap3A_2864 = arith.constant 7360 : index
      %swap3A_2865 = tpu.vector_load %arg9[%swap3A_2864] {strides = array<i32>} : memref<8192xf32, #tpu.memory_space<vmem>>, vector<16xf32>,
      %swap3A_2866 = vector.shape_cast %swap3A_2865 : vector<16xf32> to vector<16xf32>
      %swap3A_2867 = vector.shape_cast %broadcast_in_dim3A_2863 : vector<16xf32> to vector<16xf32>
      tpu.vector_store %arg9[%swap3A_2864], %swap3A_2867 {strides = array<i32>} : memref<8192xf32, #tpu.memory_space<vmem>>, vector<16xf32>,
      %broadcast_in_dim3A_2868 = arith.constant 0.000000e+00 : f32
      %broadcast_in_dim3A_2869 = vector.broadcast %broadcast_in_dim3A_2868 : f32 to vector<16xf32>
      %swap3A_2870 = arith.constant 7376 : index
      %swap3A_2871 = tpu.vector_load %arg9[%swap3A_2870] {strides = array<i32>} : memref<8192xf32, #tpu.memory_space<vmem>>, vector<16xf32>,
      %swap3A_2872 = vector.shape_cast %swap3A_2871 : vector<16xf32> to vector<16xf32>
      %swap3A_2873 = vector.shape_cast %broadcast_in_dim3A_2869 : vector<16xf32> to vector<16xf32>
      tpu.vector_store %arg9[%swap3A_2870], %swap3A_2873 {strides = array<i32>} : memref<8192xf32, #tpu.memory_space<vmem>>, vector<16xf32>,
      %broadcast_in_dim3A_2874 = arith.constant 0.000000e+00 : f32
      %broadcast_in_dim3A_2875 = vector.broadcast %broadcast_in_dim3A_2874 : f32 to vector<16xf32>
      %swap3A_2876 = arith.constant 7392 : index
      %swap3A_2877 = tpu.vector_load %arg9[%swap3A_2876] {strides = array<i32>} : memref<8192xf32, #tpu.memory_space<vmem>>, vector<16xf32>,
      %swap3A_2878 = vector.shape_cast %swap3A_2877 : vector<16xf32> to vector<16xf32>
      %swap3A_2879 = vector.shape_cast %broadcast_in_dim3A_2875 : vector<16xf32> to vector<16xf32>
      tpu.vector_store %arg9[%swap3A_2876], %swap3A_2879 {strides = array<i32>} : memref<8192xf32, #tpu.memory_space<vmem>>, vector<16xf32>,
      %broadcast_in_dim3A_2880 = arith.constant 0.000000e+00 : f32
      %broadcast_in_dim3A_2881 = vector.broadcast %broadcast_in_dim3A_2880 : f32 to vector<16xf32>
      %swap3A_2882 = arith.constant 7408 : index
      %swap3A_2883 = tpu.vector_load %arg9[%swap3A_2882] {strides = array<i32>} : memref<8192xf32, #tpu.memory_space<vmem>>, vector<16xf32>,
      %swap3A_2884 = vector.shape_cast %swap3A_2883 : vector<16xf32> to vector<16xf32>
      %swap3A_2885 = vector.shape_cast %broadcast_in_dim3A_2881 : vector<16xf32> to vector<16xf32>
      tpu.vector_store %arg9[%swap3A_2882], %swap3A_2885 {strides = array<i32>} : memref<8192xf32, #tpu.memory_space<vmem>>, vector<16xf32>,
      %broadcast_in_dim3A_2886 = arith.constant 0.000000e+00 : f32
      %broadcast_in_dim3A_2887 = vector.broadcast %broadcast_in_dim3A_2886 : f32 to vector<16xf32>
      %swap3A_2888 = arith.constant 7424 : index
      %swap3A_2889 = tpu.vector_load %arg9[%swap3A_2888] {strides = array<i32>} : memref<8192xf32, #tpu.memory_space<vmem>>, vector<16xf32>,
      %swap3A_2890 = vector.shape_cast %swap3A_2889 : vector<16xf32> to vector<16xf32>
      %swap3A_2891 = vector.shape_cast %broadcast_in_dim3A_2887 : vector<16xf32> to vector<16xf32>
      tpu.vector_store %arg9[%swap3A_2888], %swap3A_2891 {strides = array<i32>} : memref<8192xf32, #tpu.memory_space<vmem>>, vector<16xf32>,
      %broadcast_in_dim3A_2892 = arith.constant 0.000000e+00 : f32
      %broadcast_in_dim3A_2893 = vector.broadcast %broadcast_in_dim3A_2892 : f32 to vector<16xf32>
      %swap3A_2894 = arith.constant 7440 : index
      %swap3A_2895 = tpu.vector_load %arg9[%swap3A_2894] {strides = array<i32>} : memref<8192xf32, #tpu.memory_space<vmem>>, vector<16xf32>,
      %swap3A_2896 = vector.shape_cast %swap3A_2895 : vector<16xf32> to vector<16xf32>
      %swap3A_2897 = vector.shape_cast %broadcast_in_dim3A_2893 : vector<16xf32> to vector<16xf32>
      tpu.vector_store %arg9[%swap3A_2894], %swap3A_2897 {strides = array<i32>} : memref<8192xf32, #tpu.memory_space<vmem>>, vector<16xf32>,
      %broadcast_in_dim3A_2898 = arith.constant 0.000000e+00 : f32
      %broadcast_in_dim3A_2899 = vector.broadcast %broadcast_in_dim3A_2898 : f32 to vector<16xf32>
      %swap3A_2900 = arith.constant 7456 : index
      %swap3A_2901 = tpu.vector_load %arg9[%swap3A_2900] {strides = array<i32>} : memref<8192xf32, #tpu.memory_space<vmem>>, vector<16xf32>,
      %swap3A_2902 = vector.shape_cast %swap3A_2901 : vector<16xf32> to vector<16xf32>
      %swap3A_2903 = vector.shape_cast %broadcast_in_dim3A_2899 : vector<16xf32> to vector<16xf32>
      tpu.vector_store %arg9[%swap3A_2900], %swap3A_2903 {strides = array<i32>} : memref<8192xf32, #tpu.memory_space<vmem>>, vector<16xf32>,
      %broadcast_in_dim3A_2904 = arith.constant 0.000000e+00 : f32
      %broadcast_in_dim3A_2905 = vector.broadcast %broadcast_in_dim3A_2904 : f32 to vector<16xf32>
      %swap3A_2906 = arith.constant 7472 : index
      %swap3A_2907 = tpu.vector_load %arg9[%swap3A_2906] {strides = array<i32>} : memref<8192xf32, #tpu.memory_space<vmem>>, vector<16xf32>,
      %swap3A_2908 = vector.shape_cast %swap3A_2907 : vector<16xf32> to vector<16xf32>
      %swap3A_2909 = vector.shape_cast %broadcast_in_dim3A_2905 : vector<16xf32> to vector<16xf32>
      tpu.vector_store %arg9[%swap3A_2906], %swap3A_2909 {strides = array<i32>} : memref<8192xf32, #tpu.memory_space<vmem>>, vector<16xf32>,
      %broadcast_in_dim3A_2910 = arith.constant 0.000000e+00 : f32
      %broadcast_in_dim3A_2911 = vector.broadcast %broadcast_in_dim3A_2910 : f32 to vector<16xf32>
      %swap3A_2912 = arith.constant 7488 : index
      %swap3A_2913 = tpu.vector_load %arg9[%swap3A_2912] {strides = array<i32>} : memref<8192xf32, #tpu.memory_space<vmem>>, vector<16xf32>,
      %swap3A_2914 = vector.shape_cast %swap3A_2913 : vector<16xf32> to vector<16xf32>
      %swap3A_2915 = vector.shape_cast %broadcast_in_dim3A_2911 : vector<16xf32> to vector<16xf32>
      tpu.vector_store %arg9[%swap3A_2912], %swap3A_2915 {strides = array<i32>} : memref<8192xf32, #tpu.memory_space<vmem>>, vector<16xf32>,
      %broadcast_in_dim3A_2916 = arith.constant 0.000000e+00 : f32
      %broadcast_in_dim3A_2917 = vector.broadcast %broadcast_in_dim3A_2916 : f32 to vector<16xf32>
      %swap3A_2918 = arith.constant 7504 : index
      %swap3A_2919 = tpu.vector_load %arg9[%swap3A_2918] {strides = array<i32>} : memref<8192xf32, #tpu.memory_space<vmem>>, vector<16xf32>,
      %swap3A_2920 = vector.shape_cast %swap3A_2919 : vector<16xf32> to vector<16xf32>
      %swap3A_2921 = vector.shape_cast %broadcast_in_dim3A_2917 : vector<16xf32> to vector<16xf32>
      tpu.vector_store %arg9[%swap3A_2918], %swap3A_2921 {strides = array<i32>} : memref<8192xf32, #tpu.memory_space<vmem>>, vector<16xf32>,
      %broadcast_in_dim3A_2922 = arith.constant 0.000000e+00 : f32
      %broadcast_in_dim3A_2923 = vector.broadcast %broadcast_in_dim3A_2922 : f32 to vector<16xf32>
      %swap3A_2924 = arith.constant 7520 : index
      %swap3A_2925 = tpu.vector_load %arg9[%swap3A_2924] {strides = array<i32>} : memref<8192xf32, #tpu.memory_space<vmem>>, vector<16xf32>,
      %swap3A_2926 = vector.shape_cast %swap3A_2925 : vector<16xf32> to vector<16xf32>
      %swap3A_2927 = vector.shape_cast %broadcast_in_dim3A_2923 : vector<16xf32> to vector<16xf32>
      tpu.vector_store %arg9[%swap3A_2924], %swap3A_2927 {strides = array<i32>} : memref<8192xf32, #tpu.memory_space<vmem>>, vector<16xf32>,
      %broadcast_in_dim3A_2928 = arith.constant 0.000000e+00 : f32
      %broadcast_in_dim3A_2929 = vector.broadcast %broadcast_in_dim3A_2928 : f32 to vector<16xf32>
      %swap3A_2930 = arith.constant 7536 : index
      %swap3A_2931 = tpu.vector_load %arg9[%swap3A_2930] {strides = array<i32>} : memref<8192xf32, #tpu.memory_space<vmem>>, vector<16xf32>,
      %swap3A_2932 = vector.shape_cast %swap3A_2931 : vector<16xf32> to vector<16xf32>
      %swap3A_2933 = vector.shape_cast %broadcast_in_dim3A_2929 : vector<16xf32> to vector<16xf32>
      tpu.vector_store %arg9[%swap3A_2930], %swap3A_2933 {strides = array<i32>} : memref<8192xf32, #tpu.memory_space<vmem>>, vector<16xf32>,
      %broadcast_in_dim3A_2934 = arith.constant 0.000000e+00 : f32
      %broadcast_in_dim3A_2935 = vector.broadcast %broadcast_in_dim3A_2934 : f32 to vector<16xf32>
      %swap3A_2936 = arith.constant 7552 : index
      %swap3A_2937 = tpu.vector_load %arg9[%swap3A_2936] {strides = array<i32>} : memref<8192xf32, #tpu.memory_space<vmem>>, vector<16xf32>,
      %swap3A_2938 = vector.shape_cast %swap3A_2937 : vector<16xf32> to vector<16xf32>
      %swap3A_2939 = vector.shape_cast %broadcast_in_dim3A_2935 : vector<16xf32> to vector<16xf32>
      tpu.vector_store %arg9[%swap3A_2936], %swap3A_2939 {strides = array<i32>} : memref<8192xf32, #tpu.memory_space<vmem>>, vector<16xf32>,
      %broadcast_in_dim3A_2940 = arith.constant 0.000000e+00 : f32
      %broadcast_in_dim3A_2941 = vector.broadcast %broadcast_in_dim3A_2940 : f32 to vector<16xf32>
      %swap3A_2942 = arith.constant 7568 : index
      %swap3A_2943 = tpu.vector_load %arg9[%swap3A_2942] {strides = array<i32>} : memref<8192xf32, #tpu.memory_space<vmem>>, vector<16xf32>,
      %swap3A_2944 = vector.shape_cast %swap3A_2943 : vector<16xf32> to vector<16xf32>
      %swap3A_2945 = vector.shape_cast %broadcast_in_dim3A_2941 : vector<16xf32> to vector<16xf32>
      tpu.vector_store %arg9[%swap3A_2942], %swap3A_2945 {strides = array<i32>} : memref<8192xf32, #tpu.memory_space<vmem>>, vector<16xf32>,
      %broadcast_in_dim3A_2946 = arith.constant 0.000000e+00 : f32
      %broadcast_in_dim3A_2947 = vector.broadcast %broadcast_in_dim3A_2946 : f32 to vector<16xf32>
      %swap3A_2948 = arith.constant 7584 : index
      %swap3A_2949 = tpu.vector_load %arg9[%swap3A_2948] {strides = array<i32>} : memref<8192xf32, #tpu.memory_space<vmem>>, vector<16xf32>,
      %swap3A_2950 = vector.shape_cast %swap3A_2949 : vector<16xf32> to vector<16xf32>
      %swap3A_2951 = vector.shape_cast %broadcast_in_dim3A_2947 : vector<16xf32> to vector<16xf32>
      tpu.vector_store %arg9[%swap3A_2948], %swap3A_2951 {strides = array<i32>} : memref<8192xf32, #tpu.memory_space<vmem>>, vector<16xf32>,
      %broadcast_in_dim3A_2952 = arith.constant 0.000000e+00 : f32
      %broadcast_in_dim3A_2953 = vector.broadcast %broadcast_in_dim3A_2952 : f32 to vector<16xf32>
      %swap3A_2954 = arith.constant 7600 : index
      %swap3A_2955 = tpu.vector_load %arg9[%swap3A_2954] {strides = array<i32>} : memref<8192xf32, #tpu.memory_space<vmem>>, vector<16xf32>,
      %swap3A_2956 = vector.shape_cast %swap3A_2955 : vector<16xf32> to vector<16xf32>
      %swap3A_2957 = vector.shape_cast %broadcast_in_dim3A_2953 : vector<16xf32> to vector<16xf32>
      tpu.vector_store %arg9[%swap3A_2954], %swap3A_2957 {strides = array<i32>} : memref<8192xf32, #tpu.memory_space<vmem>>, vector<16xf32>,
      %broadcast_in_dim3A_2958 = arith.constant 0.000000e+00 : f32
      %broadcast_in_dim3A_2959 = vector.broadcast %broadcast_in_dim3A_2958 : f32 to vector<16xf32>
      %swap3A_2960 = arith.constant 7616 : index
      %swap3A_2961 = tpu.vector_load %arg9[%swap3A_2960] {strides = array<i32>} : memref<8192xf32, #tpu.memory_space<vmem>>, vector<16xf32>,
      %swap3A_2962 = vector.shape_cast %swap3A_2961 : vector<16xf32> to vector<16xf32>
      %swap3A_2963 = vector.shape_cast %broadcast_in_dim3A_2959 : vector<16xf32> to vector<16xf32>
      tpu.vector_store %arg9[%swap3A_2960], %swap3A_2963 {strides = array<i32>} : memref<8192xf32, #tpu.memory_space<vmem>>, vector<16xf32>,
      %broadcast_in_dim3A_2964 = arith.constant 0.000000e+00 : f32
      %broadcast_in_dim3A_2965 = vector.broadcast %broadcast_in_dim3A_2964 : f32 to vector<16xf32>
      %swap3A_2966 = arith.constant 7632 : index
      %swap3A_2967 = tpu.vector_load %arg9[%swap3A_2966] {strides = array<i32>} : memref<8192xf32, #tpu.memory_space<vmem>>, vector<16xf32>,
      %swap3A_2968 = vector.shape_cast %swap3A_2967 : vector<16xf32> to vector<16xf32>
      %swap3A_2969 = vector.shape_cast %broadcast_in_dim3A_2965 : vector<16xf32> to vector<16xf32>
      tpu.vector_store %arg9[%swap3A_2966], %swap3A_2969 {strides = array<i32>} : memref<8192xf32, #tpu.memory_space<vmem>>, vector<16xf32>,
      %broadcast_in_dim3A_2970 = arith.constant 0.000000e+00 : f32
      %broadcast_in_dim3A_2971 = vector.broadcast %broadcast_in_dim3A_2970 : f32 to vector<16xf32>
      %swap3A_2972 = arith.constant 7648 : index
      %swap3A_2973 = tpu.vector_load %arg9[%swap3A_2972] {strides = array<i32>} : memref<8192xf32, #tpu.memory_space<vmem>>, vector<16xf32>,
      %swap3A_2974 = vector.shape_cast %swap3A_2973 : vector<16xf32> to vector<16xf32>
      %swap3A_2975 = vector.shape_cast %broadcast_in_dim3A_2971 : vector<16xf32> to vector<16xf32>
      tpu.vector_store %arg9[%swap3A_2972], %swap3A_2975 {strides = array<i32>} : memref<8192xf32, #tpu.memory_space<vmem>>, vector<16xf32>,
      %broadcast_in_dim3A_2976 = arith.constant 0.000000e+00 : f32
      %broadcast_in_dim3A_2977 = vector.broadcast %broadcast_in_dim3A_2976 : f32 to vector<16xf32>
      %swap3A_2978 = arith.constant 7664 : index
      %swap3A_2979 = tpu.vector_load %arg9[%swap3A_2978] {strides = array<i32>} : memref<8192xf32, #tpu.memory_space<vmem>>, vector<16xf32>,
      %swap3A_2980 = vector.shape_cast %swap3A_2979 : vector<16xf32> to vector<16xf32>
      %swap3A_2981 = vector.shape_cast %broadcast_in_dim3A_2977 : vector<16xf32> to vector<16xf32>
      tpu.vector_store %arg9[%swap3A_2978], %swap3A_2981 {strides = array<i32>} : memref<8192xf32, #tpu.memory_space<vmem>>, vector<16xf32>,
      %broadcast_in_dim3A_2982 = arith.constant 0.000000e+00 : f32
      %broadcast_in_dim3A_2983 = vector.broadcast %broadcast_in_dim3A_2982 : f32 to vector<16xf32>
      %swap3A_2984 = arith.constant 7680 : index
      %swap3A_2985 = tpu.vector_load %arg9[%swap3A_2984] {strides = array<i32>} : memref<8192xf32, #tpu.memory_space<vmem>>, vector<16xf32>,
      %swap3A_2986 = vector.shape_cast %swap3A_2985 : vector<16xf32> to vector<16xf32>
      %swap3A_2987 = vector.shape_cast %broadcast_in_dim3A_2983 : vector<16xf32> to vector<16xf32>
      tpu.vector_store %arg9[%swap3A_2984], %swap3A_2987 {strides = array<i32>} : memref<8192xf32, #tpu.memory_space<vmem>>, vector<16xf32>,
      %broadcast_in_dim3A_2988 = arith.constant 0.000000e+00 : f32
      %broadcast_in_dim3A_2989 = vector.broadcast %broadcast_in_dim3A_2988 : f32 to vector<16xf32>
      %swap3A_2990 = arith.constant 7696 : index
      %swap3A_2991 = tpu.vector_load %arg9[%swap3A_2990] {strides = array<i32>} : memref<8192xf32, #tpu.memory_space<vmem>>, vector<16xf32>,
      %swap3A_2992 = vector.shape_cast %swap3A_2991 : vector<16xf32> to vector<16xf32>
      %swap3A_2993 = vector.shape_cast %broadcast_in_dim3A_2989 : vector<16xf32> to vector<16xf32>
      tpu.vector_store %arg9[%swap3A_2990], %swap3A_2993 {strides = array<i32>} : memref<8192xf32, #tpu.memory_space<vmem>>, vector<16xf32>,
      %broadcast_in_dim3A_2994 = arith.constant 0.000000e+00 : f32
      %broadcast_in_dim3A_2995 = vector.broadcast %broadcast_in_dim3A_2994 : f32 to vector<16xf32>
      %swap3A_2996 = arith.constant 7712 : index
      %swap3A_2997 = tpu.vector_load %arg9[%swap3A_2996] {strides = array<i32>} : memref<8192xf32, #tpu.memory_space<vmem>>, vector<16xf32>,
      %swap3A_2998 = vector.shape_cast %swap3A_2997 : vector<16xf32> to vector<16xf32>
      %swap3A_2999 = vector.shape_cast %broadcast_in_dim3A_2995 : vector<16xf32> to vector<16xf32>
      tpu.vector_store %arg9[%swap3A_2996], %swap3A_2999 {strides = array<i32>} : memref<8192xf32, #tpu.memory_space<vmem>>, vector<16xf32>,
      %broadcast_in_dim3A_3000 = arith.constant 0.000000e+00 : f32
      %broadcast_in_dim3A_3001 = vector.broadcast %broadcast_in_dim3A_3000 : f32 to vector<16xf32>
      %swap3A_3002 = arith.constant 7728 : index
      %swap3A_3003 = tpu.vector_load %arg9[%swap3A_3002] {strides = array<i32>} : memref<8192xf32, #tpu.memory_space<vmem>>, vector<16xf32>,
      %swap3A_3004 = vector.shape_cast %swap3A_3003 : vector<16xf32> to vector<16xf32>
      %swap3A_3005 = vector.shape_cast %broadcast_in_dim3A_3001 : vector<16xf32> to vector<16xf32>
      tpu.vector_store %arg9[%swap3A_3002], %swap3A_3005 {strides = array<i32>} : memref<8192xf32, #tpu.memory_space<vmem>>, vector<16xf32>,
      %broadcast_in_dim3A_3006 = arith.constant 0.000000e+00 : f32
      %broadcast_in_dim3A_3007 = vector.broadcast %broadcast_in_dim3A_3006 : f32 to vector<16xf32>
      %swap3A_3008 = arith.constant 7744 : index
      %swap3A_3009 = tpu.vector_load %arg9[%swap3A_3008] {strides = array<i32>} : memref<8192xf32, #tpu.memory_space<vmem>>, vector<16xf32>,
      %swap3A_3010 = vector.shape_cast %swap3A_3009 : vector<16xf32> to vector<16xf32>
      %swap3A_3011 = vector.shape_cast %broadcast_in_dim3A_3007 : vector<16xf32> to vector<16xf32>
      tpu.vector_store %arg9[%swap3A_3008], %swap3A_3011 {strides = array<i32>} : memref<8192xf32, #tpu.memory_space<vmem>>, vector<16xf32>,
      %broadcast_in_dim3A_3012 = arith.constant 0.000000e+00 : f32
      %broadcast_in_dim3A_3013 = vector.broadcast %broadcast_in_dim3A_3012 : f32 to vector<16xf32>
      %swap3A_3014 = arith.constant 7760 : index
      %swap3A_3015 = tpu.vector_load %arg9[%swap3A_3014] {strides = array<i32>} : memref<8192xf32, #tpu.memory_space<vmem>>, vector<16xf32>,
      %swap3A_3016 = vector.shape_cast %swap3A_3015 : vector<16xf32> to vector<16xf32>
      %swap3A_3017 = vector.shape_cast %broadcast_in_dim3A_3013 : vector<16xf32> to vector<16xf32>
      tpu.vector_store %arg9[%swap3A_3014], %swap3A_3017 {strides = array<i32>} : memref<8192xf32, #tpu.memory_space<vmem>>, vector<16xf32>,
      %broadcast_in_dim3A_3018 = arith.constant 0.000000e+00 : f32
      %broadcast_in_dim3A_3019 = vector.broadcast %broadcast_in_dim3A_3018 : f32 to vector<16xf32>
      %swap3A_3020 = arith.constant 7776 : index
      %swap3A_3021 = tpu.vector_load %arg9[%swap3A_3020] {strides = array<i32>} : memref<8192xf32, #tpu.memory_space<vmem>>, vector<16xf32>,
      %swap3A_3022 = vector.shape_cast %swap3A_3021 : vector<16xf32> to vector<16xf32>
      %swap3A_3023 = vector.shape_cast %broadcast_in_dim3A_3019 : vector<16xf32> to vector<16xf32>
      tpu.vector_store %arg9[%swap3A_3020], %swap3A_3023 {strides = array<i32>} : memref<8192xf32, #tpu.memory_space<vmem>>, vector<16xf32>,
      %broadcast_in_dim3A_3024 = arith.constant 0.000000e+00 : f32
      %broadcast_in_dim3A_3025 = vector.broadcast %broadcast_in_dim3A_3024 : f32 to vector<16xf32>
      %swap3A_3026 = arith.constant 7792 : index
      %swap3A_3027 = tpu.vector_load %arg9[%swap3A_3026] {strides = array<i32>} : memref<8192xf32, #tpu.memory_space<vmem>>, vector<16xf32>,
      %swap3A_3028 = vector.shape_cast %swap3A_3027 : vector<16xf32> to vector<16xf32>
      %swap3A_3029 = vector.shape_cast %broadcast_in_dim3A_3025 : vector<16xf32> to vector<16xf32>
      tpu.vector_store %arg9[%swap3A_3026], %swap3A_3029 {strides = array<i32>} : memref<8192xf32, #tpu.memory_space<vmem>>, vector<16xf32>,
      %broadcast_in_dim3A_3030 = arith.constant 0.000000e+00 : f32
      %broadcast_in_dim3A_3031 = vector.broadcast %broadcast_in_dim3A_3030 : f32 to vector<16xf32>
      %swap3A_3032 = arith.constant 7808 : index
      %swap3A_3033 = tpu.vector_load %arg9[%swap3A_3032] {strides = array<i32>} : memref<8192xf32, #tpu.memory_space<vmem>>, vector<16xf32>,
      %swap3A_3034 = vector.shape_cast %swap3A_3033 : vector<16xf32> to vector<16xf32>
      %swap3A_3035 = vector.shape_cast %broadcast_in_dim3A_3031 : vector<16xf32> to vector<16xf32>
      tpu.vector_store %arg9[%swap3A_3032], %swap3A_3035 {strides = array<i32>} : memref<8192xf32, #tpu.memory_space<vmem>>, vector<16xf32>,
      %broadcast_in_dim3A_3036 = arith.constant 0.000000e+00 : f32
      %broadcast_in_dim3A_3037 = vector.broadcast %broadcast_in_dim3A_3036 : f32 to vector<16xf32>
      %swap3A_3038 = arith.constant 7824 : index
      %swap3A_3039 = tpu.vector_load %arg9[%swap3A_3038] {strides = array<i32>} : memref<8192xf32, #tpu.memory_space<vmem>>, vector<16xf32>,
      %swap3A_3040 = vector.shape_cast %swap3A_3039 : vector<16xf32> to vector<16xf32>
      %swap3A_3041 = vector.shape_cast %broadcast_in_dim3A_3037 : vector<16xf32> to vector<16xf32>
      tpu.vector_store %arg9[%swap3A_3038], %swap3A_3041 {strides = array<i32>} : memref<8192xf32, #tpu.memory_space<vmem>>, vector<16xf32>,
      %broadcast_in_dim3A_3042 = arith.constant 0.000000e+00 : f32
      %broadcast_in_dim3A_3043 = vector.broadcast %broadcast_in_dim3A_3042 : f32 to vector<16xf32>
      %swap3A_3044 = arith.constant 7840 : index
      %swap3A_3045 = tpu.vector_load %arg9[%swap3A_3044] {strides = array<i32>} : memref<8192xf32, #tpu.memory_space<vmem>>, vector<16xf32>,
      %swap3A_3046 = vector.shape_cast %swap3A_3045 : vector<16xf32> to vector<16xf32>
      %swap3A_3047 = vector.shape_cast %broadcast_in_dim3A_3043 : vector<16xf32> to vector<16xf32>
      tpu.vector_store %arg9[%swap3A_3044], %swap3A_3047 {strides = array<i32>} : memref<8192xf32, #tpu.memory_space<vmem>>, vector<16xf32>,
      %broadcast_in_dim3A_3048 = arith.constant 0.000000e+00 : f32
      %broadcast_in_dim3A_3049 = vector.broadcast %broadcast_in_dim3A_3048 : f32 to vector<16xf32>
      %swap3A_3050 = arith.constant 7856 : index
      %swap3A_3051 = tpu.vector_load %arg9[%swap3A_3050] {strides = array<i32>} : memref<8192xf32, #tpu.memory_space<vmem>>, vector<16xf32>,
      %swap3A_3052 = vector.shape_cast %swap3A_3051 : vector<16xf32> to vector<16xf32>
      %swap3A_3053 = vector.shape_cast %broadcast_in_dim3A_3049 : vector<16xf32> to vector<16xf32>
      tpu.vector_store %arg9[%swap3A_3050], %swap3A_3053 {strides = array<i32>} : memref<8192xf32, #tpu.memory_space<vmem>>, vector<16xf32>,
      %broadcast_in_dim3A_3054 = arith.constant 0.000000e+00 : f32
      %broadcast_in_dim3A_3055 = vector.broadcast %broadcast_in_dim3A_3054 : f32 to vector<16xf32>
      %swap3A_3056 = arith.constant 7872 : index
      %swap3A_3057 = tpu.vector_load %arg9[%swap3A_3056] {strides = array<i32>} : memref<8192xf32, #tpu.memory_space<vmem>>, vector<16xf32>,
      %swap3A_3058 = vector.shape_cast %swap3A_3057 : vector<16xf32> to vector<16xf32>
      %swap3A_3059 = vector.shape_cast %broadcast_in_dim3A_3055 : vector<16xf32> to vector<16xf32>
      tpu.vector_store %arg9[%swap3A_3056], %swap3A_3059 {strides = array<i32>} : memref<8192xf32, #tpu.memory_space<vmem>>, vector<16xf32>,
      %broadcast_in_dim3A_3060 = arith.constant 0.000000e+00 : f32
      %broadcast_in_dim3A_3061 = vector.broadcast %broadcast_in_dim3A_3060 : f32 to vector<16xf32>
      %swap3A_3062 = arith.constant 7888 : index
      %swap3A_3063 = tpu.vector_load %arg9[%swap3A_3062] {strides = array<i32>} : memref<8192xf32, #tpu.memory_space<vmem>>, vector<16xf32>,
      %swap3A_3064 = vector.shape_cast %swap3A_3063 : vector<16xf32> to vector<16xf32>
      %swap3A_3065 = vector.shape_cast %broadcast_in_dim3A_3061 : vector<16xf32> to vector<16xf32>
      tpu.vector_store %arg9[%swap3A_3062], %swap3A_3065 {strides = array<i32>} : memref<8192xf32, #tpu.memory_space<vmem>>, vector<16xf32>,
      %broadcast_in_dim3A_3066 = arith.constant 0.000000e+00 : f32
      %broadcast_in_dim3A_3067 = vector.broadcast %broadcast_in_dim3A_3066 : f32 to vector<16xf32>
      %swap3A_3068 = arith.constant 7904 : index
      %swap3A_3069 = tpu.vector_load %arg9[%swap3A_3068] {strides = array<i32>} : memref<8192xf32, #tpu.memory_space<vmem>>, vector<16xf32>,
      %swap3A_3070 = vector.shape_cast %swap3A_3069 : vector<16xf32> to vector<16xf32>
      %swap3A_3071 = vector.shape_cast %broadcast_in_dim3A_3067 : vector<16xf32> to vector<16xf32>
      tpu.vector_store %arg9[%swap3A_3068], %swap3A_3071 {strides = array<i32>} : memref<8192xf32, #tpu.memory_space<vmem>>, vector<16xf32>,
      %broadcast_in_dim3A_3072 = arith.constant 0.000000e+00 : f32
      %broadcast_in_dim3A_3073 = vector.broadcast %broadcast_in_dim3A_3072 : f32 to vector<16xf32>
      %swap3A_3074 = arith.constant 7920 : index
      %swap3A_3075 = tpu.vector_load %arg9[%swap3A_3074] {strides = array<i32>} : memref<8192xf32, #tpu.memory_space<vmem>>, vector<16xf32>,
      %swap3A_3076 = vector.shape_cast %swap3A_3075 : vector<16xf32> to vector<16xf32>
      %swap3A_3077 = vector.shape_cast %broadcast_in_dim3A_3073 : vector<16xf32> to vector<16xf32>
      tpu.vector_store %arg9[%swap3A_3074], %swap3A_3077 {strides = array<i32>} : memref<8192xf32, #tpu.memory_space<vmem>>, vector<16xf32>,
      %broadcast_in_dim3A_3078 = arith.constant 0.000000e+00 : f32
      %broadcast_in_dim3A_3079 = vector.broadcast %broadcast_in_dim3A_3078 : f32 to vector<16xf32>
      %swap3A_3080 = arith.constant 7936 : index
      %swap3A_3081 = tpu.vector_load %arg9[%swap3A_3080] {strides = array<i32>} : memref<8192xf32, #tpu.memory_space<vmem>>, vector<16xf32>,
      %swap3A_3082 = vector.shape_cast %swap3A_3081 : vector<16xf32> to vector<16xf32>
      %swap3A_3083 = vector.shape_cast %broadcast_in_dim3A_3079 : vector<16xf32> to vector<16xf32>
      tpu.vector_store %arg9[%swap3A_3080], %swap3A_3083 {strides = array<i32>} : memref<8192xf32, #tpu.memory_space<vmem>>, vector<16xf32>,
      %broadcast_in_dim3A_3084 = arith.constant 0.000000e+00 : f32
      %broadcast_in_dim3A_3085 = vector.broadcast %broadcast_in_dim3A_3084 : f32 to vector<16xf32>
      %swap3A_3086 = arith.constant 7952 : index
      %swap3A_3087 = tpu.vector_load %arg9[%swap3A_3086] {strides = array<i32>} : memref<8192xf32, #tpu.memory_space<vmem>>, vector<16xf32>,
      %swap3A_3088 = vector.shape_cast %swap3A_3087 : vector<16xf32> to vector<16xf32>
      %swap3A_3089 = vector.shape_cast %broadcast_in_dim3A_3085 : vector<16xf32> to vector<16xf32>
      tpu.vector_store %arg9[%swap3A_3086], %swap3A_3089 {strides = array<i32>} : memref<8192xf32, #tpu.memory_space<vmem>>, vector<16xf32>,
      %broadcast_in_dim3A_3090 = arith.constant 0.000000e+00 : f32
      %broadcast_in_dim3A_3091 = vector.broadcast %broadcast_in_dim3A_3090 : f32 to vector<16xf32>
      %swap3A_3092 = arith.constant 7968 : index
      %swap3A_3093 = tpu.vector_load %arg9[%swap3A_3092] {strides = array<i32>} : memref<8192xf32, #tpu.memory_space<vmem>>, vector<16xf32>,
      %swap3A_3094 = vector.shape_cast %swap3A_3093 : vector<16xf32> to vector<16xf32>
      %swap3A_3095 = vector.shape_cast %broadcast_in_dim3A_3091 : vector<16xf32> to vector<16xf32>
      tpu.vector_store %arg9[%swap3A_3092], %swap3A_3095 {strides = array<i32>} : memref<8192xf32, #tpu.memory_space<vmem>>, vector<16xf32>,
      %broadcast_in_dim3A_3096 = arith.constant 0.000000e+00 : f32
      %broadcast_in_dim3A_3097 = vector.broadcast %broadcast_in_dim3A_3096 : f32 to vector<16xf32>
      %swap3A_3098 = arith.constant 7984 : index
      %swap3A_3099 = tpu.vector_load %arg9[%swap3A_3098] {strides = array<i32>} : memref<8192xf32, #tpu.memory_space<vmem>>, vector<16xf32>,
      %swap3A_3100 = vector.shape_cast %swap3A_3099 : vector<16xf32> to vector<16xf32>
      %swap3A_3101 = vector.shape_cast %broadcast_in_dim3A_3097 : vector<16xf32> to vector<16xf32>
      tpu.vector_store %arg9[%swap3A_3098], %swap3A_3101 {strides = array<i32>} : memref<8192xf32, #tpu.memory_space<vmem>>, vector<16xf32>,
      %broadcast_in_dim3A_3102 = arith.constant 0.000000e+00 : f32
      %broadcast_in_dim3A_3103 = vector.broadcast %broadcast_in_dim3A_3102 : f32 to vector<16xf32>
      %swap3A_3104 = arith.constant 8000 : index
      %swap3A_3105 = tpu.vector_load %arg9[%swap3A_3104] {strides = array<i32>} : memref<8192xf32, #tpu.memory_space<vmem>>, vector<16xf32>,
      %swap3A_3106 = vector.shape_cast %swap3A_3105 : vector<16xf32> to vector<16xf32>
      %swap3A_3107 = vector.shape_cast %broadcast_in_dim3A_3103 : vector<16xf32> to vector<16xf32>
      tpu.vector_store %arg9[%swap3A_3104], %swap3A_3107 {strides = array<i32>} : memref<8192xf32, #tpu.memory_space<vmem>>, vector<16xf32>,
      %broadcast_in_dim3A_3108 = arith.constant 0.000000e+00 : f32
      %broadcast_in_dim3A_3109 = vector.broadcast %broadcast_in_dim3A_3108 : f32 to vector<16xf32>
      %swap3A_3110 = arith.constant 8016 : index
      %swap3A_3111 = tpu.vector_load %arg9[%swap3A_3110] {strides = array<i32>} : memref<8192xf32, #tpu.memory_space<vmem>>, vector<16xf32>,
      %swap3A_3112 = vector.shape_cast %swap3A_3111 : vector<16xf32> to vector<16xf32>
      %swap3A_3113 = vector.shape_cast %broadcast_in_dim3A_3109 : vector<16xf32> to vector<16xf32>
      tpu.vector_store %arg9[%swap3A_3110], %swap3A_3113 {strides = array<i32>} : memref<8192xf32, #tpu.memory_space<vmem>>, vector<16xf32>,
      %broadcast_in_dim3A_3114 = arith.constant 0.000000e+00 : f32
      %broadcast_in_dim3A_3115 = vector.broadcast %broadcast_in_dim3A_3114 : f32 to vector<16xf32>
      %swap3A_3116 = arith.constant 8032 : index
      %swap3A_3117 = tpu.vector_load %arg9[%swap3A_3116] {strides = array<i32>} : memref<8192xf32, #tpu.memory_space<vmem>>, vector<16xf32>,
      %swap3A_3118 = vector.shape_cast %swap3A_3117 : vector<16xf32> to vector<16xf32>
      %swap3A_3119 = vector.shape_cast %broadcast_in_dim3A_3115 : vector<16xf32> to vector<16xf32>
      tpu.vector_store %arg9[%swap3A_3116], %swap3A_3119 {strides = array<i32>} : memref<8192xf32, #tpu.memory_space<vmem>>, vector<16xf32>,
      %broadcast_in_dim3A_3120 = arith.constant 0.000000e+00 : f32
      %broadcast_in_dim3A_3121 = vector.broadcast %broadcast_in_dim3A_3120 : f32 to vector<16xf32>
      %swap3A_3122 = arith.constant 8048 : index
      %swap3A_3123 = tpu.vector_load %arg9[%swap3A_3122] {strides = array<i32>} : memref<8192xf32, #tpu.memory_space<vmem>>, vector<16xf32>,
      %swap3A_3124 = vector.shape_cast %swap3A_3123 : vector<16xf32> to vector<16xf32>
      %swap3A_3125 = vector.shape_cast %broadcast_in_dim3A_3121 : vector<16xf32> to vector<16xf32>
      tpu.vector_store %arg9[%swap3A_3122], %swap3A_3125 {strides = array<i32>} : memref<8192xf32, #tpu.memory_space<vmem>>, vector<16xf32>,
      %broadcast_in_dim3A_3126 = arith.constant 0.000000e+00 : f32
      %broadcast_in_dim3A_3127 = vector.broadcast %broadcast_in_dim3A_3126 : f32 to vector<16xf32>
      %swap3A_3128 = arith.constant 8064 : index
      %swap3A_3129 = tpu.vector_load %arg9[%swap3A_3128] {strides = array<i32>} : memref<8192xf32, #tpu.memory_space<vmem>>, vector<16xf32>,
      %swap3A_3130 = vector.shape_cast %swap3A_3129 : vector<16xf32> to vector<16xf32>
      %swap3A_3131 = vector.shape_cast %broadcast_in_dim3A_3127 : vector<16xf32> to vector<16xf32>
      tpu.vector_store %arg9[%swap3A_3128], %swap3A_3131 {strides = array<i32>} : memref<8192xf32, #tpu.memory_space<vmem>>, vector<16xf32>,
      %broadcast_in_dim3A_3132 = arith.constant 0.000000e+00 : f32
      %broadcast_in_dim3A_3133 = vector.broadcast %broadcast_in_dim3A_3132 : f32 to vector<16xf32>
      %swap3A_3134 = arith.constant 8080 : index
      %swap3A_3135 = tpu.vector_load %arg9[%swap3A_3134] {strides = array<i32>} : memref<8192xf32, #tpu.memory_space<vmem>>, vector<16xf32>,
      %swap3A_3136 = vector.shape_cast %swap3A_3135 : vector<16xf32> to vector<16xf32>
      %swap3A_3137 = vector.shape_cast %broadcast_in_dim3A_3133 : vector<16xf32> to vector<16xf32>
      tpu.vector_store %arg9[%swap3A_3134], %swap3A_3137 {strides = array<i32>} : memref<8192xf32, #tpu.memory_space<vmem>>, vector<16xf32>,
      %broadcast_in_dim3A_3138 = arith.constant 0.000000e+00 : f32
      %broadcast_in_dim3A_3139 = vector.broadcast %broadcast_in_dim3A_3138 : f32 to vector<16xf32>
      %swap3A_3140 = arith.constant 8096 : index
      %swap3A_3141 = tpu.vector_load %arg9[%swap3A_3140] {strides = array<i32>} : memref<8192xf32, #tpu.memory_space<vmem>>, vector<16xf32>,
      %swap3A_3142 = vector.shape_cast %swap3A_3141 : vector<16xf32> to vector<16xf32>
      %swap3A_3143 = vector.shape_cast %broadcast_in_dim3A_3139 : vector<16xf32> to vector<16xf32>
      tpu.vector_store %arg9[%swap3A_3140], %swap3A_3143 {strides = array<i32>} : memref<8192xf32, #tpu.memory_space<vmem>>, vector<16xf32>,
      %broadcast_in_dim3A_3144 = arith.constant 0.000000e+00 : f32
      %broadcast_in_dim3A_3145 = vector.broadcast %broadcast_in_dim3A_3144 : f32 to vector<16xf32>
      %swap3A_3146 = arith.constant 8112 : index
      %swap3A_3147 = tpu.vector_load %arg9[%swap3A_3146] {strides = array<i32>} : memref<8192xf32, #tpu.memory_space<vmem>>, vector<16xf32>,
      %swap3A_3148 = vector.shape_cast %swap3A_3147 : vector<16xf32> to vector<16xf32>
      %swap3A_3149 = vector.shape_cast %broadcast_in_dim3A_3145 : vector<16xf32> to vector<16xf32>
      tpu.vector_store %arg9[%swap3A_3146], %swap3A_3149 {strides = array<i32>} : memref<8192xf32, #tpu.memory_space<vmem>>, vector<16xf32>,
      %broadcast_in_dim3A_3150 = arith.constant 0.000000e+00 : f32
      %broadcast_in_dim3A_3151 = vector.broadcast %broadcast_in_dim3A_3150 : f32 to vector<16xf32>
      %swap3A_3152 = arith.constant 8128 : index
      %swap3A_3153 = tpu.vector_load %arg9[%swap3A_3152] {strides = array<i32>} : memref<8192xf32, #tpu.memory_space<vmem>>, vector<16xf32>,
      %swap3A_3154 = vector.shape_cast %swap3A_3153 : vector<16xf32> to vector<16xf32>
      %swap3A_3155 = vector.shape_cast %broadcast_in_dim3A_3151 : vector<16xf32> to vector<16xf32>
      tpu.vector_store %arg9[%swap3A_3152], %swap3A_3155 {strides = array<i32>} : memref<8192xf32, #tpu.memory_space<vmem>>, vector<16xf32>,
      %broadcast_in_dim3A_3156 = arith.constant 0.000000e+00 : f32
      %broadcast_in_dim3A_3157 = vector.broadcast %broadcast_in_dim3A_3156 : f32 to vector<16xf32>
      %swap3A_3158 = arith.constant 8144 : index
      %swap3A_3159 = tpu.vector_load %arg9[%swap3A_3158] {strides = array<i32>} : memref<8192xf32, #tpu.memory_space<vmem>>, vector<16xf32>,
      %swap3A_3160 = vector.shape_cast %swap3A_3159 : vector<16xf32> to vector<16xf32>
      %swap3A_3161 = vector.shape_cast %broadcast_in_dim3A_3157 : vector<16xf32> to vector<16xf32>
      tpu.vector_store %arg9[%swap3A_3158], %swap3A_3161 {strides = array<i32>} : memref<8192xf32, #tpu.memory_space<vmem>>, vector<16xf32>,
      %broadcast_in_dim3A_3162 = arith.constant 0.000000e+00 : f32
      %broadcast_in_dim3A_3163 = vector.broadcast %broadcast_in_dim3A_3162 : f32 to vector<16xf32>
      %swap3A_3164 = arith.constant 8160 : index
      %swap3A_3165 = tpu.vector_load %arg9[%swap3A_3164] {strides = array<i32>} : memref<8192xf32, #tpu.memory_space<vmem>>, vector<16xf32>,
      %swap3A_3166 = vector.shape_cast %swap3A_3165 : vector<16xf32> to vector<16xf32>
      %swap3A_3167 = vector.shape_cast %broadcast_in_dim3A_3163 : vector<16xf32> to vector<16xf32>
      tpu.vector_store %arg9[%swap3A_3164], %swap3A_3167 {strides = array<i32>} : memref<8192xf32, #tpu.memory_space<vmem>>, vector<16xf32>,
      %broadcast_in_dim3A_3168 = arith.constant 0.000000e+00 : f32
      %broadcast_in_dim3A_3169 = vector.broadcast %broadcast_in_dim3A_3168 : f32 to vector<16xf32>
      %swap3A_3170 = arith.constant 8176 : index
      %swap3A_3171 = tpu.vector_load %arg9[%swap3A_3170] {strides = array<i32>} : memref<8192xf32, #tpu.memory_space<vmem>>, vector<16xf32>,
      %swap3A_3172 = vector.shape_cast %swap3A_3171 : vector<16xf32> to vector<16xf32>
      %swap3A_3173 = vector.shape_cast %broadcast_in_dim3A_3169 : vector<16xf32> to vector<16xf32>
      tpu.vector_store %arg9[%swap3A_3170], %swap3A_3173 {strides = array<i32>} : memref<8192xf32, #tpu.memory_space<vmem>>, vector<16xf32>,
      "tpu.region"() ({
        %run_scoped3A_3174 = tpu.sem_alloc : memref<!tpu.dma_semaphore, #tpu.memory_space<semaphore_mem>>
        tpu.enqueue_dma source(%arg9 : memref<8192xf32, #tpu.memory_space<vmem>>) target(%arg10 : memref<8192xf32, #tpu.memory_space<vmem_shared>>) target_semaphore(%run_scoped3A_3174 : memref<!tpu.dma_semaphore, #tpu.memory_space<semaphore_mem>>)
        tpu.wait_dma2 semaphore(%run_scoped3A_3174 : memref<!tpu.dma_semaphore, #tpu.memory_space<semaphore_mem>>) src(%arg9 : memref<8192xf32, #tpu.memory_space<vmem>>) dst(%arg10 : memref<8192xf32, #tpu.memory_space<vmem_shared>>)
        tpu.yield
      }) : () -> ()
    } else {
    }
    %dma_start3A = arith.constant 0 : i32
    %dma_start3A_56 = arith.constant 0 : i32
    %dma_start3A_57 = arith.constant 0 : i32
    %dma_start3A_58 = tpu.memref_slice %arg7[%dma_start3A_56, %dma_start3A_57] : memref<256x128xf32, #tpu.memory_space<vmem>> -> memref<128x128xf32, #tpu.memory_space<vmem>>
    %dma_start3A_59 = arith.constant 0 : i32
    %dma_start3A_60 = tpu.memref_slice %arg6[%dma_start3A, %dma_start3A_59] : memref<2x128xi32, #tpu.memory_space<vmem>> -> memref<1x128xi32, #tpu.memory_space<vmem>>
    %dma_start3A_61 = tpu.memref_squeeze %dma_start3A_60 : memref<1x128xi32, #tpu.memory_space<vmem>> -> memref<128xi32, #tpu.memory_space<vmem>>
    %dma_start3A_62 = arith.constant 0 : i32
    %dma_start3A_63 = arith.constant 0 : i32
    %dma_start3A_64 = tpu.memref_slice %arg2[%dma_start3A_62, %dma_start3A_63] : memref<8192x128xf32, #tpu.memory_space<hbm>> -> memref<8192x128xf32, #tpu.memory_space<hbm>>
    tpu.enqueue_indirect_dma source(%dma_start3A_64 : memref<8192x128xf32, #tpu.memory_space<hbm>>) target(%dma_start3A_58 : memref<128x128xf32, #tpu.memory_space<vmem>>) offsets(%dma_start3A_61 : memref<128xi32, #tpu.memory_space<vmem>>) semaphore(%arg11 : memref<!tpu.dma_semaphore, #tpu.memory_space<semaphore_mem>>)
    %dma_wait3A = arith.constant 0 : i32
    %dma_wait3A_65 = arith.constant 0 : i32
    %dma_wait3A_66 = arith.constant 0 : i32
    %dma_wait3A_67 = tpu.memref_slice %arg7[%dma_wait3A_65, %dma_wait3A_66] : memref<256x128xf32, #tpu.memory_space<vmem>> -> memref<128x128xf32, #tpu.memory_space<vmem>>
    %dma_wait3A_68 = arith.constant 0 : i32
    %dma_wait3A_69 = tpu.memref_slice %arg6[%dma_wait3A, %dma_wait3A_68] : memref<2x128xi32, #tpu.memory_space<vmem>> -> memref<1x128xi32, #tpu.memory_space<vmem>>
    %dma_wait3A_70 = tpu.memref_squeeze %dma_wait3A_69 : memref<1x128xi32, #tpu.memory_space<vmem>> -> memref<128xi32, #tpu.memory_space<vmem>>
    %dma_wait3A_71 = arith.constant 0 : i32
    %dma_wait3A_72 = arith.constant 0 : i32
    %dma_wait3A_73 = tpu.memref_slice %arg2[%dma_wait3A_71, %dma_wait3A_72] : memref<8192x128xf32, #tpu.memory_space<hbm>> -> memref<8192x128xf32, #tpu.memory_space<hbm>>
    tpu.wait_indirect_dma semaphore(%arg11 : memref<!tpu.dma_semaphore, #tpu.memory_space<semaphore_mem>>) src(%dma_wait3A_73 : memref<8192x128xf32, #tpu.memory_space<hbm>>) dst(%dma_wait3A_67 : memref<128x128xf32, #tpu.memory_space<vmem>>)
    %dma_start3A_74 = arith.constant 1 : i32
    %dma_start3A_75 = arith.constant 128 : i32
    %dma_start3A_76 = arith.constant 0 : i32
    %dma_start3A_77 = tpu.memref_slice %arg7[%dma_start3A_75, %dma_start3A_76] : memref<256x128xf32, #tpu.memory_space<vmem>> -> memref<128x128xf32, #tpu.memory_space<vmem>>
    %dma_start3A_78 = arith.constant 0 : i32
    %dma_start3A_79 = tpu.memref_slice %arg6[%dma_start3A_74, %dma_start3A_78] : memref<2x128xi32, #tpu.memory_space<vmem>> -> memref<1x128xi32, #tpu.memory_space<vmem>>
    %dma_start3A_80 = tpu.memref_squeeze %dma_start3A_79 : memref<1x128xi32, #tpu.memory_space<vmem>> -> memref<128xi32, #tpu.memory_space<vmem>>
    %dma_start3A_81 = arith.constant 0 : i32
    %dma_start3A_82 = arith.constant 0 : i32
    %dma_start3A_83 = tpu.memref_slice %arg2[%dma_start3A_81, %dma_start3A_82] : memref<8192x128xf32, #tpu.memory_space<hbm>> -> memref<8192x128xf32, #tpu.memory_space<hbm>>
    tpu.enqueue_indirect_dma source(%dma_start3A_83 : memref<8192x128xf32, #tpu.memory_space<hbm>>) target(%dma_start3A_77 : memref<128x128xf32, #tpu.memory_space<vmem>>) offsets(%dma_start3A_80 : memref<128xi32, #tpu.memory_space<vmem>>) semaphore(%arg11 : memref<!tpu.dma_semaphore, #tpu.memory_space<semaphore_mem>>)
    %dma_wait3A_84 = arith.constant 1 : i32
    %dma_wait3A_85 = arith.constant 128 : i32
    %dma_wait3A_86 = arith.constant 0 : i32
    %dma_wait3A_87 = tpu.memref_slice %arg7[%dma_wait3A_85, %dma_wait3A_86] : memref<256x128xf32, #tpu.memory_space<vmem>> -> memref<128x128xf32, #tpu.memory_space<vmem>>
    %dma_wait3A_88 = arith.constant 0 : i32
    %dma_wait3A_89 = tpu.memref_slice %arg6[%dma_wait3A_84, %dma_wait3A_88] : memref<2x128xi32, #tpu.memory_space<vmem>> -> memref<1x128xi32, #tpu.memory_space<vmem>>
    %dma_wait3A_90 = tpu.memref_squeeze %dma_wait3A_89 : memref<1x128xi32, #tpu.memory_space<vmem>> -> memref<128xi32, #tpu.memory_space<vmem>>
    %dma_wait3A_91 = arith.constant 0 : i32
    %dma_wait3A_92 = arith.constant 0 : i32
    %dma_wait3A_93 = tpu.memref_slice %arg2[%dma_wait3A_91, %dma_wait3A_92] : memref<8192x128xf32, #tpu.memory_space<hbm>> -> memref<8192x128xf32, #tpu.memory_space<hbm>>
    tpu.wait_indirect_dma semaphore(%arg11 : memref<!tpu.dma_semaphore, #tpu.memory_space<semaphore_mem>>) src(%dma_wait3A_93 : memref<8192x128xf32, #tpu.memory_space<hbm>>) dst(%dma_wait3A_87 : memref<128x128xf32, #tpu.memory_space<vmem>>)
    "tpu.region"() ({
      %run_scoped3A_102 = tpu.sem_alloc : memref<!tpu.dma_semaphore, #tpu.memory_space<semaphore_mem>>
      %dma_start3A_103 = arith.constant 0 : i32
      %dma_start3A_104 = tpu.memref_slice %arg4[%mul3A_2, %dma_start3A_103] : memref<8192x128xf32, #tpu.memory_space<hbm>> -> memref<256x128xf32, #tpu.memory_space<hbm>>
      %dma_start3A_105 = arith.constant 0 : i32
      %dma_start3A_106 = tpu.memref_slice %arg4[%mul3A_2, %dma_start3A_105] : memref<8192x128xf32, #tpu.memory_space<hbm>> -> memref<256x128xf32, #tpu.memory_space<hbm>>
      tpu.enqueue_dma source(%arg7 : memref<256x128xf32, #tpu.memory_space<vmem>>) target(%dma_start3A_106 : memref<256x128xf32, #tpu.memory_space<hbm>>) target_semaphore(%run_scoped3A_102 : memref<!tpu.dma_semaphore, #tpu.memory_space<semaphore_mem>>)
      %dma_wait3A_107 = arith.constant 0 : i32
      %dma_wait3A_108 = tpu.memref_slice %arg4[%mul3A_2, %dma_wait3A_107] : memref<8192x128xf32, #tpu.memory_space<hbm>> -> memref<256x128xf32, #tpu.memory_space<hbm>>
      %dma_wait3A_109 = arith.constant 0 : i32
      %dma_wait3A_110 = tpu.memref_slice %arg4[%mul3A_2, %dma_wait3A_109] : memref<8192x128xf32, #tpu.memory_space<hbm>> -> memref<256x128xf32, #tpu.memory_space<hbm>>
      tpu.wait_dma2 semaphore(%run_scoped3A_102 : memref<!tpu.dma_semaphore, #tpu.memory_space<semaphore_mem>>) src(%arg7 : memref<256x128xf32, #tpu.memory_space<vmem>>) dst(%dma_wait3A_110 : memref<256x128xf32, #tpu.memory_space<hbm>>)
      tpu.yield
    }) : () -> ()
    %barrier3A = arith.constant 0 : index
    tpu.barrier barrier_id(%barrier3A)
    %run_scoped3A_94 = arith.constant 0 : i32
    "tpu.region"() ({
      %run_scoped3A_102 = tpu.sem_alloc : memref<!tpu.dma_semaphore, #tpu.memory_space<semaphore_mem>>
      %dma_start3A_103 = arith.constant 0 : i32
      %dma_start3A_104 = tpu.memref_slice %arg6[%run_scoped3A_94, %dma_start3A_103] : memref<2x128xi32, #tpu.memory_space<vmem>> -> memref<1x128xi32, #tpu.memory_space<vmem>>
      %dma_start3A_105 = tpu.memref_squeeze %dma_start3A_104 : memref<1x128xi32, #tpu.memory_space<vmem>> -> memref<128xi32, #tpu.memory_space<vmem>>
      %dma_start3A_106 = arith.constant 0 : i32
      %dma_start3A_107 = tpu.memref_slice %arg10[%dma_start3A_106] : memref<8192xf32, #tpu.memory_space<vmem_shared>> -> memref<8192xf32, #tpu.memory_space<vmem_shared>>
      tpu.enqueue_indirect_dma source(%arg8 : memref<128xf32, #tpu.memory_space<vmem>>) target(%dma_start3A_107 : memref<8192xf32, #tpu.memory_space<vmem_shared>>) offsets(%dma_start3A_105 : memref<128xi32, #tpu.memory_space<vmem>>) semaphore(%run_scoped3A_102 : memref<!tpu.dma_semaphore, #tpu.memory_space<semaphore_mem>>) {add = true}
      %dma_wait3A_108 = arith.constant 0 : i32
      %dma_wait3A_109 = tpu.memref_slice %arg6[%run_scoped3A_94, %dma_wait3A_108] : memref<2x128xi32, #tpu.memory_space<vmem>> -> memref<1x128xi32, #tpu.memory_space<vmem>>
      %dma_wait3A_110 = tpu.memref_squeeze %dma_wait3A_109 : memref<1x128xi32, #tpu.memory_space<vmem>> -> memref<128xi32, #tpu.memory_space<vmem>>
      %dma_wait3A_111 = arith.constant 0 : i32
      %dma_wait3A_112 = tpu.memref_slice %arg10[%dma_wait3A_111] : memref<8192xf32, #tpu.memory_space<vmem_shared>> -> memref<8192xf32, #tpu.memory_space<vmem_shared>>
      tpu.wait_indirect_dma semaphore(%run_scoped3A_102 : memref<!tpu.dma_semaphore, #tpu.memory_space<semaphore_mem>>) src(%arg8 : memref<128xf32, #tpu.memory_space<vmem>>) dst(%dma_wait3A_112 : memref<8192xf32, #tpu.memory_space<vmem_shared>>)
      tpu.yield
    }) : () -> ()
    %run_scoped3A_95 = arith.constant 1 : i32
    "tpu.region"() ({
      %run_scoped3A_102 = tpu.sem_alloc : memref<!tpu.dma_semaphore, #tpu.memory_space<semaphore_mem>>
      %dma_start3A_103 = arith.constant 0 : i32
      %dma_start3A_104 = tpu.memref_slice %arg6[%run_scoped3A_95, %dma_start3A_103] : memref<2x128xi32, #tpu.memory_space<vmem>> -> memref<1x128xi32, #tpu.memory_space<vmem>>
      %dma_start3A_105 = tpu.memref_squeeze %dma_start3A_104 : memref<1x128xi32, #tpu.memory_space<vmem>> -> memref<128xi32, #tpu.memory_space<vmem>>
      %dma_start3A_106 = arith.constant 0 : i32
      %dma_start3A_107 = tpu.memref_slice %arg10[%dma_start3A_106] : memref<8192xf32, #tpu.memory_space<vmem_shared>> -> memref<8192xf32, #tpu.memory_space<vmem_shared>>
      tpu.enqueue_indirect_dma source(%arg8 : memref<128xf32, #tpu.memory_space<vmem>>) target(%dma_start3A_107 : memref<8192xf32, #tpu.memory_space<vmem_shared>>) offsets(%dma_start3A_105 : memref<128xi32, #tpu.memory_space<vmem>>) semaphore(%run_scoped3A_102 : memref<!tpu.dma_semaphore, #tpu.memory_space<semaphore_mem>>) {add = true}
      %dma_wait3A_108 = arith.constant 0 : i32
      %dma_wait3A_109 = tpu.memref_slice %arg6[%run_scoped3A_95, %dma_wait3A_108] : memref<2x128xi32, #tpu.memory_space<vmem>> -> memref<1x128xi32, #tpu.memory_space<vmem>>
      %dma_wait3A_110 = tpu.memref_squeeze %dma_wait3A_109 : memref<1x128xi32, #tpu.memory_space<vmem>> -> memref<128xi32, #tpu.memory_space<vmem>>
      %dma_wait3A_111 = arith.constant 0 : i32
      %dma_wait3A_112 = tpu.memref_slice %arg10[%dma_wait3A_111] : memref<8192xf32, #tpu.memory_space<vmem_shared>> -> memref<8192xf32, #tpu.memory_space<vmem_shared>>
      tpu.wait_indirect_dma semaphore(%run_scoped3A_102 : memref<!tpu.dma_semaphore, #tpu.memory_space<semaphore_mem>>) src(%arg8 : memref<128xf32, #tpu.memory_space<vmem>>) dst(%dma_wait3A_112 : memref<8192xf32, #tpu.memory_space<vmem_shared>>)
      tpu.yield
    }) : () -> ()
    %barrier3A_96 = arith.constant 0 : index
    tpu.barrier barrier_id(%barrier3A_96)
    %eq3A_97 = arith.constant 0 : i32
    %eq3A_98 = arith.cmpi eq, %arg1, %eq3A_97 : i32
    %convert_element_type3A_99 = arith.extui %eq3A_98 : i1 to i32
    %cond3A_100 = arith.constant 0 : i32
    %cond3A_101 = arith.cmpi ne, %convert_element_type3A_99, %cond3A_100 : i32
    scf.if %cond3A_101 {
      "tpu.region"() ({
        %run_scoped3A_102 = tpu.sem_alloc : memref<!tpu.dma_semaphore, #tpu.memory_space<semaphore_mem>>
        %dma_start3A_103 = arith.constant 0 : i32
        %dma_start3A_104 = tpu.memref_slice %arg5[%arg0, %dma_start3A_103] : memref<2x8192xf32, #tpu.memory_space<hbm>> -> memref<1x8192xf32, #tpu.memory_space<hbm>>
        %dma_start3A_105 = tpu.memref_squeeze %dma_start3A_104 : memref<1x8192xf32, #tpu.memory_space<hbm>> -> memref<8192xf32, #tpu.memory_space<hbm>>
        tpu.enqueue_dma source(%arg10 : memref<8192xf32, #tpu.memory_space<vmem_shared>>) target(%dma_start3A_105 : memref<8192xf32, #tpu.memory_space<hbm>>) target_semaphore(%run_scoped3A_102 : memref<!tpu.dma_semaphore, #tpu.memory_space<semaphore_mem>>)
        %dma_wait3A_106 = arith.constant 0 : i32
        %dma_wait3A_107 = tpu.memref_slice %arg5[%arg0, %dma_wait3A_106] : memref<2x8192xf32, #tpu.memory_space<hbm>> -> memref<1x8192xf32, #tpu.memory_space<hbm>>
        %dma_wait3A_108 = tpu.memref_squeeze %dma_wait3A_107 : memref<1x8192xf32, #tpu.memory_space<hbm>> -> memref<8192xf32, #tpu.memory_space<hbm>>
        tpu.wait_dma2 semaphore(%run_scoped3A_102 : memref<!tpu.dma_semaphore, #tpu.memory_space<semaphore_mem>>) src(%arg10 : memref<8192xf32, #tpu.memory_space<vmem_shared>>) dst(%dma_wait3A_108 : memref<8192xf32, #tpu.memory_space<hbm>>)
        tpu.yield
      }) : () -> ()
    } else {
    }
    return
  }
}

module attributes {stable_mosaic.version = 14 : i64} {
  func.func @_tc_body(%arg0: i32, %arg1: memref<256x32xf32, #tpu.memory_space<vmem>>, %arg2: memref<256x128xf32, #tpu.memory_space<vmem>>, %arg3: memref<2x8192xf32, #tpu.memory_space<vmem>>, %arg4: memref<256x32xf32, #tpu.memory_space<vmem>>, %arg5: memref<1x128xf32, #tpu.memory_space<vmem>>, %arg6: memref<1xf32, #tpu.memory_space<smem>>) attributes {dimension_semantics = [#tpu.dimension_semantics<arbitrary>], iteration_bounds = array<i64: 32>, scalar_prefetch = 0 : i64, scratch_operands = 1 : i64, tpu.core_type = #tpu.core_type<tc>, window_params = [{transform_indices = @transform_0, window_bounds = array<i64: 256, 32>}, {transform_indices = @transform_1, window_bounds = array<i64: 256, 128>}, {pipeline_mode = #tpu.pipeline_mode<synchronous>, transform_indices = @transform_2, window_bounds = array<i64: 2, 8192>}, {transform_indices = @transform_3, window_bounds = array<i64: 256, 32>}, {pipeline_mode = #tpu.pipeline_mode<synchronous>, transform_indices = @transform_4, window_bounds = array<i64: 1, 128>}]} {
    %get3A = arith.constant 0 : index
    %get3A_0 = arith.constant 0 : index
    %get3A_1 = vector.load %arg1[%get3A, %get3A_0] : memref<256x32xf32, #tpu.memory_space<vmem>>, vector<256x32xf32>
    %get3A_2 = arith.constant 0 : index
    %get3A_3 = arith.constant 0 : index
    %get3A_4 = vector.load %arg2[%get3A_2, %get3A_3] : memref<256x128xf32, #tpu.memory_space<vmem>>, vector<256x32xf32>
    %sub3A = arith.subf %get3A_4, %get3A_1 : vector<256x32xf32>
    %add3A = arith.addf %get3A_1, %sub3A : vector<256x32xf32>
    %swap3A = arith.constant 0 : index
    %swap3A_5 = arith.constant 0 : index
    %swap3A_6 = vector.load %arg4[%swap3A, %swap3A_5] : memref<256x32xf32, #tpu.memory_space<vmem>>, vector<256x32xf32>
    tpu.vector_store %arg4[%swap3A, %swap3A_5], %add3A {strides = array<i32>} : memref<256x32xf32, #tpu.memory_space<vmem>>, vector<256x32xf32>,
    %eq3A = arith.constant 0 : i32
    %eq3A_7 = arith.cmpi eq, %arg0, %eq3A : i32
    %convert_element_type3A = arith.extui %eq3A_7 : i1 to i32
    %cond3A = arith.constant 0 : i32
    %cond3A_8 = arith.cmpi ne, %convert_element_type3A, %cond3A : i32
    scf.if %cond3A_8 {
      %swap3A_23 = arith.constant 0.000000e+00 : f32
      %swap3A_24 = arith.constant 0 : index
      %swap3A_25 = memref.load %arg6[%swap3A_24] : memref<1xf32, #tpu.memory_space<smem>>
      memref.store %swap3A_23, %arg6[%swap3A_24] : memref<1xf32, #tpu.memory_space<smem>>
    } else {
    }
    %get3A_9 = arith.constant 0 : index
    %get3A_10 = memref.load %arg6[%get3A_9] : memref<1xf32, #tpu.memory_space<smem>>
    %mul3A = arith.mulf %sub3A, %sub3A : vector<256x32xf32>
    %reduce_sum3A = vector.shape_cast %mul3A : vector<256x32xf32> to vector<1x256x32xf32>
    %reduce_sum3A_11 = arith.constant dense<0.000000e+00> : vector<1xf32>
    %reduce_sum3A_12 = vector.multi_reduction <add>, %reduce_sum3A, %reduce_sum3A_11 [1, 2] : vector<1x256x32xf32> to vector<1xf32>
    %reduce_sum3A_13 = vector.shape_cast %reduce_sum3A_12 : vector<1xf32> to vector<1x1x1xf32>
    %reduce_sum3A_14 = vector.extract %reduce_sum3A_13[0, 0, 0] : f32 from vector<1x1x1xf32>
    %add3A_15 = arith.addf %get3A_10, %reduce_sum3A_14 : f32
    %swap3A_16 = arith.constant 0 : index
    %swap3A_17 = memref.load %arg6[%swap3A_16] : memref<1xf32, #tpu.memory_space<smem>>
    memref.store %add3A_15, %arg6[%swap3A_16] : memref<1xf32, #tpu.memory_space<smem>>
    %eq3A_18 = arith.constant 31 : i32
    %eq3A_19 = arith.cmpi eq, %arg0, %eq3A_18 : i32
    %convert_element_type3A_20 = arith.extui %eq3A_19 : i1 to i32
    %cond3A_21 = arith.constant 0 : i32
    %cond3A_22 = arith.cmpi ne, %convert_element_type3A_20, %cond3A_21 : i32
    scf.if %cond3A_22 {
      %get3A_23 = arith.constant 0 : index
      %get3A_24 = memref.load %arg6[%get3A_23] : memref<1xf32, #tpu.memory_space<smem>>
      %div3A = arith.constant 2.621440e+05 : f32
      %div3A_25 = arith.divf %get3A_24, %div3A : f32
      %get3A_26 = arith.constant 0 : index
      %get3A_27 = arith.constant 0 : index
      %get3A_28 = vector.load %arg3[%get3A_26, %get3A_27] : memref<2x8192xf32, #tpu.memory_space<vmem>>, vector<1x8192xf32>
      %get3A_29 = vector.shape_cast %get3A_28 : vector<1x8192xf32> to vector<8192xf32>
      %get3A_30 = arith.constant 1 : index
      %get3A_31 = arith.constant 0 : index
      %get3A_32 = vector.load %arg3[%get3A_30, %get3A_31] : memref<2x8192xf32, #tpu.memory_space<vmem>>, vector<1x8192xf32>
      %get3A_33 = vector.shape_cast %get3A_32 : vector<1x8192xf32> to vector<8192xf32>
      %add3A_34 = arith.addf %get3A_29, %get3A_33 : vector<8192xf32>
      %mul3A_35 = arith.constant 1.22070313E-4 : f32
      %mul3A_36 = vector.broadcast %mul3A_35 : f32 to vector<8192xf32>
      %mul3A_37 = arith.mulf %add3A_34, %mul3A_36 : vector<8192xf32>
      %add3A_38 = arith.constant 1.000000e-10 : f32
      %add3A_39 = vector.broadcast %add3A_38 : f32 to vector<8192xf32>
      %add3A_40 = arith.addf %mul3A_37, %add3A_39 : vector<8192xf32>
      %log3A = math.log %add3A_40 : vector<8192xf32>
      %mul3A_41 = arith.mulf %mul3A_37, %log3A : vector<8192xf32>
      %reduce_sum3A_42 = vector.shape_cast %mul3A_41 : vector<8192xf32> to vector<1x8192xf32>
      %reduce_sum3A_43 = arith.constant dense<0.000000e+00> : vector<1xf32>
      %reduce_sum3A_44 = vector.multi_reduction <add>, %reduce_sum3A_42, %reduce_sum3A_43 [1] : vector<1x8192xf32> to vector<1xf32>
      %reduce_sum3A_45 = vector.shape_cast %reduce_sum3A_44 : vector<1xf32> to vector<1x1xf32>
      %reduce_sum3A_46 = vector.extract %reduce_sum3A_45[0, 0] : f32 from vector<1x1xf32>
      %neg3A = arith.constant 0.000000e+00 : f32
      %neg3A_47 = arith.subf %neg3A, %reduce_sum3A_46 : f32
      %iota3A = tpu.iota {dimensions = array<i32: 1>} : vector<1x128xi32>
      %eq3A_48 = arith.constant 0 : i32
      %eq3A_49 = vector.broadcast %eq3A_48 : i32 to vector<1x128xi32>
      %eq3A_50 = arith.cmpi eq, %iota3A, %eq3A_49 : vector<1x128xi32>
      %eq3A_51 = arith.constant 1 : i32
      %eq3A_52 = vector.broadcast %eq3A_51 : i32 to vector<1x128xi32>
      %eq3A_53 = arith.cmpi eq, %iota3A, %eq3A_52 : vector<1x128xi32>
      %mul3A_54 = arith.constant 2.500000e-01 : f32
      %mul3A_55 = arith.mulf %mul3A_54, %div3A_25 : f32
      %eq3A_56 = arith.constant 2 : i32
      %eq3A_57 = vector.broadcast %eq3A_56 : i32 to vector<1x128xi32>
      %eq3A_58 = arith.cmpi eq, %iota3A, %eq3A_57 : vector<1x128xi32>
      %exp3A = math.exp %neg3A_47 : f32
      %broadcast_in_dim3A = vector.broadcast %neg3A_47 : f32 to vector<1x128xf32>
      %broadcast_in_dim3A_59 = vector.broadcast %exp3A : f32 to vector<1x128xf32>
      %select_n3A = arith.select %eq3A_58, %broadcast_in_dim3A, %broadcast_in_dim3A_59 : vector<1x128xi1>, vector<1x128xf32>
      %broadcast_in_dim3A_60 = vector.broadcast %mul3A_55 : f32 to vector<1x128xf32>
      %select_n3A_61 = arith.select %eq3A_53, %broadcast_in_dim3A_60, %select_n3A : vector<1x128xi1>, vector<1x128xf32>
      %broadcast_in_dim3A_62 = vector.broadcast %div3A_25 : f32 to vector<1x128xf32>
      %select_n3A_63 = arith.select %eq3A_50, %broadcast_in_dim3A_62, %select_n3A_61 : vector<1x128xi1>, vector<1x128xf32>
      %swap3A_64 = arith.constant 0 : index
      %swap3A_65 = arith.constant 0 : index
      %swap3A_66 = vector.load %arg5[%swap3A_64, %swap3A_65] : memref<1x128xf32, #tpu.memory_space<vmem>>, vector<1x128xf32>
      tpu.vector_store %arg5[%swap3A_64, %swap3A_65], %select_n3A_63 {strides = array<i32>} : memref<1x128xf32, #tpu.memory_space<vmem>>, vector<1x128xf32>,
    } else {
    }
    return
  }
  func.func @transform_0(%arg0: i32) -> (i32, i32) {
    %c0_i32 = arith.constant 0 : i32
    %c0_i32_0 = arith.constant 0 : i32
    return %arg0, %c0_i32 : i32, i32
  }
  func.func @transform_1(%arg0: i32) -> (i32, i32) {
    %c0_i32 = arith.constant 0 : i32
    %c0_i32_0 = arith.constant 0 : i32
    return %arg0, %c0_i32 : i32, i32
  }
  func.func @transform_2(%arg0: i32) -> (i32, i32) {
    %c0_i32 = arith.constant 0 : i32
    %c0_i32_0 = arith.constant 0 : i32
    %c0_i32_1 = arith.constant 0 : i32
    return %c0_i32, %c0_i32_0 : i32, i32
  }
  func.func @transform_3(%arg0: i32) -> (i32, i32) {
    %c0_i32 = arith.constant 0 : i32
    %c0_i32_0 = arith.constant 0 : i32
    return %arg0, %c0_i32 : i32, i32
  }
  func.func @transform_4(%arg0: i32) -> (i32, i32) {
    %c0_i32 = arith.constant 0 : i32
    %c0_i32_0 = arith.constant 0 : i32
    %c0_i32_1 = arith.constant 0 : i32
    return %c0_i32, %c0_i32_0 : i32, i32
  }
}

</mosaic_0001>

<sc_bundles>
// kernel: kernel.4.cloned.1.call-start
scs
__scs_entry_jumppad:
0x0: {  	(pc) =	sbr.rel $0x88, $3  }
0x1: {  	(tag) =	ssettag $0x0;
	lr =	simm.s32 $0x1  }
0x2: {  	[smem:$0x3F9E] =	sst lr;
	_ =	strace $0xD0000000  }
0x3: {  	_ = 	snop  }
0x4: {  	_ = 	snop  }
0x5: {  	_ = 	snop  }
0x6: {  	_ = 	snop  }
0x7: {  	_ = 	snop  }
__scs_overlays_trampoline_lowered:
0x8: {  	[smem:$0x3FAD] =	sst s0  }
0x9: {  	[smem:$0x3FAE] =	sst s1  }
0xa: {  	[smem:$0x3FAF] =	sst s2  }
0xb: {  	[smem:$0x3FB0] =	sst s3  }
0xc: {  	[smem:$0x3FB1] =	sst s4  }
0xd: {  	[smem:$0x3FB2] =	sst s5  }
0xe: {  	[smem:$0x3FB3] =	sst s6  }
0xf: {  	[smem:$0x3FB4] =	sst s7  }
0x10: {  	[smem:$0x3FB5] =	sst s8  }
0x11: {  	[smem:$0x3FB6] =	sst s9;
	s0 =	simm.s32 @!p0 $0x0  }
0x12: {  	s1 =	sld [smem:$0x3F9C];
	s0 =	simm.s32 @p0 $0x1  }
0x13: {  	[smem:$0x3FB7] =	sst s0;
	s0 =	simm.s32 @!p1 $0x0  }
0x14: {  	s2 =	sld [smem:$0x3F9B];
	s0 =	simm.s32 @p1 $0x1  }
0x15: {  	[smem:$0x3FB8] =	sst s0;
	s0 =	simm.s32 @!p2 $0x0  }
0x16: {  	s3 =	sld [smem:$0x3FDB];
	s0 =	simm.s32 @p2 $0x1  }
0x17: {  	s4 =	simm.s32 $0x1BF5;
	[smem:$0x3FBA] =	sst s0  }
0x18: {  	s0 =	sld [smem:$0x3F9D];
	_ =	swait.ge [sflag:s4], $0x0  }
0x19: {  	s7 =	sld [smem:$0x3F9E]  }
0x1a: {  	s8 =	sadd.s32 $0xFFFFE003, lr  }
0x1b: {  	s9 =	sadd.s32 $0xFFFFFEF7, lr;
	s5 =	simm.s32 $0xFFFFFFFF;
	p2 =	slt.u32 s8, $0xFFFFF086  }
0x1c: {  	p1 =	slt.u32 s9, $0xF7A;
	s5 =	simm.s32 @!p2 $0x0  }
0x1d: {  	s5 =	simm.s32 @p1 $0x1;
	p0 =	seq.s32 s7, s2  }
0x1e: {  	s7 =	smul.u32 @!p0 $0xF7A, s2;
	p2 =	seq.s32 @!p0 s5, $0x0  }
0x1f: {  	s9 =	smul.u32 $0xF7A, s1;
	s8 =	simm.s32 @!p0 $0x1BF5;
	p2 =	por !p2, p0  }
0x20: {  	[sflag:s8] =	ssyncset.s32 @!p0 $0xFFFFF086;
	s6 =	sadd.s32 @!p0 s3, s7;
	s7 =	simm.s32 @!p0 $0x108  }
0x21: {  	s3 =	sadd.s32 s3, s9;
	s6 =	sadd.s32 @!p0 $0x88, s6;
	s7 =	simm.s32 @p2 $0x1082  }
0x22: {  	[simem:s7], [sflag:s8] =	dma.local @!p0 [hbm:s6], $0xF7A  }
0x23: {  	s9 =	sor.u32 $0xD0000000, s2;
	s6 =	simm.s32 $0x108;
	_ =	swait.ge @!p0 [sflag:s8], $0x0  }
0x24: {  	s3 =	sadd.s32 $0x88, s3;
	s6 =	simm.s32 @!p1 $0x1082;
	[sflag:s4] =	ssyncset.s32 $0xFFFFF086  }
0x25: {  	[simem:s6], [sflag:s4] =	dma.local [hbm:s3], $0xF7A  }
0x26: {  	[smem:$0x3F9E] =	sst s1;
	(tag) =	ssettag s2;
	_ =	strace s9  }
0x27: {  	s1 =	sld [smem:$0x3FAE]  }
0x28: {  	s2 =	sld [smem:$0x3FAF]  }
0x29: {  	s4 =	sld [smem:$0x3FB1]  }
0x2a: {  	p0 =	seq.s32 s5, $0x0;
	s5 =	sld [smem:$0x3FB2]  }
0x2b: {  	s6 =	sld [smem:$0x3FB3]  }
0x2c: {  	s7 =	sld [smem:$0x3FB4]  }
0x2d: {  	s3 =	simm.s32 $0x108;
	s8 =	sld [smem:$0x3FB5]  }
0x2e: {  	s3 =	simm.s32 @!p0 $0x1082;
	s9 =	sld [smem:$0x3FB6]  }
0x2f: {  	lr =	sadd.s32 s0, s3;
	s0 =	sld [smem:$0x3FAD]  }
0x30: {  	s3 =	sld [smem:$0x3FB0]  }
0x31: {  	[smem:$0x3FB9] =	sst s10  }
0x32: {  	s10 =	sld [smem:$0x3FB7];
	_ =	sdelay $0x3  }
0x33: {  	p0 =	seq.s32 s10, $0x1;
	s10 =	sld [smem:$0x3FB9];
	_ =	sdelay $0x3  }
0x34: {  	[smem:$0x3FB9] =	sst s10  }
0x35: {  	s10 =	sld [smem:$0x3FB8];
	_ =	sdelay $0x3  }
0x36: {  	p1 =	seq.s32 s10, $0x1;
	s10 =	sld [smem:$0x3FB9];
	_ =	sdelay $0x3  }
0x37: {  	[smem:$0x3FB9] =	sst s10  }
0x38: {  	s10 =	sld [smem:$0x3FBA]  }
0x39: {  	_ = 	snop;
	(pc) =	sbr.ind lr, $3  }
0x3a: {  	_ = 	snop  }
0x3b: {  	_ = 	snop  }
0x3c: {  	p2 =	seq.s32 s10, $0x1;
	s10 =	sld [smem:$0x3FB9]  }
0x3d: {  	_ =	shalt  }
0x3e: {  	_ =	shalt  }
0x3f: {  	_ =	shalt  }
0x40: {  	_ =	shalt  }
0x41: {  	_ =	shalt  }
0x42: {  	_ =	shalt  }
0x43: {  	_ =	shalt  }
0x44: {  	_ =	shalt  }
0x45: {  	_ =	shalt  }
0x46: {  	_ =	shalt  }
0x47: {  	_ =	shalt  }
0x48: {  	_ =	shalt  }
0x49: {  	_ =	shalt  }
0x4a: {  	_ =	shalt  }
0x4b: {  	_ =	shalt  }
0x4c: {  	_ =	shalt  }
0x4d: {  	_ =	shalt  }
0x4e: {  	_ =	shalt  }
0x4f: {  	_ =	shalt  }
0x50: {  	_ =	shalt  }
0x51: {  	_ =	shalt  }
0x52: {  	_ =	shalt  }
0x53: {  	_ =	shalt  }
0x54: {  	_ =	shalt  }
0x55: {  	_ =	shalt  }
0x56: {  	_ =	shalt  }
0x57: {  	_ =	shalt  }
0x58: {  	_ =	shalt  }
0x59: {  	_ =	shalt  }
0x5a: {  	_ =	shalt  }
0x5b: {  	_ =	shalt  }
0x5c: {  	_ =	shalt  }
0x5d: {  	_ =	shalt  }
0x5e: {  	_ =	shalt  }
0x5f: {  	_ =	shalt  }
0x60: {  	_ =	shalt  }
0x61: {  	_ =	shalt  }
0x62: {  	_ =	shalt  }
0x63: {  	_ =	shalt  }
0x64: {  	_ =	shalt  }
0x65: {  	_ =	shalt  }
0x66: {  	_ =	shalt  }
0x67: {  	_ =	shalt  }
0x68: {  	_ =	shalt  }
0x69: {  	_ =	shalt  }
0x6a: {  	_ =	shalt  }
0x6b: {  	_ =	shalt  }
0x6c: {  	_ =	shalt  }
0x6d: {  	_ =	shalt  }
0x6e: {  	_ =	shalt  }
0x6f: {  	_ =	shalt  }
0x70: {  	_ =	shalt  }
0x71: {  	_ =	shalt  }
0x72: {  	_ =	shalt  }
0x73: {  	_ =	shalt  }
0x74: {  	_ =	shalt  }
0x75: {  	_ =	shalt  }
0x76: {  	_ =	shalt  }
0x77: {  	_ =	shalt  }
0x78: {  	_ =	shalt  }
0x79: {  	_ =	shalt  }
0x7a: {  	_ =	shalt  }
0x7b: {  	_ =	shalt  }
0x7c: {  	_ =	shalt  }
0x7d: {  	_ =	shalt  }
0x7e: {  	_ =	shalt  }
0x7f: {  	_ =	shalt  }
0x80: {  	_ =	shalt  }
0x81: {  	_ =	shalt  }
0x82: {  	_ =	shalt  }
0x83: {  	_ =	shalt  }
0x84: {  	_ =	shalt  }
0x85: {  	_ =	shalt  }
0x86: {  	_ =	shalt  }
0x87: {  	_ =	shalt  }
.Lfunc_end0:
.L_simem_size_0:
called_computation_lowered:
.L_overlay_start_0:
0x88: {  	s2 =	sld [smem:$0x3FD9]  }
0x89: {  	s3 =	sld [smem:$0x3FFE];
	_ =	sdelay $0x1  }
0x8a: {  	s1 =	srdreg.scid  }
0x8b: {  	s0 =	sand.u32 $0x1, s1  }
0x8c: {  	s14 =	sshll.u32 s0, $0xA;
	s2 =	sadd.s32 s3, s2  }
0x8d: {  	s2 =	sadd.s32 s2, s14  }
0x8e: {  	[smem:$0x3FC5] =	sst s2  }
0x8f: {  	_ = 	snop  }
0x90: {  	s2 =	sld [smem:$0x3FD0];
	_ =	sdelay $0x2  }
0x91: {  	s15 =	simm.s32 $0xA;
	s4 =	simm.s32 $0x10  }
0x92: {  	[smem:s4], [sflag:s15] =	dma.local [hbm:s2], $0x1  }
0x93: {  	_ =	swait.eq [sflag:s15], $0x1  }
0x94: {  	[sflag:s15] =	ssyncset.done $0x0  }
0x95: {  	s16 =	sld [smem:$0x10];
	[sflag:s15] =	ssyncadd.s32 $0xFFFFFFFF  }
0x96: {  	s17 =	sld [smem:$0x15];
	(tm) =	ssettm $0x1  }
0x97: {  	s18 =	sld [smem:$0x3FFB];
	_ =	sdelay $0x3  }
0x98: {  	_ =	strace s18  }
0x99: {  	s4 =	sld [smem:$0x3FFC];
	_ =	sdelay $0x3  }
0x9a: {  	_ =	strace s4  }
0x9b: {  	s4 =	sld [smem:$0x3FFD];
	_ =	sdelay $0x3  }
0x9c: {  	_ =	strace s4  }
0x9d: {  	_ =	strace $0x8FFFFFFF  }
0x9e: {  	s19 =	sld [smem:$0x3FDB];
	_ =	sdelay $0x1  }
0x9f: {  	s5 =	simm.s32 $_scs_section_size  }
0xa0: {  	s6 =	simm.s32 $_size__tile_overlayer_lowered;
	s7 =	simm.s32 $_tile_overlayer_lowered  }
0xa1: {  	s22 =	simm.s32 $0x1BFF;
	s21 =	sshll.u32 s7, $0x1;
	s4 =	sadd.s32 s5, s19  }
0xa2: {  	s8 =	simm.s32 $0x0;
	s20 =	sshll.u32 s6, $0x1;
	s6 =	sadd.s32 s21, s4  }
0xa3: {  	[timem:s8], [sflag:s22] =	dma.local [hbm:s6], s20  }
0xa4: {  	_ =	swait.ge [sflag:s22], s20  }
0xa5: {  	s5 =	ssub.s32 $0x0, s20;
	[sflag:s22] =	ssyncset.done $0x0  }
0xa6: {  	[sflag:s22] =	ssyncadd.s32 s5;
	_ =	sdelay $0x1  }
0xa7: {  	s23 =	simm.s32 $0x1B8B  }
0xa8: {  	_ =	swait.ge [sflag:s23], $0x1  }
0xa9: {  	[sflag:s23] =	ssyncset.done $0x0  }
0xaa: {  	s25 =	simm.s32 $0x1B8E;
	s24 =	sld [smem:$0x3FFE];
	[sflag:s23] =	ssyncadd.s32 $0xFFFFFFFF  }
0xab: {  	s26 =	simm.s32 $execute0_lowered;
	[smem:$0x3FD2] =	sst s25  }
0xac: {  	s6 =	sshll.u32 s26, $0x1;
	_ =	strace $0x80000046;
	[dreg:$0x1] =	wrdreg $0xFFFFFFFF  }
0xad: {  	s28 =	simm.s32 $_size_execute0_lowered;
	s4 =	sadd.s32 s4, s6;
	[dreg:$0x0] =	wrdreg $0x0  }
0xae: {  	s6 =	sshll.u32 s28, $0x1;
	[dreg:$0x2] =	wrdreg s4  }
0xaf: {  	[dreg:$0x3] =	wrdreg s6  }
0xb0: {  	[dreg:$0x4] =	wrdreg $0xC0  }
0xb1: {  	_ =	task [dreg:s8], $0x5FFFF  }
0xb2: {  	[dreg:$0x1] =	wrdreg $0xFFFFFFFF  }
0xb3: {  	[dreg:$0x0] =	wrdreg $0x60  }
0xb4: {  	[dreg:$0x2] =	wrdreg s16  }
0xb5: {  	[dreg:$0x3] =	wrdreg s17  }
0xb6: {  	[dreg:$0x4] =	wrdreg s24  }
0xb7: {  	[dreg:$0x5] =	wrdreg $0xA1800  }
0xb8: {  	[dreg:$0x6] =	wrdreg $0x9  }
0xb9: {  	_ =	task.clear_ibuf [dreg:s8], $0x7FFFF;
	_ =	strace $0x90000046  }
0xba: {  	s29 =	simm.s32 $0x9;
	_ =	strace $0x80000048  }
0xbb: {  	_ =	swait.ge [sflag:s29], $0x1  }
0xbc: {  	[sflag:s29] =	ssyncadd.s32 $0xFFFFFFFF  }
0xbd: {  	_ =	strace $0x90000048  }
0xbe: {  	_ =	sfence  }
0xbf: {  	s30 =	sld [smem:$0x0];
	_ =	sdelay $0x2  }
0xc0: {  	s31 =	sshll.u32 s1, $0xD;
	s1 =	sshrl.u32 s1, $0x2  }
0xc1: {  	s3 =	sand.u32 $0x4000, s31;
	s1 =	sadd.s32 s1, s30  }
0xc2: {  	s0 =	sor.u32 s3, s0;
	s1 =	sshll.u32 s1, $0x11  }
0xc3: {  	s0 =	sor.u32 s1, s0  }
0xc4: {  	s0 =	sadd.s32 $0x8F2B, s0  }
0xc5: {  	[sflag:s0] =	ssyncadd.remote.s32 $0x1  }
0xc6: {  	_ =	sfence.sel $0xFFFF  }
0xc7: {  	[dreg:$0x0] =	wrdreg $0xFFFFFFFF;
	(pc) =	sbr.abs _section_cstart, $3  }
0xc8: {  	[dreg:$0x1] =	wrdreg $0xFFFFFFFF  }
0xc9: {  	_ =	task.clear_ibuf [dreg:s8], $0x2FFFF;
	_ =	strace $0x9FFFFFFF  }
0xca: {  	(tm) =	ssettm $0x7FFFFFFF  }
0xcb: {  	_ =	shalt  }
tec
execute0_lowered:
.L_overlay_start_1:
0x0: {  	(tag) =	ssettag $0x1  }
0x1: {  	s1 =	rddreg [dreg:$0x0]  }
0x2: {  	s4 =	rddreg [dreg:$0x1]  }
0x3: {  	s6 =	rddreg [dreg:$0x2]  }
0x4: {  	s2 =	rddreg [dreg:$0x3]  }
0x5: {  	s0 =	rddreg [dreg:$0x4];
	s5 =	srdreg.scid  }
0x6: {  	s3 =	simm.s32 $0x0;
	s9 =	stileid.u32;
	s12 =	simm.s32 $0x100  }
0x7: {  	s13 =	simm.s32 $0x1;
	s14 =	simm.s32 $0x4100;
	s15 =	simm.s32 $0x8100  }
0x8: {  	s5 =	sand.u32 $0x1, s5;
	[smem:$0x7FF] =	sst s3;
	s7 =	sshll.u32 s9, $0x9  }
0x9: {  	p0 =	sne.s32 s9, $0x0;
	s9 =	simm.s32 $0x2;
	s8 =	sshll.u32 s5, $0x8  }
0xa: {  	_ =	strace $0x80000047;
	s30 =	sshll.u32 s5, $0x4;
	s5 =	ssub.s32 $0x2, s5  }
.Ltmp0:
0xb: {  	s16 =	sshrl.u32 @!p0 s2, $0x3;
	s7 =	sor.u32 s8, s7;
	(pc) =	sbr.rel .LBB2_1-.Ltmp0, $4  }
0xc: {  	s8 =	sadd.s32 s30, s6;
	s11 =	sshrl.u32 s5, $0x1;
	s10 =	sshrl.u32 s7, $0x3  }
0xd: {  	s31 =	ssub.s32 s5, s11;
	s7 =	sshll.u32 s7, $0x4;
	s11 =	simm.s32 $0x8180  }
0xe: {  	s4 =	sadd.s32 s4, s10;
	s6 =	sadd.s32 s6, s7;
	s7 =	sadd.s32 $0x20000, s8  }
0xf: {  	v0 =	vimm.f32 $1.000000000e+00;
	v1 =	vimm.f32 $0.0e+00;
	s8 =	smax.u32 s31, $0x1;
	s10 =	simm.s32 $0x80;
	s5 =	sadd.s32 $0x10, s4  }
.LBB2_3:
0x10: {  	[tilespmem:s12], [sflag:$0x1] =	stream.indirect.gather [hbm4b:s1+s10], $0x80, s3, s10, $0xb8;
	[tilespmem:$0xA380] =	vst v63  }
0x11: {  	_ =	swait.ge [sflag:s13], $0x4000  }
0x12: {  	[sflag:s13] =	ssyncset.done $0x0  }
0x13: {  	[sflag:s13] =	ssyncadd.s32 $0xFFFFC000  }
0x14: {  	[tilespmem:s14], [sflag:$0x1] =	stream.indirect.gather [hbm4b:s1+s10], $0x80, s10, s10, $0xb8;
	[tilespmem:$0xA380] =	vst v63  }
0x15: {  	_ =	swait.ge [sflag:s13], $0x4000  }
0x16: {  	[sflag:s13] =	ssyncset.done $0x0  }
0x17: {  	[sflag:s13] =	ssyncadd.s32 $0xFFFFC000  }
0x18: {  	[hbm4b:s6+s3] =	stream.linear.scatter [tilespmem:s12], [sflag:$0x2], $0x8000, $0x38;
	[tilespmem:$0xA380] =	vst v63  }
0x19: {  	_ =	swait.ge [sflag:s9], $0x8000  }
0x1a: {  	[sflag:s9] =	ssyncset.done $0x0  }
0x1b: {  	[sflag:s9] =	ssyncadd.s32 $0xFFFF8000  }
0x1c: {  	[bflag:$0x0] =	sbarrier.arrive $0xFFFF  }
0x1d: {  	[spmem:s2] =	stream.indirect.scatter.add.f32 [tilespmem:s15], [sflag:$0x2], $0x1, s3, s10, $0xb8;
	[tilespmem:$0xA380] =	vst v63  }
0x1e: {  	_ =	swait.ge [sflag:s9], $0x80  }
0x1f: {  	[sflag:s9] =	ssyncset.done $0x0  }
0x20: {  	[sflag:s9] =	ssyncadd.s32 $0xFFFFFF80  }
0x21: {  	[spmem:s2] =	stream.indirect.scatter.add.f32 [tilespmem:s15], [sflag:$0x2], $0x1, s10, s10, $0xb8;
	[tilespmem:$0xA380] =	vst v63  }
0x22: {  	_ =	swait.ge [sflag:s9], $0x80  }
0x23: {  	s17 =	simm.s32 @!p0 $0x1;
	s18 =	simm.s32 @!p0 $0x20;
	[sflag:s9] =	ssyncset.done $0x0  }
0x24: {  	s19 =	simm.s32 @!p0 $0x10;
	s8 =	sadd.s32 $0xFFFFFFFF, s8;
	[sflag:s9] =	ssyncadd.s32 $0xFFFFFF80  }
0x25: {  	s20 =	simm.s32 @!p0 $0x1C02;
	p1 =	sne.s32 s8, $0x0;
	[bflag:$0x0] =	sbarrier.arrive $0xFFFF  }
0x26: {  	[hbm:s7@s18], [sflag:s20] =	dma.strided @!p0 [spmem:s16@s19], $0x400, s17, $0x10   }
.Ltmp1:
0x27: {  	_ = 	snop;
	(pc) =	sbr.rel @!p1 .LBB2_4-.Ltmp1, $4  }
0x28: {  	s17 =	simm.s32 @!p0 $0x2  }
0x29: {  	_ =	swait.ge @!p0 [sflag:s17], $0x400  }
0x2a: {  	[sflag:s17] =	ssyncset.done @!p0 $0x0  }
0x2b: {  	[sflag:s17] =	ssyncadd.s32 @!p0 $0xFFFFFC00  }
.LBB2_1:
0x2c: {  	[tilespmem:s3], [sflag:$0x2] =	stream.linear.gather [hbm4b:s4+s3], $0x80, $0x38;
	[tilespmem:$0xA380] =	vst v63  }
0x2d: {  	_ =	swait.ge [sflag:s9], $0x80  }
0x2e: {  	[sflag:s9] =	ssyncset.done $0x0  }
0x2f: {  	[sflag:s9] =	ssyncadd.s32 $0xFFFFFF80  }
0x30: {  	[tilespmem:s10], [sflag:$0x2] =	stream.linear.gather [hbm4b:s5+s3], $0x80, $0x38;
	[tilespmem:$0xA380] =	vst v63  }
0x31: {  	_ =	swait.ge [sflag:s9], $0x80  }
0x32: {  	[sflag:s9] =	ssyncset.done $0x0  }
0x33: {  	[sflag:s9] =	ssyncadd.s32 $0xFFFFFF80  }
0x34: {  	[tilespmem:$0x8100] =	vst v0  }
0x35: {  	[tilespmem:$0x8110] =	vst v0  }
0x36: {  	[tilespmem:$0x8120] =	vst v0  }
.Ltmp2:
0x37: {  	[tilespmem:$0x8130] =	vst v0;
	(pc) =	sbr.rel @p0 .LBB2_3-.Ltmp2, $4  }
0x38: {  	[tilespmem:$0x8140] =	vst v0  }
0x39: {  	[tilespmem:$0x8150] =	vst v0  }
0x3a: {  	[tilespmem:$0x8160] =	vst v0  }
0x3b: {  	[tilespmem:$0x8170] =	vst v0  }
0x3c: {  	[tilespmem:$0x8180] =	vst v1  }
0x3d: {  	[tilespmem:$0x8190] =	vst v1  }
0x3e: {  	[tilespmem:$0x81A0] =	vst v1  }
0x3f: {  	[tilespmem:$0x81B0] =	vst v1  }
0x40: {  	[tilespmem:$0x81C0] =	vst v1  }
0x41: {  	[tilespmem:$0x81D0] =	vst v1  }
0x42: {  	[tilespmem:$0x81E0] =	vst v1  }
0x43: {  	[tilespmem:$0x81F0] =	vst v1  }
0x44: {  	[tilespmem:$0x8200] =	vst v1  }
0x45: {  	[tilespmem:$0x8210] =	vst v1  }
0x46: {  	[tilespmem:$0x8220] =	vst v1  }
0x47: {  	[tilespmem:$0x8230] =	vst v1  }
0x48: {  	[tilespmem:$0x8240] =	vst v1  }
0x49: {  	[tilespmem:$0x8250] =	vst v1  }
0x4a: {  	[tilespmem:$0x8260] =	vst v1  }
0x4b: {  	[tilespmem:$0x8270] =	vst v1  }
0x4c: {  	[tilespmem:$0x8280] =	vst v1  }
0x4d: {  	[tilespmem:$0x8290] =	vst v1  }
0x4e: {  	[tilespmem:$0x82A0] =	vst v1  }
0x4f: {  	[tilespmem:$0x82B0] =	vst v1  }
0x50: {  	[tilespmem:$0x82C0] =	vst v1  }
0x51: {  	[tilespmem:$0x82D0] =	vst v1  }
0x52: {  	[tilespmem:$0x82E0] =	vst v1  }
0x53: {  	[tilespmem:$0x82F0] =	vst v1  }
0x54: {  	[tilespmem:$0x8300] =	vst v1  }
0x55: {  	[tilespmem:$0x8310] =	vst v1  }
0x56: {  	[tilespmem:$0x8320] =	vst v1  }
0x57: {  	[tilespmem:$0x8330] =	vst v1  }
0x58: {  	[tilespmem:$0x8340] =	vst v1  }
0x59: {  	[tilespmem:$0x8350] =	vst v1  }
0x5a: {  	[tilespmem:$0x8360] =	vst v1  }
0x5b: {  	[tilespmem:$0x8370] =	vst v1  }
0x5c: {  	[tilespmem:$0x8380] =	vst v1  }
0x5d: {  	[tilespmem:$0x8390] =	vst v1  }
0x5e: {  	[tilespmem:$0x83A0] =	vst v1  }
0x5f: {  	[tilespmem:$0x83B0] =	vst v1  }
0x60: {  	[tilespmem:$0x83C0] =	vst v1  }
0x61: {  	[tilespmem:$0x83D0] =	vst v1  }
0x62: {  	[tilespmem:$0x83E0] =	vst v1  }
0x63: {  	[tilespmem:$0x83F0] =	vst v1  }
0x64: {  	[tilespmem:$0x8400] =	vst v1  }
0x65: {  	[tilespmem:$0x8410] =	vst v1  }
0x66: {  	[tilespmem:$0x8420] =	vst v1  }
0x67: {  	[tilespmem:$0x8430] =	vst v1  }
0x68: {  	[tilespmem:$0x8440] =	vst v1  }
0x69: {  	[tilespmem:$0x8450] =	vst v1  }
0x6a: {  	[tilespmem:$0x8460] =	vst v1  }
0x6b: {  	[tilespmem:$0x8470] =	vst v1  }
0x6c: {  	[tilespmem:$0x8480] =	vst v1  }
0x6d: {  	[tilespmem:$0x8490] =	vst v1  }
0x6e: {  	[tilespmem:$0x84A0] =	vst v1  }
0x6f: {  	[tilespmem:$0x84B0] =	vst v1  }
0x70: {  	[tilespmem:$0x84C0] =	vst v1  }
0x71: {  	[tilespmem:$0x84D0] =	vst v1  }
0x72: {  	[tilespmem:$0x84E0] =	vst v1  }
0x73: {  	[tilespmem:$0x84F0] =	vst v1  }
0x74: {  	[tilespmem:$0x8500] =	vst v1  }
0x75: {  	[tilespmem:$0x8510] =	vst v1  }
0x76: {  	[tilespmem:$0x8520] =	vst v1  }
0x77: {  	[tilespmem:$0x8530] =	vst v1  }
0x78: {  	[tilespmem:$0x8540] =	vst v1  }
0x79: {  	[tilespmem:$0x8550] =	vst v1  }
0x7a: {  	[tilespmem:$0x8560] =	vst v1  }
0x7b: {  	[tilespmem:$0x8570] =	vst v1  }
0x7c: {  	[tilespmem:$0x8580] =	vst v1  }
0x7d: {  	[tilespmem:$0x8590] =	vst v1  }
0x7e: {  	[tilespmem:$0x85A0] =	vst v1  }
0x7f: {  	[tilespmem:$0x85B0] =	vst v1  }
0x80: {  	[tilespmem:$0x85C0] =	vst v1  }
0x81: {  	[tilespmem:$0x85D0] =	vst v1  }
0x82: {  	[tilespmem:$0x85E0] =	vst v1  }
0x83: {  	[tilespmem:$0x85F0] =	vst v1  }
0x84: {  	[tilespmem:$0x8600] =	vst v1  }
0x85: {  	[tilespmem:$0x8610] =	vst v1  }
0x86: {  	[tilespmem:$0x8620] =	vst v1  }
0x87: {  	[tilespmem:$0x8630] =	vst v1  }
0x88: {  	[tilespmem:$0x8640] =	vst v1  }
0x89: {  	[tilespmem:$0x8650] =	vst v1  }
0x8a: {  	[tilespmem:$0x8660] =	vst v1  }
0x8b: {  	[tilespmem:$0x8670] =	vst v1  }
0x8c: {  	[tilespmem:$0x8680] =	vst v1  }
0x8d: {  	[tilespmem:$0x8690] =	vst v1  }
0x8e: {  	[tilespmem:$0x86A0] =	vst v1  }
0x8f: {  	[tilespmem:$0x86B0] =	vst v1  }
0x90: {  	[tilespmem:$0x86C0] =	vst v1  }
0x91: {  	[tilespmem:$0x86D0] =	vst v1  }
0x92: {  	[tilespmem:$0x86E0] =	vst v1  }
0x93: {  	[tilespmem:$0x86F0] =	vst v1  }
0x94: {  	[tilespmem:$0x8700] =	vst v1  }
0x95: {  	[tilespmem:$0x8710] =	vst v1  }
0x96: {  	[tilespmem:$0x8720] =	vst v1  }
0x97: {  	[tilespmem:$0x8730] =	vst v1  }
0x98: {  	[tilespmem:$0x8740] =	vst v1  }
0x99: {  	[tilespmem:$0x8750] =	vst v1  }
0x9a: {  	[tilespmem:$0x8760] =	vst v1  }
0x9b: {  	[tilespmem:$0x8770] =	vst v1  }
0x9c: {  	[tilespmem:$0x8780] =	vst v1  }
0x9d: {  	[tilespmem:$0x8790] =	vst v1  }
0x9e: {  	[tilespmem:$0x87A0] =	vst v1  }
0x9f: {  	[tilespmem:$0x87B0] =	vst v1  }
0xa0: {  	[tilespmem:$0x87C0] =	vst v1  }
0xa1: {  	[tilespmem:$0x87D0] =	vst v1  }
0xa2: {  	[tilespmem:$0x87E0] =	vst v1  }
0xa3: {  	[tilespmem:$0x87F0] =	vst v1  }
0xa4: {  	[tilespmem:$0x8800] =	vst v1  }
0xa5: {  	[tilespmem:$0x8810] =	vst v1  }
0xa6: {  	[tilespmem:$0x8820] =	vst v1  }
0xa7: {  	[tilespmem:$0x8830] =	vst v1  }
0xa8: {  	[tilespmem:$0x8840] =	vst v1  }
0xa9: {  	[tilespmem:$0x8850] =	vst v1  }
0xaa: {  	[tilespmem:$0x8860] =	vst v1  }
0xab: {  	[tilespmem:$0x8870] =	vst v1  }
0xac: {  	[tilespmem:$0x8880] =	vst v1  }
0xad: {  	[tilespmem:$0x8890] =	vst v1  }
0xae: {  	[tilespmem:$0x88A0] =	vst v1  }
0xaf: {  	[tilespmem:$0x88B0] =	vst v1  }
0xb0: {  	[tilespmem:$0x88C0] =	vst v1  }
0xb1: {  	[tilespmem:$0x88D0] =	vst v1  }
0xb2: {  	[tilespmem:$0x88E0] =	vst v1  }
0xb3: {  	[tilespmem:$0x88F0] =	vst v1  }
0xb4: {  	[tilespmem:$0x8900] =	vst v1  }
0xb5: {  	[tilespmem:$0x8910] =	vst v1  }
0xb6: {  	[tilespmem:$0x8920] =	vst v1  }
0xb7: {  	[tilespmem:$0x8930] =	vst v1  }
0xb8: {  	[tilespmem:$0x8940] =	vst v1  }
0xb9: {  	[tilespmem:$0x8950] =	vst v1  }
0xba: {  	[tilespmem:$0x8960] =	vst v1  }
0xbb: {  	[tilespmem:$0x8970] =	vst v1  }
0xbc: {  	[tilespmem:$0x8980] =	vst v1  }
0xbd: {  	[tilespmem:$0x8990] =	vst v1  }
0xbe: {  	[tilespmem:$0x89A0] =	vst v1  }
0xbf: {  	[tilespmem:$0x89B0] =	vst v1  }
0xc0: {  	[tilespmem:$0x89C0] =	vst v1  }
0xc1: {  	[tilespmem:$0x89D0] =	vst v1  }
0xc2: {  	[tilespmem:$0x89E0] =	vst v1  }
0xc3: {  	[tilespmem:$0x89F0] =	vst v1  }
0xc4: {  	[tilespmem:$0x8A00] =	vst v1  }
0xc5: {  	[tilespmem:$0x8A10] =	vst v1  }
0xc6: {  	[tilespmem:$0x8A20] =	vst v1  }
0xc7: {  	[tilespmem:$0x8A30] =	vst v1  }
0xc8: {  	[tilespmem:$0x8A40] =	vst v1  }
0xc9: {  	[tilespmem:$0x8A50] =	vst v1  }
0xca: {  	[tilespmem:$0x8A60] =	vst v1  }
0xcb: {  	[tilespmem:$0x8A70] =	vst v1  }
0xcc: {  	[tilespmem:$0x8A80] =	vst v1  }
0xcd: {  	[tilespmem:$0x8A90] =	vst v1  }
0xce: {  	[tilespmem:$0x8AA0] =	vst v1  }
0xcf: {  	[tilespmem:$0x8AB0] =	vst v1  }
0xd0: {  	[tilespmem:$0x8AC0] =	vst v1  }
0xd1: {  	[tilespmem:$0x8AD0] =	vst v1  }
0xd2: {  	[tilespmem:$0x8AE0] =	vst v1  }
0xd3: {  	[tilespmem:$0x8AF0] =	vst v1  }
0xd4: {  	[tilespmem:$0x8B00] =	vst v1  }
0xd5: {  	[tilespmem:$0x8B10] =	vst v1  }
0xd6: {  	[tilespmem:$0x8B20] =	vst v1  }
0xd7: {  	[tilespmem:$0x8B30] =	vst v1  }
0xd8: {  	[tilespmem:$0x8B40] =	vst v1  }
0xd9: {  	[tilespmem:$0x8B50] =	vst v1  }
0xda: {  	[tilespmem:$0x8B60] =	vst v1  }
0xdb: {  	[tilespmem:$0x8B70] =	vst v1  }
0xdc: {  	[tilespmem:$0x8B80] =	vst v1  }
0xdd: {  	[tilespmem:$0x8B90] =	vst v1  }
0xde: {  	[tilespmem:$0x8BA0] =	vst v1  }
0xdf: {  	[tilespmem:$0x8BB0] =	vst v1  }
0xe0: {  	[tilespmem:$0x8BC0] =	vst v1  }
0xe1: {  	[tilespmem:$0x8BD0] =	vst v1  }
0xe2: {  	[tilespmem:$0x8BE0] =	vst v1  }
0xe3: {  	[tilespmem:$0x8BF0] =	vst v1  }
0xe4: {  	[tilespmem:$0x8C00] =	vst v1  }
0xe5: {  	[tilespmem:$0x8C10] =	vst v1  }
0xe6: {  	[tilespmem:$0x8C20] =	vst v1  }
0xe7: {  	[tilespmem:$0x8C30] =	vst v1  }
0xe8: {  	[tilespmem:$0x8C40] =	vst v1  }
0xe9: {  	[tilespmem:$0x8C50] =	vst v1  }
0xea: {  	[tilespmem:$0x8C60] =	vst v1  }
0xeb: {  	[tilespmem:$0x8C70] =	vst v1  }
0xec: {  	[tilespmem:$0x8C80] =	vst v1  }
0xed: {  	[tilespmem:$0x8C90] =	vst v1  }
0xee: {  	[tilespmem:$0x8CA0] =	vst v1  }
0xef: {  	[tilespmem:$0x8CB0] =	vst v1  }
0xf0: {  	[tilespmem:$0x8CC0] =	vst v1  }
0xf1: {  	[tilespmem:$0x8CD0] =	vst v1  }
0xf2: {  	[tilespmem:$0x8CE0] =	vst v1  }
0xf3: {  	[tilespmem:$0x8CF0] =	vst v1  }
0xf4: {  	[tilespmem:$0x8D00] =	vst v1  }
0xf5: {  	[tilespmem:$0x8D10] =	vst v1  }
0xf6: {  	[tilespmem:$0x8D20] =	vst v1  }
0xf7: {  	[tilespmem:$0x8D30] =	vst v1  }
0xf8: {  	[tilespmem:$0x8D40] =	vst v1  }
0xf9: {  	[tilespmem:$0x8D50] =	vst v1  }
0xfa: {  	[tilespmem:$0x8D60] =	vst v1  }
0xfb: {  	[tilespmem:$0x8D70] =	vst v1  }
0xfc: {  	[tilespmem:$0x8D80] =	vst v1  }
0xfd: {  	[tilespmem:$0x8D90] =	vst v1  }
0xfe: {  	[tilespmem:$0x8DA0] =	vst v1  }
0xff: {  	[tilespmem:$0x8DB0] =	vst v1  }
0x100: {  	[tilespmem:$0x8DC0] =	vst v1  }
0x101: {  	[tilespmem:$0x8DD0] =	vst v1  }
0x102: {  	[tilespmem:$0x8DE0] =	vst v1  }
0x103: {  	[tilespmem:$0x8DF0] =	vst v1  }
0x104: {  	[tilespmem:$0x8E00] =	vst v1  }
0x105: {  	[tilespmem:$0x8E10] =	vst v1  }
0x106: {  	[tilespmem:$0x8E20] =	vst v1  }
0x107: {  	[tilespmem:$0x8E30] =	vst v1  }
0x108: {  	[tilespmem:$0x8E40] =	vst v1  }
0x109: {  	[tilespmem:$0x8E50] =	vst v1  }
0x10a: {  	[tilespmem:$0x8E60] =	vst v1  }
0x10b: {  	[tilespmem:$0x8E70] =	vst v1  }
0x10c: {  	[tilespmem:$0x8E80] =	vst v1  }
0x10d: {  	[tilespmem:$0x8E90] =	vst v1  }
0x10e: {  	[tilespmem:$0x8EA0] =	vst v1  }
0x10f: {  	[tilespmem:$0x8EB0] =	vst v1  }
0x110: {  	[tilespmem:$0x8EC0] =	vst v1  }
0x111: {  	[tilespmem:$0x8ED0] =	vst v1  }
0x112: {  	[tilespmem:$0x8EE0] =	vst v1  }
0x113: {  	[tilespmem:$0x8EF0] =	vst v1  }
0x114: {  	[tilespmem:$0x8F00] =	vst v1  }
0x115: {  	[tilespmem:$0x8F10] =	vst v1  }
0x116: {  	[tilespmem:$0x8F20] =	vst v1  }
0x117: {  	[tilespmem:$0x8F30] =	vst v1  }
0x118: {  	[tilespmem:$0x8F40] =	vst v1  }
0x119: {  	[tilespmem:$0x8F50] =	vst v1  }
0x11a: {  	[tilespmem:$0x8F60] =	vst v1  }
0x11b: {  	[tilespmem:$0x8F70] =	vst v1  }
0x11c: {  	[tilespmem:$0x8F80] =	vst v1  }
0x11d: {  	[tilespmem:$0x8F90] =	vst v1  }
0x11e: {  	[tilespmem:$0x8FA0] =	vst v1  }
0x11f: {  	[tilespmem:$0x8FB0] =	vst v1  }
0x120: {  	[tilespmem:$0x8FC0] =	vst v1  }
0x121: {  	[tilespmem:$0x8FD0] =	vst v1  }
0x122: {  	[tilespmem:$0x8FE0] =	vst v1  }
0x123: {  	[tilespmem:$0x8FF0] =	vst v1  }
0x124: {  	[tilespmem:$0x9000] =	vst v1  }
0x125: {  	[tilespmem:$0x9010] =	vst v1  }
0x126: {  	[tilespmem:$0x9020] =	vst v1  }
0x127: {  	[tilespmem:$0x9030] =	vst v1  }
0x128: {  	[tilespmem:$0x9040] =	vst v1  }
0x129: {  	[tilespmem:$0x9050] =	vst v1  }
0x12a: {  	[tilespmem:$0x9060] =	vst v1  }
0x12b: {  	[tilespmem:$0x9070] =	vst v1  }
0x12c: {  	[tilespmem:$0x9080] =	vst v1  }
0x12d: {  	[tilespmem:$0x9090] =	vst v1  }
0x12e: {  	[tilespmem:$0x90A0] =	vst v1  }
0x12f: {  	[tilespmem:$0x90B0] =	vst v1  }
0x130: {  	[tilespmem:$0x90C0] =	vst v1  }
0x131: {  	[tilespmem:$0x90D0] =	vst v1  }
0x132: {  	[tilespmem:$0x90E0] =	vst v1  }
0x133: {  	[tilespmem:$0x90F0] =	vst v1  }
0x134: {  	[tilespmem:$0x9100] =	vst v1  }
0x135: {  	[tilespmem:$0x9110] =	vst v1  }
0x136: {  	[tilespmem:$0x9120] =	vst v1  }
0x137: {  	[tilespmem:$0x9130] =	vst v1  }
0x138: {  	[tilespmem:$0x9140] =	vst v1  }
0x139: {  	[tilespmem:$0x9150] =	vst v1  }
0x13a: {  	[tilespmem:$0x9160] =	vst v1  }
0x13b: {  	[tilespmem:$0x9170] =	vst v1  }
0x13c: {  	[tilespmem:$0x9180] =	vst v1  }
0x13d: {  	[tilespmem:$0x9190] =	vst v1  }
0x13e: {  	[tilespmem:$0x91A0] =	vst v1  }
0x13f: {  	[tilespmem:$0x91B0] =	vst v1  }
0x140: {  	[tilespmem:$0x91C0] =	vst v1  }
0x141: {  	[tilespmem:$0x91D0] =	vst v1  }
0x142: {  	[tilespmem:$0x91E0] =	vst v1  }
0x143: {  	[tilespmem:$0x91F0] =	vst v1  }
0x144: {  	[tilespmem:$0x9200] =	vst v1  }
0x145: {  	[tilespmem:$0x9210] =	vst v1  }
0x146: {  	[tilespmem:$0x9220] =	vst v1  }
0x147: {  	[tilespmem:$0x9230] =	vst v1  }
0x148: {  	[tilespmem:$0x9240] =	vst v1  }
0x149: {  	[tilespmem:$0x9250] =	vst v1  }
0x14a: {  	[tilespmem:$0x9260] =	vst v1  }
0x14b: {  	[tilespmem:$0x9270] =	vst v1  }
0x14c: {  	[tilespmem:$0x9280] =	vst v1  }
0x14d: {  	[tilespmem:$0x9290] =	vst v1  }
0x14e: {  	[tilespmem:$0x92A0] =	vst v1  }
0x14f: {  	[tilespmem:$0x92B0] =	vst v1  }
0x150: {  	[tilespmem:$0x92C0] =	vst v1  }
0x151: {  	[tilespmem:$0x92D0] =	vst v1  }
0x152: {  	[tilespmem:$0x92E0] =	vst v1  }
0x153: {  	[tilespmem:$0x92F0] =	vst v1  }
0x154: {  	[tilespmem:$0x9300] =	vst v1  }
0x155: {  	[tilespmem:$0x9310] =	vst v1  }
0x156: {  	[tilespmem:$0x9320] =	vst v1  }
0x157: {  	[tilespmem:$0x9330] =	vst v1  }
0x158: {  	[tilespmem:$0x9340] =	vst v1  }
0x159: {  	[tilespmem:$0x9350] =	vst v1  }
0x15a: {  	[tilespmem:$0x9360] =	vst v1  }
0x15b: {  	[tilespmem:$0x9370] =	vst v1  }
0x15c: {  	[tilespmem:$0x9380] =	vst v1  }
0x15d: {  	[tilespmem:$0x9390] =	vst v1  }
0x15e: {  	[tilespmem:$0x93A0] =	vst v1  }
0x15f: {  	[tilespmem:$0x93B0] =	vst v1  }
0x160: {  	[tilespmem:$0x93C0] =	vst v1  }
0x161: {  	[tilespmem:$0x93D0] =	vst v1  }
0x162: {  	[tilespmem:$0x93E0] =	vst v1  }
0x163: {  	[tilespmem:$0x93F0] =	vst v1  }
0x164: {  	[tilespmem:$0x9400] =	vst v1  }
0x165: {  	[tilespmem:$0x9410] =	vst v1  }
0x166: {  	[tilespmem:$0x9420] =	vst v1  }
0x167: {  	[tilespmem:$0x9430] =	vst v1  }
0x168: {  	[tilespmem:$0x9440] =	vst v1  }
0x169: {  	[tilespmem:$0x9450] =	vst v1  }
0x16a: {  	[tilespmem:$0x9460] =	vst v1  }
0x16b: {  	[tilespmem:$0x9470] =	vst v1  }
0x16c: {  	[tilespmem:$0x9480] =	vst v1  }
0x16d: {  	[tilespmem:$0x9490] =	vst v1  }
0x16e: {  	[tilespmem:$0x94A0] =	vst v1  }
0x16f: {  	[tilespmem:$0x94B0] =	vst v1  }
0x170: {  	[tilespmem:$0x94C0] =	vst v1  }
0x171: {  	[tilespmem:$0x94D0] =	vst v1  }
0x172: {  	[tilespmem:$0x94E0] =	vst v1  }
0x173: {  	[tilespmem:$0x94F0] =	vst v1  }
0x174: {  	[tilespmem:$0x9500] =	vst v1  }
0x175: {  	[tilespmem:$0x9510] =	vst v1  }
0x176: {  	[tilespmem:$0x9520] =	vst v1  }
0x177: {  	[tilespmem:$0x9530] =	vst v1  }
0x178: {  	[tilespmem:$0x9540] =	vst v1  }
0x179: {  	[tilespmem:$0x9550] =	vst v1  }
0x17a: {  	[tilespmem:$0x9560] =	vst v1  }
0x17b: {  	[tilespmem:$0x9570] =	vst v1  }
0x17c: {  	[tilespmem:$0x9580] =	vst v1  }
0x17d: {  	[tilespmem:$0x9590] =	vst v1  }
0x17e: {  	[tilespmem:$0x95A0] =	vst v1  }
0x17f: {  	[tilespmem:$0x95B0] =	vst v1  }
0x180: {  	[tilespmem:$0x95C0] =	vst v1  }
0x181: {  	[tilespmem:$0x95D0] =	vst v1  }
0x182: {  	[tilespmem:$0x95E0] =	vst v1  }
0x183: {  	[tilespmem:$0x95F0] =	vst v1  }
0x184: {  	[tilespmem:$0x9600] =	vst v1  }
0x185: {  	[tilespmem:$0x9610] =	vst v1  }
0x186: {  	[tilespmem:$0x9620] =	vst v1  }
0x187: {  	[tilespmem:$0x9630] =	vst v1  }
0x188: {  	[tilespmem:$0x9640] =	vst v1  }
0x189: {  	[tilespmem:$0x9650] =	vst v1  }
0x18a: {  	[tilespmem:$0x9660] =	vst v1  }
0x18b: {  	[tilespmem:$0x9670] =	vst v1  }
0x18c: {  	[tilespmem:$0x9680] =	vst v1  }
0x18d: {  	[tilespmem:$0x9690] =	vst v1  }
0x18e: {  	[tilespmem:$0x96A0] =	vst v1  }
0x18f: {  	[tilespmem:$0x96B0] =	vst v1  }
0x190: {  	[tilespmem:$0x96C0] =	vst v1  }
0x191: {  	[tilespmem:$0x96D0] =	vst v1  }
0x192: {  	[tilespmem:$0x96E0] =	vst v1  }
0x193: {  	[tilespmem:$0x96F0] =	vst v1  }
0x194: {  	[tilespmem:$0x9700] =	vst v1  }
0x195: {  	[tilespmem:$0x9710] =	vst v1  }
0x196: {  	[tilespmem:$0x9720] =	vst v1  }
0x197: {  	[tilespmem:$0x9730] =	vst v1  }
0x198: {  	[tilespmem:$0x9740] =	vst v1  }
0x199: {  	[tilespmem:$0x9750] =	vst v1  }
0x19a: {  	[tilespmem:$0x9760] =	vst v1  }
0x19b: {  	[tilespmem:$0x9770] =	vst v1  }
0x19c: {  	[tilespmem:$0x9780] =	vst v1  }
0x19d: {  	[tilespmem:$0x9790] =	vst v1  }
0x19e: {  	[tilespmem:$0x97A0] =	vst v1  }
0x19f: {  	[tilespmem:$0x97B0] =	vst v1  }
0x1a0: {  	[tilespmem:$0x97C0] =	vst v1  }
0x1a1: {  	[tilespmem:$0x97D0] =	vst v1  }
0x1a2: {  	[tilespmem:$0x97E0] =	vst v1  }
0x1a3: {  	[tilespmem:$0x97F0] =	vst v1  }
0x1a4: {  	[tilespmem:$0x9800] =	vst v1  }
0x1a5: {  	[tilespmem:$0x9810] =	vst v1  }
0x1a6: {  	[tilespmem:$0x9820] =	vst v1  }
0x1a7: {  	[tilespmem:$0x9830] =	vst v1  }
0x1a8: {  	[tilespmem:$0x9840] =	vst v1  }
0x1a9: {  	[tilespmem:$0x9850] =	vst v1  }
0x1aa: {  	[tilespmem:$0x9860] =	vst v1  }
0x1ab: {  	[tilespmem:$0x9870] =	vst v1  }
0x1ac: {  	[tilespmem:$0x9880] =	vst v1  }
0x1ad: {  	[tilespmem:$0x9890] =	vst v1  }
0x1ae: {  	[tilespmem:$0x98A0] =	vst v1  }
0x1af: {  	[tilespmem:$0x98B0] =	vst v1  }
0x1b0: {  	[tilespmem:$0x98C0] =	vst v1  }
0x1b1: {  	[tilespmem:$0x98D0] =	vst v1  }
0x1b2: {  	[tilespmem:$0x98E0] =	vst v1  }
0x1b3: {  	[tilespmem:$0x98F0] =	vst v1  }
0x1b4: {  	[tilespmem:$0x9900] =	vst v1  }
0x1b5: {  	[tilespmem:$0x9910] =	vst v1  }
0x1b6: {  	[tilespmem:$0x9920] =	vst v1  }
0x1b7: {  	[tilespmem:$0x9930] =	vst v1  }
0x1b8: {  	[tilespmem:$0x9940] =	vst v1  }
0x1b9: {  	[tilespmem:$0x9950] =	vst v1  }
0x1ba: {  	[tilespmem:$0x9960] =	vst v1  }
0x1bb: {  	[tilespmem:$0x9970] =	vst v1  }
0x1bc: {  	[tilespmem:$0x9980] =	vst v1  }
0x1bd: {  	[tilespmem:$0x9990] =	vst v1  }
0x1be: {  	[tilespmem:$0x99A0] =	vst v1  }
0x1bf: {  	[tilespmem:$0x99B0] =	vst v1  }
0x1c0: {  	[tilespmem:$0x99C0] =	vst v1  }
0x1c1: {  	[tilespmem:$0x99D0] =	vst v1  }
0x1c2: {  	[tilespmem:$0x99E0] =	vst v1  }
0x1c3: {  	[tilespmem:$0x99F0] =	vst v1  }
0x1c4: {  	[tilespmem:$0x9A00] =	vst v1  }
0x1c5: {  	[tilespmem:$0x9A10] =	vst v1  }
0x1c6: {  	[tilespmem:$0x9A20] =	vst v1  }
0x1c7: {  	[tilespmem:$0x9A30] =	vst v1  }
0x1c8: {  	[tilespmem:$0x9A40] =	vst v1  }
0x1c9: {  	[tilespmem:$0x9A50] =	vst v1  }
0x1ca: {  	[tilespmem:$0x9A60] =	vst v1  }
0x1cb: {  	[tilespmem:$0x9A70] =	vst v1  }
0x1cc: {  	[tilespmem:$0x9A80] =	vst v1  }
0x1cd: {  	[tilespmem:$0x9A90] =	vst v1  }
0x1ce: {  	[tilespmem:$0x9AA0] =	vst v1  }
0x1cf: {  	[tilespmem:$0x9AB0] =	vst v1  }
0x1d0: {  	[tilespmem:$0x9AC0] =	vst v1  }
0x1d1: {  	[tilespmem:$0x9AD0] =	vst v1  }
0x1d2: {  	[tilespmem:$0x9AE0] =	vst v1  }
0x1d3: {  	[tilespmem:$0x9AF0] =	vst v1  }
0x1d4: {  	[tilespmem:$0x9B00] =	vst v1  }
0x1d5: {  	[tilespmem:$0x9B10] =	vst v1  }
0x1d6: {  	[tilespmem:$0x9B20] =	vst v1  }
0x1d7: {  	[tilespmem:$0x9B30] =	vst v1  }
0x1d8: {  	[tilespmem:$0x9B40] =	vst v1  }
0x1d9: {  	[tilespmem:$0x9B50] =	vst v1  }
0x1da: {  	[tilespmem:$0x9B60] =	vst v1  }
0x1db: {  	[tilespmem:$0x9B70] =	vst v1  }
0x1dc: {  	[tilespmem:$0x9B80] =	vst v1  }
0x1dd: {  	[tilespmem:$0x9B90] =	vst v1  }
0x1de: {  	[tilespmem:$0x9BA0] =	vst v1  }
0x1df: {  	[tilespmem:$0x9BB0] =	vst v1  }
0x1e0: {  	[tilespmem:$0x9BC0] =	vst v1  }
0x1e1: {  	[tilespmem:$0x9BD0] =	vst v1  }
0x1e2: {  	[tilespmem:$0x9BE0] =	vst v1  }
0x1e3: {  	[tilespmem:$0x9BF0] =	vst v1  }
0x1e4: {  	[tilespmem:$0x9C00] =	vst v1  }
0x1e5: {  	[tilespmem:$0x9C10] =	vst v1  }
0x1e6: {  	[tilespmem:$0x9C20] =	vst v1  }
0x1e7: {  	[tilespmem:$0x9C30] =	vst v1  }
0x1e8: {  	[tilespmem:$0x9C40] =	vst v1  }
0x1e9: {  	[tilespmem:$0x9C50] =	vst v1  }
0x1ea: {  	[tilespmem:$0x9C60] =	vst v1  }
0x1eb: {  	[tilespmem:$0x9C70] =	vst v1  }
0x1ec: {  	[tilespmem:$0x9C80] =	vst v1  }
0x1ed: {  	[tilespmem:$0x9C90] =	vst v1  }
0x1ee: {  	[tilespmem:$0x9CA0] =	vst v1  }
0x1ef: {  	[tilespmem:$0x9CB0] =	vst v1  }
0x1f0: {  	[tilespmem:$0x9CC0] =	vst v1  }
0x1f1: {  	[tilespmem:$0x9CD0] =	vst v1  }
0x1f2: {  	[tilespmem:$0x9CE0] =	vst v1  }
0x1f3: {  	[tilespmem:$0x9CF0] =	vst v1  }
0x1f4: {  	[tilespmem:$0x9D00] =	vst v1  }
0x1f5: {  	[tilespmem:$0x9D10] =	vst v1  }
0x1f6: {  	[tilespmem:$0x9D20] =	vst v1  }
0x1f7: {  	[tilespmem:$0x9D30] =	vst v1  }
0x1f8: {  	[tilespmem:$0x9D40] =	vst v1  }
0x1f9: {  	[tilespmem:$0x9D50] =	vst v1  }
0x1fa: {  	[tilespmem:$0x9D60] =	vst v1  }
0x1fb: {  	[tilespmem:$0x9D70] =	vst v1  }
0x1fc: {  	[tilespmem:$0x9D80] =	vst v1  }
0x1fd: {  	[tilespmem:$0x9D90] =	vst v1  }
0x1fe: {  	[tilespmem:$0x9DA0] =	vst v1  }
0x1ff: {  	[tilespmem:$0x9DB0] =	vst v1  }
0x200: {  	[tilespmem:$0x9DC0] =	vst v1  }
0x201: {  	[tilespmem:$0x9DD0] =	vst v1  }
0x202: {  	[tilespmem:$0x9DE0] =	vst v1  }
0x203: {  	[tilespmem:$0x9DF0] =	vst v1  }
0x204: {  	[tilespmem:$0x9E00] =	vst v1  }
0x205: {  	[tilespmem:$0x9E10] =	vst v1  }
0x206: {  	[tilespmem:$0x9E20] =	vst v1  }
0x207: {  	[tilespmem:$0x9E30] =	vst v1  }
0x208: {  	[tilespmem:$0x9E40] =	vst v1  }
0x209: {  	[tilespmem:$0x9E50] =	vst v1  }
0x20a: {  	[tilespmem:$0x9E60] =	vst v1  }
0x20b: {  	[tilespmem:$0x9E70] =	vst v1  }
0x20c: {  	[tilespmem:$0x9E80] =	vst v1  }
0x20d: {  	[tilespmem:$0x9E90] =	vst v1  }
0x20e: {  	[tilespmem:$0x9EA0] =	vst v1  }
0x20f: {  	[tilespmem:$0x9EB0] =	vst v1  }
0x210: {  	[tilespmem:$0x9EC0] =	vst v1  }
0x211: {  	[tilespmem:$0x9ED0] =	vst v1  }
0x212: {  	[tilespmem:$0x9EE0] =	vst v1  }
0x213: {  	[tilespmem:$0x9EF0] =	vst v1  }
0x214: {  	[tilespmem:$0x9F00] =	vst v1  }
0x215: {  	[tilespmem:$0x9F10] =	vst v1  }
0x216: {  	[tilespmem:$0x9F20] =	vst v1  }
0x217: {  	[tilespmem:$0x9F30] =	vst v1  }
0x218: {  	[tilespmem:$0x9F40] =	vst v1  }
0x219: {  	[tilespmem:$0x9F50] =	vst v1  }
0x21a: {  	[tilespmem:$0x9F60] =	vst v1  }
0x21b: {  	[tilespmem:$0x9F70] =	vst v1  }
0x21c: {  	[tilespmem:$0x9F80] =	vst v1  }
0x21d: {  	[tilespmem:$0x9F90] =	vst v1  }
0x21e: {  	[tilespmem:$0x9FA0] =	vst v1  }
0x21f: {  	[tilespmem:$0x9FB0] =	vst v1  }
0x220: {  	[tilespmem:$0x9FC0] =	vst v1  }
0x221: {  	[tilespmem:$0x9FD0] =	vst v1  }
0x222: {  	[tilespmem:$0x9FE0] =	vst v1  }
0x223: {  	[tilespmem:$0x9FF0] =	vst v1  }
0x224: {  	[tilespmem:$0xA000] =	vst v1  }
0x225: {  	[tilespmem:$0xA010] =	vst v1  }
0x226: {  	[tilespmem:$0xA020] =	vst v1  }
0x227: {  	[tilespmem:$0xA030] =	vst v1  }
0x228: {  	[tilespmem:$0xA040] =	vst v1  }
0x229: {  	[tilespmem:$0xA050] =	vst v1  }
0x22a: {  	[tilespmem:$0xA060] =	vst v1  }
0x22b: {  	[tilespmem:$0xA070] =	vst v1  }
0x22c: {  	[tilespmem:$0xA080] =	vst v1  }
0x22d: {  	[tilespmem:$0xA090] =	vst v1  }
0x22e: {  	[tilespmem:$0xA0A0] =	vst v1  }
0x22f: {  	[tilespmem:$0xA0B0] =	vst v1  }
0x230: {  	[tilespmem:$0xA0C0] =	vst v1  }
0x231: {  	[tilespmem:$0xA0D0] =	vst v1  }
0x232: {  	[tilespmem:$0xA0E0] =	vst v1  }
0x233: {  	[tilespmem:$0xA0F0] =	vst v1  }
0x234: {  	[tilespmem:$0xA100] =	vst v1  }
0x235: {  	[tilespmem:$0xA110] =	vst v1  }
0x236: {  	[tilespmem:$0xA120] =	vst v1  }
0x237: {  	[tilespmem:$0xA130] =	vst v1  }
0x238: {  	[tilespmem:$0xA140] =	vst v1  }
0x239: {  	[tilespmem:$0xA150] =	vst v1  }
0x23a: {  	[tilespmem:$0xA160] =	vst v1  }
.Ltmp3:
0x23b: {  	[tilespmem:$0xA170] =	vst v1;
	(pc) =	sbr.rel .LBB2_3-.Ltmp3, $4  }
0x23c: {  	[spmem:s2] =	stream.linear.scatter [tilespmem:s11], [sflag:$0x2], $0x2000, $0x38;
	[tilespmem:$0xA380] =	vst v63  }
0x23d: {  	_ =	swait.ge [sflag:s9], $0x2000  }
0x23e: {  	[sflag:s9] =	ssyncset.done $0x0  }
0x23f: {  	[sflag:s9] =	ssyncadd.s32 $0xFFFFE000  }
.LBB2_4:
0x240: {  	_ =	sfence.sel $0x180000  }
0x241: {  	[bflag:$0x0] =	sbarrier.arrive $0xFFFF  }
0x242: {  	_ =	strace $0x90000047  }
0x243: {  	s0 =	sadd.s32 @!p0 $0x100000, s0;
	[bflag:$0x2] =	sbarrier.arrive $0xFFFF  }
0x244: {  	[sflag:s0] =	ssyncadd.tile.s32 @!p0 $0x1;
	_ =	shalt  }
.Lfunc_end2:
_tile_overlayer_lowered:
.L_overlay_start_2:
0x245: {  	(tag) =	ssettag $0x2  }
0x246: {  	s0 =	rddreg [dreg:$0x0];
	s2 =	stileid.u32  }
0x247: {  	s1 =	rddreg [dreg:$0x1];
	p0 =	sne.s32 s2, $0x0  }
0x248: {  	s3 =	rddreg [dreg:$0x2];
	[bflag:$0x3] =	sbarrier.arrive $0xFFFF;
	s2 =	simm.s32 @!p0 $0x1C02  }
0x249: {  	[timem:s3], [sflag:s2] =	dma.local @!p0 [hbm:s0], s1  }
0x24a: {  	s0 =	simm.s32 @!p0 $0x2  }
0x24b: {  	_ =	swait.ge @!p0 [sflag:s0], s1  }
0x24c: {  	s1 =	ssub.s32 @!p0 $0x0, s1;
	[sflag:s0] =	ssyncset.done @!p0 $0x0  }
0x24d: {  	[sflag:s0] =	ssyncadd.s32 @!p0 s1  }
0x24e: {  	[bflag:$0x3] =	sbarrier.arrive $0xFFFF  }
0x24f: {  	_ =	shalt  }

</sc_bundles>
